<compile_context>
chip_gen: v7x
topology: tpu7x:2x2x1
jax: 0.10.2.dev20260603
libtpu: 0.0.44.dev20260713+nightly
codegen_flags: <defaults>
</compile_context>

<pallas_src>
import functools

import jax
import jax.numpy as jnp
from jax import lax
from jax.experimental import pallas as pl
from jax.experimental.pallas import tpu as pltpu
from jax.experimental.pallas import tpu_sc as plsc

B, C, H, W = 32, 768, 32, 32
STRIDE = 4
NSEL = C // STRIDE
LANES = 16
CT, CJ = C // 128, 128
WT, WI = W // 8, 8
NRT = B * H * WT
RT_CHUNK = 8


@functools.lru_cache(maxsize=None)
def _make_sc_call(nsb, bt):
    mesh = plsc.VectorSubcoreMesh(core_axis_name="c", subcore_axis_name="s")
    info = plsc.get_sparse_core_info()
    ncores = info.num_cores
    RROWS = CT * WI
    rps = nsb * H * WT // 32
    pps = rps * WI
    nchunk = rps // RT_CHUNK

    @functools.partial(
        pl.kernel,
        mesh=mesh,
        out_type=jax.ShapeDtypeStruct((nsb * H * W,), jnp.float32),
        compiler_params=pltpu.CompilerParams(
            use_tc_tiling_on_sc=False, needs_layout_passes=False),
        scratch_types=[
            pltpu.VMEM((RT_CHUNK, RROWS, CJ), jnp.float32),
            pltpu.VMEM((RT_CHUNK, RROWS, CJ), jnp.float32),
            pltpu.VMEM((rps * WI, 17), jnp.float32),
            pltpu.VMEM((pps,), jnp.float32),
            pltpu.SemaphoreType.DMA,
            pltpu.SemaphoreType.DMA,
        ],
    )
    def k(x_hbm, out_hbm, buf0, buf1, classes, outrow, sem0, sem1):
        cid = lax.axis_index("c")
        sid = lax.axis_index("s")
        wid = sid * ncores + cid
        rtbase = bt * H * WT + wid * rps
        iota = lax.broadcasted_iota(jnp.int32, (LANES,), 0)

        bufs = [buf0, buf1]
        sems = [sem0, sem1]

        def start(g):
            return pltpu.async_copy(
                x_hbm.at[pl.ds(rtbase + g * RT_CHUNK, RT_CHUNK)],
                bufs[g % 2], sems[g % 2])

        handles = [start(0), start(1)]
        for g in range(nchunk):
            handles[g % 2].wait()
            buf = bufs[g % 2]

            def body(r, _, _buf=buf, _g=g):
                k_ = r >> 3
                i = r & 7
                acc = _buf[k_, i, pl.ds(0, LANES)]
                for ct in range(CT):
                    for mj in range(CJ // LANES):
                        if ct == 0 and mj == 0:
                            continue
                        acc = jnp.maximum(
                            acc, _buf[k_, ct * WI + i, pl.ds(mj * LANES, LANES)])
                classes[_g * (RT_CHUNK * WI) + r, pl.ds(0, LANES)] = acc
                return 0

            lax.fori_loop(0, RT_CHUNK * WI, body, 0)
            if g + 2 < nchunk:
                handles[g % 2] = start(g + 2)

        def fold(v, _):
            rows = jnp.broadcast_to(v * LANES, (LANES,)) + iota
            m = jnp.maximum(
                jnp.maximum(
                    plsc.load_gather(
                        classes, [rows, jnp.broadcast_to(jnp.int32(0), (LANES,))]),
                    plsc.load_gather(
                        classes, [rows, jnp.broadcast_to(jnp.int32(4), (LANES,))])),
                jnp.maximum(
                    plsc.load_gather(
                        classes, [rows, jnp.broadcast_to(jnp.int32(8), (LANES,))]),
                    plsc.load_gather(
                        classes, [rows, jnp.broadcast_to(jnp.int32(12), (LANES,))])))
            outrow[pl.ds(v * LANES, LANES)] = m
            return 0

        lax.fori_loop(0, pps // LANES, fold, 0, unroll=4)
        pltpu.sync_copy(outrow, out_hbm.at[pl.ds(wid * pps, pps)])

    return k


TC_B = 16
HB = 8


def _tc_body(x_ref, o_ref):
    v = x_ref[0]
    ci = lax.broadcasted_iota(jnp.int32, (HB, W, C), 2)
    sel = jnp.where(ci % STRIDE == 0, v, -jnp.inf)
    o_ref[0] = jnp.max(sel, axis=2)


def _tc_call(xt):
    return pl.pallas_call(
        _tc_body,
        grid=(TC_B, H // HB),
        in_specs=[pl.BlockSpec((1, HB, W, C), lambda i, j: (i, j, 0, 0))],
        out_specs=pl.BlockSpec((1, HB, W), lambda i, j: (i, j, 0)),
        out_shape=jax.ShapeDtypeStruct((TC_B, H, W), jnp.float32),
        compiler_params=pltpu.CompilerParams(skip_device_barrier=True),
    )(xt)


def kernel(x):
    x3 = (x.reshape(B, CT, CJ, H, WT, WI)
          .transpose(0, 3, 4, 1, 5, 2)
          .reshape(NRT, CT * WI, CJ))
    sc_out = _make_sc_call(B - TC_B, TC_B)(x3)
    xt = x.transpose(0, 2, 3, 1)
    tc_out = _tc_call(xt)
    out = jnp.concatenate(
        [tc_out.reshape(TC_B, H * W),
         sc_out.reshape(B - TC_B, H * W)], axis=0)
    return out.reshape(B, H, W)

# --- scband reference (transcript-rebuilt; emitter-appended) ---
"""Pipeline reference for scband-subset-max-86964497809638 (READ-ONLY COPY).

The authoritative reference and input builder live on the scoring server;
editing this copy changes nothing except your own understanding.
"""

import jax, jax.numpy as jnp
import numpy as np

IDS = jnp.arange(0, 768, 4)  # matches init ids = list(range(0, 768, 4)), 192 channels


def setup_inputs(seed: int = 0) -> dict:
    key = jax.random.key(seed)
    x = jax.random.normal(key, (32, 768, 32, 32), dtype=jnp.float32)
    return {"x": x}


def reference(x):
    # _SubsetMax.forward with ids not None:
    #   return x[:, self.ids].amax(dim=1)
    sel = jnp.take(x, IDS, axis=1)          # gather subset of channels -> [B, 192, H, W]
    return jnp.max(sel, axis=1)             # channel-wise max -> [B, H, W]

if __name__ == "__main__":
    import jax
    _d = setup_inputs()
    print(jax.jit(kernel)(*tuple(_d.values())))

</pallas_src>

<mosaic_0001>
#map = affine_map<(d0, d1) -> (0, 0, 0)>
#map1 = affine_map<(d0, d1) -> (0)>
module attributes {stable_mosaic.version = 14 : i64} {
  func.func @k(%arg0: i32, %arg1: i32, %arg2: memref<4096x48x128xf32, #tpu.memory_space<hbm>>, %arg3: memref<16384xf32, #tpu.memory_space<hbm>>, %arg4: memref<8x48x128xf32, #tpu.memory_space<vmem>>, %arg5: memref<8x48x128xf32, #tpu.memory_space<vmem>>, %arg6: memref<512x17xf32, #tpu.memory_space<vmem>>, %arg7: memref<512xf32, #tpu.memory_space<vmem>>, %arg8: memref<!tpu.dma_semaphore, #tpu.memory_space<semaphore_mem>>, %arg9: memref<!tpu.dma_semaphore, #tpu.memory_space<semaphore_mem>>) attributes {dimension_semantics = [#tpu.dimension_semantics<core_parallel>, #tpu.dimension_semantics<subcore_parallel>], iteration_bounds = array<i64: 2, 16>, scalar_prefetch = 0 : i64, scratch_operands = 6 : i64, tpu.core_type = #tpu.core_type<sc_vector_subcore>, window_params = [{transform_indices = #map}, {transform_indices = #map1}]} {
    %mul3A = arith.constant 2 : i32
    %mul3A_0 = arith.muli %arg1, %mul3A : i32
    %add3A = arith.addi %mul3A_0, %arg0 : i32
    %mul3A_1 = arith.constant 64 : i32
    %mul3A_2 = arith.muli %add3A, %mul3A_1 : i32
    %add3A_3 = arith.constant 2048 : i32
    %add3A_4 = arith.addi %add3A_3, %mul3A_2 : i32
    %iota3A = tpu.iota {dimensions = array<i32: 0>} : vector<16xi32>
    %add3A_5 = arith.constant 0 : i32
    %add3A_6 = arith.addi %add3A_4, %add3A_5 : i32
    %dma_start3A = arith.constant 0 : i32
    %dma_start3A_7 = arith.constant 0 : i32
    %dma_start3A_8 = tpu.memref_slice %arg2[%add3A_6, %dma_start3A, %dma_start3A_7] : memref<4096x48x128xf32, #tpu.memory_space<hbm>> -> memref<8x48x128xf32, #tpu.memory_space<hbm>>
    %dma_start3A_9 = arith.constant 0 : i32
    %dma_start3A_10 = arith.constant 0 : i32
    %dma_start3A_11 = tpu.memref_slice %arg2[%add3A_6, %dma_start3A_9, %dma_start3A_10] : memref<4096x48x128xf32, #tpu.memory_space<hbm>> -> memref<8x48x128xf32, #tpu.memory_space<hbm>>
    tpu.enqueue_dma source(%dma_start3A_11 : memref<8x48x128xf32, #tpu.memory_space<hbm>>) target(%arg4 : memref<8x48x128xf32, #tpu.memory_space<vmem>>) target_semaphore(%arg8 : memref<!tpu.dma_semaphore, #tpu.memory_space<semaphore_mem>>)
    %add3A_12 = arith.constant 8 : i32
    %add3A_13 = arith.addi %add3A_4, %add3A_12 : i32
    %dma_start3A_14 = arith.constant 0 : i32
    %dma_start3A_15 = arith.constant 0 : i32
    %dma_start3A_16 = tpu.memref_slice %arg2[%add3A_13, %dma_start3A_14, %dma_start3A_15] : memref<4096x48x128xf32, #tpu.memory_space<hbm>> -> memref<8x48x128xf32, #tpu.memory_space<hbm>>
    %dma_start3A_17 = arith.constant 0 : i32
    %dma_start3A_18 = arith.constant 0 : i32
    %dma_start3A_19 = tpu.memref_slice %arg2[%add3A_13, %dma_start3A_17, %dma_start3A_18] : memref<4096x48x128xf32, #tpu.memory_space<hbm>> -> memref<8x48x128xf32, #tpu.memory_space<hbm>>
    tpu.enqueue_dma source(%dma_start3A_19 : memref<8x48x128xf32, #tpu.memory_space<hbm>>) target(%arg5 : memref<8x48x128xf32, #tpu.memory_space<vmem>>) target_semaphore(%arg9 : memref<!tpu.dma_semaphore, #tpu.memory_space<semaphore_mem>>)
    %dma_wait3A = arith.constant 0 : i32
    %dma_wait3A_20 = arith.constant 0 : i32
    %dma_wait3A_21 = tpu.memref_slice %arg2[%add3A_6, %dma_wait3A, %dma_wait3A_20] : memref<4096x48x128xf32, #tpu.memory_space<hbm>> -> memref<8x48x128xf32, #tpu.memory_space<hbm>>
    %dma_wait3A_22 = arith.constant 0 : i32
    %dma_wait3A_23 = arith.constant 0 : i32
    %dma_wait3A_24 = tpu.memref_slice %arg2[%add3A_6, %dma_wait3A_22, %dma_wait3A_23] : memref<4096x48x128xf32, #tpu.memory_space<hbm>> -> memref<8x48x128xf32, #tpu.memory_space<hbm>>
    tpu.wait_dma2 semaphore(%arg8 : memref<!tpu.dma_semaphore, #tpu.memory_space<semaphore_mem>>) src(%dma_wait3A_24 : memref<8x48x128xf32, #tpu.memory_space<hbm>>) dst(%arg4 : memref<8x48x128xf32, #tpu.memory_space<vmem>>)
    %scan3A = arith.constant 0 : i32
    %scan3A_25 = arith.constant 0 : i32
    %scan3A_26 = arith.constant 64 : i32
    %scan3A_27 = arith.addi %scan3A_25, %scan3A_26 : i32
    %scan3A_28 = arith.constant 1 : i32
    %scan3A_29 = scf.for %scan3A_179 = %scan3A_25 to %scan3A_27 step %scan3A_28 iter_args(%scan3A_180 = %scan3A) -> (i32)  : i32 {
      %shift_right_arithmetic3A = arith.constant 3 : i32
      %shift_right_arithmetic3A_181 = arith.shrsi %scan3A_179, %shift_right_arithmetic3A : i32
      %and3A = arith.constant 7 : i32
      %and3A_182 = arith.andi %scan3A_179, %and3A : i32
      %get3A = arith.index_cast %shift_right_arithmetic3A_181 : i32 to index
      %get3A_183 = arith.index_cast %and3A_182 : i32 to index
      %get3A_184 = arith.constant 0 : index
      %get3A_185 = tpu.vector_load %arg4[%get3A, %get3A_183, %get3A_184] {strides = array<i32>} : memref<8x48x128xf32, #tpu.memory_space<vmem>>, vector<16xf32>,
      %add3A_186 = arith.constant 0 : i32
      %add3A_187 = arith.addi %add3A_186, %and3A_182 : i32
      %get3A_188 = arith.index_cast %shift_right_arithmetic3A_181 : i32 to index
      %get3A_189 = arith.index_cast %add3A_187 : i32 to index
      %get3A_190 = arith.constant 16 : index
      %get3A_191 = tpu.vector_load %arg4[%get3A_188, %get3A_189, %get3A_190] {strides = array<i32>} : memref<8x48x128xf32, #tpu.memory_space<vmem>>, vector<16xf32>,
      %max3A = arith.maximumf %get3A_185, %get3A_191 : vector<16xf32>
      %add3A_192 = arith.constant 0 : i32
      %add3A_193 = arith.addi %add3A_192, %and3A_182 : i32
      %get3A_194 = arith.index_cast %shift_right_arithmetic3A_181 : i32 to index
      %get3A_195 = arith.index_cast %add3A_193 : i32 to index
      %get3A_196 = arith.constant 32 : index
      %get3A_197 = tpu.vector_load %arg4[%get3A_194, %get3A_195, %get3A_196] {strides = array<i32>} : memref<8x48x128xf32, #tpu.memory_space<vmem>>, vector<16xf32>,
      %max3A_198 = arith.maximumf %max3A, %get3A_197 : vector<16xf32>
      %add3A_199 = arith.constant 0 : i32
      %add3A_200 = arith.addi %add3A_199, %and3A_182 : i32
      %get3A_201 = arith.index_cast %shift_right_arithmetic3A_181 : i32 to index
      %get3A_202 = arith.index_cast %add3A_200 : i32 to index
      %get3A_203 = arith.constant 48 : index
      %get3A_204 = tpu.vector_load %arg4[%get3A_201, %get3A_202, %get3A_203] {strides = array<i32>} : memref<8x48x128xf32, #tpu.memory_space<vmem>>, vector<16xf32>,
      %max3A_205 = arith.maximumf %max3A_198, %get3A_204 : vector<16xf32>
      %add3A_206 = arith.constant 0 : i32
      %add3A_207 = arith.addi %add3A_206, %and3A_182 : i32
      %get3A_208 = arith.index_cast %shift_right_arithmetic3A_181 : i32 to index
      %get3A_209 = arith.index_cast %add3A_207 : i32 to index
      %get3A_210 = arith.constant 64 : index
      %get3A_211 = tpu.vector_load %arg4[%get3A_208, %get3A_209, %get3A_210] {strides = array<i32>} : memref<8x48x128xf32, #tpu.memory_space<vmem>>, vector<16xf32>,
      %max3A_212 = arith.maximumf %max3A_205, %get3A_211 : vector<16xf32>
      %add3A_213 = arith.constant 0 : i32
      %add3A_214 = arith.addi %add3A_213, %and3A_182 : i32
      %get3A_215 = arith.index_cast %shift_right_arithmetic3A_181 : i32 to index
      %get3A_216 = arith.index_cast %add3A_214 : i32 to index
      %get3A_217 = arith.constant 80 : index
      %get3A_218 = tpu.vector_load %arg4[%get3A_215, %get3A_216, %get3A_217] {strides = array<i32>} : memref<8x48x128xf32, #tpu.memory_space<vmem>>, vector<16xf32>,
      %max3A_219 = arith.maximumf %max3A_212, %get3A_218 : vector<16xf32>
      %add3A_220 = arith.constant 0 : i32
      %add3A_221 = arith.addi %add3A_220, %and3A_182 : i32
      %get3A_222 = arith.index_cast %shift_right_arithmetic3A_181 : i32 to index
      %get3A_223 = arith.index_cast %add3A_221 : i32 to index
      %get3A_224 = arith.constant 96 : index
      %get3A_225 = tpu.vector_load %arg4[%get3A_222, %get3A_223, %get3A_224] {strides = array<i32>} : memref<8x48x128xf32, #tpu.memory_space<vmem>>, vector<16xf32>,
      %max3A_226 = arith.maximumf %max3A_219, %get3A_225 : vector<16xf32>
      %add3A_227 = arith.constant 0 : i32
      %add3A_228 = arith.addi %add3A_227, %and3A_182 : i32
      %get3A_229 = arith.index_cast %shift_right_arithmetic3A_181 : i32 to index
      %get3A_230 = arith.index_cast %add3A_228 : i32 to index
      %get3A_231 = arith.constant 112 : index
      %get3A_232 = tpu.vector_load %arg4[%get3A_229, %get3A_230, %get3A_231] {strides = array<i32>} : memref<8x48x128xf32, #tpu.memory_space<vmem>>, vector<16xf32>,
      %max3A_233 = arith.maximumf %max3A_226, %get3A_232 : vector<16xf32>
      %add3A_234 = arith.constant 8 : i32
      %add3A_235 = arith.addi %add3A_234, %and3A_182 : i32
      %get3A_236 = arith.index_cast %shift_right_arithmetic3A_181 : i32 to index
      %get3A_237 = arith.index_cast %add3A_235 : i32 to index
      %get3A_238 = arith.constant 0 : index
      %get3A_239 = tpu.vector_load %arg4[%get3A_236, %get3A_237, %get3A_238] {strides = array<i32>} : memref<8x48x128xf32, #tpu.memory_space<vmem>>, vector<16xf32>,
      %max3A_240 = arith.maximumf %max3A_233, %get3A_239 : vector<16xf32>
      %add3A_241 = arith.constant 8 : i32
      %add3A_242 = arith.addi %add3A_241, %and3A_182 : i32
      %get3A_243 = arith.index_cast %shift_right_arithmetic3A_181 : i32 to index
      %get3A_244 = arith.index_cast %add3A_242 : i32 to index
      %get3A_245 = arith.constant 16 : index
      %get3A_246 = tpu.vector_load %arg4[%get3A_243, %get3A_244, %get3A_245] {strides = array<i32>} : memref<8x48x128xf32, #tpu.memory_space<vmem>>, vector<16xf32>,
      %max3A_247 = arith.maximumf %max3A_240, %get3A_246 : vector<16xf32>
      %add3A_248 = arith.constant 8 : i32
      %add3A_249 = arith.addi %add3A_248, %and3A_182 : i32
      %get3A_250 = arith.index_cast %shift_right_arithmetic3A_181 : i32 to index
      %get3A_251 = arith.index_cast %add3A_249 : i32 to index
      %get3A_252 = arith.constant 32 : index
      %get3A_253 = tpu.vector_load %arg4[%get3A_250, %get3A_251, %get3A_252] {strides = array<i32>} : memref<8x48x128xf32, #tpu.memory_space<vmem>>, vector<16xf32>,
      %max3A_254 = arith.maximumf %max3A_247, %get3A_253 : vector<16xf32>
      %add3A_255 = arith.constant 8 : i32
      %add3A_256 = arith.addi %add3A_255, %and3A_182 : i32
      %get3A_257 = arith.index_cast %shift_right_arithmetic3A_181 : i32 to index
      %get3A_258 = arith.index_cast %add3A_256 : i32 to index
      %get3A_259 = arith.constant 48 : index
      %get3A_260 = tpu.vector_load %arg4[%get3A_257, %get3A_258, %get3A_259] {strides = array<i32>} : memref<8x48x128xf32, #tpu.memory_space<vmem>>, vector<16xf32>,
      %max3A_261 = arith.maximumf %max3A_254, %get3A_260 : vector<16xf32>
      %add3A_262 = arith.constant 8 : i32
      %add3A_263 = arith.addi %add3A_262, %and3A_182 : i32
      %get3A_264 = arith.index_cast %shift_right_arithmetic3A_181 : i32 to index
      %get3A_265 = arith.index_cast %add3A_263 : i32 to index
      %get3A_266 = arith.constant 64 : index
      %get3A_267 = tpu.vector_load %arg4[%get3A_264, %get3A_265, %get3A_266] {strides = array<i32>} : memref<8x48x128xf32, #tpu.memory_space<vmem>>, vector<16xf32>,
      %max3A_268 = arith.maximumf %max3A_261, %get3A_267 : vector<16xf32>
      %add3A_269 = arith.constant 8 : i32
      %add3A_270 = arith.addi %add3A_269, %and3A_182 : i32
      %get3A_271 = arith.index_cast %shift_right_arithmetic3A_181 : i32 to index
      %get3A_272 = arith.index_cast %add3A_270 : i32 to index
      %get3A_273 = arith.constant 80 : index
      %get3A_274 = tpu.vector_load %arg4[%get3A_271, %get3A_272, %get3A_273] {strides = array<i32>} : memref<8x48x128xf32, #tpu.memory_space<vmem>>, vector<16xf32>,
      %max3A_275 = arith.maximumf %max3A_268, %get3A_274 : vector<16xf32>
      %add3A_276 = arith.constant 8 : i32
      %add3A_277 = arith.addi %add3A_276, %and3A_182 : i32
      %get3A_278 = arith.index_cast %shift_right_arithmetic3A_181 : i32 to index
      %get3A_279 = arith.index_cast %add3A_277 : i32 to index
      %get3A_280 = arith.constant 96 : index
      %get3A_281 = tpu.vector_load %arg4[%get3A_278, %get3A_279, %get3A_280] {strides = array<i32>} : memref<8x48x128xf32, #tpu.memory_space<vmem>>, vector<16xf32>,
      %max3A_282 = arith.maximumf %max3A_275, %get3A_281 : vector<16xf32>
      %add3A_283 = arith.constant 8 : i32
      %add3A_284 = arith.addi %add3A_283, %and3A_182 : i32
      %get3A_285 = arith.index_cast %shift_right_arithmetic3A_181 : i32 to index
      %get3A_286 = arith.index_cast %add3A_284 : i32 to index
      %get3A_287 = arith.constant 112 : index
      %get3A_288 = tpu.vector_load %arg4[%get3A_285, %get3A_286, %get3A_287] {strides = array<i32>} : memref<8x48x128xf32, #tpu.memory_space<vmem>>, vector<16xf32>,
      %max3A_289 = arith.maximumf %max3A_282, %get3A_288 : vector<16xf32>
      %add3A_290 = arith.constant 16 : i32
      %add3A_291 = arith.addi %add3A_290, %and3A_182 : i32
      %get3A_292 = arith.index_cast %shift_right_arithmetic3A_181 : i32 to index
      %get3A_293 = arith.index_cast %add3A_291 : i32 to index
      %get3A_294 = arith.constant 0 : index
      %get3A_295 = tpu.vector_load %arg4[%get3A_292, %get3A_293, %get3A_294] {strides = array<i32>} : memref<8x48x128xf32, #tpu.memory_space<vmem>>, vector<16xf32>,
      %max3A_296 = arith.maximumf %max3A_289, %get3A_295 : vector<16xf32>
      %add3A_297 = arith.constant 16 : i32
      %add3A_298 = arith.addi %add3A_297, %and3A_182 : i32
      %get3A_299 = arith.index_cast %shift_right_arithmetic3A_181 : i32 to index
      %get3A_300 = arith.index_cast %add3A_298 : i32 to index
      %get3A_301 = arith.constant 16 : index
      %get3A_302 = tpu.vector_load %arg4[%get3A_299, %get3A_300, %get3A_301] {strides = array<i32>} : memref<8x48x128xf32, #tpu.memory_space<vmem>>, vector<16xf32>,
      %max3A_303 = arith.maximumf %max3A_296, %get3A_302 : vector<16xf32>
      %add3A_304 = arith.constant 16 : i32
      %add3A_305 = arith.addi %add3A_304, %and3A_182 : i32
      %get3A_306 = arith.index_cast %shift_right_arithmetic3A_181 : i32 to index
      %get3A_307 = arith.index_cast %add3A_305 : i32 to index
      %get3A_308 = arith.constant 32 : index
      %get3A_309 = tpu.vector_load %arg4[%get3A_306, %get3A_307, %get3A_308] {strides = array<i32>} : memref<8x48x128xf32, #tpu.memory_space<vmem>>, vector<16xf32>,
      %max3A_310 = arith.maximumf %max3A_303, %get3A_309 : vector<16xf32>
      %add3A_311 = arith.constant 16 : i32
      %add3A_312 = arith.addi %add3A_311, %and3A_182 : i32
      %get3A_313 = arith.index_cast %shift_right_arithmetic3A_181 : i32 to index
      %get3A_314 = arith.index_cast %add3A_312 : i32 to index
      %get3A_315 = arith.constant 48 : index
      %get3A_316 = tpu.vector_load %arg4[%get3A_313, %get3A_314, %get3A_315] {strides = array<i32>} : memref<8x48x128xf32, #tpu.memory_space<vmem>>, vector<16xf32>,
      %max3A_317 = arith.maximumf %max3A_310, %get3A_316 : vector<16xf32>
      %add3A_318 = arith.constant 16 : i32
      %add3A_319 = arith.addi %add3A_318, %and3A_182 : i32
      %get3A_320 = arith.index_cast %shift_right_arithmetic3A_181 : i32 to index
      %get3A_321 = arith.index_cast %add3A_319 : i32 to index
      %get3A_322 = arith.constant 64 : index
      %get3A_323 = tpu.vector_load %arg4[%get3A_320, %get3A_321, %get3A_322] {strides = array<i32>} : memref<8x48x128xf32, #tpu.memory_space<vmem>>, vector<16xf32>,
      %max3A_324 = arith.maximumf %max3A_317, %get3A_323 : vector<16xf32>
      %add3A_325 = arith.constant 16 : i32
      %add3A_326 = arith.addi %add3A_325, %and3A_182 : i32
      %get3A_327 = arith.index_cast %shift_right_arithmetic3A_181 : i32 to index
      %get3A_328 = arith.index_cast %add3A_326 : i32 to index
      %get3A_329 = arith.constant 80 : index
      %get3A_330 = tpu.vector_load %arg4[%get3A_327, %get3A_328, %get3A_329] {strides = array<i32>} : memref<8x48x128xf32, #tpu.memory_space<vmem>>, vector<16xf32>,
      %max3A_331 = arith.maximumf %max3A_324, %get3A_330 : vector<16xf32>
      %add3A_332 = arith.constant 16 : i32
      %add3A_333 = arith.addi %add3A_332, %and3A_182 : i32
      %get3A_334 = arith.index_cast %shift_right_arithmetic3A_181 : i32 to index
      %get3A_335 = arith.index_cast %add3A_333 : i32 to index
      %get3A_336 = arith.constant 96 : index
      %get3A_337 = tpu.vector_load %arg4[%get3A_334, %get3A_335, %get3A_336] {strides = array<i32>} : memref<8x48x128xf32, #tpu.memory_space<vmem>>, vector<16xf32>,
      %max3A_338 = arith.maximumf %max3A_331, %get3A_337 : vector<16xf32>
      %add3A_339 = arith.constant 16 : i32
      %add3A_340 = arith.addi %add3A_339, %and3A_182 : i32
      %get3A_341 = arith.index_cast %shift_right_arithmetic3A_181 : i32 to index
      %get3A_342 = arith.index_cast %add3A_340 : i32 to index
      %get3A_343 = arith.constant 112 : index
      %get3A_344 = tpu.vector_load %arg4[%get3A_341, %get3A_342, %get3A_343] {strides = array<i32>} : memref<8x48x128xf32, #tpu.memory_space<vmem>>, vector<16xf32>,
      %max3A_345 = arith.maximumf %max3A_338, %get3A_344 : vector<16xf32>
      %add3A_346 = arith.constant 24 : i32
      %add3A_347 = arith.addi %add3A_346, %and3A_182 : i32
      %get3A_348 = arith.index_cast %shift_right_arithmetic3A_181 : i32 to index
      %get3A_349 = arith.index_cast %add3A_347 : i32 to index
      %get3A_350 = arith.constant 0 : index
      %get3A_351 = tpu.vector_load %arg4[%get3A_348, %get3A_349, %get3A_350] {strides = array<i32>} : memref<8x48x128xf32, #tpu.memory_space<vmem>>, vector<16xf32>,
      %max3A_352 = arith.maximumf %max3A_345, %get3A_351 : vector<16xf32>
      %add3A_353 = arith.constant 24 : i32
      %add3A_354 = arith.addi %add3A_353, %and3A_182 : i32
      %get3A_355 = arith.index_cast %shift_right_arithmetic3A_181 : i32 to index
      %get3A_356 = arith.index_cast %add3A_354 : i32 to index
      %get3A_357 = arith.constant 16 : index
      %get3A_358 = tpu.vector_load %arg4[%get3A_355, %get3A_356, %get3A_357] {strides = array<i32>} : memref<8x48x128xf32, #tpu.memory_space<vmem>>, vector<16xf32>,
      %max3A_359 = arith.maximumf %max3A_352, %get3A_358 : vector<16xf32>
      %add3A_360 = arith.constant 24 : i32
      %add3A_361 = arith.addi %add3A_360, %and3A_182 : i32
      %get3A_362 = arith.index_cast %shift_right_arithmetic3A_181 : i32 to index
      %get3A_363 = arith.index_cast %add3A_361 : i32 to index
      %get3A_364 = arith.constant 32 : index
      %get3A_365 = tpu.vector_load %arg4[%get3A_362, %get3A_363, %get3A_364] {strides = array<i32>} : memref<8x48x128xf32, #tpu.memory_space<vmem>>, vector<16xf32>,
      %max3A_366 = arith.maximumf %max3A_359, %get3A_365 : vector<16xf32>
      %add3A_367 = arith.constant 24 : i32
      %add3A_368 = arith.addi %add3A_367, %and3A_182 : i32
      %get3A_369 = arith.index_cast %shift_right_arithmetic3A_181 : i32 to index
      %get3A_370 = arith.index_cast %add3A_368 : i32 to index
      %get3A_371 = arith.constant 48 : index
      %get3A_372 = tpu.vector_load %arg4[%get3A_369, %get3A_370, %get3A_371] {strides = array<i32>} : memref<8x48x128xf32, #tpu.memory_space<vmem>>, vector<16xf32>,
      %max3A_373 = arith.maximumf %max3A_366, %get3A_372 : vector<16xf32>
      %add3A_374 = arith.constant 24 : i32
      %add3A_375 = arith.addi %add3A_374, %and3A_182 : i32
      %get3A_376 = arith.index_cast %shift_right_arithmetic3A_181 : i32 to index
      %get3A_377 = arith.index_cast %add3A_375 : i32 to index
      %get3A_378 = arith.constant 64 : index
      %get3A_379 = tpu.vector_load %arg4[%get3A_376, %get3A_377, %get3A_378] {strides = array<i32>} : memref<8x48x128xf32, #tpu.memory_space<vmem>>, vector<16xf32>,
      %max3A_380 = arith.maximumf %max3A_373, %get3A_379 : vector<16xf32>
      %add3A_381 = arith.constant 24 : i32
      %add3A_382 = arith.addi %add3A_381, %and3A_182 : i32
      %get3A_383 = arith.index_cast %shift_right_arithmetic3A_181 : i32 to index
      %get3A_384 = arith.index_cast %add3A_382 : i32 to index
      %get3A_385 = arith.constant 80 : index
      %get3A_386 = tpu.vector_load %arg4[%get3A_383, %get3A_384, %get3A_385] {strides = array<i32>} : memref<8x48x128xf32, #tpu.memory_space<vmem>>, vector<16xf32>,
      %max3A_387 = arith.maximumf %max3A_380, %get3A_386 : vector<16xf32>
      %add3A_388 = arith.constant 24 : i32
      %add3A_389 = arith.addi %add3A_388, %and3A_182 : i32
      %get3A_390 = arith.index_cast %shift_right_arithmetic3A_181 : i32 to index
      %get3A_391 = arith.index_cast %add3A_389 : i32 to index
      %get3A_392 = arith.constant 96 : index
      %get3A_393 = tpu.vector_load %arg4[%get3A_390, %get3A_391, %get3A_392] {strides = array<i32>} : memref<8x48x128xf32, #tpu.memory_space<vmem>>, vector<16xf32>,
      %max3A_394 = arith.maximumf %max3A_387, %get3A_393 : vector<16xf32>
      %add3A_395 = arith.constant 24 : i32
      %add3A_396 = arith.addi %add3A_395, %and3A_182 : i32
      %get3A_397 = arith.index_cast %shift_right_arithmetic3A_181 : i32 to index
      %get3A_398 = arith.index_cast %add3A_396 : i32 to index
      %get3A_399 = arith.constant 112 : index
      %get3A_400 = tpu.vector_load %arg4[%get3A_397, %get3A_398, %get3A_399] {strides = array<i32>} : memref<8x48x128xf32, #tpu.memory_space<vmem>>, vector<16xf32>,
      %max3A_401 = arith.maximumf %max3A_394, %get3A_400 : vector<16xf32>
      %add3A_402 = arith.constant 32 : i32
      %add3A_403 = arith.addi %add3A_402, %and3A_182 : i32
      %get3A_404 = arith.index_cast %shift_right_arithmetic3A_181 : i32 to index
      %get3A_405 = arith.index_cast %add3A_403 : i32 to index
      %get3A_406 = arith.constant 0 : index
      %get3A_407 = tpu.vector_load %arg4[%get3A_404, %get3A_405, %get3A_406] {strides = array<i32>} : memref<8x48x128xf32, #tpu.memory_space<vmem>>, vector<16xf32>,
      %max3A_408 = arith.maximumf %max3A_401, %get3A_407 : vector<16xf32>
      %add3A_409 = arith.constant 32 : i32
      %add3A_410 = arith.addi %add3A_409, %and3A_182 : i32
      %get3A_411 = arith.index_cast %shift_right_arithmetic3A_181 : i32 to index
      %get3A_412 = arith.index_cast %add3A_410 : i32 to index
      %get3A_413 = arith.constant 16 : index
      %get3A_414 = tpu.vector_load %arg4[%get3A_411, %get3A_412, %get3A_413] {strides = array<i32>} : memref<8x48x128xf32, #tpu.memory_space<vmem>>, vector<16xf32>,
      %max3A_415 = arith.maximumf %max3A_408, %get3A_414 : vector<16xf32>
      %add3A_416 = arith.constant 32 : i32
      %add3A_417 = arith.addi %add3A_416, %and3A_182 : i32
      %get3A_418 = arith.index_cast %shift_right_arithmetic3A_181 : i32 to index
      %get3A_419 = arith.index_cast %add3A_417 : i32 to index
      %get3A_420 = arith.constant 32 : index
      %get3A_421 = tpu.vector_load %arg4[%get3A_418, %get3A_419, %get3A_420] {strides = array<i32>} : memref<8x48x128xf32, #tpu.memory_space<vmem>>, vector<16xf32>,
      %max3A_422 = arith.maximumf %max3A_415, %get3A_421 : vector<16xf32>
      %add3A_423 = arith.constant 32 : i32
      %add3A_424 = arith.addi %add3A_423, %and3A_182 : i32
      %get3A_425 = arith.index_cast %shift_right_arithmetic3A_181 : i32 to index
      %get3A_426 = arith.index_cast %add3A_424 : i32 to index
      %get3A_427 = arith.constant 48 : index
      %get3A_428 = tpu.vector_load %arg4[%get3A_425, %get3A_426, %get3A_427] {strides = array<i32>} : memref<8x48x128xf32, #tpu.memory_space<vmem>>, vector<16xf32>,
      %max3A_429 = arith.maximumf %max3A_422, %get3A_428 : vector<16xf32>
      %add3A_430 = arith.constant 32 : i32
      %add3A_431 = arith.addi %add3A_430, %and3A_182 : i32
      %get3A_432 = arith.index_cast %shift_right_arithmetic3A_181 : i32 to index
      %get3A_433 = arith.index_cast %add3A_431 : i32 to index
      %get3A_434 = arith.constant 64 : index
      %get3A_435 = tpu.vector_load %arg4[%get3A_432, %get3A_433, %get3A_434] {strides = array<i32>} : memref<8x48x128xf32, #tpu.memory_space<vmem>>, vector<16xf32>,
      %max3A_436 = arith.maximumf %max3A_429, %get3A_435 : vector<16xf32>
      %add3A_437 = arith.constant 32 : i32
      %add3A_438 = arith.addi %add3A_437, %and3A_182 : i32
      %get3A_439 = arith.index_cast %shift_right_arithmetic3A_181 : i32 to index
      %get3A_440 = arith.index_cast %add3A_438 : i32 to index
      %get3A_441 = arith.constant 80 : index
      %get3A_442 = tpu.vector_load %arg4[%get3A_439, %get3A_440, %get3A_441] {strides = array<i32>} : memref<8x48x128xf32, #tpu.memory_space<vmem>>, vector<16xf32>,
      %max3A_443 = arith.maximumf %max3A_436, %get3A_442 : vector<16xf32>
      %add3A_444 = arith.constant 32 : i32
      %add3A_445 = arith.addi %add3A_444, %and3A_182 : i32
      %get3A_446 = arith.index_cast %shift_right_arithmetic3A_181 : i32 to index
      %get3A_447 = arith.index_cast %add3A_445 : i32 to index
      %get3A_448 = arith.constant 96 : index
      %get3A_449 = tpu.vector_load %arg4[%get3A_446, %get3A_447, %get3A_448] {strides = array<i32>} : memref<8x48x128xf32, #tpu.memory_space<vmem>>, vector<16xf32>,
      %max3A_450 = arith.maximumf %max3A_443, %get3A_449 : vector<16xf32>
      %add3A_451 = arith.constant 32 : i32
      %add3A_452 = arith.addi %add3A_451, %and3A_182 : i32
      %get3A_453 = arith.index_cast %shift_right_arithmetic3A_181 : i32 to index
      %get3A_454 = arith.index_cast %add3A_452 : i32 to index
      %get3A_455 = arith.constant 112 : index
      %get3A_456 = tpu.vector_load %arg4[%get3A_453, %get3A_454, %get3A_455] {strides = array<i32>} : memref<8x48x128xf32, #tpu.memory_space<vmem>>, vector<16xf32>,
      %max3A_457 = arith.maximumf %max3A_450, %get3A_456 : vector<16xf32>
      %add3A_458 = arith.constant 40 : i32
      %add3A_459 = arith.addi %add3A_458, %and3A_182 : i32
      %get3A_460 = arith.index_cast %shift_right_arithmetic3A_181 : i32 to index
      %get3A_461 = arith.index_cast %add3A_459 : i32 to index
      %get3A_462 = arith.constant 0 : index
      %get3A_463 = tpu.vector_load %arg4[%get3A_460, %get3A_461, %get3A_462] {strides = array<i32>} : memref<8x48x128xf32, #tpu.memory_space<vmem>>, vector<16xf32>,
      %max3A_464 = arith.maximumf %max3A_457, %get3A_463 : vector<16xf32>
      %add3A_465 = arith.constant 40 : i32
      %add3A_466 = arith.addi %add3A_465, %and3A_182 : i32
      %get3A_467 = arith.index_cast %shift_right_arithmetic3A_181 : i32 to index
      %get3A_468 = arith.index_cast %add3A_466 : i32 to index
      %get3A_469 = arith.constant 16 : index
      %get3A_470 = tpu.vector_load %arg4[%get3A_467, %get3A_468, %get3A_469] {strides = array<i32>} : memref<8x48x128xf32, #tpu.memory_space<vmem>>, vector<16xf32>,
      %max3A_471 = arith.maximumf %max3A_464, %get3A_470 : vector<16xf32>
      %add3A_472 = arith.constant 40 : i32
      %add3A_473 = arith.addi %add3A_472, %and3A_182 : i32
      %get3A_474 = arith.index_cast %shift_right_arithmetic3A_181 : i32 to index
      %get3A_475 = arith.index_cast %add3A_473 : i32 to index
      %get3A_476 = arith.constant 32 : index
      %get3A_477 = tpu.vector_load %arg4[%get3A_474, %get3A_475, %get3A_476] {strides = array<i32>} : memref<8x48x128xf32, #tpu.memory_space<vmem>>, vector<16xf32>,
      %max3A_478 = arith.maximumf %max3A_471, %get3A_477 : vector<16xf32>
      %add3A_479 = arith.constant 40 : i32
      %add3A_480 = arith.addi %add3A_479, %and3A_182 : i32
      %get3A_481 = arith.index_cast %shift_right_arithmetic3A_181 : i32 to index
      %get3A_482 = arith.index_cast %add3A_480 : i32 to index
      %get3A_483 = arith.constant 48 : index
      %get3A_484 = tpu.vector_load %arg4[%get3A_481, %get3A_482, %get3A_483] {strides = array<i32>} : memref<8x48x128xf32, #tpu.memory_space<vmem>>, vector<16xf32>,
      %max3A_485 = arith.maximumf %max3A_478, %get3A_484 : vector<16xf32>
      %add3A_486 = arith.constant 40 : i32
      %add3A_487 = arith.addi %add3A_486, %and3A_182 : i32
      %get3A_488 = arith.index_cast %shift_right_arithmetic3A_181 : i32 to index
      %get3A_489 = arith.index_cast %add3A_487 : i32 to index
      %get3A_490 = arith.constant 64 : index
      %get3A_491 = tpu.vector_load %arg4[%get3A_488, %get3A_489, %get3A_490] {strides = array<i32>} : memref<8x48x128xf32, #tpu.memory_space<vmem>>, vector<16xf32>,
      %max3A_492 = arith.maximumf %max3A_485, %get3A_491 : vector<16xf32>
      %add3A_493 = arith.constant 40 : i32
      %add3A_494 = arith.addi %add3A_493, %and3A_182 : i32
      %get3A_495 = arith.index_cast %shift_right_arithmetic3A_181 : i32 to index
      %get3A_496 = arith.index_cast %add3A_494 : i32 to index
      %get3A_497 = arith.constant 80 : index
      %get3A_498 = tpu.vector_load %arg4[%get3A_495, %get3A_496, %get3A_497] {strides = array<i32>} : memref<8x48x128xf32, #tpu.memory_space<vmem>>, vector<16xf32>,
      %max3A_499 = arith.maximumf %max3A_492, %get3A_498 : vector<16xf32>
      %add3A_500 = arith.constant 40 : i32
      %add3A_501 = arith.addi %add3A_500, %and3A_182 : i32
      %get3A_502 = arith.index_cast %shift_right_arithmetic3A_181 : i32 to index
      %get3A_503 = arith.index_cast %add3A_501 : i32 to index
      %get3A_504 = arith.constant 96 : index
      %get3A_505 = tpu.vector_load %arg4[%get3A_502, %get3A_503, %get3A_504] {strides = array<i32>} : memref<8x48x128xf32, #tpu.memory_space<vmem>>, vector<16xf32>,
      %max3A_506 = arith.maximumf %max3A_499, %get3A_505 : vector<16xf32>
      %add3A_507 = arith.constant 40 : i32
      %add3A_508 = arith.addi %add3A_507, %and3A_182 : i32
      %get3A_509 = arith.index_cast %shift_right_arithmetic3A_181 : i32 to index
      %get3A_510 = arith.index_cast %add3A_508 : i32 to index
      %get3A_511 = arith.constant 112 : index
      %get3A_512 = tpu.vector_load %arg4[%get3A_509, %get3A_510, %get3A_511] {strides = array<i32>} : memref<8x48x128xf32, #tpu.memory_space<vmem>>, vector<16xf32>,
      %max3A_513 = arith.maximumf %max3A_506, %get3A_512 : vector<16xf32>
      %add3A_514 = arith.constant 0 : i32
      %add3A_515 = arith.addi %add3A_514, %scan3A_179 : i32
      %swap3A = arith.index_cast %add3A_515 : i32 to index
      %swap3A_516 = arith.constant 0 : index
      %swap3A_517 = tpu.vector_load %arg6[%swap3A, %swap3A_516] {strides = array<i32>} : memref<512x17xf32, #tpu.memory_space<vmem>>, vector<16xf32>,
      tpu.vector_store %arg6[%swap3A, %swap3A_516], %max3A_513 {strides = array<i32>} : memref<512x17xf32, #tpu.memory_space<vmem>>, vector<16xf32>,
      %scan3A_518 = arith.constant 0 : i32
      scf.yield %scan3A_518 : i32
    }
    %scan3A_30 = arith.constant 64 : i32
    %add3A_31 = arith.constant 16 : i32
    %add3A_32 = arith.addi %add3A_4, %add3A_31 : i32
    %dma_start3A_33 = arith.constant 0 : i32
    %dma_start3A_34 = arith.constant 0 : i32
    %dma_start3A_35 = tpu.memref_slice %arg2[%add3A_32, %dma_start3A_33, %dma_start3A_34] : memref<4096x48x128xf32, #tpu.memory_space<hbm>> -> memref<8x48x128xf32, #tpu.memory_space<hbm>>
    %dma_start3A_36 = arith.constant 0 : i32
    %dma_start3A_37 = arith.constant 0 : i32
    %dma_start3A_38 = tpu.memref_slice %arg2[%add3A_32, %dma_start3A_36, %dma_start3A_37] : memref<4096x48x128xf32, #tpu.memory_space<hbm>> -> memref<8x48x128xf32, #tpu.memory_space<hbm>>
    tpu.enqueue_dma source(%dma_start3A_38 : memref<8x48x128xf32, #tpu.memory_space<hbm>>) target(%arg4 : memref<8x48x128xf32, #tpu.memory_space<vmem>>) target_semaphore(%arg8 : memref<!tpu.dma_semaphore, #tpu.memory_space<semaphore_mem>>)
    %dma_wait3A_39 = arith.constant 0 : i32
    %dma_wait3A_40 = arith.constant 0 : i32
    %dma_wait3A_41 = tpu.memref_slice %arg2[%add3A_13, %dma_wait3A_39, %dma_wait3A_40] : memref<4096x48x128xf32, #tpu.memory_space<hbm>> -> memref<8x48x128xf32, #tpu.memory_space<hbm>>
    %dma_wait3A_42 = arith.constant 0 : i32
    %dma_wait3A_43 = arith.constant 0 : i32
    %dma_wait3A_44 = tpu.memref_slice %arg2[%add3A_13, %dma_wait3A_42, %dma_wait3A_43] : memref<4096x48x128xf32, #tpu.memory_space<hbm>> -> memref<8x48x128xf32, #tpu.memory_space<hbm>>
    tpu.wait_dma2 semaphore(%arg9 : memref<!tpu.dma_semaphore, #tpu.memory_space<semaphore_mem>>) src(%dma_wait3A_44 : memref<8x48x128xf32, #tpu.memory_space<hbm>>) dst(%arg5 : memref<8x48x128xf32, #tpu.memory_space<vmem>>)
    %scan3A_45 = arith.constant 0 : i32
    %scan3A_46 = arith.constant 0 : i32
    %scan3A_47 = arith.constant 64 : i32
    %scan3A_48 = arith.addi %scan3A_46, %scan3A_47 : i32
    %scan3A_49 = arith.constant 1 : i32
    %scan3A_50 = scf.for %scan3A_179 = %scan3A_46 to %scan3A_48 step %scan3A_49 iter_args(%scan3A_180 = %scan3A_45) -> (i32)  : i32 {
      %shift_right_arithmetic3A = arith.constant 3 : i32
      %shift_right_arithmetic3A_181 = arith.shrsi %scan3A_179, %shift_right_arithmetic3A : i32
      %and3A = arith.constant 7 : i32
      %and3A_182 = arith.andi %scan3A_179, %and3A : i32
      %get3A = arith.index_cast %shift_right_arithmetic3A_181 : i32 to index
      %get3A_183 = arith.index_cast %and3A_182 : i32 to index
      %get3A_184 = arith.constant 0 : index
      %get3A_185 = tpu.vector_load %arg5[%get3A, %get3A_183, %get3A_184] {strides = array<i32>} : memref<8x48x128xf32, #tpu.memory_space<vmem>>, vector<16xf32>,
      %add3A_186 = arith.constant 0 : i32
      %add3A_187 = arith.addi %add3A_186, %and3A_182 : i32
      %get3A_188 = arith.index_cast %shift_right_arithmetic3A_181 : i32 to index
      %get3A_189 = arith.index_cast %add3A_187 : i32 to index
      %get3A_190 = arith.constant 16 : index
      %get3A_191 = tpu.vector_load %arg5[%get3A_188, %get3A_189, %get3A_190] {strides = array<i32>} : memref<8x48x128xf32, #tpu.memory_space<vmem>>, vector<16xf32>,
      %max3A = arith.maximumf %get3A_185, %get3A_191 : vector<16xf32>
      %add3A_192 = arith.constant 0 : i32
      %add3A_193 = arith.addi %add3A_192, %and3A_182 : i32
      %get3A_194 = arith.index_cast %shift_right_arithmetic3A_181 : i32 to index
      %get3A_195 = arith.index_cast %add3A_193 : i32 to index
      %get3A_196 = arith.constant 32 : index
      %get3A_197 = tpu.vector_load %arg5[%get3A_194, %get3A_195, %get3A_196] {strides = array<i32>} : memref<8x48x128xf32, #tpu.memory_space<vmem>>, vector<16xf32>,
      %max3A_198 = arith.maximumf %max3A, %get3A_197 : vector<16xf32>
      %add3A_199 = arith.constant 0 : i32
      %add3A_200 = arith.addi %add3A_199, %and3A_182 : i32
      %get3A_201 = arith.index_cast %shift_right_arithmetic3A_181 : i32 to index
      %get3A_202 = arith.index_cast %add3A_200 : i32 to index
      %get3A_203 = arith.constant 48 : index
      %get3A_204 = tpu.vector_load %arg5[%get3A_201, %get3A_202, %get3A_203] {strides = array<i32>} : memref<8x48x128xf32, #tpu.memory_space<vmem>>, vector<16xf32>,
      %max3A_205 = arith.maximumf %max3A_198, %get3A_204 : vector<16xf32>
      %add3A_206 = arith.constant 0 : i32
      %add3A_207 = arith.addi %add3A_206, %and3A_182 : i32
      %get3A_208 = arith.index_cast %shift_right_arithmetic3A_181 : i32 to index
      %get3A_209 = arith.index_cast %add3A_207 : i32 to index
      %get3A_210 = arith.constant 64 : index
      %get3A_211 = tpu.vector_load %arg5[%get3A_208, %get3A_209, %get3A_210] {strides = array<i32>} : memref<8x48x128xf32, #tpu.memory_space<vmem>>, vector<16xf32>,
      %max3A_212 = arith.maximumf %max3A_205, %get3A_211 : vector<16xf32>
      %add3A_213 = arith.constant 0 : i32
      %add3A_214 = arith.addi %add3A_213, %and3A_182 : i32
      %get3A_215 = arith.index_cast %shift_right_arithmetic3A_181 : i32 to index
      %get3A_216 = arith.index_cast %add3A_214 : i32 to index
      %get3A_217 = arith.constant 80 : index
      %get3A_218 = tpu.vector_load %arg5[%get3A_215, %get3A_216, %get3A_217] {strides = array<i32>} : memref<8x48x128xf32, #tpu.memory_space<vmem>>, vector<16xf32>,
      %max3A_219 = arith.maximumf %max3A_212, %get3A_218 : vector<16xf32>
      %add3A_220 = arith.constant 0 : i32
      %add3A_221 = arith.addi %add3A_220, %and3A_182 : i32
      %get3A_222 = arith.index_cast %shift_right_arithmetic3A_181 : i32 to index
      %get3A_223 = arith.index_cast %add3A_221 : i32 to index
      %get3A_224 = arith.constant 96 : index
      %get3A_225 = tpu.vector_load %arg5[%get3A_222, %get3A_223, %get3A_224] {strides = array<i32>} : memref<8x48x128xf32, #tpu.memory_space<vmem>>, vector<16xf32>,
      %max3A_226 = arith.maximumf %max3A_219, %get3A_225 : vector<16xf32>
      %add3A_227 = arith.constant 0 : i32
      %add3A_228 = arith.addi %add3A_227, %and3A_182 : i32
      %get3A_229 = arith.index_cast %shift_right_arithmetic3A_181 : i32 to index
      %get3A_230 = arith.index_cast %add3A_228 : i32 to index
      %get3A_231 = arith.constant 112 : index
      %get3A_232 = tpu.vector_load %arg5[%get3A_229, %get3A_230, %get3A_231] {strides = array<i32>} : memref<8x48x128xf32, #tpu.memory_space<vmem>>, vector<16xf32>,
      %max3A_233 = arith.maximumf %max3A_226, %get3A_232 : vector<16xf32>
      %add3A_234 = arith.constant 8 : i32
      %add3A_235 = arith.addi %add3A_234, %and3A_182 : i32
      %get3A_236 = arith.index_cast %shift_right_arithmetic3A_181 : i32 to index
      %get3A_237 = arith.index_cast %add3A_235 : i32 to index
      %get3A_238 = arith.constant 0 : index
      %get3A_239 = tpu.vector_load %arg5[%get3A_236, %get3A_237, %get3A_238] {strides = array<i32>} : memref<8x48x128xf32, #tpu.memory_space<vmem>>, vector<16xf32>,
      %max3A_240 = arith.maximumf %max3A_233, %get3A_239 : vector<16xf32>
      %add3A_241 = arith.constant 8 : i32
      %add3A_242 = arith.addi %add3A_241, %and3A_182 : i32
      %get3A_243 = arith.index_cast %shift_right_arithmetic3A_181 : i32 to index
      %get3A_244 = arith.index_cast %add3A_242 : i32 to index
      %get3A_245 = arith.constant 16 : index
      %get3A_246 = tpu.vector_load %arg5[%get3A_243, %get3A_244, %get3A_245] {strides = array<i32>} : memref<8x48x128xf32, #tpu.memory_space<vmem>>, vector<16xf32>,
      %max3A_247 = arith.maximumf %max3A_240, %get3A_246 : vector<16xf32>
      %add3A_248 = arith.constant 8 : i32
      %add3A_249 = arith.addi %add3A_248, %and3A_182 : i32
      %get3A_250 = arith.index_cast %shift_right_arithmetic3A_181 : i32 to index
      %get3A_251 = arith.index_cast %add3A_249 : i32 to index
      %get3A_252 = arith.constant 32 : index
      %get3A_253 = tpu.vector_load %arg5[%get3A_250, %get3A_251, %get3A_252] {strides = array<i32>} : memref<8x48x128xf32, #tpu.memory_space<vmem>>, vector<16xf32>,
      %max3A_254 = arith.maximumf %max3A_247, %get3A_253 : vector<16xf32>
      %add3A_255 = arith.constant 8 : i32
      %add3A_256 = arith.addi %add3A_255, %and3A_182 : i32
      %get3A_257 = arith.index_cast %shift_right_arithmetic3A_181 : i32 to index
      %get3A_258 = arith.index_cast %add3A_256 : i32 to index
      %get3A_259 = arith.constant 48 : index
      %get3A_260 = tpu.vector_load %arg5[%get3A_257, %get3A_258, %get3A_259] {strides = array<i32>} : memref<8x48x128xf32, #tpu.memory_space<vmem>>, vector<16xf32>,
      %max3A_261 = arith.maximumf %max3A_254, %get3A_260 : vector<16xf32>
      %add3A_262 = arith.constant 8 : i32
      %add3A_263 = arith.addi %add3A_262, %and3A_182 : i32
      %get3A_264 = arith.index_cast %shift_right_arithmetic3A_181 : i32 to index
      %get3A_265 = arith.index_cast %add3A_263 : i32 to index
      %get3A_266 = arith.constant 64 : index
      %get3A_267 = tpu.vector_load %arg5[%get3A_264, %get3A_265, %get3A_266] {strides = array<i32>} : memref<8x48x128xf32, #tpu.memory_space<vmem>>, vector<16xf32>,
      %max3A_268 = arith.maximumf %max3A_261, %get3A_267 : vector<16xf32>
      %add3A_269 = arith.constant 8 : i32
      %add3A_270 = arith.addi %add3A_269, %and3A_182 : i32
      %get3A_271 = arith.index_cast %shift_right_arithmetic3A_181 : i32 to index
      %get3A_272 = arith.index_cast %add3A_270 : i32 to index
      %get3A_273 = arith.constant 80 : index
      %get3A_274 = tpu.vector_load %arg5[%get3A_271, %get3A_272, %get3A_273] {strides = array<i32>} : memref<8x48x128xf32, #tpu.memory_space<vmem>>, vector<16xf32>,
      %max3A_275 = arith.maximumf %max3A_268, %get3A_274 : vector<16xf32>
      %add3A_276 = arith.constant 8 : i32
      %add3A_277 = arith.addi %add3A_276, %and3A_182 : i32
      %get3A_278 = arith.index_cast %shift_right_arithmetic3A_181 : i32 to index
      %get3A_279 = arith.index_cast %add3A_277 : i32 to index
      %get3A_280 = arith.constant 96 : index
      %get3A_281 = tpu.vector_load %arg5[%get3A_278, %get3A_279, %get3A_280] {strides = array<i32>} : memref<8x48x128xf32, #tpu.memory_space<vmem>>, vector<16xf32>,
      %max3A_282 = arith.maximumf %max3A_275, %get3A_281 : vector<16xf32>
      %add3A_283 = arith.constant 8 : i32
      %add3A_284 = arith.addi %add3A_283, %and3A_182 : i32
      %get3A_285 = arith.index_cast %shift_right_arithmetic3A_181 : i32 to index
      %get3A_286 = arith.index_cast %add3A_284 : i32 to index
      %get3A_287 = arith.constant 112 : index
      %get3A_288 = tpu.vector_load %arg5[%get3A_285, %get3A_286, %get3A_287] {strides = array<i32>} : memref<8x48x128xf32, #tpu.memory_space<vmem>>, vector<16xf32>,
      %max3A_289 = arith.maximumf %max3A_282, %get3A_288 : vector<16xf32>
      %add3A_290 = arith.constant 16 : i32
      %add3A_291 = arith.addi %add3A_290, %and3A_182 : i32
      %get3A_292 = arith.index_cast %shift_right_arithmetic3A_181 : i32 to index
      %get3A_293 = arith.index_cast %add3A_291 : i32 to index
      %get3A_294 = arith.constant 0 : index
      %get3A_295 = tpu.vector_load %arg5[%get3A_292, %get3A_293, %get3A_294] {strides = array<i32>} : memref<8x48x128xf32, #tpu.memory_space<vmem>>, vector<16xf32>,
      %max3A_296 = arith.maximumf %max3A_289, %get3A_295 : vector<16xf32>
      %add3A_297 = arith.constant 16 : i32
      %add3A_298 = arith.addi %add3A_297, %and3A_182 : i32
      %get3A_299 = arith.index_cast %shift_right_arithmetic3A_181 : i32 to index
      %get3A_300 = arith.index_cast %add3A_298 : i32 to index
      %get3A_301 = arith.constant 16 : index
      %get3A_302 = tpu.vector_load %arg5[%get3A_299, %get3A_300, %get3A_301] {strides = array<i32>} : memref<8x48x128xf32, #tpu.memory_space<vmem>>, vector<16xf32>,
      %max3A_303 = arith.maximumf %max3A_296, %get3A_302 : vector<16xf32>
      %add3A_304 = arith.constant 16 : i32
      %add3A_305 = arith.addi %add3A_304, %and3A_182 : i32
      %get3A_306 = arith.index_cast %shift_right_arithmetic3A_181 : i32 to index
      %get3A_307 = arith.index_cast %add3A_305 : i32 to index
      %get3A_308 = arith.constant 32 : index
      %get3A_309 = tpu.vector_load %arg5[%get3A_306, %get3A_307, %get3A_308] {strides = array<i32>} : memref<8x48x128xf32, #tpu.memory_space<vmem>>, vector<16xf32>,
      %max3A_310 = arith.maximumf %max3A_303, %get3A_309 : vector<16xf32>
      %add3A_311 = arith.constant 16 : i32
      %add3A_312 = arith.addi %add3A_311, %and3A_182 : i32
      %get3A_313 = arith.index_cast %shift_right_arithmetic3A_181 : i32 to index
      %get3A_314 = arith.index_cast %add3A_312 : i32 to index
      %get3A_315 = arith.constant 48 : index
      %get3A_316 = tpu.vector_load %arg5[%get3A_313, %get3A_314, %get3A_315] {strides = array<i32>} : memref<8x48x128xf32, #tpu.memory_space<vmem>>, vector<16xf32>,
      %max3A_317 = arith.maximumf %max3A_310, %get3A_316 : vector<16xf32>
      %add3A_318 = arith.constant 16 : i32
      %add3A_319 = arith.addi %add3A_318, %and3A_182 : i32
      %get3A_320 = arith.index_cast %shift_right_arithmetic3A_181 : i32 to index
      %get3A_321 = arith.index_cast %add3A_319 : i32 to index
      %get3A_322 = arith.constant 64 : index
      %get3A_323 = tpu.vector_load %arg5[%get3A_320, %get3A_321, %get3A_322] {strides = array<i32>} : memref<8x48x128xf32, #tpu.memory_space<vmem>>, vector<16xf32>,
      %max3A_324 = arith.maximumf %max3A_317, %get3A_323 : vector<16xf32>
      %add3A_325 = arith.constant 16 : i32
      %add3A_326 = arith.addi %add3A_325, %and3A_182 : i32
      %get3A_327 = arith.index_cast %shift_right_arithmetic3A_181 : i32 to index
      %get3A_328 = arith.index_cast %add3A_326 : i32 to index
      %get3A_329 = arith.constant 80 : index
      %get3A_330 = tpu.vector_load %arg5[%get3A_327, %get3A_328, %get3A_329] {strides = array<i32>} : memref<8x48x128xf32, #tpu.memory_space<vmem>>, vector<16xf32>,
      %max3A_331 = arith.maximumf %max3A_324, %get3A_330 : vector<16xf32>
      %add3A_332 = arith.constant 16 : i32
      %add3A_333 = arith.addi %add3A_332, %and3A_182 : i32
      %get3A_334 = arith.index_cast %shift_right_arithmetic3A_181 : i32 to index
      %get3A_335 = arith.index_cast %add3A_333 : i32 to index
      %get3A_336 = arith.constant 96 : index
      %get3A_337 = tpu.vector_load %arg5[%get3A_334, %get3A_335, %get3A_336] {strides = array<i32>} : memref<8x48x128xf32, #tpu.memory_space<vmem>>, vector<16xf32>,
      %max3A_338 = arith.maximumf %max3A_331, %get3A_337 : vector<16xf32>
      %add3A_339 = arith.constant 16 : i32
      %add3A_340 = arith.addi %add3A_339, %and3A_182 : i32
      %get3A_341 = arith.index_cast %shift_right_arithmetic3A_181 : i32 to index
      %get3A_342 = arith.index_cast %add3A_340 : i32 to index
      %get3A_343 = arith.constant 112 : index
      %get3A_344 = tpu.vector_load %arg5[%get3A_341, %get3A_342, %get3A_343] {strides = array<i32>} : memref<8x48x128xf32, #tpu.memory_space<vmem>>, vector<16xf32>,
      %max3A_345 = arith.maximumf %max3A_338, %get3A_344 : vector<16xf32>
      %add3A_346 = arith.constant 24 : i32
      %add3A_347 = arith.addi %add3A_346, %and3A_182 : i32
      %get3A_348 = arith.index_cast %shift_right_arithmetic3A_181 : i32 to index
      %get3A_349 = arith.index_cast %add3A_347 : i32 to index
      %get3A_350 = arith.constant 0 : index
      %get3A_351 = tpu.vector_load %arg5[%get3A_348, %get3A_349, %get3A_350] {strides = array<i32>} : memref<8x48x128xf32, #tpu.memory_space<vmem>>, vector<16xf32>,
      %max3A_352 = arith.maximumf %max3A_345, %get3A_351 : vector<16xf32>
      %add3A_353 = arith.constant 24 : i32
      %add3A_354 = arith.addi %add3A_353, %and3A_182 : i32
      %get3A_355 = arith.index_cast %shift_right_arithmetic3A_181 : i32 to index
      %get3A_356 = arith.index_cast %add3A_354 : i32 to index
      %get3A_357 = arith.constant 16 : index
      %get3A_358 = tpu.vector_load %arg5[%get3A_355, %get3A_356, %get3A_357] {strides = array<i32>} : memref<8x48x128xf32, #tpu.memory_space<vmem>>, vector<16xf32>,
      %max3A_359 = arith.maximumf %max3A_352, %get3A_358 : vector<16xf32>
      %add3A_360 = arith.constant 24 : i32
      %add3A_361 = arith.addi %add3A_360, %and3A_182 : i32
      %get3A_362 = arith.index_cast %shift_right_arithmetic3A_181 : i32 to index
      %get3A_363 = arith.index_cast %add3A_361 : i32 to index
      %get3A_364 = arith.constant 32 : index
      %get3A_365 = tpu.vector_load %arg5[%get3A_362, %get3A_363, %get3A_364] {strides = array<i32>} : memref<8x48x128xf32, #tpu.memory_space<vmem>>, vector<16xf32>,
      %max3A_366 = arith.maximumf %max3A_359, %get3A_365 : vector<16xf32>
      %add3A_367 = arith.constant 24 : i32
      %add3A_368 = arith.addi %add3A_367, %and3A_182 : i32
      %get3A_369 = arith.index_cast %shift_right_arithmetic3A_181 : i32 to index
      %get3A_370 = arith.index_cast %add3A_368 : i32 to index
      %get3A_371 = arith.constant 48 : index
      %get3A_372 = tpu.vector_load %arg5[%get3A_369, %get3A_370, %get3A_371] {strides = array<i32>} : memref<8x48x128xf32, #tpu.memory_space<vmem>>, vector<16xf32>,
      %max3A_373 = arith.maximumf %max3A_366, %get3A_372 : vector<16xf32>
      %add3A_374 = arith.constant 24 : i32
      %add3A_375 = arith.addi %add3A_374, %and3A_182 : i32
      %get3A_376 = arith.index_cast %shift_right_arithmetic3A_181 : i32 to index
      %get3A_377 = arith.index_cast %add3A_375 : i32 to index
      %get3A_378 = arith.constant 64 : index
      %get3A_379 = tpu.vector_load %arg5[%get3A_376, %get3A_377, %get3A_378] {strides = array<i32>} : memref<8x48x128xf32, #tpu.memory_space<vmem>>, vector<16xf32>,
      %max3A_380 = arith.maximumf %max3A_373, %get3A_379 : vector<16xf32>
      %add3A_381 = arith.constant 24 : i32
      %add3A_382 = arith.addi %add3A_381, %and3A_182 : i32
      %get3A_383 = arith.index_cast %shift_right_arithmetic3A_181 : i32 to index
      %get3A_384 = arith.index_cast %add3A_382 : i32 to index
      %get3A_385 = arith.constant 80 : index
      %get3A_386 = tpu.vector_load %arg5[%get3A_383, %get3A_384, %get3A_385] {strides = array<i32>} : memref<8x48x128xf32, #tpu.memory_space<vmem>>, vector<16xf32>,
      %max3A_387 = arith.maximumf %max3A_380, %get3A_386 : vector<16xf32>
      %add3A_388 = arith.constant 24 : i32
      %add3A_389 = arith.addi %add3A_388, %and3A_182 : i32
      %get3A_390 = arith.index_cast %shift_right_arithmetic3A_181 : i32 to index
      %get3A_391 = arith.index_cast %add3A_389 : i32 to index
      %get3A_392 = arith.constant 96 : index
      %get3A_393 = tpu.vector_load %arg5[%get3A_390, %get3A_391, %get3A_392] {strides = array<i32>} : memref<8x48x128xf32, #tpu.memory_space<vmem>>, vector<16xf32>,
      %max3A_394 = arith.maximumf %max3A_387, %get3A_393 : vector<16xf32>
      %add3A_395 = arith.constant 24 : i32
      %add3A_396 = arith.addi %add3A_395, %and3A_182 : i32
      %get3A_397 = arith.index_cast %shift_right_arithmetic3A_181 : i32 to index
      %get3A_398 = arith.index_cast %add3A_396 : i32 to index
      %get3A_399 = arith.constant 112 : index
      %get3A_400 = tpu.vector_load %arg5[%get3A_397, %get3A_398, %get3A_399] {strides = array<i32>} : memref<8x48x128xf32, #tpu.memory_space<vmem>>, vector<16xf32>,
      %max3A_401 = arith.maximumf %max3A_394, %get3A_400 : vector<16xf32>
      %add3A_402 = arith.constant 32 : i32
      %add3A_403 = arith.addi %add3A_402, %and3A_182 : i32
      %get3A_404 = arith.index_cast %shift_right_arithmetic3A_181 : i32 to index
      %get3A_405 = arith.index_cast %add3A_403 : i32 to index
      %get3A_406 = arith.constant 0 : index
      %get3A_407 = tpu.vector_load %arg5[%get3A_404, %get3A_405, %get3A_406] {strides = array<i32>} : memref<8x48x128xf32, #tpu.memory_space<vmem>>, vector<16xf32>,
      %max3A_408 = arith.maximumf %max3A_401, %get3A_407 : vector<16xf32>
      %add3A_409 = arith.constant 32 : i32
      %add3A_410 = arith.addi %add3A_409, %and3A_182 : i32
      %get3A_411 = arith.index_cast %shift_right_arithmetic3A_181 : i32 to index
      %get3A_412 = arith.index_cast %add3A_410 : i32 to index
      %get3A_413 = arith.constant 16 : index
      %get3A_414 = tpu.vector_load %arg5[%get3A_411, %get3A_412, %get3A_413] {strides = array<i32>} : memref<8x48x128xf32, #tpu.memory_space<vmem>>, vector<16xf32>,
      %max3A_415 = arith.maximumf %max3A_408, %get3A_414 : vector<16xf32>
      %add3A_416 = arith.constant 32 : i32
      %add3A_417 = arith.addi %add3A_416, %and3A_182 : i32
      %get3A_418 = arith.index_cast %shift_right_arithmetic3A_181 : i32 to index
      %get3A_419 = arith.index_cast %add3A_417 : i32 to index
      %get3A_420 = arith.constant 32 : index
      %get3A_421 = tpu.vector_load %arg5[%get3A_418, %get3A_419, %get3A_420] {strides = array<i32>} : memref<8x48x128xf32, #tpu.memory_space<vmem>>, vector<16xf32>,
      %max3A_422 = arith.maximumf %max3A_415, %get3A_421 : vector<16xf32>
      %add3A_423 = arith.constant 32 : i32
      %add3A_424 = arith.addi %add3A_423, %and3A_182 : i32
      %get3A_425 = arith.index_cast %shift_right_arithmetic3A_181 : i32 to index
      %get3A_426 = arith.index_cast %add3A_424 : i32 to index
      %get3A_427 = arith.constant 48 : index
      %get3A_428 = tpu.vector_load %arg5[%get3A_425, %get3A_426, %get3A_427] {strides = array<i32>} : memref<8x48x128xf32, #tpu.memory_space<vmem>>, vector<16xf32>,
      %max3A_429 = arith.maximumf %max3A_422, %get3A_428 : vector<16xf32>
      %add3A_430 = arith.constant 32 : i32
      %add3A_431 = arith.addi %add3A_430, %and3A_182 : i32
      %get3A_432 = arith.index_cast %shift_right_arithmetic3A_181 : i32 to index
      %get3A_433 = arith.index_cast %add3A_431 : i32 to index
      %get3A_434 = arith.constant 64 : index
      %get3A_435 = tpu.vector_load %arg5[%get3A_432, %get3A_433, %get3A_434] {strides = array<i32>} : memref<8x48x128xf32, #tpu.memory_space<vmem>>, vector<16xf32>,
      %max3A_436 = arith.maximumf %max3A_429, %get3A_435 : vector<16xf32>
      %add3A_437 = arith.constant 32 : i32
      %add3A_438 = arith.addi %add3A_437, %and3A_182 : i32
      %get3A_439 = arith.index_cast %shift_right_arithmetic3A_181 : i32 to index
      %get3A_440 = arith.index_cast %add3A_438 : i32 to index
      %get3A_441 = arith.constant 80 : index
      %get3A_442 = tpu.vector_load %arg5[%get3A_439, %get3A_440, %get3A_441] {strides = array<i32>} : memref<8x48x128xf32, #tpu.memory_space<vmem>>, vector<16xf32>,
      %max3A_443 = arith.maximumf %max3A_436, %get3A_442 : vector<16xf32>
      %add3A_444 = arith.constant 32 : i32
      %add3A_445 = arith.addi %add3A_444, %and3A_182 : i32
      %get3A_446 = arith.index_cast %shift_right_arithmetic3A_181 : i32 to index
      %get3A_447 = arith.index_cast %add3A_445 : i32 to index
      %get3A_448 = arith.constant 96 : index
      %get3A_449 = tpu.vector_load %arg5[%get3A_446, %get3A_447, %get3A_448] {strides = array<i32>} : memref<8x48x128xf32, #tpu.memory_space<vmem>>, vector<16xf32>,
      %max3A_450 = arith.maximumf %max3A_443, %get3A_449 : vector<16xf32>
      %add3A_451 = arith.constant 32 : i32
      %add3A_452 = arith.addi %add3A_451, %and3A_182 : i32
      %get3A_453 = arith.index_cast %shift_right_arithmetic3A_181 : i32 to index
      %get3A_454 = arith.index_cast %add3A_452 : i32 to index
      %get3A_455 = arith.constant 112 : index
      %get3A_456 = tpu.vector_load %arg5[%get3A_453, %get3A_454, %get3A_455] {strides = array<i32>} : memref<8x48x128xf32, #tpu.memory_space<vmem>>, vector<16xf32>,
      %max3A_457 = arith.maximumf %max3A_450, %get3A_456 : vector<16xf32>
      %add3A_458 = arith.constant 40 : i32
      %add3A_459 = arith.addi %add3A_458, %and3A_182 : i32
      %get3A_460 = arith.index_cast %shift_right_arithmetic3A_181 : i32 to index
      %get3A_461 = arith.index_cast %add3A_459 : i32 to index
      %get3A_462 = arith.constant 0 : index
      %get3A_463 = tpu.vector_load %arg5[%get3A_460, %get3A_461, %get3A_462] {strides = array<i32>} : memref<8x48x128xf32, #tpu.memory_space<vmem>>, vector<16xf32>,
      %max3A_464 = arith.maximumf %max3A_457, %get3A_463 : vector<16xf32>
      %add3A_465 = arith.constant 40 : i32
      %add3A_466 = arith.addi %add3A_465, %and3A_182 : i32
      %get3A_467 = arith.index_cast %shift_right_arithmetic3A_181 : i32 to index
      %get3A_468 = arith.index_cast %add3A_466 : i32 to index
      %get3A_469 = arith.constant 16 : index
      %get3A_470 = tpu.vector_load %arg5[%get3A_467, %get3A_468, %get3A_469] {strides = array<i32>} : memref<8x48x128xf32, #tpu.memory_space<vmem>>, vector<16xf32>,
      %max3A_471 = arith.maximumf %max3A_464, %get3A_470 : vector<16xf32>
      %add3A_472 = arith.constant 40 : i32
      %add3A_473 = arith.addi %add3A_472, %and3A_182 : i32
      %get3A_474 = arith.index_cast %shift_right_arithmetic3A_181 : i32 to index
      %get3A_475 = arith.index_cast %add3A_473 : i32 to index
      %get3A_476 = arith.constant 32 : index
      %get3A_477 = tpu.vector_load %arg5[%get3A_474, %get3A_475, %get3A_476] {strides = array<i32>} : memref<8x48x128xf32, #tpu.memory_space<vmem>>, vector<16xf32>,
      %max3A_478 = arith.maximumf %max3A_471, %get3A_477 : vector<16xf32>
      %add3A_479 = arith.constant 40 : i32
      %add3A_480 = arith.addi %add3A_479, %and3A_182 : i32
      %get3A_481 = arith.index_cast %shift_right_arithmetic3A_181 : i32 to index
      %get3A_482 = arith.index_cast %add3A_480 : i32 to index
      %get3A_483 = arith.constant 48 : index
      %get3A_484 = tpu.vector_load %arg5[%get3A_481, %get3A_482, %get3A_483] {strides = array<i32>} : memref<8x48x128xf32, #tpu.memory_space<vmem>>, vector<16xf32>,
      %max3A_485 = arith.maximumf %max3A_478, %get3A_484 : vector<16xf32>
      %add3A_486 = arith.constant 40 : i32
      %add3A_487 = arith.addi %add3A_486, %and3A_182 : i32
      %get3A_488 = arith.index_cast %shift_right_arithmetic3A_181 : i32 to index
      %get3A_489 = arith.index_cast %add3A_487 : i32 to index
      %get3A_490 = arith.constant 64 : index
      %get3A_491 = tpu.vector_load %arg5[%get3A_488, %get3A_489, %get3A_490] {strides = array<i32>} : memref<8x48x128xf32, #tpu.memory_space<vmem>>, vector<16xf32>,
      %max3A_492 = arith.maximumf %max3A_485, %get3A_491 : vector<16xf32>
      %add3A_493 = arith.constant 40 : i32
      %add3A_494 = arith.addi %add3A_493, %and3A_182 : i32
      %get3A_495 = arith.index_cast %shift_right_arithmetic3A_181 : i32 to index
      %get3A_496 = arith.index_cast %add3A_494 : i32 to index
      %get3A_497 = arith.constant 80 : index
      %get3A_498 = tpu.vector_load %arg5[%get3A_495, %get3A_496, %get3A_497] {strides = array<i32>} : memref<8x48x128xf32, #tpu.memory_space<vmem>>, vector<16xf32>,
      %max3A_499 = arith.maximumf %max3A_492, %get3A_498 : vector<16xf32>
      %add3A_500 = arith.constant 40 : i32
      %add3A_501 = arith.addi %add3A_500, %and3A_182 : i32
      %get3A_502 = arith.index_cast %shift_right_arithmetic3A_181 : i32 to index
      %get3A_503 = arith.index_cast %add3A_501 : i32 to index
      %get3A_504 = arith.constant 96 : index
      %get3A_505 = tpu.vector_load %arg5[%get3A_502, %get3A_503, %get3A_504] {strides = array<i32>} : memref<8x48x128xf32, #tpu.memory_space<vmem>>, vector<16xf32>,
      %max3A_506 = arith.maximumf %max3A_499, %get3A_505 : vector<16xf32>
      %add3A_507 = arith.constant 40 : i32
      %add3A_508 = arith.addi %add3A_507, %and3A_182 : i32
      %get3A_509 = arith.index_cast %shift_right_arithmetic3A_181 : i32 to index
      %get3A_510 = arith.index_cast %add3A_508 : i32 to index
      %get3A_511 = arith.constant 112 : index
      %get3A_512 = tpu.vector_load %arg5[%get3A_509, %get3A_510, %get3A_511] {strides = array<i32>} : memref<8x48x128xf32, #tpu.memory_space<vmem>>, vector<16xf32>,
      %max3A_513 = arith.maximumf %max3A_506, %get3A_512 : vector<16xf32>
      %add3A_514 = arith.constant 64 : i32
      %add3A_515 = arith.addi %add3A_514, %scan3A_179 : i32
      %swap3A = arith.index_cast %add3A_515 : i32 to index
      %swap3A_516 = arith.constant 0 : index
      %swap3A_517 = tpu.vector_load %arg6[%swap3A, %swap3A_516] {strides = array<i32>} : memref<512x17xf32, #tpu.memory_space<vmem>>, vector<16xf32>,
      tpu.vector_store %arg6[%swap3A, %swap3A_516], %max3A_513 {strides = array<i32>} : memref<512x17xf32, #tpu.memory_space<vmem>>, vector<16xf32>,
      %scan3A_518 = arith.constant 0 : i32
      scf.yield %scan3A_518 : i32
    }
    %scan3A_51 = arith.constant 64 : i32
    %add3A_52 = arith.constant 24 : i32
    %add3A_53 = arith.addi %add3A_4, %add3A_52 : i32
    %dma_start3A_54 = arith.constant 0 : i32
    %dma_start3A_55 = arith.constant 0 : i32
    %dma_start3A_56 = tpu.memref_slice %arg2[%add3A_53, %dma_start3A_54, %dma_start3A_55] : memref<4096x48x128xf32, #tpu.memory_space<hbm>> -> memref<8x48x128xf32, #tpu.memory_space<hbm>>
    %dma_start3A_57 = arith.constant 0 : i32
    %dma_start3A_58 = arith.constant 0 : i32
    %dma_start3A_59 = tpu.memref_slice %arg2[%add3A_53, %dma_start3A_57, %dma_start3A_58] : memref<4096x48x128xf32, #tpu.memory_space<hbm>> -> memref<8x48x128xf32, #tpu.memory_space<hbm>>
    tpu.enqueue_dma source(%dma_start3A_59 : memref<8x48x128xf32, #tpu.memory_space<hbm>>) target(%arg5 : memref<8x48x128xf32, #tpu.memory_space<vmem>>) target_semaphore(%arg9 : memref<!tpu.dma_semaphore, #tpu.memory_space<semaphore_mem>>)
    %dma_wait3A_60 = arith.constant 0 : i32
    %dma_wait3A_61 = arith.constant 0 : i32
    %dma_wait3A_62 = tpu.memref_slice %arg2[%add3A_32, %dma_wait3A_60, %dma_wait3A_61] : memref<4096x48x128xf32, #tpu.memory_space<hbm>> -> memref<8x48x128xf32, #tpu.memory_space<hbm>>
    %dma_wait3A_63 = arith.constant 0 : i32
    %dma_wait3A_64 = arith.constant 0 : i32
    %dma_wait3A_65 = tpu.memref_slice %arg2[%add3A_32, %dma_wait3A_63, %dma_wait3A_64] : memref<4096x48x128xf32, #tpu.memory_space<hbm>> -> memref<8x48x128xf32, #tpu.memory_space<hbm>>
    tpu.wait_dma2 semaphore(%arg8 : memref<!tpu.dma_semaphore, #tpu.memory_space<semaphore_mem>>) src(%dma_wait3A_65 : memref<8x48x128xf32, #tpu.memory_space<hbm>>) dst(%arg4 : memref<8x48x128xf32, #tpu.memory_space<vmem>>)
    %scan3A_66 = arith.constant 0 : i32
    %scan3A_67 = arith.constant 0 : i32
    %scan3A_68 = arith.constant 64 : i32
    %scan3A_69 = arith.addi %scan3A_67, %scan3A_68 : i32
    %scan3A_70 = arith.constant 1 : i32
    %scan3A_71 = scf.for %scan3A_179 = %scan3A_67 to %scan3A_69 step %scan3A_70 iter_args(%scan3A_180 = %scan3A_66) -> (i32)  : i32 {
      %shift_right_arithmetic3A = arith.constant 3 : i32
      %shift_right_arithmetic3A_181 = arith.shrsi %scan3A_179, %shift_right_arithmetic3A : i32
      %and3A = arith.constant 7 : i32
      %and3A_182 = arith.andi %scan3A_179, %and3A : i32
      %get3A = arith.index_cast %shift_right_arithmetic3A_181 : i32 to index
      %get3A_183 = arith.index_cast %and3A_182 : i32 to index
      %get3A_184 = arith.constant 0 : index
      %get3A_185 = tpu.vector_load %arg4[%get3A, %get3A_183, %get3A_184] {strides = array<i32>} : memref<8x48x128xf32, #tpu.memory_space<vmem>>, vector<16xf32>,
      %add3A_186 = arith.constant 0 : i32
      %add3A_187 = arith.addi %add3A_186, %and3A_182 : i32
      %get3A_188 = arith.index_cast %shift_right_arithmetic3A_181 : i32 to index
      %get3A_189 = arith.index_cast %add3A_187 : i32 to index
      %get3A_190 = arith.constant 16 : index
      %get3A_191 = tpu.vector_load %arg4[%get3A_188, %get3A_189, %get3A_190] {strides = array<i32>} : memref<8x48x128xf32, #tpu.memory_space<vmem>>, vector<16xf32>,
      %max3A = arith.maximumf %get3A_185, %get3A_191 : vector<16xf32>
      %add3A_192 = arith.constant 0 : i32
      %add3A_193 = arith.addi %add3A_192, %and3A_182 : i32
      %get3A_194 = arith.index_cast %shift_right_arithmetic3A_181 : i32 to index
      %get3A_195 = arith.index_cast %add3A_193 : i32 to index
      %get3A_196 = arith.constant 32 : index
      %get3A_197 = tpu.vector_load %arg4[%get3A_194, %get3A_195, %get3A_196] {strides = array<i32>} : memref<8x48x128xf32, #tpu.memory_space<vmem>>, vector<16xf32>,
      %max3A_198 = arith.maximumf %max3A, %get3A_197 : vector<16xf32>
      %add3A_199 = arith.constant 0 : i32
      %add3A_200 = arith.addi %add3A_199, %and3A_182 : i32
      %get3A_201 = arith.index_cast %shift_right_arithmetic3A_181 : i32 to index
      %get3A_202 = arith.index_cast %add3A_200 : i32 to index
      %get3A_203 = arith.constant 48 : index
      %get3A_204 = tpu.vector_load %arg4[%get3A_201, %get3A_202, %get3A_203] {strides = array<i32>} : memref<8x48x128xf32, #tpu.memory_space<vmem>>, vector<16xf32>,
      %max3A_205 = arith.maximumf %max3A_198, %get3A_204 : vector<16xf32>
      %add3A_206 = arith.constant 0 : i32
      %add3A_207 = arith.addi %add3A_206, %and3A_182 : i32
      %get3A_208 = arith.index_cast %shift_right_arithmetic3A_181 : i32 to index
      %get3A_209 = arith.index_cast %add3A_207 : i32 to index
      %get3A_210 = arith.constant 64 : index
      %get3A_211 = tpu.vector_load %arg4[%get3A_208, %get3A_209, %get3A_210] {strides = array<i32>} : memref<8x48x128xf32, #tpu.memory_space<vmem>>, vector<16xf32>,
      %max3A_212 = arith.maximumf %max3A_205, %get3A_211 : vector<16xf32>
      %add3A_213 = arith.constant 0 : i32
      %add3A_214 = arith.addi %add3A_213, %and3A_182 : i32
      %get3A_215 = arith.index_cast %shift_right_arithmetic3A_181 : i32 to index
      %get3A_216 = arith.index_cast %add3A_214 : i32 to index
      %get3A_217 = arith.constant 80 : index
      %get3A_218 = tpu.vector_load %arg4[%get3A_215, %get3A_216, %get3A_217] {strides = array<i32>} : memref<8x48x128xf32, #tpu.memory_space<vmem>>, vector<16xf32>,
      %max3A_219 = arith.maximumf %max3A_212, %get3A_218 : vector<16xf32>
      %add3A_220 = arith.constant 0 : i32
      %add3A_221 = arith.addi %add3A_220, %and3A_182 : i32
      %get3A_222 = arith.index_cast %shift_right_arithmetic3A_181 : i32 to index
      %get3A_223 = arith.index_cast %add3A_221 : i32 to index
      %get3A_224 = arith.constant 96 : index
      %get3A_225 = tpu.vector_load %arg4[%get3A_222, %get3A_223, %get3A_224] {strides = array<i32>} : memref<8x48x128xf32, #tpu.memory_space<vmem>>, vector<16xf32>,
      %max3A_226 = arith.maximumf %max3A_219, %get3A_225 : vector<16xf32>
      %add3A_227 = arith.constant 0 : i32
      %add3A_228 = arith.addi %add3A_227, %and3A_182 : i32
      %get3A_229 = arith.index_cast %shift_right_arithmetic3A_181 : i32 to index
      %get3A_230 = arith.index_cast %add3A_228 : i32 to index
      %get3A_231 = arith.constant 112 : index
      %get3A_232 = tpu.vector_load %arg4[%get3A_229, %get3A_230, %get3A_231] {strides = array<i32>} : memref<8x48x128xf32, #tpu.memory_space<vmem>>, vector<16xf32>,
      %max3A_233 = arith.maximumf %max3A_226, %get3A_232 : vector<16xf32>
      %add3A_234 = arith.constant 8 : i32
      %add3A_235 = arith.addi %add3A_234, %and3A_182 : i32
      %get3A_236 = arith.index_cast %shift_right_arithmetic3A_181 : i32 to index
      %get3A_237 = arith.index_cast %add3A_235 : i32 to index
      %get3A_238 = arith.constant 0 : index
      %get3A_239 = tpu.vector_load %arg4[%get3A_236, %get3A_237, %get3A_238] {strides = array<i32>} : memref<8x48x128xf32, #tpu.memory_space<vmem>>, vector<16xf32>,
      %max3A_240 = arith.maximumf %max3A_233, %get3A_239 : vector<16xf32>
      %add3A_241 = arith.constant 8 : i32
      %add3A_242 = arith.addi %add3A_241, %and3A_182 : i32
      %get3A_243 = arith.index_cast %shift_right_arithmetic3A_181 : i32 to index
      %get3A_244 = arith.index_cast %add3A_242 : i32 to index
      %get3A_245 = arith.constant 16 : index
      %get3A_246 = tpu.vector_load %arg4[%get3A_243, %get3A_244, %get3A_245] {strides = array<i32>} : memref<8x48x128xf32, #tpu.memory_space<vmem>>, vector<16xf32>,
      %max3A_247 = arith.maximumf %max3A_240, %get3A_246 : vector<16xf32>
      %add3A_248 = arith.constant 8 : i32
      %add3A_249 = arith.addi %add3A_248, %and3A_182 : i32
      %get3A_250 = arith.index_cast %shift_right_arithmetic3A_181 : i32 to index
      %get3A_251 = arith.index_cast %add3A_249 : i32 to index
      %get3A_252 = arith.constant 32 : index
      %get3A_253 = tpu.vector_load %arg4[%get3A_250, %get3A_251, %get3A_252] {strides = array<i32>} : memref<8x48x128xf32, #tpu.memory_space<vmem>>, vector<16xf32>,
      %max3A_254 = arith.maximumf %max3A_247, %get3A_253 : vector<16xf32>
      %add3A_255 = arith.constant 8 : i32
      %add3A_256 = arith.addi %add3A_255, %and3A_182 : i32
      %get3A_257 = arith.index_cast %shift_right_arithmetic3A_181 : i32 to index
      %get3A_258 = arith.index_cast %add3A_256 : i32 to index
      %get3A_259 = arith.constant 48 : index
      %get3A_260 = tpu.vector_load %arg4[%get3A_257, %get3A_258, %get3A_259] {strides = array<i32>} : memref<8x48x128xf32, #tpu.memory_space<vmem>>, vector<16xf32>,
      %max3A_261 = arith.maximumf %max3A_254, %get3A_260 : vector<16xf32>
      %add3A_262 = arith.constant 8 : i32
      %add3A_263 = arith.addi %add3A_262, %and3A_182 : i32
      %get3A_264 = arith.index_cast %shift_right_arithmetic3A_181 : i32 to index
      %get3A_265 = arith.index_cast %add3A_263 : i32 to index
      %get3A_266 = arith.constant 64 : index
      %get3A_267 = tpu.vector_load %arg4[%get3A_264, %get3A_265, %get3A_266] {strides = array<i32>} : memref<8x48x128xf32, #tpu.memory_space<vmem>>, vector<16xf32>,
      %max3A_268 = arith.maximumf %max3A_261, %get3A_267 : vector<16xf32>
      %add3A_269 = arith.constant 8 : i32
      %add3A_270 = arith.addi %add3A_269, %and3A_182 : i32
      %get3A_271 = arith.index_cast %shift_right_arithmetic3A_181 : i32 to index
      %get3A_272 = arith.index_cast %add3A_270 : i32 to index
      %get3A_273 = arith.constant 80 : index
      %get3A_274 = tpu.vector_load %arg4[%get3A_271, %get3A_272, %get3A_273] {strides = array<i32>} : memref<8x48x128xf32, #tpu.memory_space<vmem>>, vector<16xf32>,
      %max3A_275 = arith.maximumf %max3A_268, %get3A_274 : vector<16xf32>
      %add3A_276 = arith.constant 8 : i32
      %add3A_277 = arith.addi %add3A_276, %and3A_182 : i32
      %get3A_278 = arith.index_cast %shift_right_arithmetic3A_181 : i32 to index
      %get3A_279 = arith.index_cast %add3A_277 : i32 to index
      %get3A_280 = arith.constant 96 : index
      %get3A_281 = tpu.vector_load %arg4[%get3A_278, %get3A_279, %get3A_280] {strides = array<i32>} : memref<8x48x128xf32, #tpu.memory_space<vmem>>, vector<16xf32>,
      %max3A_282 = arith.maximumf %max3A_275, %get3A_281 : vector<16xf32>
      %add3A_283 = arith.constant 8 : i32
      %add3A_284 = arith.addi %add3A_283, %and3A_182 : i32
      %get3A_285 = arith.index_cast %shift_right_arithmetic3A_181 : i32 to index
      %get3A_286 = arith.index_cast %add3A_284 : i32 to index
      %get3A_287 = arith.constant 112 : index
      %get3A_288 = tpu.vector_load %arg4[%get3A_285, %get3A_286, %get3A_287] {strides = array<i32>} : memref<8x48x128xf32, #tpu.memory_space<vmem>>, vector<16xf32>,
      %max3A_289 = arith.maximumf %max3A_282, %get3A_288 : vector<16xf32>
      %add3A_290 = arith.constant 16 : i32
      %add3A_291 = arith.addi %add3A_290, %and3A_182 : i32
      %get3A_292 = arith.index_cast %shift_right_arithmetic3A_181 : i32 to index
      %get3A_293 = arith.index_cast %add3A_291 : i32 to index
      %get3A_294 = arith.constant 0 : index
      %get3A_295 = tpu.vector_load %arg4[%get3A_292, %get3A_293, %get3A_294] {strides = array<i32>} : memref<8x48x128xf32, #tpu.memory_space<vmem>>, vector<16xf32>,
      %max3A_296 = arith.maximumf %max3A_289, %get3A_295 : vector<16xf32>
      %add3A_297 = arith.constant 16 : i32
      %add3A_298 = arith.addi %add3A_297, %and3A_182 : i32
      %get3A_299 = arith.index_cast %shift_right_arithmetic3A_181 : i32 to index
      %get3A_300 = arith.index_cast %add3A_298 : i32 to index
      %get3A_301 = arith.constant 16 : index
      %get3A_302 = tpu.vector_load %arg4[%get3A_299, %get3A_300, %get3A_301] {strides = array<i32>} : memref<8x48x128xf32, #tpu.memory_space<vmem>>, vector<16xf32>,
      %max3A_303 = arith.maximumf %max3A_296, %get3A_302 : vector<16xf32>
      %add3A_304 = arith.constant 16 : i32
      %add3A_305 = arith.addi %add3A_304, %and3A_182 : i32
      %get3A_306 = arith.index_cast %shift_right_arithmetic3A_181 : i32 to index
      %get3A_307 = arith.index_cast %add3A_305 : i32 to index
      %get3A_308 = arith.constant 32 : index
      %get3A_309 = tpu.vector_load %arg4[%get3A_306, %get3A_307, %get3A_308] {strides = array<i32>} : memref<8x48x128xf32, #tpu.memory_space<vmem>>, vector<16xf32>,
      %max3A_310 = arith.maximumf %max3A_303, %get3A_309 : vector<16xf32>
      %add3A_311 = arith.constant 16 : i32
      %add3A_312 = arith.addi %add3A_311, %and3A_182 : i32
      %get3A_313 = arith.index_cast %shift_right_arithmetic3A_181 : i32 to index
      %get3A_314 = arith.index_cast %add3A_312 : i32 to index
      %get3A_315 = arith.constant 48 : index
      %get3A_316 = tpu.vector_load %arg4[%get3A_313, %get3A_314, %get3A_315] {strides = array<i32>} : memref<8x48x128xf32, #tpu.memory_space<vmem>>, vector<16xf32>,
      %max3A_317 = arith.maximumf %max3A_310, %get3A_316 : vector<16xf32>
      %add3A_318 = arith.constant 16 : i32
      %add3A_319 = arith.addi %add3A_318, %and3A_182 : i32
      %get3A_320 = arith.index_cast %shift_right_arithmetic3A_181 : i32 to index
      %get3A_321 = arith.index_cast %add3A_319 : i32 to index
      %get3A_322 = arith.constant 64 : index
      %get3A_323 = tpu.vector_load %arg4[%get3A_320, %get3A_321, %get3A_322] {strides = array<i32>} : memref<8x48x128xf32, #tpu.memory_space<vmem>>, vector<16xf32>,
      %max3A_324 = arith.maximumf %max3A_317, %get3A_323 : vector<16xf32>
      %add3A_325 = arith.constant 16 : i32
      %add3A_326 = arith.addi %add3A_325, %and3A_182 : i32
      %get3A_327 = arith.index_cast %shift_right_arithmetic3A_181 : i32 to index
      %get3A_328 = arith.index_cast %add3A_326 : i32 to index
      %get3A_329 = arith.constant 80 : index
      %get3A_330 = tpu.vector_load %arg4[%get3A_327, %get3A_328, %get3A_329] {strides = array<i32>} : memref<8x48x128xf32, #tpu.memory_space<vmem>>, vector<16xf32>,
      %max3A_331 = arith.maximumf %max3A_324, %get3A_330 : vector<16xf32>
      %add3A_332 = arith.constant 16 : i32
      %add3A_333 = arith.addi %add3A_332, %and3A_182 : i32
      %get3A_334 = arith.index_cast %shift_right_arithmetic3A_181 : i32 to index
      %get3A_335 = arith.index_cast %add3A_333 : i32 to index
      %get3A_336 = arith.constant 96 : index
      %get3A_337 = tpu.vector_load %arg4[%get3A_334, %get3A_335, %get3A_336] {strides = array<i32>} : memref<8x48x128xf32, #tpu.memory_space<vmem>>, vector<16xf32>,
      %max3A_338 = arith.maximumf %max3A_331, %get3A_337 : vector<16xf32>
      %add3A_339 = arith.constant 16 : i32
      %add3A_340 = arith.addi %add3A_339, %and3A_182 : i32
      %get3A_341 = arith.index_cast %shift_right_arithmetic3A_181 : i32 to index
      %get3A_342 = arith.index_cast %add3A_340 : i32 to index
      %get3A_343 = arith.constant 112 : index
      %get3A_344 = tpu.vector_load %arg4[%get3A_341, %get3A_342, %get3A_343] {strides = array<i32>} : memref<8x48x128xf32, #tpu.memory_space<vmem>>, vector<16xf32>,
      %max3A_345 = arith.maximumf %max3A_338, %get3A_344 : vector<16xf32>
      %add3A_346 = arith.constant 24 : i32
      %add3A_347 = arith.addi %add3A_346, %and3A_182 : i32
      %get3A_348 = arith.index_cast %shift_right_arithmetic3A_181 : i32 to index
      %get3A_349 = arith.index_cast %add3A_347 : i32 to index
      %get3A_350 = arith.constant 0 : index
      %get3A_351 = tpu.vector_load %arg4[%get3A_348, %get3A_349, %get3A_350] {strides = array<i32>} : memref<8x48x128xf32, #tpu.memory_space<vmem>>, vector<16xf32>,
      %max3A_352 = arith.maximumf %max3A_345, %get3A_351 : vector<16xf32>
      %add3A_353 = arith.constant 24 : i32
      %add3A_354 = arith.addi %add3A_353, %and3A_182 : i32
      %get3A_355 = arith.index_cast %shift_right_arithmetic3A_181 : i32 to index
      %get3A_356 = arith.index_cast %add3A_354 : i32 to index
      %get3A_357 = arith.constant 16 : index
      %get3A_358 = tpu.vector_load %arg4[%get3A_355, %get3A_356, %get3A_357] {strides = array<i32>} : memref<8x48x128xf32, #tpu.memory_space<vmem>>, vector<16xf32>,
      %max3A_359 = arith.maximumf %max3A_352, %get3A_358 : vector<16xf32>
      %add3A_360 = arith.constant 24 : i32
      %add3A_361 = arith.addi %add3A_360, %and3A_182 : i32
      %get3A_362 = arith.index_cast %shift_right_arithmetic3A_181 : i32 to index
      %get3A_363 = arith.index_cast %add3A_361 : i32 to index
      %get3A_364 = arith.constant 32 : index
      %get3A_365 = tpu.vector_load %arg4[%get3A_362, %get3A_363, %get3A_364] {strides = array<i32>} : memref<8x48x128xf32, #tpu.memory_space<vmem>>, vector<16xf32>,
      %max3A_366 = arith.maximumf %max3A_359, %get3A_365 : vector<16xf32>
      %add3A_367 = arith.constant 24 : i32
      %add3A_368 = arith.addi %add3A_367, %and3A_182 : i32
      %get3A_369 = arith.index_cast %shift_right_arithmetic3A_181 : i32 to index
      %get3A_370 = arith.index_cast %add3A_368 : i32 to index
      %get3A_371 = arith.constant 48 : index
      %get3A_372 = tpu.vector_load %arg4[%get3A_369, %get3A_370, %get3A_371] {strides = array<i32>} : memref<8x48x128xf32, #tpu.memory_space<vmem>>, vector<16xf32>,
      %max3A_373 = arith.maximumf %max3A_366, %get3A_372 : vector<16xf32>
      %add3A_374 = arith.constant 24 : i32
      %add3A_375 = arith.addi %add3A_374, %and3A_182 : i32
      %get3A_376 = arith.index_cast %shift_right_arithmetic3A_181 : i32 to index
      %get3A_377 = arith.index_cast %add3A_375 : i32 to index
      %get3A_378 = arith.constant 64 : index
      %get3A_379 = tpu.vector_load %arg4[%get3A_376, %get3A_377, %get3A_378] {strides = array<i32>} : memref<8x48x128xf32, #tpu.memory_space<vmem>>, vector<16xf32>,
      %max3A_380 = arith.maximumf %max3A_373, %get3A_379 : vector<16xf32>
      %add3A_381 = arith.constant 24 : i32
      %add3A_382 = arith.addi %add3A_381, %and3A_182 : i32
      %get3A_383 = arith.index_cast %shift_right_arithmetic3A_181 : i32 to index
      %get3A_384 = arith.index_cast %add3A_382 : i32 to index
      %get3A_385 = arith.constant 80 : index
      %get3A_386 = tpu.vector_load %arg4[%get3A_383, %get3A_384, %get3A_385] {strides = array<i32>} : memref<8x48x128xf32, #tpu.memory_space<vmem>>, vector<16xf32>,
      %max3A_387 = arith.maximumf %max3A_380, %get3A_386 : vector<16xf32>
      %add3A_388 = arith.constant 24 : i32
      %add3A_389 = arith.addi %add3A_388, %and3A_182 : i32
      %get3A_390 = arith.index_cast %shift_right_arithmetic3A_181 : i32 to index
      %get3A_391 = arith.index_cast %add3A_389 : i32 to index
      %get3A_392 = arith.constant 96 : index
      %get3A_393 = tpu.vector_load %arg4[%get3A_390, %get3A_391, %get3A_392] {strides = array<i32>} : memref<8x48x128xf32, #tpu.memory_space<vmem>>, vector<16xf32>,
      %max3A_394 = arith.maximumf %max3A_387, %get3A_393 : vector<16xf32>
      %add3A_395 = arith.constant 24 : i32
      %add3A_396 = arith.addi %add3A_395, %and3A_182 : i32
      %get3A_397 = arith.index_cast %shift_right_arithmetic3A_181 : i32 to index
      %get3A_398 = arith.index_cast %add3A_396 : i32 to index
      %get3A_399 = arith.constant 112 : index
      %get3A_400 = tpu.vector_load %arg4[%get3A_397, %get3A_398, %get3A_399] {strides = array<i32>} : memref<8x48x128xf32, #tpu.memory_space<vmem>>, vector<16xf32>,
      %max3A_401 = arith.maximumf %max3A_394, %get3A_400 : vector<16xf32>
      %add3A_402 = arith.constant 32 : i32
      %add3A_403 = arith.addi %add3A_402, %and3A_182 : i32
      %get3A_404 = arith.index_cast %shift_right_arithmetic3A_181 : i32 to index
      %get3A_405 = arith.index_cast %add3A_403 : i32 to index
      %get3A_406 = arith.constant 0 : index
      %get3A_407 = tpu.vector_load %arg4[%get3A_404, %get3A_405, %get3A_406] {strides = array<i32>} : memref<8x48x128xf32, #tpu.memory_space<vmem>>, vector<16xf32>,
      %max3A_408 = arith.maximumf %max3A_401, %get3A_407 : vector<16xf32>
      %add3A_409 = arith.constant 32 : i32
      %add3A_410 = arith.addi %add3A_409, %and3A_182 : i32
      %get3A_411 = arith.index_cast %shift_right_arithmetic3A_181 : i32 to index
      %get3A_412 = arith.index_cast %add3A_410 : i32 to index
      %get3A_413 = arith.constant 16 : index
      %get3A_414 = tpu.vector_load %arg4[%get3A_411, %get3A_412, %get3A_413] {strides = array<i32>} : memref<8x48x128xf32, #tpu.memory_space<vmem>>, vector<16xf32>,
      %max3A_415 = arith.maximumf %max3A_408, %get3A_414 : vector<16xf32>
      %add3A_416 = arith.constant 32 : i32
      %add3A_417 = arith.addi %add3A_416, %and3A_182 : i32
      %get3A_418 = arith.index_cast %shift_right_arithmetic3A_181 : i32 to index
      %get3A_419 = arith.index_cast %add3A_417 : i32 to index
      %get3A_420 = arith.constant 32 : index
      %get3A_421 = tpu.vector_load %arg4[%get3A_418, %get3A_419, %get3A_420] {strides = array<i32>} : memref<8x48x128xf32, #tpu.memory_space<vmem>>, vector<16xf32>,
      %max3A_422 = arith.maximumf %max3A_415, %get3A_421 : vector<16xf32>
      %add3A_423 = arith.constant 32 : i32
      %add3A_424 = arith.addi %add3A_423, %and3A_182 : i32
      %get3A_425 = arith.index_cast %shift_right_arithmetic3A_181 : i32 to index
      %get3A_426 = arith.index_cast %add3A_424 : i32 to index
      %get3A_427 = arith.constant 48 : index
      %get3A_428 = tpu.vector_load %arg4[%get3A_425, %get3A_426, %get3A_427] {strides = array<i32>} : memref<8x48x128xf32, #tpu.memory_space<vmem>>, vector<16xf32>,
      %max3A_429 = arith.maximumf %max3A_422, %get3A_428 : vector<16xf32>
      %add3A_430 = arith.constant 32 : i32
      %add3A_431 = arith.addi %add3A_430, %and3A_182 : i32
      %get3A_432 = arith.index_cast %shift_right_arithmetic3A_181 : i32 to index
      %get3A_433 = arith.index_cast %add3A_431 : i32 to index
      %get3A_434 = arith.constant 64 : index
      %get3A_435 = tpu.vector_load %arg4[%get3A_432, %get3A_433, %get3A_434] {strides = array<i32>} : memref<8x48x128xf32, #tpu.memory_space<vmem>>, vector<16xf32>,
      %max3A_436 = arith.maximumf %max3A_429, %get3A_435 : vector<16xf32>
      %add3A_437 = arith.constant 32 : i32
      %add3A_438 = arith.addi %add3A_437, %and3A_182 : i32
      %get3A_439 = arith.index_cast %shift_right_arithmetic3A_181 : i32 to index
      %get3A_440 = arith.index_cast %add3A_438 : i32 to index
      %get3A_441 = arith.constant 80 : index
      %get3A_442 = tpu.vector_load %arg4[%get3A_439, %get3A_440, %get3A_441] {strides = array<i32>} : memref<8x48x128xf32, #tpu.memory_space<vmem>>, vector<16xf32>,
      %max3A_443 = arith.maximumf %max3A_436, %get3A_442 : vector<16xf32>
      %add3A_444 = arith.constant 32 : i32
      %add3A_445 = arith.addi %add3A_444, %and3A_182 : i32
      %get3A_446 = arith.index_cast %shift_right_arithmetic3A_181 : i32 to index
      %get3A_447 = arith.index_cast %add3A_445 : i32 to index
      %get3A_448 = arith.constant 96 : index
      %get3A_449 = tpu.vector_load %arg4[%get3A_446, %get3A_447, %get3A_448] {strides = array<i32>} : memref<8x48x128xf32, #tpu.memory_space<vmem>>, vector<16xf32>,
      %max3A_450 = arith.maximumf %max3A_443, %get3A_449 : vector<16xf32>
      %add3A_451 = arith.constant 32 : i32
      %add3A_452 = arith.addi %add3A_451, %and3A_182 : i32
      %get3A_453 = arith.index_cast %shift_right_arithmetic3A_181 : i32 to index
      %get3A_454 = arith.index_cast %add3A_452 : i32 to index
      %get3A_455 = arith.constant 112 : index
      %get3A_456 = tpu.vector_load %arg4[%get3A_453, %get3A_454, %get3A_455] {strides = array<i32>} : memref<8x48x128xf32, #tpu.memory_space<vmem>>, vector<16xf32>,
      %max3A_457 = arith.maximumf %max3A_450, %get3A_456 : vector<16xf32>
      %add3A_458 = arith.constant 40 : i32
      %add3A_459 = arith.addi %add3A_458, %and3A_182 : i32
      %get3A_460 = arith.index_cast %shift_right_arithmetic3A_181 : i32 to index
      %get3A_461 = arith.index_cast %add3A_459 : i32 to index
      %get3A_462 = arith.constant 0 : index
      %get3A_463 = tpu.vector_load %arg4[%get3A_460, %get3A_461, %get3A_462] {strides = array<i32>} : memref<8x48x128xf32, #tpu.memory_space<vmem>>, vector<16xf32>,
      %max3A_464 = arith.maximumf %max3A_457, %get3A_463 : vector<16xf32>
      %add3A_465 = arith.constant 40 : i32
      %add3A_466 = arith.addi %add3A_465, %and3A_182 : i32
      %get3A_467 = arith.index_cast %shift_right_arithmetic3A_181 : i32 to index
      %get3A_468 = arith.index_cast %add3A_466 : i32 to index
      %get3A_469 = arith.constant 16 : index
      %get3A_470 = tpu.vector_load %arg4[%get3A_467, %get3A_468, %get3A_469] {strides = array<i32>} : memref<8x48x128xf32, #tpu.memory_space<vmem>>, vector<16xf32>,
      %max3A_471 = arith.maximumf %max3A_464, %get3A_470 : vector<16xf32>
      %add3A_472 = arith.constant 40 : i32
      %add3A_473 = arith.addi %add3A_472, %and3A_182 : i32
      %get3A_474 = arith.index_cast %shift_right_arithmetic3A_181 : i32 to index
      %get3A_475 = arith.index_cast %add3A_473 : i32 to index
      %get3A_476 = arith.constant 32 : index
      %get3A_477 = tpu.vector_load %arg4[%get3A_474, %get3A_475, %get3A_476] {strides = array<i32>} : memref<8x48x128xf32, #tpu.memory_space<vmem>>, vector<16xf32>,
      %max3A_478 = arith.maximumf %max3A_471, %get3A_477 : vector<16xf32>
      %add3A_479 = arith.constant 40 : i32
      %add3A_480 = arith.addi %add3A_479, %and3A_182 : i32
      %get3A_481 = arith.index_cast %shift_right_arithmetic3A_181 : i32 to index
      %get3A_482 = arith.index_cast %add3A_480 : i32 to index
      %get3A_483 = arith.constant 48 : index
      %get3A_484 = tpu.vector_load %arg4[%get3A_481, %get3A_482, %get3A_483] {strides = array<i32>} : memref<8x48x128xf32, #tpu.memory_space<vmem>>, vector<16xf32>,
      %max3A_485 = arith.maximumf %max3A_478, %get3A_484 : vector<16xf32>
      %add3A_486 = arith.constant 40 : i32
      %add3A_487 = arith.addi %add3A_486, %and3A_182 : i32
      %get3A_488 = arith.index_cast %shift_right_arithmetic3A_181 : i32 to index
      %get3A_489 = arith.index_cast %add3A_487 : i32 to index
      %get3A_490 = arith.constant 64 : index
      %get3A_491 = tpu.vector_load %arg4[%get3A_488, %get3A_489, %get3A_490] {strides = array<i32>} : memref<8x48x128xf32, #tpu.memory_space<vmem>>, vector<16xf32>,
      %max3A_492 = arith.maximumf %max3A_485, %get3A_491 : vector<16xf32>
      %add3A_493 = arith.constant 40 : i32
      %add3A_494 = arith.addi %add3A_493, %and3A_182 : i32
      %get3A_495 = arith.index_cast %shift_right_arithmetic3A_181 : i32 to index
      %get3A_496 = arith.index_cast %add3A_494 : i32 to index
      %get3A_497 = arith.constant 80 : index
      %get3A_498 = tpu.vector_load %arg4[%get3A_495, %get3A_496, %get3A_497] {strides = array<i32>} : memref<8x48x128xf32, #tpu.memory_space<vmem>>, vector<16xf32>,
      %max3A_499 = arith.maximumf %max3A_492, %get3A_498 : vector<16xf32>
      %add3A_500 = arith.constant 40 : i32
      %add3A_501 = arith.addi %add3A_500, %and3A_182 : i32
      %get3A_502 = arith.index_cast %shift_right_arithmetic3A_181 : i32 to index
      %get3A_503 = arith.index_cast %add3A_501 : i32 to index
      %get3A_504 = arith.constant 96 : index
      %get3A_505 = tpu.vector_load %arg4[%get3A_502, %get3A_503, %get3A_504] {strides = array<i32>} : memref<8x48x128xf32, #tpu.memory_space<vmem>>, vector<16xf32>,
      %max3A_506 = arith.maximumf %max3A_499, %get3A_505 : vector<16xf32>
      %add3A_507 = arith.constant 40 : i32
      %add3A_508 = arith.addi %add3A_507, %and3A_182 : i32
      %get3A_509 = arith.index_cast %shift_right_arithmetic3A_181 : i32 to index
      %get3A_510 = arith.index_cast %add3A_508 : i32 to index
      %get3A_511 = arith.constant 112 : index
      %get3A_512 = tpu.vector_load %arg4[%get3A_509, %get3A_510, %get3A_511] {strides = array<i32>} : memref<8x48x128xf32, #tpu.memory_space<vmem>>, vector<16xf32>,
      %max3A_513 = arith.maximumf %max3A_506, %get3A_512 : vector<16xf32>
      %add3A_514 = arith.constant 128 : i32
      %add3A_515 = arith.addi %add3A_514, %scan3A_179 : i32
      %swap3A = arith.index_cast %add3A_515 : i32 to index
      %swap3A_516 = arith.constant 0 : index
      %swap3A_517 = tpu.vector_load %arg6[%swap3A, %swap3A_516] {strides = array<i32>} : memref<512x17xf32, #tpu.memory_space<vmem>>, vector<16xf32>,
      tpu.vector_store %arg6[%swap3A, %swap3A_516], %max3A_513 {strides = array<i32>} : memref<512x17xf32, #tpu.memory_space<vmem>>, vector<16xf32>,
      %scan3A_518 = arith.constant 0 : i32
      scf.yield %scan3A_518 : i32
    }
    %scan3A_72 = arith.constant 64 : i32
    %add3A_73 = arith.constant 32 : i32
    %add3A_74 = arith.addi %add3A_4, %add3A_73 : i32
    %dma_start3A_75 = arith.constant 0 : i32
    %dma_start3A_76 = arith.constant 0 : i32
    %dma_start3A_77 = tpu.memref_slice %arg2[%add3A_74, %dma_start3A_75, %dma_start3A_76] : memref<4096x48x128xf32, #tpu.memory_space<hbm>> -> memref<8x48x128xf32, #tpu.memory_space<hbm>>
    %dma_start3A_78 = arith.constant 0 : i32
    %dma_start3A_79 = arith.constant 0 : i32
    %dma_start3A_80 = tpu.memref_slice %arg2[%add3A_74, %dma_start3A_78, %dma_start3A_79] : memref<4096x48x128xf32, #tpu.memory_space<hbm>> -> memref<8x48x128xf32, #tpu.memory_space<hbm>>
    tpu.enqueue_dma source(%dma_start3A_80 : memref<8x48x128xf32, #tpu.memory_space<hbm>>) target(%arg4 : memref<8x48x128xf32, #tpu.memory_space<vmem>>) target_semaphore(%arg8 : memref<!tpu.dma_semaphore, #tpu.memory_space<semaphore_mem>>)
    %dma_wait3A_81 = arith.constant 0 : i32
    %dma_wait3A_82 = arith.constant 0 : i32
    %dma_wait3A_83 = tpu.memref_slice %arg2[%add3A_53, %dma_wait3A_81, %dma_wait3A_82] : memref<4096x48x128xf32, #tpu.memory_space<hbm>> -> memref<8x48x128xf32, #tpu.memory_space<hbm>>
    %dma_wait3A_84 = arith.constant 0 : i32
    %dma_wait3A_85 = arith.constant 0 : i32
    %dma_wait3A_86 = tpu.memref_slice %arg2[%add3A_53, %dma_wait3A_84, %dma_wait3A_85] : memref<4096x48x128xf32, #tpu.memory_space<hbm>> -> memref<8x48x128xf32, #tpu.memory_space<hbm>>
    tpu.wait_dma2 semaphore(%arg9 : memref<!tpu.dma_semaphore, #tpu.memory_space<semaphore_mem>>) src(%dma_wait3A_86 : memref<8x48x128xf32, #tpu.memory_space<hbm>>) dst(%arg5 : memref<8x48x128xf32, #tpu.memory_space<vmem>>)
    %scan3A_87 = arith.constant 0 : i32
    %scan3A_88 = arith.constant 0 : i32
    %scan3A_89 = arith.constant 64 : i32
    %scan3A_90 = arith.addi %scan3A_88, %scan3A_89 : i32
    %scan3A_91 = arith.constant 1 : i32
    %scan3A_92 = scf.for %scan3A_179 = %scan3A_88 to %scan3A_90 step %scan3A_91 iter_args(%scan3A_180 = %scan3A_87) -> (i32)  : i32 {
      %shift_right_arithmetic3A = arith.constant 3 : i32
      %shift_right_arithmetic3A_181 = arith.shrsi %scan3A_179, %shift_right_arithmetic3A : i32
      %and3A = arith.constant 7 : i32
      %and3A_182 = arith.andi %scan3A_179, %and3A : i32
      %get3A = arith.index_cast %shift_right_arithmetic3A_181 : i32 to index
      %get3A_183 = arith.index_cast %and3A_182 : i32 to index
      %get3A_184 = arith.constant 0 : index
      %get3A_185 = tpu.vector_load %arg5[%get3A, %get3A_183, %get3A_184] {strides = array<i32>} : memref<8x48x128xf32, #tpu.memory_space<vmem>>, vector<16xf32>,
      %add3A_186 = arith.constant 0 : i32
      %add3A_187 = arith.addi %add3A_186, %and3A_182 : i32
      %get3A_188 = arith.index_cast %shift_right_arithmetic3A_181 : i32 to index
      %get3A_189 = arith.index_cast %add3A_187 : i32 to index
      %get3A_190 = arith.constant 16 : index
      %get3A_191 = tpu.vector_load %arg5[%get3A_188, %get3A_189, %get3A_190] {strides = array<i32>} : memref<8x48x128xf32, #tpu.memory_space<vmem>>, vector<16xf32>,
      %max3A = arith.maximumf %get3A_185, %get3A_191 : vector<16xf32>
      %add3A_192 = arith.constant 0 : i32
      %add3A_193 = arith.addi %add3A_192, %and3A_182 : i32
      %get3A_194 = arith.index_cast %shift_right_arithmetic3A_181 : i32 to index
      %get3A_195 = arith.index_cast %add3A_193 : i32 to index
      %get3A_196 = arith.constant 32 : index
      %get3A_197 = tpu.vector_load %arg5[%get3A_194, %get3A_195, %get3A_196] {strides = array<i32>} : memref<8x48x128xf32, #tpu.memory_space<vmem>>, vector<16xf32>,
      %max3A_198 = arith.maximumf %max3A, %get3A_197 : vector<16xf32>
      %add3A_199 = arith.constant 0 : i32
      %add3A_200 = arith.addi %add3A_199, %and3A_182 : i32
      %get3A_201 = arith.index_cast %shift_right_arithmetic3A_181 : i32 to index
      %get3A_202 = arith.index_cast %add3A_200 : i32 to index
      %get3A_203 = arith.constant 48 : index
      %get3A_204 = tpu.vector_load %arg5[%get3A_201, %get3A_202, %get3A_203] {strides = array<i32>} : memref<8x48x128xf32, #tpu.memory_space<vmem>>, vector<16xf32>,
      %max3A_205 = arith.maximumf %max3A_198, %get3A_204 : vector<16xf32>
      %add3A_206 = arith.constant 0 : i32
      %add3A_207 = arith.addi %add3A_206, %and3A_182 : i32
      %get3A_208 = arith.index_cast %shift_right_arithmetic3A_181 : i32 to index
      %get3A_209 = arith.index_cast %add3A_207 : i32 to index
      %get3A_210 = arith.constant 64 : index
      %get3A_211 = tpu.vector_load %arg5[%get3A_208, %get3A_209, %get3A_210] {strides = array<i32>} : memref<8x48x128xf32, #tpu.memory_space<vmem>>, vector<16xf32>,
      %max3A_212 = arith.maximumf %max3A_205, %get3A_211 : vector<16xf32>
      %add3A_213 = arith.constant 0 : i32
      %add3A_214 = arith.addi %add3A_213, %and3A_182 : i32
      %get3A_215 = arith.index_cast %shift_right_arithmetic3A_181 : i32 to index
      %get3A_216 = arith.index_cast %add3A_214 : i32 to index
      %get3A_217 = arith.constant 80 : index
      %get3A_218 = tpu.vector_load %arg5[%get3A_215, %get3A_216, %get3A_217] {strides = array<i32>} : memref<8x48x128xf32, #tpu.memory_space<vmem>>, vector<16xf32>,
      %max3A_219 = arith.maximumf %max3A_212, %get3A_218 : vector<16xf32>
      %add3A_220 = arith.constant 0 : i32
      %add3A_221 = arith.addi %add3A_220, %and3A_182 : i32
      %get3A_222 = arith.index_cast %shift_right_arithmetic3A_181 : i32 to index
      %get3A_223 = arith.index_cast %add3A_221 : i32 to index
      %get3A_224 = arith.constant 96 : index
      %get3A_225 = tpu.vector_load %arg5[%get3A_222, %get3A_223, %get3A_224] {strides = array<i32>} : memref<8x48x128xf32, #tpu.memory_space<vmem>>, vector<16xf32>,
      %max3A_226 = arith.maximumf %max3A_219, %get3A_225 : vector<16xf32>
      %add3A_227 = arith.constant 0 : i32
      %add3A_228 = arith.addi %add3A_227, %and3A_182 : i32
      %get3A_229 = arith.index_cast %shift_right_arithmetic3A_181 : i32 to index
      %get3A_230 = arith.index_cast %add3A_228 : i32 to index
      %get3A_231 = arith.constant 112 : index
      %get3A_232 = tpu.vector_load %arg5[%get3A_229, %get3A_230, %get3A_231] {strides = array<i32>} : memref<8x48x128xf32, #tpu.memory_space<vmem>>, vector<16xf32>,
      %max3A_233 = arith.maximumf %max3A_226, %get3A_232 : vector<16xf32>
      %add3A_234 = arith.constant 8 : i32
      %add3A_235 = arith.addi %add3A_234, %and3A_182 : i32
      %get3A_236 = arith.index_cast %shift_right_arithmetic3A_181 : i32 to index
      %get3A_237 = arith.index_cast %add3A_235 : i32 to index
      %get3A_238 = arith.constant 0 : index
      %get3A_239 = tpu.vector_load %arg5[%get3A_236, %get3A_237, %get3A_238] {strides = array<i32>} : memref<8x48x128xf32, #tpu.memory_space<vmem>>, vector<16xf32>,
      %max3A_240 = arith.maximumf %max3A_233, %get3A_239 : vector<16xf32>
      %add3A_241 = arith.constant 8 : i32
      %add3A_242 = arith.addi %add3A_241, %and3A_182 : i32
      %get3A_243 = arith.index_cast %shift_right_arithmetic3A_181 : i32 to index
      %get3A_244 = arith.index_cast %add3A_242 : i32 to index
      %get3A_245 = arith.constant 16 : index
      %get3A_246 = tpu.vector_load %arg5[%get3A_243, %get3A_244, %get3A_245] {strides = array<i32>} : memref<8x48x128xf32, #tpu.memory_space<vmem>>, vector<16xf32>,
      %max3A_247 = arith.maximumf %max3A_240, %get3A_246 : vector<16xf32>
      %add3A_248 = arith.constant 8 : i32
      %add3A_249 = arith.addi %add3A_248, %and3A_182 : i32
      %get3A_250 = arith.index_cast %shift_right_arithmetic3A_181 : i32 to index
      %get3A_251 = arith.index_cast %add3A_249 : i32 to index
      %get3A_252 = arith.constant 32 : index
      %get3A_253 = tpu.vector_load %arg5[%get3A_250, %get3A_251, %get3A_252] {strides = array<i32>} : memref<8x48x128xf32, #tpu.memory_space<vmem>>, vector<16xf32>,
      %max3A_254 = arith.maximumf %max3A_247, %get3A_253 : vector<16xf32>
      %add3A_255 = arith.constant 8 : i32
      %add3A_256 = arith.addi %add3A_255, %and3A_182 : i32
      %get3A_257 = arith.index_cast %shift_right_arithmetic3A_181 : i32 to index
      %get3A_258 = arith.index_cast %add3A_256 : i32 to index
      %get3A_259 = arith.constant 48 : index
      %get3A_260 = tpu.vector_load %arg5[%get3A_257, %get3A_258, %get3A_259] {strides = array<i32>} : memref<8x48x128xf32, #tpu.memory_space<vmem>>, vector<16xf32>,
      %max3A_261 = arith.maximumf %max3A_254, %get3A_260 : vector<16xf32>
      %add3A_262 = arith.constant 8 : i32
      %add3A_263 = arith.addi %add3A_262, %and3A_182 : i32
      %get3A_264 = arith.index_cast %shift_right_arithmetic3A_181 : i32 to index
      %get3A_265 = arith.index_cast %add3A_263 : i32 to index
      %get3A_266 = arith.constant 64 : index
      %get3A_267 = tpu.vector_load %arg5[%get3A_264, %get3A_265, %get3A_266] {strides = array<i32>} : memref<8x48x128xf32, #tpu.memory_space<vmem>>, vector<16xf32>,
      %max3A_268 = arith.maximumf %max3A_261, %get3A_267 : vector<16xf32>
      %add3A_269 = arith.constant 8 : i32
      %add3A_270 = arith.addi %add3A_269, %and3A_182 : i32
      %get3A_271 = arith.index_cast %shift_right_arithmetic3A_181 : i32 to index
      %get3A_272 = arith.index_cast %add3A_270 : i32 to index
      %get3A_273 = arith.constant 80 : index
      %get3A_274 = tpu.vector_load %arg5[%get3A_271, %get3A_272, %get3A_273] {strides = array<i32>} : memref<8x48x128xf32, #tpu.memory_space<vmem>>, vector<16xf32>,
      %max3A_275 = arith.maximumf %max3A_268, %get3A_274 : vector<16xf32>
      %add3A_276 = arith.constant 8 : i32
      %add3A_277 = arith.addi %add3A_276, %and3A_182 : i32
      %get3A_278 = arith.index_cast %shift_right_arithmetic3A_181 : i32 to index
      %get3A_279 = arith.index_cast %add3A_277 : i32 to index
      %get3A_280 = arith.constant 96 : index
      %get3A_281 = tpu.vector_load %arg5[%get3A_278, %get3A_279, %get3A_280] {strides = array<i32>} : memref<8x48x128xf32, #tpu.memory_space<vmem>>, vector<16xf32>,
      %max3A_282 = arith.maximumf %max3A_275, %get3A_281 : vector<16xf32>
      %add3A_283 = arith.constant 8 : i32
      %add3A_284 = arith.addi %add3A_283, %and3A_182 : i32
      %get3A_285 = arith.index_cast %shift_right_arithmetic3A_181 : i32 to index
      %get3A_286 = arith.index_cast %add3A_284 : i32 to index
      %get3A_287 = arith.constant 112 : index
      %get3A_288 = tpu.vector_load %arg5[%get3A_285, %get3A_286, %get3A_287] {strides = array<i32>} : memref<8x48x128xf32, #tpu.memory_space<vmem>>, vector<16xf32>,
      %max3A_289 = arith.maximumf %max3A_282, %get3A_288 : vector<16xf32>
      %add3A_290 = arith.constant 16 : i32
      %add3A_291 = arith.addi %add3A_290, %and3A_182 : i32
      %get3A_292 = arith.index_cast %shift_right_arithmetic3A_181 : i32 to index
      %get3A_293 = arith.index_cast %add3A_291 : i32 to index
      %get3A_294 = arith.constant 0 : index
      %get3A_295 = tpu.vector_load %arg5[%get3A_292, %get3A_293, %get3A_294] {strides = array<i32>} : memref<8x48x128xf32, #tpu.memory_space<vmem>>, vector<16xf32>,
      %max3A_296 = arith.maximumf %max3A_289, %get3A_295 : vector<16xf32>
      %add3A_297 = arith.constant 16 : i32
      %add3A_298 = arith.addi %add3A_297, %and3A_182 : i32
      %get3A_299 = arith.index_cast %shift_right_arithmetic3A_181 : i32 to index
      %get3A_300 = arith.index_cast %add3A_298 : i32 to index
      %get3A_301 = arith.constant 16 : index
      %get3A_302 = tpu.vector_load %arg5[%get3A_299, %get3A_300, %get3A_301] {strides = array<i32>} : memref<8x48x128xf32, #tpu.memory_space<vmem>>, vector<16xf32>,
      %max3A_303 = arith.maximumf %max3A_296, %get3A_302 : vector<16xf32>
      %add3A_304 = arith.constant 16 : i32
      %add3A_305 = arith.addi %add3A_304, %and3A_182 : i32
      %get3A_306 = arith.index_cast %shift_right_arithmetic3A_181 : i32 to index
      %get3A_307 = arith.index_cast %add3A_305 : i32 to index
      %get3A_308 = arith.constant 32 : index
      %get3A_309 = tpu.vector_load %arg5[%get3A_306, %get3A_307, %get3A_308] {strides = array<i32>} : memref<8x48x128xf32, #tpu.memory_space<vmem>>, vector<16xf32>,
      %max3A_310 = arith.maximumf %max3A_303, %get3A_309 : vector<16xf32>
      %add3A_311 = arith.constant 16 : i32
      %add3A_312 = arith.addi %add3A_311, %and3A_182 : i32
      %get3A_313 = arith.index_cast %shift_right_arithmetic3A_181 : i32 to index
      %get3A_314 = arith.index_cast %add3A_312 : i32 to index
      %get3A_315 = arith.constant 48 : index
      %get3A_316 = tpu.vector_load %arg5[%get3A_313, %get3A_314, %get3A_315] {strides = array<i32>} : memref<8x48x128xf32, #tpu.memory_space<vmem>>, vector<16xf32>,
      %max3A_317 = arith.maximumf %max3A_310, %get3A_316 : vector<16xf32>
      %add3A_318 = arith.constant 16 : i32
      %add3A_319 = arith.addi %add3A_318, %and3A_182 : i32
      %get3A_320 = arith.index_cast %shift_right_arithmetic3A_181 : i32 to index
      %get3A_321 = arith.index_cast %add3A_319 : i32 to index
      %get3A_322 = arith.constant 64 : index
      %get3A_323 = tpu.vector_load %arg5[%get3A_320, %get3A_321, %get3A_322] {strides = array<i32>} : memref<8x48x128xf32, #tpu.memory_space<vmem>>, vector<16xf32>,
      %max3A_324 = arith.maximumf %max3A_317, %get3A_323 : vector<16xf32>
      %add3A_325 = arith.constant 16 : i32
      %add3A_326 = arith.addi %add3A_325, %and3A_182 : i32
      %get3A_327 = arith.index_cast %shift_right_arithmetic3A_181 : i32 to index
      %get3A_328 = arith.index_cast %add3A_326 : i32 to index
      %get3A_329 = arith.constant 80 : index
      %get3A_330 = tpu.vector_load %arg5[%get3A_327, %get3A_328, %get3A_329] {strides = array<i32>} : memref<8x48x128xf32, #tpu.memory_space<vmem>>, vector<16xf32>,
      %max3A_331 = arith.maximumf %max3A_324, %get3A_330 : vector<16xf32>
      %add3A_332 = arith.constant 16 : i32
      %add3A_333 = arith.addi %add3A_332, %and3A_182 : i32
      %get3A_334 = arith.index_cast %shift_right_arithmetic3A_181 : i32 to index
      %get3A_335 = arith.index_cast %add3A_333 : i32 to index
      %get3A_336 = arith.constant 96 : index
      %get3A_337 = tpu.vector_load %arg5[%get3A_334, %get3A_335, %get3A_336] {strides = array<i32>} : memref<8x48x128xf32, #tpu.memory_space<vmem>>, vector<16xf32>,
      %max3A_338 = arith.maximumf %max3A_331, %get3A_337 : vector<16xf32>
      %add3A_339 = arith.constant 16 : i32
      %add3A_340 = arith.addi %add3A_339, %and3A_182 : i32
      %get3A_341 = arith.index_cast %shift_right_arithmetic3A_181 : i32 to index
      %get3A_342 = arith.index_cast %add3A_340 : i32 to index
      %get3A_343 = arith.constant 112 : index
      %get3A_344 = tpu.vector_load %arg5[%get3A_341, %get3A_342, %get3A_343] {strides = array<i32>} : memref<8x48x128xf32, #tpu.memory_space<vmem>>, vector<16xf32>,
      %max3A_345 = arith.maximumf %max3A_338, %get3A_344 : vector<16xf32>
      %add3A_346 = arith.constant 24 : i32
      %add3A_347 = arith.addi %add3A_346, %and3A_182 : i32
      %get3A_348 = arith.index_cast %shift_right_arithmetic3A_181 : i32 to index
      %get3A_349 = arith.index_cast %add3A_347 : i32 to index
      %get3A_350 = arith.constant 0 : index
      %get3A_351 = tpu.vector_load %arg5[%get3A_348, %get3A_349, %get3A_350] {strides = array<i32>} : memref<8x48x128xf32, #tpu.memory_space<vmem>>, vector<16xf32>,
      %max3A_352 = arith.maximumf %max3A_345, %get3A_351 : vector<16xf32>
      %add3A_353 = arith.constant 24 : i32
      %add3A_354 = arith.addi %add3A_353, %and3A_182 : i32
      %get3A_355 = arith.index_cast %shift_right_arithmetic3A_181 : i32 to index
      %get3A_356 = arith.index_cast %add3A_354 : i32 to index
      %get3A_357 = arith.constant 16 : index
      %get3A_358 = tpu.vector_load %arg5[%get3A_355, %get3A_356, %get3A_357] {strides = array<i32>} : memref<8x48x128xf32, #tpu.memory_space<vmem>>, vector<16xf32>,
      %max3A_359 = arith.maximumf %max3A_352, %get3A_358 : vector<16xf32>
      %add3A_360 = arith.constant 24 : i32
      %add3A_361 = arith.addi %add3A_360, %and3A_182 : i32
      %get3A_362 = arith.index_cast %shift_right_arithmetic3A_181 : i32 to index
      %get3A_363 = arith.index_cast %add3A_361 : i32 to index
      %get3A_364 = arith.constant 32 : index
      %get3A_365 = tpu.vector_load %arg5[%get3A_362, %get3A_363, %get3A_364] {strides = array<i32>} : memref<8x48x128xf32, #tpu.memory_space<vmem>>, vector<16xf32>,
      %max3A_366 = arith.maximumf %max3A_359, %get3A_365 : vector<16xf32>
      %add3A_367 = arith.constant 24 : i32
      %add3A_368 = arith.addi %add3A_367, %and3A_182 : i32
      %get3A_369 = arith.index_cast %shift_right_arithmetic3A_181 : i32 to index
      %get3A_370 = arith.index_cast %add3A_368 : i32 to index
      %get3A_371 = arith.constant 48 : index
      %get3A_372 = tpu.vector_load %arg5[%get3A_369, %get3A_370, %get3A_371] {strides = array<i32>} : memref<8x48x128xf32, #tpu.memory_space<vmem>>, vector<16xf32>,
      %max3A_373 = arith.maximumf %max3A_366, %get3A_372 : vector<16xf32>
      %add3A_374 = arith.constant 24 : i32
      %add3A_375 = arith.addi %add3A_374, %and3A_182 : i32
      %get3A_376 = arith.index_cast %shift_right_arithmetic3A_181 : i32 to index
      %get3A_377 = arith.index_cast %add3A_375 : i32 to index
      %get3A_378 = arith.constant 64 : index
      %get3A_379 = tpu.vector_load %arg5[%get3A_376, %get3A_377, %get3A_378] {strides = array<i32>} : memref<8x48x128xf32, #tpu.memory_space<vmem>>, vector<16xf32>,
      %max3A_380 = arith.maximumf %max3A_373, %get3A_379 : vector<16xf32>
      %add3A_381 = arith.constant 24 : i32
      %add3A_382 = arith.addi %add3A_381, %and3A_182 : i32
      %get3A_383 = arith.index_cast %shift_right_arithmetic3A_181 : i32 to index
      %get3A_384 = arith.index_cast %add3A_382 : i32 to index
      %get3A_385 = arith.constant 80 : index
      %get3A_386 = tpu.vector_load %arg5[%get3A_383, %get3A_384, %get3A_385] {strides = array<i32>} : memref<8x48x128xf32, #tpu.memory_space<vmem>>, vector<16xf32>,
      %max3A_387 = arith.maximumf %max3A_380, %get3A_386 : vector<16xf32>
      %add3A_388 = arith.constant 24 : i32
      %add3A_389 = arith.addi %add3A_388, %and3A_182 : i32
      %get3A_390 = arith.index_cast %shift_right_arithmetic3A_181 : i32 to index
      %get3A_391 = arith.index_cast %add3A_389 : i32 to index
      %get3A_392 = arith.constant 96 : index
      %get3A_393 = tpu.vector_load %arg5[%get3A_390, %get3A_391, %get3A_392] {strides = array<i32>} : memref<8x48x128xf32, #tpu.memory_space<vmem>>, vector<16xf32>,
      %max3A_394 = arith.maximumf %max3A_387, %get3A_393 : vector<16xf32>
      %add3A_395 = arith.constant 24 : i32
      %add3A_396 = arith.addi %add3A_395, %and3A_182 : i32
      %get3A_397 = arith.index_cast %shift_right_arithmetic3A_181 : i32 to index
      %get3A_398 = arith.index_cast %add3A_396 : i32 to index
      %get3A_399 = arith.constant 112 : index
      %get3A_400 = tpu.vector_load %arg5[%get3A_397, %get3A_398, %get3A_399] {strides = array<i32>} : memref<8x48x128xf32, #tpu.memory_space<vmem>>, vector<16xf32>,
      %max3A_401 = arith.maximumf %max3A_394, %get3A_400 : vector<16xf32>
      %add3A_402 = arith.constant 32 : i32
      %add3A_403 = arith.addi %add3A_402, %and3A_182 : i32
      %get3A_404 = arith.index_cast %shift_right_arithmetic3A_181 : i32 to index
      %get3A_405 = arith.index_cast %add3A_403 : i32 to index
      %get3A_406 = arith.constant 0 : index
      %get3A_407 = tpu.vector_load %arg5[%get3A_404, %get3A_405, %get3A_406] {strides = array<i32>} : memref<8x48x128xf32, #tpu.memory_space<vmem>>, vector<16xf32>,
      %max3A_408 = arith.maximumf %max3A_401, %get3A_407 : vector<16xf32>
      %add3A_409 = arith.constant 32 : i32
      %add3A_410 = arith.addi %add3A_409, %and3A_182 : i32
      %get3A_411 = arith.index_cast %shift_right_arithmetic3A_181 : i32 to index
      %get3A_412 = arith.index_cast %add3A_410 : i32 to index
      %get3A_413 = arith.constant 16 : index
      %get3A_414 = tpu.vector_load %arg5[%get3A_411, %get3A_412, %get3A_413] {strides = array<i32>} : memref<8x48x128xf32, #tpu.memory_space<vmem>>, vector<16xf32>,
      %max3A_415 = arith.maximumf %max3A_408, %get3A_414 : vector<16xf32>
      %add3A_416 = arith.constant 32 : i32
      %add3A_417 = arith.addi %add3A_416, %and3A_182 : i32
      %get3A_418 = arith.index_cast %shift_right_arithmetic3A_181 : i32 to index
      %get3A_419 = arith.index_cast %add3A_417 : i32 to index
      %get3A_420 = arith.constant 32 : index
      %get3A_421 = tpu.vector_load %arg5[%get3A_418, %get3A_419, %get3A_420] {strides = array<i32>} : memref<8x48x128xf32, #tpu.memory_space<vmem>>, vector<16xf32>,
      %max3A_422 = arith.maximumf %max3A_415, %get3A_421 : vector<16xf32>
      %add3A_423 = arith.constant 32 : i32
      %add3A_424 = arith.addi %add3A_423, %and3A_182 : i32
      %get3A_425 = arith.index_cast %shift_right_arithmetic3A_181 : i32 to index
      %get3A_426 = arith.index_cast %add3A_424 : i32 to index
      %get3A_427 = arith.constant 48 : index
      %get3A_428 = tpu.vector_load %arg5[%get3A_425, %get3A_426, %get3A_427] {strides = array<i32>} : memref<8x48x128xf32, #tpu.memory_space<vmem>>, vector<16xf32>,
      %max3A_429 = arith.maximumf %max3A_422, %get3A_428 : vector<16xf32>
      %add3A_430 = arith.constant 32 : i32
      %add3A_431 = arith.addi %add3A_430, %and3A_182 : i32
      %get3A_432 = arith.index_cast %shift_right_arithmetic3A_181 : i32 to index
      %get3A_433 = arith.index_cast %add3A_431 : i32 to index
      %get3A_434 = arith.constant 64 : index
      %get3A_435 = tpu.vector_load %arg5[%get3A_432, %get3A_433, %get3A_434] {strides = array<i32>} : memref<8x48x128xf32, #tpu.memory_space<vmem>>, vector<16xf32>,
      %max3A_436 = arith.maximumf %max3A_429, %get3A_435 : vector<16xf32>
      %add3A_437 = arith.constant 32 : i32
      %add3A_438 = arith.addi %add3A_437, %and3A_182 : i32
      %get3A_439 = arith.index_cast %shift_right_arithmetic3A_181 : i32 to index
      %get3A_440 = arith.index_cast %add3A_438 : i32 to index
      %get3A_441 = arith.constant 80 : index
      %get3A_442 = tpu.vector_load %arg5[%get3A_439, %get3A_440, %get3A_441] {strides = array<i32>} : memref<8x48x128xf32, #tpu.memory_space<vmem>>, vector<16xf32>,
      %max3A_443 = arith.maximumf %max3A_436, %get3A_442 : vector<16xf32>
      %add3A_444 = arith.constant 32 : i32
      %add3A_445 = arith.addi %add3A_444, %and3A_182 : i32
      %get3A_446 = arith.index_cast %shift_right_arithmetic3A_181 : i32 to index
      %get3A_447 = arith.index_cast %add3A_445 : i32 to index
      %get3A_448 = arith.constant 96 : index
      %get3A_449 = tpu.vector_load %arg5[%get3A_446, %get3A_447, %get3A_448] {strides = array<i32>} : memref<8x48x128xf32, #tpu.memory_space<vmem>>, vector<16xf32>,
      %max3A_450 = arith.maximumf %max3A_443, %get3A_449 : vector<16xf32>
      %add3A_451 = arith.constant 32 : i32
      %add3A_452 = arith.addi %add3A_451, %and3A_182 : i32
      %get3A_453 = arith.index_cast %shift_right_arithmetic3A_181 : i32 to index
      %get3A_454 = arith.index_cast %add3A_452 : i32 to index
      %get3A_455 = arith.constant 112 : index
      %get3A_456 = tpu.vector_load %arg5[%get3A_453, %get3A_454, %get3A_455] {strides = array<i32>} : memref<8x48x128xf32, #tpu.memory_space<vmem>>, vector<16xf32>,
      %max3A_457 = arith.maximumf %max3A_450, %get3A_456 : vector<16xf32>
      %add3A_458 = arith.constant 40 : i32
      %add3A_459 = arith.addi %add3A_458, %and3A_182 : i32
      %get3A_460 = arith.index_cast %shift_right_arithmetic3A_181 : i32 to index
      %get3A_461 = arith.index_cast %add3A_459 : i32 to index
      %get3A_462 = arith.constant 0 : index
      %get3A_463 = tpu.vector_load %arg5[%get3A_460, %get3A_461, %get3A_462] {strides = array<i32>} : memref<8x48x128xf32, #tpu.memory_space<vmem>>, vector<16xf32>,
      %max3A_464 = arith.maximumf %max3A_457, %get3A_463 : vector<16xf32>
      %add3A_465 = arith.constant 40 : i32
      %add3A_466 = arith.addi %add3A_465, %and3A_182 : i32
      %get3A_467 = arith.index_cast %shift_right_arithmetic3A_181 : i32 to index
      %get3A_468 = arith.index_cast %add3A_466 : i32 to index
      %get3A_469 = arith.constant 16 : index
      %get3A_470 = tpu.vector_load %arg5[%get3A_467, %get3A_468, %get3A_469] {strides = array<i32>} : memref<8x48x128xf32, #tpu.memory_space<vmem>>, vector<16xf32>,
      %max3A_471 = arith.maximumf %max3A_464, %get3A_470 : vector<16xf32>
      %add3A_472 = arith.constant 40 : i32
      %add3A_473 = arith.addi %add3A_472, %and3A_182 : i32
      %get3A_474 = arith.index_cast %shift_right_arithmetic3A_181 : i32 to index
      %get3A_475 = arith.index_cast %add3A_473 : i32 to index
      %get3A_476 = arith.constant 32 : index
      %get3A_477 = tpu.vector_load %arg5[%get3A_474, %get3A_475, %get3A_476] {strides = array<i32>} : memref<8x48x128xf32, #tpu.memory_space<vmem>>, vector<16xf32>,
      %max3A_478 = arith.maximumf %max3A_471, %get3A_477 : vector<16xf32>
      %add3A_479 = arith.constant 40 : i32
      %add3A_480 = arith.addi %add3A_479, %and3A_182 : i32
      %get3A_481 = arith.index_cast %shift_right_arithmetic3A_181 : i32 to index
      %get3A_482 = arith.index_cast %add3A_480 : i32 to index
      %get3A_483 = arith.constant 48 : index
      %get3A_484 = tpu.vector_load %arg5[%get3A_481, %get3A_482, %get3A_483] {strides = array<i32>} : memref<8x48x128xf32, #tpu.memory_space<vmem>>, vector<16xf32>,
      %max3A_485 = arith.maximumf %max3A_478, %get3A_484 : vector<16xf32>
      %add3A_486 = arith.constant 40 : i32
      %add3A_487 = arith.addi %add3A_486, %and3A_182 : i32
      %get3A_488 = arith.index_cast %shift_right_arithmetic3A_181 : i32 to index
      %get3A_489 = arith.index_cast %add3A_487 : i32 to index
      %get3A_490 = arith.constant 64 : index
      %get3A_491 = tpu.vector_load %arg5[%get3A_488, %get3A_489, %get3A_490] {strides = array<i32>} : memref<8x48x128xf32, #tpu.memory_space<vmem>>, vector<16xf32>,
      %max3A_492 = arith.maximumf %max3A_485, %get3A_491 : vector<16xf32>
      %add3A_493 = arith.constant 40 : i32
      %add3A_494 = arith.addi %add3A_493, %and3A_182 : i32
      %get3A_495 = arith.index_cast %shift_right_arithmetic3A_181 : i32 to index
      %get3A_496 = arith.index_cast %add3A_494 : i32 to index
      %get3A_497 = arith.constant 80 : index
      %get3A_498 = tpu.vector_load %arg5[%get3A_495, %get3A_496, %get3A_497] {strides = array<i32>} : memref<8x48x128xf32, #tpu.memory_space<vmem>>, vector<16xf32>,
      %max3A_499 = arith.maximumf %max3A_492, %get3A_498 : vector<16xf32>
      %add3A_500 = arith.constant 40 : i32
      %add3A_501 = arith.addi %add3A_500, %and3A_182 : i32
      %get3A_502 = arith.index_cast %shift_right_arithmetic3A_181 : i32 to index
      %get3A_503 = arith.index_cast %add3A_501 : i32 to index
      %get3A_504 = arith.constant 96 : index
      %get3A_505 = tpu.vector_load %arg5[%get3A_502, %get3A_503, %get3A_504] {strides = array<i32>} : memref<8x48x128xf32, #tpu.memory_space<vmem>>, vector<16xf32>,
      %max3A_506 = arith.maximumf %max3A_499, %get3A_505 : vector<16xf32>
      %add3A_507 = arith.constant 40 : i32
      %add3A_508 = arith.addi %add3A_507, %and3A_182 : i32
      %get3A_509 = arith.index_cast %shift_right_arithmetic3A_181 : i32 to index
      %get3A_510 = arith.index_cast %add3A_508 : i32 to index
      %get3A_511 = arith.constant 112 : index
      %get3A_512 = tpu.vector_load %arg5[%get3A_509, %get3A_510, %get3A_511] {strides = array<i32>} : memref<8x48x128xf32, #tpu.memory_space<vmem>>, vector<16xf32>,
      %max3A_513 = arith.maximumf %max3A_506, %get3A_512 : vector<16xf32>
      %add3A_514 = arith.constant 192 : i32
      %add3A_515 = arith.addi %add3A_514, %scan3A_179 : i32
      %swap3A = arith.index_cast %add3A_515 : i32 to index
      %swap3A_516 = arith.constant 0 : index
      %swap3A_517 = tpu.vector_load %arg6[%swap3A, %swap3A_516] {strides = array<i32>} : memref<512x17xf32, #tpu.memory_space<vmem>>, vector<16xf32>,
      tpu.vector_store %arg6[%swap3A, %swap3A_516], %max3A_513 {strides = array<i32>} : memref<512x17xf32, #tpu.memory_space<vmem>>, vector<16xf32>,
      %scan3A_518 = arith.constant 0 : i32
      scf.yield %scan3A_518 : i32
    }
    %scan3A_93 = arith.constant 64 : i32
    %add3A_94 = arith.constant 40 : i32
    %add3A_95 = arith.addi %add3A_4, %add3A_94 : i32
    %dma_start3A_96 = arith.constant 0 : i32
    %dma_start3A_97 = arith.constant 0 : i32
    %dma_start3A_98 = tpu.memref_slice %arg2[%add3A_95, %dma_start3A_96, %dma_start3A_97] : memref<4096x48x128xf32, #tpu.memory_space<hbm>> -> memref<8x48x128xf32, #tpu.memory_space<hbm>>
    %dma_start3A_99 = arith.constant 0 : i32
    %dma_start3A_100 = arith.constant 0 : i32
    %dma_start3A_101 = tpu.memref_slice %arg2[%add3A_95, %dma_start3A_99, %dma_start3A_100] : memref<4096x48x128xf32, #tpu.memory_space<hbm>> -> memref<8x48x128xf32, #tpu.memory_space<hbm>>
    tpu.enqueue_dma source(%dma_start3A_101 : memref<8x48x128xf32, #tpu.memory_space<hbm>>) target(%arg5 : memref<8x48x128xf32, #tpu.memory_space<vmem>>) target_semaphore(%arg9 : memref<!tpu.dma_semaphore, #tpu.memory_space<semaphore_mem>>)
    %dma_wait3A_102 = arith.constant 0 : i32
    %dma_wait3A_103 = arith.constant 0 : i32
    %dma_wait3A_104 = tpu.memref_slice %arg2[%add3A_74, %dma_wait3A_102, %dma_wait3A_103] : memref<4096x48x128xf32, #tpu.memory_space<hbm>> -> memref<8x48x128xf32, #tpu.memory_space<hbm>>
    %dma_wait3A_105 = arith.constant 0 : i32
    %dma_wait3A_106 = arith.constant 0 : i32
    %dma_wait3A_107 = tpu.memref_slice %arg2[%add3A_74, %dma_wait3A_105, %dma_wait3A_106] : memref<4096x48x128xf32, #tpu.memory_space<hbm>> -> memref<8x48x128xf32, #tpu.memory_space<hbm>>
    tpu.wait_dma2 semaphore(%arg8 : memref<!tpu.dma_semaphore, #tpu.memory_space<semaphore_mem>>) src(%dma_wait3A_107 : memref<8x48x128xf32, #tpu.memory_space<hbm>>) dst(%arg4 : memref<8x48x128xf32, #tpu.memory_space<vmem>>)
    %scan3A_108 = arith.constant 0 : i32
    %scan3A_109 = arith.constant 0 : i32
    %scan3A_110 = arith.constant 64 : i32
    %scan3A_111 = arith.addi %scan3A_109, %scan3A_110 : i32
    %scan3A_112 = arith.constant 1 : i32
    %scan3A_113 = scf.for %scan3A_179 = %scan3A_109 to %scan3A_111 step %scan3A_112 iter_args(%scan3A_180 = %scan3A_108) -> (i32)  : i32 {
      %shift_right_arithmetic3A = arith.constant 3 : i32
      %shift_right_arithmetic3A_181 = arith.shrsi %scan3A_179, %shift_right_arithmetic3A : i32
      %and3A = arith.constant 7 : i32
      %and3A_182 = arith.andi %scan3A_179, %and3A : i32
      %get3A = arith.index_cast %shift_right_arithmetic3A_181 : i32 to index
      %get3A_183 = arith.index_cast %and3A_182 : i32 to index
      %get3A_184 = arith.constant 0 : index
      %get3A_185 = tpu.vector_load %arg4[%get3A, %get3A_183, %get3A_184] {strides = array<i32>} : memref<8x48x128xf32, #tpu.memory_space<vmem>>, vector<16xf32>,
      %add3A_186 = arith.constant 0 : i32
      %add3A_187 = arith.addi %add3A_186, %and3A_182 : i32
      %get3A_188 = arith.index_cast %shift_right_arithmetic3A_181 : i32 to index
      %get3A_189 = arith.index_cast %add3A_187 : i32 to index
      %get3A_190 = arith.constant 16 : index
      %get3A_191 = tpu.vector_load %arg4[%get3A_188, %get3A_189, %get3A_190] {strides = array<i32>} : memref<8x48x128xf32, #tpu.memory_space<vmem>>, vector<16xf32>,
      %max3A = arith.maximumf %get3A_185, %get3A_191 : vector<16xf32>
      %add3A_192 = arith.constant 0 : i32
      %add3A_193 = arith.addi %add3A_192, %and3A_182 : i32
      %get3A_194 = arith.index_cast %shift_right_arithmetic3A_181 : i32 to index
      %get3A_195 = arith.index_cast %add3A_193 : i32 to index
      %get3A_196 = arith.constant 32 : index
      %get3A_197 = tpu.vector_load %arg4[%get3A_194, %get3A_195, %get3A_196] {strides = array<i32>} : memref<8x48x128xf32, #tpu.memory_space<vmem>>, vector<16xf32>,
      %max3A_198 = arith.maximumf %max3A, %get3A_197 : vector<16xf32>
      %add3A_199 = arith.constant 0 : i32
      %add3A_200 = arith.addi %add3A_199, %and3A_182 : i32
      %get3A_201 = arith.index_cast %shift_right_arithmetic3A_181 : i32 to index
      %get3A_202 = arith.index_cast %add3A_200 : i32 to index
      %get3A_203 = arith.constant 48 : index
      %get3A_204 = tpu.vector_load %arg4[%get3A_201, %get3A_202, %get3A_203] {strides = array<i32>} : memref<8x48x128xf32, #tpu.memory_space<vmem>>, vector<16xf32>,
      %max3A_205 = arith.maximumf %max3A_198, %get3A_204 : vector<16xf32>
      %add3A_206 = arith.constant 0 : i32
      %add3A_207 = arith.addi %add3A_206, %and3A_182 : i32
      %get3A_208 = arith.index_cast %shift_right_arithmetic3A_181 : i32 to index
      %get3A_209 = arith.index_cast %add3A_207 : i32 to index
      %get3A_210 = arith.constant 64 : index
      %get3A_211 = tpu.vector_load %arg4[%get3A_208, %get3A_209, %get3A_210] {strides = array<i32>} : memref<8x48x128xf32, #tpu.memory_space<vmem>>, vector<16xf32>,
      %max3A_212 = arith.maximumf %max3A_205, %get3A_211 : vector<16xf32>
      %add3A_213 = arith.constant 0 : i32
      %add3A_214 = arith.addi %add3A_213, %and3A_182 : i32
      %get3A_215 = arith.index_cast %shift_right_arithmetic3A_181 : i32 to index
      %get3A_216 = arith.index_cast %add3A_214 : i32 to index
      %get3A_217 = arith.constant 80 : index
      %get3A_218 = tpu.vector_load %arg4[%get3A_215, %get3A_216, %get3A_217] {strides = array<i32>} : memref<8x48x128xf32, #tpu.memory_space<vmem>>, vector<16xf32>,
      %max3A_219 = arith.maximumf %max3A_212, %get3A_218 : vector<16xf32>
      %add3A_220 = arith.constant 0 : i32
      %add3A_221 = arith.addi %add3A_220, %and3A_182 : i32
      %get3A_222 = arith.index_cast %shift_right_arithmetic3A_181 : i32 to index
      %get3A_223 = arith.index_cast %add3A_221 : i32 to index
      %get3A_224 = arith.constant 96 : index
      %get3A_225 = tpu.vector_load %arg4[%get3A_222, %get3A_223, %get3A_224] {strides = array<i32>} : memref<8x48x128xf32, #tpu.memory_space<vmem>>, vector<16xf32>,
      %max3A_226 = arith.maximumf %max3A_219, %get3A_225 : vector<16xf32>
      %add3A_227 = arith.constant 0 : i32
      %add3A_228 = arith.addi %add3A_227, %and3A_182 : i32
      %get3A_229 = arith.index_cast %shift_right_arithmetic3A_181 : i32 to index
      %get3A_230 = arith.index_cast %add3A_228 : i32 to index
      %get3A_231 = arith.constant 112 : index
      %get3A_232 = tpu.vector_load %arg4[%get3A_229, %get3A_230, %get3A_231] {strides = array<i32>} : memref<8x48x128xf32, #tpu.memory_space<vmem>>, vector<16xf32>,
      %max3A_233 = arith.maximumf %max3A_226, %get3A_232 : vector<16xf32>
      %add3A_234 = arith.constant 8 : i32
      %add3A_235 = arith.addi %add3A_234, %and3A_182 : i32
      %get3A_236 = arith.index_cast %shift_right_arithmetic3A_181 : i32 to index
      %get3A_237 = arith.index_cast %add3A_235 : i32 to index
      %get3A_238 = arith.constant 0 : index
      %get3A_239 = tpu.vector_load %arg4[%get3A_236, %get3A_237, %get3A_238] {strides = array<i32>} : memref<8x48x128xf32, #tpu.memory_space<vmem>>, vector<16xf32>,
      %max3A_240 = arith.maximumf %max3A_233, %get3A_239 : vector<16xf32>
      %add3A_241 = arith.constant 8 : i32
      %add3A_242 = arith.addi %add3A_241, %and3A_182 : i32
      %get3A_243 = arith.index_cast %shift_right_arithmetic3A_181 : i32 to index
      %get3A_244 = arith.index_cast %add3A_242 : i32 to index
      %get3A_245 = arith.constant 16 : index
      %get3A_246 = tpu.vector_load %arg4[%get3A_243, %get3A_244, %get3A_245] {strides = array<i32>} : memref<8x48x128xf32, #tpu.memory_space<vmem>>, vector<16xf32>,
      %max3A_247 = arith.maximumf %max3A_240, %get3A_246 : vector<16xf32>
      %add3A_248 = arith.constant 8 : i32
      %add3A_249 = arith.addi %add3A_248, %and3A_182 : i32
      %get3A_250 = arith.index_cast %shift_right_arithmetic3A_181 : i32 to index
      %get3A_251 = arith.index_cast %add3A_249 : i32 to index
      %get3A_252 = arith.constant 32 : index
      %get3A_253 = tpu.vector_load %arg4[%get3A_250, %get3A_251, %get3A_252] {strides = array<i32>} : memref<8x48x128xf32, #tpu.memory_space<vmem>>, vector<16xf32>,
      %max3A_254 = arith.maximumf %max3A_247, %get3A_253 : vector<16xf32>
      %add3A_255 = arith.constant 8 : i32
      %add3A_256 = arith.addi %add3A_255, %and3A_182 : i32
      %get3A_257 = arith.index_cast %shift_right_arithmetic3A_181 : i32 to index
      %get3A_258 = arith.index_cast %add3A_256 : i32 to index
      %get3A_259 = arith.constant 48 : index
      %get3A_260 = tpu.vector_load %arg4[%get3A_257, %get3A_258, %get3A_259] {strides = array<i32>} : memref<8x48x128xf32, #tpu.memory_space<vmem>>, vector<16xf32>,
      %max3A_261 = arith.maximumf %max3A_254, %get3A_260 : vector<16xf32>
      %add3A_262 = arith.constant 8 : i32
      %add3A_263 = arith.addi %add3A_262, %and3A_182 : i32
      %get3A_264 = arith.index_cast %shift_right_arithmetic3A_181 : i32 to index
      %get3A_265 = arith.index_cast %add3A_263 : i32 to index
      %get3A_266 = arith.constant 64 : index
      %get3A_267 = tpu.vector_load %arg4[%get3A_264, %get3A_265, %get3A_266] {strides = array<i32>} : memref<8x48x128xf32, #tpu.memory_space<vmem>>, vector<16xf32>,
      %max3A_268 = arith.maximumf %max3A_261, %get3A_267 : vector<16xf32>
      %add3A_269 = arith.constant 8 : i32
      %add3A_270 = arith.addi %add3A_269, %and3A_182 : i32
      %get3A_271 = arith.index_cast %shift_right_arithmetic3A_181 : i32 to index
      %get3A_272 = arith.index_cast %add3A_270 : i32 to index
      %get3A_273 = arith.constant 80 : index
      %get3A_274 = tpu.vector_load %arg4[%get3A_271, %get3A_272, %get3A_273] {strides = array<i32>} : memref<8x48x128xf32, #tpu.memory_space<vmem>>, vector<16xf32>,
      %max3A_275 = arith.maximumf %max3A_268, %get3A_274 : vector<16xf32>
      %add3A_276 = arith.constant 8 : i32
      %add3A_277 = arith.addi %add3A_276, %and3A_182 : i32
      %get3A_278 = arith.index_cast %shift_right_arithmetic3A_181 : i32 to index
      %get3A_279 = arith.index_cast %add3A_277 : i32 to index
      %get3A_280 = arith.constant 96 : index
      %get3A_281 = tpu.vector_load %arg4[%get3A_278, %get3A_279, %get3A_280] {strides = array<i32>} : memref<8x48x128xf32, #tpu.memory_space<vmem>>, vector<16xf32>,
      %max3A_282 = arith.maximumf %max3A_275, %get3A_281 : vector<16xf32>
      %add3A_283 = arith.constant 8 : i32
      %add3A_284 = arith.addi %add3A_283, %and3A_182 : i32
      %get3A_285 = arith.index_cast %shift_right_arithmetic3A_181 : i32 to index
      %get3A_286 = arith.index_cast %add3A_284 : i32 to index
      %get3A_287 = arith.constant 112 : index
      %get3A_288 = tpu.vector_load %arg4[%get3A_285, %get3A_286, %get3A_287] {strides = array<i32>} : memref<8x48x128xf32, #tpu.memory_space<vmem>>, vector<16xf32>,
      %max3A_289 = arith.maximumf %max3A_282, %get3A_288 : vector<16xf32>
      %add3A_290 = arith.constant 16 : i32
      %add3A_291 = arith.addi %add3A_290, %and3A_182 : i32
      %get3A_292 = arith.index_cast %shift_right_arithmetic3A_181 : i32 to index
      %get3A_293 = arith.index_cast %add3A_291 : i32 to index
      %get3A_294 = arith.constant 0 : index
      %get3A_295 = tpu.vector_load %arg4[%get3A_292, %get3A_293, %get3A_294] {strides = array<i32>} : memref<8x48x128xf32, #tpu.memory_space<vmem>>, vector<16xf32>,
      %max3A_296 = arith.maximumf %max3A_289, %get3A_295 : vector<16xf32>
      %add3A_297 = arith.constant 16 : i32
      %add3A_298 = arith.addi %add3A_297, %and3A_182 : i32
      %get3A_299 = arith.index_cast %shift_right_arithmetic3A_181 : i32 to index
      %get3A_300 = arith.index_cast %add3A_298 : i32 to index
      %get3A_301 = arith.constant 16 : index
      %get3A_302 = tpu.vector_load %arg4[%get3A_299, %get3A_300, %get3A_301] {strides = array<i32>} : memref<8x48x128xf32, #tpu.memory_space<vmem>>, vector<16xf32>,
      %max3A_303 = arith.maximumf %max3A_296, %get3A_302 : vector<16xf32>
      %add3A_304 = arith.constant 16 : i32
      %add3A_305 = arith.addi %add3A_304, %and3A_182 : i32
      %get3A_306 = arith.index_cast %shift_right_arithmetic3A_181 : i32 to index
      %get3A_307 = arith.index_cast %add3A_305 : i32 to index
      %get3A_308 = arith.constant 32 : index
      %get3A_309 = tpu.vector_load %arg4[%get3A_306, %get3A_307, %get3A_308] {strides = array<i32>} : memref<8x48x128xf32, #tpu.memory_space<vmem>>, vector<16xf32>,
      %max3A_310 = arith.maximumf %max3A_303, %get3A_309 : vector<16xf32>
      %add3A_311 = arith.constant 16 : i32
      %add3A_312 = arith.addi %add3A_311, %and3A_182 : i32
      %get3A_313 = arith.index_cast %shift_right_arithmetic3A_181 : i32 to index
      %get3A_314 = arith.index_cast %add3A_312 : i32 to index
      %get3A_315 = arith.constant 48 : index
      %get3A_316 = tpu.vector_load %arg4[%get3A_313, %get3A_314, %get3A_315] {strides = array<i32>} : memref<8x48x128xf32, #tpu.memory_space<vmem>>, vector<16xf32>,
      %max3A_317 = arith.maximumf %max3A_310, %get3A_316 : vector<16xf32>
      %add3A_318 = arith.constant 16 : i32
      %add3A_319 = arith.addi %add3A_318, %and3A_182 : i32
      %get3A_320 = arith.index_cast %shift_right_arithmetic3A_181 : i32 to index
      %get3A_321 = arith.index_cast %add3A_319 : i32 to index
      %get3A_322 = arith.constant 64 : index
      %get3A_323 = tpu.vector_load %arg4[%get3A_320, %get3A_321, %get3A_322] {strides = array<i32>} : memref<8x48x128xf32, #tpu.memory_space<vmem>>, vector<16xf32>,
      %max3A_324 = arith.maximumf %max3A_317, %get3A_323 : vector<16xf32>
      %add3A_325 = arith.constant 16 : i32
      %add3A_326 = arith.addi %add3A_325, %and3A_182 : i32
      %get3A_327 = arith.index_cast %shift_right_arithmetic3A_181 : i32 to index
      %get3A_328 = arith.index_cast %add3A_326 : i32 to index
      %get3A_329 = arith.constant 80 : index
      %get3A_330 = tpu.vector_load %arg4[%get3A_327, %get3A_328, %get3A_329] {strides = array<i32>} : memref<8x48x128xf32, #tpu.memory_space<vmem>>, vector<16xf32>,
      %max3A_331 = arith.maximumf %max3A_324, %get3A_330 : vector<16xf32>
      %add3A_332 = arith.constant 16 : i32
      %add3A_333 = arith.addi %add3A_332, %and3A_182 : i32
      %get3A_334 = arith.index_cast %shift_right_arithmetic3A_181 : i32 to index
      %get3A_335 = arith.index_cast %add3A_333 : i32 to index
      %get3A_336 = arith.constant 96 : index
      %get3A_337 = tpu.vector_load %arg4[%get3A_334, %get3A_335, %get3A_336] {strides = array<i32>} : memref<8x48x128xf32, #tpu.memory_space<vmem>>, vector<16xf32>,
      %max3A_338 = arith.maximumf %max3A_331, %get3A_337 : vector<16xf32>
      %add3A_339 = arith.constant 16 : i32
      %add3A_340 = arith.addi %add3A_339, %and3A_182 : i32
      %get3A_341 = arith.index_cast %shift_right_arithmetic3A_181 : i32 to index
      %get3A_342 = arith.index_cast %add3A_340 : i32 to index
      %get3A_343 = arith.constant 112 : index
      %get3A_344 = tpu.vector_load %arg4[%get3A_341, %get3A_342, %get3A_343] {strides = array<i32>} : memref<8x48x128xf32, #tpu.memory_space<vmem>>, vector<16xf32>,
      %max3A_345 = arith.maximumf %max3A_338, %get3A_344 : vector<16xf32>
      %add3A_346 = arith.constant 24 : i32
      %add3A_347 = arith.addi %add3A_346, %and3A_182 : i32
      %get3A_348 = arith.index_cast %shift_right_arithmetic3A_181 : i32 to index
      %get3A_349 = arith.index_cast %add3A_347 : i32 to index
      %get3A_350 = arith.constant 0 : index
      %get3A_351 = tpu.vector_load %arg4[%get3A_348, %get3A_349, %get3A_350] {strides = array<i32>} : memref<8x48x128xf32, #tpu.memory_space<vmem>>, vector<16xf32>,
      %max3A_352 = arith.maximumf %max3A_345, %get3A_351 : vector<16xf32>
      %add3A_353 = arith.constant 24 : i32
      %add3A_354 = arith.addi %add3A_353, %and3A_182 : i32
      %get3A_355 = arith.index_cast %shift_right_arithmetic3A_181 : i32 to index
      %get3A_356 = arith.index_cast %add3A_354 : i32 to index
      %get3A_357 = arith.constant 16 : index
      %get3A_358 = tpu.vector_load %arg4[%get3A_355, %get3A_356, %get3A_357] {strides = array<i32>} : memref<8x48x128xf32, #tpu.memory_space<vmem>>, vector<16xf32>,
      %max3A_359 = arith.maximumf %max3A_352, %get3A_358 : vector<16xf32>
      %add3A_360 = arith.constant 24 : i32
      %add3A_361 = arith.addi %add3A_360, %and3A_182 : i32
      %get3A_362 = arith.index_cast %shift_right_arithmetic3A_181 : i32 to index
      %get3A_363 = arith.index_cast %add3A_361 : i32 to index
      %get3A_364 = arith.constant 32 : index
      %get3A_365 = tpu.vector_load %arg4[%get3A_362, %get3A_363, %get3A_364] {strides = array<i32>} : memref<8x48x128xf32, #tpu.memory_space<vmem>>, vector<16xf32>,
      %max3A_366 = arith.maximumf %max3A_359, %get3A_365 : vector<16xf32>
      %add3A_367 = arith.constant 24 : i32
      %add3A_368 = arith.addi %add3A_367, %and3A_182 : i32
      %get3A_369 = arith.index_cast %shift_right_arithmetic3A_181 : i32 to index
      %get3A_370 = arith.index_cast %add3A_368 : i32 to index
      %get3A_371 = arith.constant 48 : index
      %get3A_372 = tpu.vector_load %arg4[%get3A_369, %get3A_370, %get3A_371] {strides = array<i32>} : memref<8x48x128xf32, #tpu.memory_space<vmem>>, vector<16xf32>,
      %max3A_373 = arith.maximumf %max3A_366, %get3A_372 : vector<16xf32>
      %add3A_374 = arith.constant 24 : i32
      %add3A_375 = arith.addi %add3A_374, %and3A_182 : i32
      %get3A_376 = arith.index_cast %shift_right_arithmetic3A_181 : i32 to index
      %get3A_377 = arith.index_cast %add3A_375 : i32 to index
      %get3A_378 = arith.constant 64 : index
      %get3A_379 = tpu.vector_load %arg4[%get3A_376, %get3A_377, %get3A_378] {strides = array<i32>} : memref<8x48x128xf32, #tpu.memory_space<vmem>>, vector<16xf32>,
      %max3A_380 = arith.maximumf %max3A_373, %get3A_379 : vector<16xf32>
      %add3A_381 = arith.constant 24 : i32
      %add3A_382 = arith.addi %add3A_381, %and3A_182 : i32
      %get3A_383 = arith.index_cast %shift_right_arithmetic3A_181 : i32 to index
      %get3A_384 = arith.index_cast %add3A_382 : i32 to index
      %get3A_385 = arith.constant 80 : index
      %get3A_386 = tpu.vector_load %arg4[%get3A_383, %get3A_384, %get3A_385] {strides = array<i32>} : memref<8x48x128xf32, #tpu.memory_space<vmem>>, vector<16xf32>,
      %max3A_387 = arith.maximumf %max3A_380, %get3A_386 : vector<16xf32>
      %add3A_388 = arith.constant 24 : i32
      %add3A_389 = arith.addi %add3A_388, %and3A_182 : i32
      %get3A_390 = arith.index_cast %shift_right_arithmetic3A_181 : i32 to index
      %get3A_391 = arith.index_cast %add3A_389 : i32 to index
      %get3A_392 = arith.constant 96 : index
      %get3A_393 = tpu.vector_load %arg4[%get3A_390, %get3A_391, %get3A_392] {strides = array<i32>} : memref<8x48x128xf32, #tpu.memory_space<vmem>>, vector<16xf32>,
      %max3A_394 = arith.maximumf %max3A_387, %get3A_393 : vector<16xf32>
      %add3A_395 = arith.constant 24 : i32
      %add3A_396 = arith.addi %add3A_395, %and3A_182 : i32
      %get3A_397 = arith.index_cast %shift_right_arithmetic3A_181 : i32 to index
      %get3A_398 = arith.index_cast %add3A_396 : i32 to index
      %get3A_399 = arith.constant 112 : index
      %get3A_400 = tpu.vector_load %arg4[%get3A_397, %get3A_398, %get3A_399] {strides = array<i32>} : memref<8x48x128xf32, #tpu.memory_space<vmem>>, vector<16xf32>,
      %max3A_401 = arith.maximumf %max3A_394, %get3A_400 : vector<16xf32>
      %add3A_402 = arith.constant 32 : i32
      %add3A_403 = arith.addi %add3A_402, %and3A_182 : i32
      %get3A_404 = arith.index_cast %shift_right_arithmetic3A_181 : i32 to index
      %get3A_405 = arith.index_cast %add3A_403 : i32 to index
      %get3A_406 = arith.constant 0 : index
      %get3A_407 = tpu.vector_load %arg4[%get3A_404, %get3A_405, %get3A_406] {strides = array<i32>} : memref<8x48x128xf32, #tpu.memory_space<vmem>>, vector<16xf32>,
      %max3A_408 = arith.maximumf %max3A_401, %get3A_407 : vector<16xf32>
      %add3A_409 = arith.constant 32 : i32
      %add3A_410 = arith.addi %add3A_409, %and3A_182 : i32
      %get3A_411 = arith.index_cast %shift_right_arithmetic3A_181 : i32 to index
      %get3A_412 = arith.index_cast %add3A_410 : i32 to index
      %get3A_413 = arith.constant 16 : index
      %get3A_414 = tpu.vector_load %arg4[%get3A_411, %get3A_412, %get3A_413] {strides = array<i32>} : memref<8x48x128xf32, #tpu.memory_space<vmem>>, vector<16xf32>,
      %max3A_415 = arith.maximumf %max3A_408, %get3A_414 : vector<16xf32>
      %add3A_416 = arith.constant 32 : i32
      %add3A_417 = arith.addi %add3A_416, %and3A_182 : i32
      %get3A_418 = arith.index_cast %shift_right_arithmetic3A_181 : i32 to index
      %get3A_419 = arith.index_cast %add3A_417 : i32 to index
      %get3A_420 = arith.constant 32 : index
      %get3A_421 = tpu.vector_load %arg4[%get3A_418, %get3A_419, %get3A_420] {strides = array<i32>} : memref<8x48x128xf32, #tpu.memory_space<vmem>>, vector<16xf32>,
      %max3A_422 = arith.maximumf %max3A_415, %get3A_421 : vector<16xf32>
      %add3A_423 = arith.constant 32 : i32
      %add3A_424 = arith.addi %add3A_423, %and3A_182 : i32
      %get3A_425 = arith.index_cast %shift_right_arithmetic3A_181 : i32 to index
      %get3A_426 = arith.index_cast %add3A_424 : i32 to index
      %get3A_427 = arith.constant 48 : index
      %get3A_428 = tpu.vector_load %arg4[%get3A_425, %get3A_426, %get3A_427] {strides = array<i32>} : memref<8x48x128xf32, #tpu.memory_space<vmem>>, vector<16xf32>,
      %max3A_429 = arith.maximumf %max3A_422, %get3A_428 : vector<16xf32>
      %add3A_430 = arith.constant 32 : i32
      %add3A_431 = arith.addi %add3A_430, %and3A_182 : i32
      %get3A_432 = arith.index_cast %shift_right_arithmetic3A_181 : i32 to index
      %get3A_433 = arith.index_cast %add3A_431 : i32 to index
      %get3A_434 = arith.constant 64 : index
      %get3A_435 = tpu.vector_load %arg4[%get3A_432, %get3A_433, %get3A_434] {strides = array<i32>} : memref<8x48x128xf32, #tpu.memory_space<vmem>>, vector<16xf32>,
      %max3A_436 = arith.maximumf %max3A_429, %get3A_435 : vector<16xf32>
      %add3A_437 = arith.constant 32 : i32
      %add3A_438 = arith.addi %add3A_437, %and3A_182 : i32
      %get3A_439 = arith.index_cast %shift_right_arithmetic3A_181 : i32 to index
      %get3A_440 = arith.index_cast %add3A_438 : i32 to index
      %get3A_441 = arith.constant 80 : index
      %get3A_442 = tpu.vector_load %arg4[%get3A_439, %get3A_440, %get3A_441] {strides = array<i32>} : memref<8x48x128xf32, #tpu.memory_space<vmem>>, vector<16xf32>,
      %max3A_443 = arith.maximumf %max3A_436, %get3A_442 : vector<16xf32>
      %add3A_444 = arith.constant 32 : i32
      %add3A_445 = arith.addi %add3A_444, %and3A_182 : i32
      %get3A_446 = arith.index_cast %shift_right_arithmetic3A_181 : i32 to index
      %get3A_447 = arith.index_cast %add3A_445 : i32 to index
      %get3A_448 = arith.constant 96 : index
      %get3A_449 = tpu.vector_load %arg4[%get3A_446, %get3A_447, %get3A_448] {strides = array<i32>} : memref<8x48x128xf32, #tpu.memory_space<vmem>>, vector<16xf32>,
      %max3A_450 = arith.maximumf %max3A_443, %get3A_449 : vector<16xf32>
      %add3A_451 = arith.constant 32 : i32
      %add3A_452 = arith.addi %add3A_451, %and3A_182 : i32
      %get3A_453 = arith.index_cast %shift_right_arithmetic3A_181 : i32 to index
      %get3A_454 = arith.index_cast %add3A_452 : i32 to index
      %get3A_455 = arith.constant 112 : index
      %get3A_456 = tpu.vector_load %arg4[%get3A_453, %get3A_454, %get3A_455] {strides = array<i32>} : memref<8x48x128xf32, #tpu.memory_space<vmem>>, vector<16xf32>,
      %max3A_457 = arith.maximumf %max3A_450, %get3A_456 : vector<16xf32>
      %add3A_458 = arith.constant 40 : i32
      %add3A_459 = arith.addi %add3A_458, %and3A_182 : i32
      %get3A_460 = arith.index_cast %shift_right_arithmetic3A_181 : i32 to index
      %get3A_461 = arith.index_cast %add3A_459 : i32 to index
      %get3A_462 = arith.constant 0 : index
      %get3A_463 = tpu.vector_load %arg4[%get3A_460, %get3A_461, %get3A_462] {strides = array<i32>} : memref<8x48x128xf32, #tpu.memory_space<vmem>>, vector<16xf32>,
      %max3A_464 = arith.maximumf %max3A_457, %get3A_463 : vector<16xf32>
      %add3A_465 = arith.constant 40 : i32
      %add3A_466 = arith.addi %add3A_465, %and3A_182 : i32
      %get3A_467 = arith.index_cast %shift_right_arithmetic3A_181 : i32 to index
      %get3A_468 = arith.index_cast %add3A_466 : i32 to index
      %get3A_469 = arith.constant 16 : index
      %get3A_470 = tpu.vector_load %arg4[%get3A_467, %get3A_468, %get3A_469] {strides = array<i32>} : memref<8x48x128xf32, #tpu.memory_space<vmem>>, vector<16xf32>,
      %max3A_471 = arith.maximumf %max3A_464, %get3A_470 : vector<16xf32>
      %add3A_472 = arith.constant 40 : i32
      %add3A_473 = arith.addi %add3A_472, %and3A_182 : i32
      %get3A_474 = arith.index_cast %shift_right_arithmetic3A_181 : i32 to index
      %get3A_475 = arith.index_cast %add3A_473 : i32 to index
      %get3A_476 = arith.constant 32 : index
      %get3A_477 = tpu.vector_load %arg4[%get3A_474, %get3A_475, %get3A_476] {strides = array<i32>} : memref<8x48x128xf32, #tpu.memory_space<vmem>>, vector<16xf32>,
      %max3A_478 = arith.maximumf %max3A_471, %get3A_477 : vector<16xf32>
      %add3A_479 = arith.constant 40 : i32
      %add3A_480 = arith.addi %add3A_479, %and3A_182 : i32
      %get3A_481 = arith.index_cast %shift_right_arithmetic3A_181 : i32 to index
      %get3A_482 = arith.index_cast %add3A_480 : i32 to index
      %get3A_483 = arith.constant 48 : index
      %get3A_484 = tpu.vector_load %arg4[%get3A_481, %get3A_482, %get3A_483] {strides = array<i32>} : memref<8x48x128xf32, #tpu.memory_space<vmem>>, vector<16xf32>,
      %max3A_485 = arith.maximumf %max3A_478, %get3A_484 : vector<16xf32>
      %add3A_486 = arith.constant 40 : i32
      %add3A_487 = arith.addi %add3A_486, %and3A_182 : i32
      %get3A_488 = arith.index_cast %shift_right_arithmetic3A_181 : i32 to index
      %get3A_489 = arith.index_cast %add3A_487 : i32 to index
      %get3A_490 = arith.constant 64 : index
      %get3A_491 = tpu.vector_load %arg4[%get3A_488, %get3A_489, %get3A_490] {strides = array<i32>} : memref<8x48x128xf32, #tpu.memory_space<vmem>>, vector<16xf32>,
      %max3A_492 = arith.maximumf %max3A_485, %get3A_491 : vector<16xf32>
      %add3A_493 = arith.constant 40 : i32
      %add3A_494 = arith.addi %add3A_493, %and3A_182 : i32
      %get3A_495 = arith.index_cast %shift_right_arithmetic3A_181 : i32 to index
      %get3A_496 = arith.index_cast %add3A_494 : i32 to index
      %get3A_497 = arith.constant 80 : index
      %get3A_498 = tpu.vector_load %arg4[%get3A_495, %get3A_496, %get3A_497] {strides = array<i32>} : memref<8x48x128xf32, #tpu.memory_space<vmem>>, vector<16xf32>,
      %max3A_499 = arith.maximumf %max3A_492, %get3A_498 : vector<16xf32>
      %add3A_500 = arith.constant 40 : i32
      %add3A_501 = arith.addi %add3A_500, %and3A_182 : i32
      %get3A_502 = arith.index_cast %shift_right_arithmetic3A_181 : i32 to index
      %get3A_503 = arith.index_cast %add3A_501 : i32 to index
      %get3A_504 = arith.constant 96 : index
      %get3A_505 = tpu.vector_load %arg4[%get3A_502, %get3A_503, %get3A_504] {strides = array<i32>} : memref<8x48x128xf32, #tpu.memory_space<vmem>>, vector<16xf32>,
      %max3A_506 = arith.maximumf %max3A_499, %get3A_505 : vector<16xf32>
      %add3A_507 = arith.constant 40 : i32
      %add3A_508 = arith.addi %add3A_507, %and3A_182 : i32
      %get3A_509 = arith.index_cast %shift_right_arithmetic3A_181 : i32 to index
      %get3A_510 = arith.index_cast %add3A_508 : i32 to index
      %get3A_511 = arith.constant 112 : index
      %get3A_512 = tpu.vector_load %arg4[%get3A_509, %get3A_510, %get3A_511] {strides = array<i32>} : memref<8x48x128xf32, #tpu.memory_space<vmem>>, vector<16xf32>,
      %max3A_513 = arith.maximumf %max3A_506, %get3A_512 : vector<16xf32>
      %add3A_514 = arith.constant 256 : i32
      %add3A_515 = arith.addi %add3A_514, %scan3A_179 : i32
      %swap3A = arith.index_cast %add3A_515 : i32 to index
      %swap3A_516 = arith.constant 0 : index
      %swap3A_517 = tpu.vector_load %arg6[%swap3A, %swap3A_516] {strides = array<i32>} : memref<512x17xf32, #tpu.memory_space<vmem>>, vector<16xf32>,
      tpu.vector_store %arg6[%swap3A, %swap3A_516], %max3A_513 {strides = array<i32>} : memref<512x17xf32, #tpu.memory_space<vmem>>, vector<16xf32>,
      %scan3A_518 = arith.constant 0 : i32
      scf.yield %scan3A_518 : i32
    }
    %scan3A_114 = arith.constant 64 : i32
    %add3A_115 = arith.constant 48 : i32
    %add3A_116 = arith.addi %add3A_4, %add3A_115 : i32
    %dma_start3A_117 = arith.constant 0 : i32
    %dma_start3A_118 = arith.constant 0 : i32
    %dma_start3A_119 = tpu.memref_slice %arg2[%add3A_116, %dma_start3A_117, %dma_start3A_118] : memref<4096x48x128xf32, #tpu.memory_space<hbm>> -> memref<8x48x128xf32, #tpu.memory_space<hbm>>
    %dma_start3A_120 = arith.constant 0 : i32
    %dma_start3A_121 = arith.constant 0 : i32
    %dma_start3A_122 = tpu.memref_slice %arg2[%add3A_116, %dma_start3A_120, %dma_start3A_121] : memref<4096x48x128xf32, #tpu.memory_space<hbm>> -> memref<8x48x128xf32, #tpu.memory_space<hbm>>
    tpu.enqueue_dma source(%dma_start3A_122 : memref<8x48x128xf32, #tpu.memory_space<hbm>>) target(%arg4 : memref<8x48x128xf32, #tpu.memory_space<vmem>>) target_semaphore(%arg8 : memref<!tpu.dma_semaphore, #tpu.memory_space<semaphore_mem>>)
    %dma_wait3A_123 = arith.constant 0 : i32
    %dma_wait3A_124 = arith.constant 0 : i32
    %dma_wait3A_125 = tpu.memref_slice %arg2[%add3A_95, %dma_wait3A_123, %dma_wait3A_124] : memref<4096x48x128xf32, #tpu.memory_space<hbm>> -> memref<8x48x128xf32, #tpu.memory_space<hbm>>
    %dma_wait3A_126 = arith.constant 0 : i32
    %dma_wait3A_127 = arith.constant 0 : i32
    %dma_wait3A_128 = tpu.memref_slice %arg2[%add3A_95, %dma_wait3A_126, %dma_wait3A_127] : memref<4096x48x128xf32, #tpu.memory_space<hbm>> -> memref<8x48x128xf32, #tpu.memory_space<hbm>>
    tpu.wait_dma2 semaphore(%arg9 : memref<!tpu.dma_semaphore, #tpu.memory_space<semaphore_mem>>) src(%dma_wait3A_128 : memref<8x48x128xf32, #tpu.memory_space<hbm>>) dst(%arg5 : memref<8x48x128xf32, #tpu.memory_space<vmem>>)
    %scan3A_129 = arith.constant 0 : i32
    %scan3A_130 = arith.constant 0 : i32
    %scan3A_131 = arith.constant 64 : i32
    %scan3A_132 = arith.addi %scan3A_130, %scan3A_131 : i32
    %scan3A_133 = arith.constant 1 : i32
    %scan3A_134 = scf.for %scan3A_179 = %scan3A_130 to %scan3A_132 step %scan3A_133 iter_args(%scan3A_180 = %scan3A_129) -> (i32)  : i32 {
      %shift_right_arithmetic3A = arith.constant 3 : i32
      %shift_right_arithmetic3A_181 = arith.shrsi %scan3A_179, %shift_right_arithmetic3A : i32
      %and3A = arith.constant 7 : i32
      %and3A_182 = arith.andi %scan3A_179, %and3A : i32
      %get3A = arith.index_cast %shift_right_arithmetic3A_181 : i32 to index
      %get3A_183 = arith.index_cast %and3A_182 : i32 to index
      %get3A_184 = arith.constant 0 : index
      %get3A_185 = tpu.vector_load %arg5[%get3A, %get3A_183, %get3A_184] {strides = array<i32>} : memref<8x48x128xf32, #tpu.memory_space<vmem>>, vector<16xf32>,
      %add3A_186 = arith.constant 0 : i32
      %add3A_187 = arith.addi %add3A_186, %and3A_182 : i32
      %get3A_188 = arith.index_cast %shift_right_arithmetic3A_181 : i32 to index
      %get3A_189 = arith.index_cast %add3A_187 : i32 to index
      %get3A_190 = arith.constant 16 : index
      %get3A_191 = tpu.vector_load %arg5[%get3A_188, %get3A_189, %get3A_190] {strides = array<i32>} : memref<8x48x128xf32, #tpu.memory_space<vmem>>, vector<16xf32>,
      %max3A = arith.maximumf %get3A_185, %get3A_191 : vector<16xf32>
      %add3A_192 = arith.constant 0 : i32
      %add3A_193 = arith.addi %add3A_192, %and3A_182 : i32
      %get3A_194 = arith.index_cast %shift_right_arithmetic3A_181 : i32 to index
      %get3A_195 = arith.index_cast %add3A_193 : i32 to index
      %get3A_196 = arith.constant 32 : index
      %get3A_197 = tpu.vector_load %arg5[%get3A_194, %get3A_195, %get3A_196] {strides = array<i32>} : memref<8x48x128xf32, #tpu.memory_space<vmem>>, vector<16xf32>,
      %max3A_198 = arith.maximumf %max3A, %get3A_197 : vector<16xf32>
      %add3A_199 = arith.constant 0 : i32
      %add3A_200 = arith.addi %add3A_199, %and3A_182 : i32
      %get3A_201 = arith.index_cast %shift_right_arithmetic3A_181 : i32 to index
      %get3A_202 = arith.index_cast %add3A_200 : i32 to index
      %get3A_203 = arith.constant 48 : index
      %get3A_204 = tpu.vector_load %arg5[%get3A_201, %get3A_202, %get3A_203] {strides = array<i32>} : memref<8x48x128xf32, #tpu.memory_space<vmem>>, vector<16xf32>,
      %max3A_205 = arith.maximumf %max3A_198, %get3A_204 : vector<16xf32>
      %add3A_206 = arith.constant 0 : i32
      %add3A_207 = arith.addi %add3A_206, %and3A_182 : i32
      %get3A_208 = arith.index_cast %shift_right_arithmetic3A_181 : i32 to index
      %get3A_209 = arith.index_cast %add3A_207 : i32 to index
      %get3A_210 = arith.constant 64 : index
      %get3A_211 = tpu.vector_load %arg5[%get3A_208, %get3A_209, %get3A_210] {strides = array<i32>} : memref<8x48x128xf32, #tpu.memory_space<vmem>>, vector<16xf32>,
      %max3A_212 = arith.maximumf %max3A_205, %get3A_211 : vector<16xf32>
      %add3A_213 = arith.constant 0 : i32
      %add3A_214 = arith.addi %add3A_213, %and3A_182 : i32
      %get3A_215 = arith.index_cast %shift_right_arithmetic3A_181 : i32 to index
      %get3A_216 = arith.index_cast %add3A_214 : i32 to index
      %get3A_217 = arith.constant 80 : index
      %get3A_218 = tpu.vector_load %arg5[%get3A_215, %get3A_216, %get3A_217] {strides = array<i32>} : memref<8x48x128xf32, #tpu.memory_space<vmem>>, vector<16xf32>,
      %max3A_219 = arith.maximumf %max3A_212, %get3A_218 : vector<16xf32>
      %add3A_220 = arith.constant 0 : i32
      %add3A_221 = arith.addi %add3A_220, %and3A_182 : i32
      %get3A_222 = arith.index_cast %shift_right_arithmetic3A_181 : i32 to index
      %get3A_223 = arith.index_cast %add3A_221 : i32 to index
      %get3A_224 = arith.constant 96 : index
      %get3A_225 = tpu.vector_load %arg5[%get3A_222, %get3A_223, %get3A_224] {strides = array<i32>} : memref<8x48x128xf32, #tpu.memory_space<vmem>>, vector<16xf32>,
      %max3A_226 = arith.maximumf %max3A_219, %get3A_225 : vector<16xf32>
      %add3A_227 = arith.constant 0 : i32
      %add3A_228 = arith.addi %add3A_227, %and3A_182 : i32
      %get3A_229 = arith.index_cast %shift_right_arithmetic3A_181 : i32 to index
      %get3A_230 = arith.index_cast %add3A_228 : i32 to index
      %get3A_231 = arith.constant 112 : index
      %get3A_232 = tpu.vector_load %arg5[%get3A_229, %get3A_230, %get3A_231] {strides = array<i32>} : memref<8x48x128xf32, #tpu.memory_space<vmem>>, vector<16xf32>,
      %max3A_233 = arith.maximumf %max3A_226, %get3A_232 : vector<16xf32>
      %add3A_234 = arith.constant 8 : i32
      %add3A_235 = arith.addi %add3A_234, %and3A_182 : i32
      %get3A_236 = arith.index_cast %shift_right_arithmetic3A_181 : i32 to index
      %get3A_237 = arith.index_cast %add3A_235 : i32 to index
      %get3A_238 = arith.constant 0 : index
      %get3A_239 = tpu.vector_load %arg5[%get3A_236, %get3A_237, %get3A_238] {strides = array<i32>} : memref<8x48x128xf32, #tpu.memory_space<vmem>>, vector<16xf32>,
      %max3A_240 = arith.maximumf %max3A_233, %get3A_239 : vector<16xf32>
      %add3A_241 = arith.constant 8 : i32
      %add3A_242 = arith.addi %add3A_241, %and3A_182 : i32
      %get3A_243 = arith.index_cast %shift_right_arithmetic3A_181 : i32 to index
      %get3A_244 = arith.index_cast %add3A_242 : i32 to index
      %get3A_245 = arith.constant 16 : index
      %get3A_246 = tpu.vector_load %arg5[%get3A_243, %get3A_244, %get3A_245] {strides = array<i32>} : memref<8x48x128xf32, #tpu.memory_space<vmem>>, vector<16xf32>,
      %max3A_247 = arith.maximumf %max3A_240, %get3A_246 : vector<16xf32>
      %add3A_248 = arith.constant 8 : i32
      %add3A_249 = arith.addi %add3A_248, %and3A_182 : i32
      %get3A_250 = arith.index_cast %shift_right_arithmetic3A_181 : i32 to index
      %get3A_251 = arith.index_cast %add3A_249 : i32 to index
      %get3A_252 = arith.constant 32 : index
      %get3A_253 = tpu.vector_load %arg5[%get3A_250, %get3A_251, %get3A_252] {strides = array<i32>} : memref<8x48x128xf32, #tpu.memory_space<vmem>>, vector<16xf32>,
      %max3A_254 = arith.maximumf %max3A_247, %get3A_253 : vector<16xf32>
      %add3A_255 = arith.constant 8 : i32
      %add3A_256 = arith.addi %add3A_255, %and3A_182 : i32
      %get3A_257 = arith.index_cast %shift_right_arithmetic3A_181 : i32 to index
      %get3A_258 = arith.index_cast %add3A_256 : i32 to index
      %get3A_259 = arith.constant 48 : index
      %get3A_260 = tpu.vector_load %arg5[%get3A_257, %get3A_258, %get3A_259] {strides = array<i32>} : memref<8x48x128xf32, #tpu.memory_space<vmem>>, vector<16xf32>,
      %max3A_261 = arith.maximumf %max3A_254, %get3A_260 : vector<16xf32>
      %add3A_262 = arith.constant 8 : i32
      %add3A_263 = arith.addi %add3A_262, %and3A_182 : i32
      %get3A_264 = arith.index_cast %shift_right_arithmetic3A_181 : i32 to index
      %get3A_265 = arith.index_cast %add3A_263 : i32 to index
      %get3A_266 = arith.constant 64 : index
      %get3A_267 = tpu.vector_load %arg5[%get3A_264, %get3A_265, %get3A_266] {strides = array<i32>} : memref<8x48x128xf32, #tpu.memory_space<vmem>>, vector<16xf32>,
      %max3A_268 = arith.maximumf %max3A_261, %get3A_267 : vector<16xf32>
      %add3A_269 = arith.constant 8 : i32
      %add3A_270 = arith.addi %add3A_269, %and3A_182 : i32
      %get3A_271 = arith.index_cast %shift_right_arithmetic3A_181 : i32 to index
      %get3A_272 = arith.index_cast %add3A_270 : i32 to index
      %get3A_273 = arith.constant 80 : index
      %get3A_274 = tpu.vector_load %arg5[%get3A_271, %get3A_272, %get3A_273] {strides = array<i32>} : memref<8x48x128xf32, #tpu.memory_space<vmem>>, vector<16xf32>,
      %max3A_275 = arith.maximumf %max3A_268, %get3A_274 : vector<16xf32>
      %add3A_276 = arith.constant 8 : i32
      %add3A_277 = arith.addi %add3A_276, %and3A_182 : i32
      %get3A_278 = arith.index_cast %shift_right_arithmetic3A_181 : i32 to index
      %get3A_279 = arith.index_cast %add3A_277 : i32 to index
      %get3A_280 = arith.constant 96 : index
      %get3A_281 = tpu.vector_load %arg5[%get3A_278, %get3A_279, %get3A_280] {strides = array<i32>} : memref<8x48x128xf32, #tpu.memory_space<vmem>>, vector<16xf32>,
      %max3A_282 = arith.maximumf %max3A_275, %get3A_281 : vector<16xf32>
      %add3A_283 = arith.constant 8 : i32
      %add3A_284 = arith.addi %add3A_283, %and3A_182 : i32
      %get3A_285 = arith.index_cast %shift_right_arithmetic3A_181 : i32 to index
      %get3A_286 = arith.index_cast %add3A_284 : i32 to index
      %get3A_287 = arith.constant 112 : index
      %get3A_288 = tpu.vector_load %arg5[%get3A_285, %get3A_286, %get3A_287] {strides = array<i32>} : memref<8x48x128xf32, #tpu.memory_space<vmem>>, vector<16xf32>,
      %max3A_289 = arith.maximumf %max3A_282, %get3A_288 : vector<16xf32>
      %add3A_290 = arith.constant 16 : i32
      %add3A_291 = arith.addi %add3A_290, %and3A_182 : i32
      %get3A_292 = arith.index_cast %shift_right_arithmetic3A_181 : i32 to index
      %get3A_293 = arith.index_cast %add3A_291 : i32 to index
      %get3A_294 = arith.constant 0 : index
      %get3A_295 = tpu.vector_load %arg5[%get3A_292, %get3A_293, %get3A_294] {strides = array<i32>} : memref<8x48x128xf32, #tpu.memory_space<vmem>>, vector<16xf32>,
      %max3A_296 = arith.maximumf %max3A_289, %get3A_295 : vector<16xf32>
      %add3A_297 = arith.constant 16 : i32
      %add3A_298 = arith.addi %add3A_297, %and3A_182 : i32
      %get3A_299 = arith.index_cast %shift_right_arithmetic3A_181 : i32 to index
      %get3A_300 = arith.index_cast %add3A_298 : i32 to index
      %get3A_301 = arith.constant 16 : index
      %get3A_302 = tpu.vector_load %arg5[%get3A_299, %get3A_300, %get3A_301] {strides = array<i32>} : memref<8x48x128xf32, #tpu.memory_space<vmem>>, vector<16xf32>,
      %max3A_303 = arith.maximumf %max3A_296, %get3A_302 : vector<16xf32>
      %add3A_304 = arith.constant 16 : i32
      %add3A_305 = arith.addi %add3A_304, %and3A_182 : i32
      %get3A_306 = arith.index_cast %shift_right_arithmetic3A_181 : i32 to index
      %get3A_307 = arith.index_cast %add3A_305 : i32 to index
      %get3A_308 = arith.constant 32 : index
      %get3A_309 = tpu.vector_load %arg5[%get3A_306, %get3A_307, %get3A_308] {strides = array<i32>} : memref<8x48x128xf32, #tpu.memory_space<vmem>>, vector<16xf32>,
      %max3A_310 = arith.maximumf %max3A_303, %get3A_309 : vector<16xf32>
      %add3A_311 = arith.constant 16 : i32
      %add3A_312 = arith.addi %add3A_311, %and3A_182 : i32
      %get3A_313 = arith.index_cast %shift_right_arithmetic3A_181 : i32 to index
      %get3A_314 = arith.index_cast %add3A_312 : i32 to index
      %get3A_315 = arith.constant 48 : index
      %get3A_316 = tpu.vector_load %arg5[%get3A_313, %get3A_314, %get3A_315] {strides = array<i32>} : memref<8x48x128xf32, #tpu.memory_space<vmem>>, vector<16xf32>,
      %max3A_317 = arith.maximumf %max3A_310, %get3A_316 : vector<16xf32>
      %add3A_318 = arith.constant 16 : i32
      %add3A_319 = arith.addi %add3A_318, %and3A_182 : i32
      %get3A_320 = arith.index_cast %shift_right_arithmetic3A_181 : i32 to index
      %get3A_321 = arith.index_cast %add3A_319 : i32 to index
      %get3A_322 = arith.constant 64 : index
      %get3A_323 = tpu.vector_load %arg5[%get3A_320, %get3A_321, %get3A_322] {strides = array<i32>} : memref<8x48x128xf32, #tpu.memory_space<vmem>>, vector<16xf32>,
      %max3A_324 = arith.maximumf %max3A_317, %get3A_323 : vector<16xf32>
      %add3A_325 = arith.constant 16 : i32
      %add3A_326 = arith.addi %add3A_325, %and3A_182 : i32
      %get3A_327 = arith.index_cast %shift_right_arithmetic3A_181 : i32 to index
      %get3A_328 = arith.index_cast %add3A_326 : i32 to index
      %get3A_329 = arith.constant 80 : index
      %get3A_330 = tpu.vector_load %arg5[%get3A_327, %get3A_328, %get3A_329] {strides = array<i32>} : memref<8x48x128xf32, #tpu.memory_space<vmem>>, vector<16xf32>,
      %max3A_331 = arith.maximumf %max3A_324, %get3A_330 : vector<16xf32>
      %add3A_332 = arith.constant 16 : i32
      %add3A_333 = arith.addi %add3A_332, %and3A_182 : i32
      %get3A_334 = arith.index_cast %shift_right_arithmetic3A_181 : i32 to index
      %get3A_335 = arith.index_cast %add3A_333 : i32 to index
      %get3A_336 = arith.constant 96 : index
      %get3A_337 = tpu.vector_load %arg5[%get3A_334, %get3A_335, %get3A_336] {strides = array<i32>} : memref<8x48x128xf32, #tpu.memory_space<vmem>>, vector<16xf32>,
      %max3A_338 = arith.maximumf %max3A_331, %get3A_337 : vector<16xf32>
      %add3A_339 = arith.constant 16 : i32
      %add3A_340 = arith.addi %add3A_339, %and3A_182 : i32
      %get3A_341 = arith.index_cast %shift_right_arithmetic3A_181 : i32 to index
      %get3A_342 = arith.index_cast %add3A_340 : i32 to index
      %get3A_343 = arith.constant 112 : index
      %get3A_344 = tpu.vector_load %arg5[%get3A_341, %get3A_342, %get3A_343] {strides = array<i32>} : memref<8x48x128xf32, #tpu.memory_space<vmem>>, vector<16xf32>,
      %max3A_345 = arith.maximumf %max3A_338, %get3A_344 : vector<16xf32>
      %add3A_346 = arith.constant 24 : i32
      %add3A_347 = arith.addi %add3A_346, %and3A_182 : i32
      %get3A_348 = arith.index_cast %shift_right_arithmetic3A_181 : i32 to index
      %get3A_349 = arith.index_cast %add3A_347 : i32 to index
      %get3A_350 = arith.constant 0 : index
      %get3A_351 = tpu.vector_load %arg5[%get3A_348, %get3A_349, %get3A_350] {strides = array<i32>} : memref<8x48x128xf32, #tpu.memory_space<vmem>>, vector<16xf32>,
      %max3A_352 = arith.maximumf %max3A_345, %get3A_351 : vector<16xf32>
      %add3A_353 = arith.constant 24 : i32
      %add3A_354 = arith.addi %add3A_353, %and3A_182 : i32
      %get3A_355 = arith.index_cast %shift_right_arithmetic3A_181 : i32 to index
      %get3A_356 = arith.index_cast %add3A_354 : i32 to index
      %get3A_357 = arith.constant 16 : index
      %get3A_358 = tpu.vector_load %arg5[%get3A_355, %get3A_356, %get3A_357] {strides = array<i32>} : memref<8x48x128xf32, #tpu.memory_space<vmem>>, vector<16xf32>,
      %max3A_359 = arith.maximumf %max3A_352, %get3A_358 : vector<16xf32>
      %add3A_360 = arith.constant 24 : i32
      %add3A_361 = arith.addi %add3A_360, %and3A_182 : i32
      %get3A_362 = arith.index_cast %shift_right_arithmetic3A_181 : i32 to index
      %get3A_363 = arith.index_cast %add3A_361 : i32 to index
      %get3A_364 = arith.constant 32 : index
      %get3A_365 = tpu.vector_load %arg5[%get3A_362, %get3A_363, %get3A_364] {strides = array<i32>} : memref<8x48x128xf32, #tpu.memory_space<vmem>>, vector<16xf32>,
      %max3A_366 = arith.maximumf %max3A_359, %get3A_365 : vector<16xf32>
      %add3A_367 = arith.constant 24 : i32
      %add3A_368 = arith.addi %add3A_367, %and3A_182 : i32
      %get3A_369 = arith.index_cast %shift_right_arithmetic3A_181 : i32 to index
      %get3A_370 = arith.index_cast %add3A_368 : i32 to index
      %get3A_371 = arith.constant 48 : index
      %get3A_372 = tpu.vector_load %arg5[%get3A_369, %get3A_370, %get3A_371] {strides = array<i32>} : memref<8x48x128xf32, #tpu.memory_space<vmem>>, vector<16xf32>,
      %max3A_373 = arith.maximumf %max3A_366, %get3A_372 : vector<16xf32>
      %add3A_374 = arith.constant 24 : i32
      %add3A_375 = arith.addi %add3A_374, %and3A_182 : i32
      %get3A_376 = arith.index_cast %shift_right_arithmetic3A_181 : i32 to index
      %get3A_377 = arith.index_cast %add3A_375 : i32 to index
      %get3A_378 = arith.constant 64 : index
      %get3A_379 = tpu.vector_load %arg5[%get3A_376, %get3A_377, %get3A_378] {strides = array<i32>} : memref<8x48x128xf32, #tpu.memory_space<vmem>>, vector<16xf32>,
      %max3A_380 = arith.maximumf %max3A_373, %get3A_379 : vector<16xf32>
      %add3A_381 = arith.constant 24 : i32
      %add3A_382 = arith.addi %add3A_381, %and3A_182 : i32
      %get3A_383 = arith.index_cast %shift_right_arithmetic3A_181 : i32 to index
      %get3A_384 = arith.index_cast %add3A_382 : i32 to index
      %get3A_385 = arith.constant 80 : index
      %get3A_386 = tpu.vector_load %arg5[%get3A_383, %get3A_384, %get3A_385] {strides = array<i32>} : memref<8x48x128xf32, #tpu.memory_space<vmem>>, vector<16xf32>,
      %max3A_387 = arith.maximumf %max3A_380, %get3A_386 : vector<16xf32>
      %add3A_388 = arith.constant 24 : i32
      %add3A_389 = arith.addi %add3A_388, %and3A_182 : i32
      %get3A_390 = arith.index_cast %shift_right_arithmetic3A_181 : i32 to index
      %get3A_391 = arith.index_cast %add3A_389 : i32 to index
      %get3A_392 = arith.constant 96 : index
      %get3A_393 = tpu.vector_load %arg5[%get3A_390, %get3A_391, %get3A_392] {strides = array<i32>} : memref<8x48x128xf32, #tpu.memory_space<vmem>>, vector<16xf32>,
      %max3A_394 = arith.maximumf %max3A_387, %get3A_393 : vector<16xf32>
      %add3A_395 = arith.constant 24 : i32
      %add3A_396 = arith.addi %add3A_395, %and3A_182 : i32
      %get3A_397 = arith.index_cast %shift_right_arithmetic3A_181 : i32 to index
      %get3A_398 = arith.index_cast %add3A_396 : i32 to index
      %get3A_399 = arith.constant 112 : index
      %get3A_400 = tpu.vector_load %arg5[%get3A_397, %get3A_398, %get3A_399] {strides = array<i32>} : memref<8x48x128xf32, #tpu.memory_space<vmem>>, vector<16xf32>,
      %max3A_401 = arith.maximumf %max3A_394, %get3A_400 : vector<16xf32>
      %add3A_402 = arith.constant 32 : i32
      %add3A_403 = arith.addi %add3A_402, %and3A_182 : i32
      %get3A_404 = arith.index_cast %shift_right_arithmetic3A_181 : i32 to index
      %get3A_405 = arith.index_cast %add3A_403 : i32 to index
      %get3A_406 = arith.constant 0 : index
      %get3A_407 = tpu.vector_load %arg5[%get3A_404, %get3A_405, %get3A_406] {strides = array<i32>} : memref<8x48x128xf32, #tpu.memory_space<vmem>>, vector<16xf32>,
      %max3A_408 = arith.maximumf %max3A_401, %get3A_407 : vector<16xf32>
      %add3A_409 = arith.constant 32 : i32
      %add3A_410 = arith.addi %add3A_409, %and3A_182 : i32
      %get3A_411 = arith.index_cast %shift_right_arithmetic3A_181 : i32 to index
      %get3A_412 = arith.index_cast %add3A_410 : i32 to index
      %get3A_413 = arith.constant 16 : index
      %get3A_414 = tpu.vector_load %arg5[%get3A_411, %get3A_412, %get3A_413] {strides = array<i32>} : memref<8x48x128xf32, #tpu.memory_space<vmem>>, vector<16xf32>,
      %max3A_415 = arith.maximumf %max3A_408, %get3A_414 : vector<16xf32>
      %add3A_416 = arith.constant 32 : i32
      %add3A_417 = arith.addi %add3A_416, %and3A_182 : i32
      %get3A_418 = arith.index_cast %shift_right_arithmetic3A_181 : i32 to index
      %get3A_419 = arith.index_cast %add3A_417 : i32 to index
      %get3A_420 = arith.constant 32 : index
      %get3A_421 = tpu.vector_load %arg5[%get3A_418, %get3A_419, %get3A_420] {strides = array<i32>} : memref<8x48x128xf32, #tpu.memory_space<vmem>>, vector<16xf32>,
      %max3A_422 = arith.maximumf %max3A_415, %get3A_421 : vector<16xf32>
      %add3A_423 = arith.constant 32 : i32
      %add3A_424 = arith.addi %add3A_423, %and3A_182 : i32
      %get3A_425 = arith.index_cast %shift_right_arithmetic3A_181 : i32 to index
      %get3A_426 = arith.index_cast %add3A_424 : i32 to index
      %get3A_427 = arith.constant 48 : index
      %get3A_428 = tpu.vector_load %arg5[%get3A_425, %get3A_426, %get3A_427] {strides = array<i32>} : memref<8x48x128xf32, #tpu.memory_space<vmem>>, vector<16xf32>,
      %max3A_429 = arith.maximumf %max3A_422, %get3A_428 : vector<16xf32>
      %add3A_430 = arith.constant 32 : i32
      %add3A_431 = arith.addi %add3A_430, %and3A_182 : i32
      %get3A_432 = arith.index_cast %shift_right_arithmetic3A_181 : i32 to index
      %get3A_433 = arith.index_cast %add3A_431 : i32 to index
      %get3A_434 = arith.constant 64 : index
      %get3A_435 = tpu.vector_load %arg5[%get3A_432, %get3A_433, %get3A_434] {strides = array<i32>} : memref<8x48x128xf32, #tpu.memory_space<vmem>>, vector<16xf32>,
      %max3A_436 = arith.maximumf %max3A_429, %get3A_435 : vector<16xf32>
      %add3A_437 = arith.constant 32 : i32
      %add3A_438 = arith.addi %add3A_437, %and3A_182 : i32
      %get3A_439 = arith.index_cast %shift_right_arithmetic3A_181 : i32 to index
      %get3A_440 = arith.index_cast %add3A_438 : i32 to index
      %get3A_441 = arith.constant 80 : index
      %get3A_442 = tpu.vector_load %arg5[%get3A_439, %get3A_440, %get3A_441] {strides = array<i32>} : memref<8x48x128xf32, #tpu.memory_space<vmem>>, vector<16xf32>,
      %max3A_443 = arith.maximumf %max3A_436, %get3A_442 : vector<16xf32>
      %add3A_444 = arith.constant 32 : i32
      %add3A_445 = arith.addi %add3A_444, %and3A_182 : i32
      %get3A_446 = arith.index_cast %shift_right_arithmetic3A_181 : i32 to index
      %get3A_447 = arith.index_cast %add3A_445 : i32 to index
      %get3A_448 = arith.constant 96 : index
      %get3A_449 = tpu.vector_load %arg5[%get3A_446, %get3A_447, %get3A_448] {strides = array<i32>} : memref<8x48x128xf32, #tpu.memory_space<vmem>>, vector<16xf32>,
      %max3A_450 = arith.maximumf %max3A_443, %get3A_449 : vector<16xf32>
      %add3A_451 = arith.constant 32 : i32
      %add3A_452 = arith.addi %add3A_451, %and3A_182 : i32
      %get3A_453 = arith.index_cast %shift_right_arithmetic3A_181 : i32 to index
      %get3A_454 = arith.index_cast %add3A_452 : i32 to index
      %get3A_455 = arith.constant 112 : index
      %get3A_456 = tpu.vector_load %arg5[%get3A_453, %get3A_454, %get3A_455] {strides = array<i32>} : memref<8x48x128xf32, #tpu.memory_space<vmem>>, vector<16xf32>,
      %max3A_457 = arith.maximumf %max3A_450, %get3A_456 : vector<16xf32>
      %add3A_458 = arith.constant 40 : i32
      %add3A_459 = arith.addi %add3A_458, %and3A_182 : i32
      %get3A_460 = arith.index_cast %shift_right_arithmetic3A_181 : i32 to index
      %get3A_461 = arith.index_cast %add3A_459 : i32 to index
      %get3A_462 = arith.constant 0 : index
      %get3A_463 = tpu.vector_load %arg5[%get3A_460, %get3A_461, %get3A_462] {strides = array<i32>} : memref<8x48x128xf32, #tpu.memory_space<vmem>>, vector<16xf32>,
      %max3A_464 = arith.maximumf %max3A_457, %get3A_463 : vector<16xf32>
      %add3A_465 = arith.constant 40 : i32
      %add3A_466 = arith.addi %add3A_465, %and3A_182 : i32
      %get3A_467 = arith.index_cast %shift_right_arithmetic3A_181 : i32 to index
      %get3A_468 = arith.index_cast %add3A_466 : i32 to index
      %get3A_469 = arith.constant 16 : index
      %get3A_470 = tpu.vector_load %arg5[%get3A_467, %get3A_468, %get3A_469] {strides = array<i32>} : memref<8x48x128xf32, #tpu.memory_space<vmem>>, vector<16xf32>,
      %max3A_471 = arith.maximumf %max3A_464, %get3A_470 : vector<16xf32>
      %add3A_472 = arith.constant 40 : i32
      %add3A_473 = arith.addi %add3A_472, %and3A_182 : i32
      %get3A_474 = arith.index_cast %shift_right_arithmetic3A_181 : i32 to index
      %get3A_475 = arith.index_cast %add3A_473 : i32 to index
      %get3A_476 = arith.constant 32 : index
      %get3A_477 = tpu.vector_load %arg5[%get3A_474, %get3A_475, %get3A_476] {strides = array<i32>} : memref<8x48x128xf32, #tpu.memory_space<vmem>>, vector<16xf32>,
      %max3A_478 = arith.maximumf %max3A_471, %get3A_477 : vector<16xf32>
      %add3A_479 = arith.constant 40 : i32
      %add3A_480 = arith.addi %add3A_479, %and3A_182 : i32
      %get3A_481 = arith.index_cast %shift_right_arithmetic3A_181 : i32 to index
      %get3A_482 = arith.index_cast %add3A_480 : i32 to index
      %get3A_483 = arith.constant 48 : index
      %get3A_484 = tpu.vector_load %arg5[%get3A_481, %get3A_482, %get3A_483] {strides = array<i32>} : memref<8x48x128xf32, #tpu.memory_space<vmem>>, vector<16xf32>,
      %max3A_485 = arith.maximumf %max3A_478, %get3A_484 : vector<16xf32>
      %add3A_486 = arith.constant 40 : i32
      %add3A_487 = arith.addi %add3A_486, %and3A_182 : i32
      %get3A_488 = arith.index_cast %shift_right_arithmetic3A_181 : i32 to index
      %get3A_489 = arith.index_cast %add3A_487 : i32 to index
      %get3A_490 = arith.constant 64 : index
      %get3A_491 = tpu.vector_load %arg5[%get3A_488, %get3A_489, %get3A_490] {strides = array<i32>} : memref<8x48x128xf32, #tpu.memory_space<vmem>>, vector<16xf32>,
      %max3A_492 = arith.maximumf %max3A_485, %get3A_491 : vector<16xf32>
      %add3A_493 = arith.constant 40 : i32
      %add3A_494 = arith.addi %add3A_493, %and3A_182 : i32
      %get3A_495 = arith.index_cast %shift_right_arithmetic3A_181 : i32 to index
      %get3A_496 = arith.index_cast %add3A_494 : i32 to index
      %get3A_497 = arith.constant 80 : index
      %get3A_498 = tpu.vector_load %arg5[%get3A_495, %get3A_496, %get3A_497] {strides = array<i32>} : memref<8x48x128xf32, #tpu.memory_space<vmem>>, vector<16xf32>,
      %max3A_499 = arith.maximumf %max3A_492, %get3A_498 : vector<16xf32>
      %add3A_500 = arith.constant 40 : i32
      %add3A_501 = arith.addi %add3A_500, %and3A_182 : i32
      %get3A_502 = arith.index_cast %shift_right_arithmetic3A_181 : i32 to index
      %get3A_503 = arith.index_cast %add3A_501 : i32 to index
      %get3A_504 = arith.constant 96 : index
      %get3A_505 = tpu.vector_load %arg5[%get3A_502, %get3A_503, %get3A_504] {strides = array<i32>} : memref<8x48x128xf32, #tpu.memory_space<vmem>>, vector<16xf32>,
      %max3A_506 = arith.maximumf %max3A_499, %get3A_505 : vector<16xf32>
      %add3A_507 = arith.constant 40 : i32
      %add3A_508 = arith.addi %add3A_507, %and3A_182 : i32
      %get3A_509 = arith.index_cast %shift_right_arithmetic3A_181 : i32 to index
      %get3A_510 = arith.index_cast %add3A_508 : i32 to index
      %get3A_511 = arith.constant 112 : index
      %get3A_512 = tpu.vector_load %arg5[%get3A_509, %get3A_510, %get3A_511] {strides = array<i32>} : memref<8x48x128xf32, #tpu.memory_space<vmem>>, vector<16xf32>,
      %max3A_513 = arith.maximumf %max3A_506, %get3A_512 : vector<16xf32>
      %add3A_514 = arith.constant 320 : i32
      %add3A_515 = arith.addi %add3A_514, %scan3A_179 : i32
      %swap3A = arith.index_cast %add3A_515 : i32 to index
      %swap3A_516 = arith.constant 0 : index
      %swap3A_517 = tpu.vector_load %arg6[%swap3A, %swap3A_516] {strides = array<i32>} : memref<512x17xf32, #tpu.memory_space<vmem>>, vector<16xf32>,
      tpu.vector_store %arg6[%swap3A, %swap3A_516], %max3A_513 {strides = array<i32>} : memref<512x17xf32, #tpu.memory_space<vmem>>, vector<16xf32>,
      %scan3A_518 = arith.constant 0 : i32
      scf.yield %scan3A_518 : i32
    }
    %scan3A_135 = arith.constant 64 : i32
    %add3A_136 = arith.constant 56 : i32
    %add3A_137 = arith.addi %add3A_4, %add3A_136 : i32
    %dma_start3A_138 = arith.constant 0 : i32
    %dma_start3A_139 = arith.constant 0 : i32
    %dma_start3A_140 = tpu.memref_slice %arg2[%add3A_137, %dma_start3A_138, %dma_start3A_139] : memref<4096x48x128xf32, #tpu.memory_space<hbm>> -> memref<8x48x128xf32, #tpu.memory_space<hbm>>
    %dma_start3A_141 = arith.constant 0 : i32
    %dma_start3A_142 = arith.constant 0 : i32
    %dma_start3A_143 = tpu.memref_slice %arg2[%add3A_137, %dma_start3A_141, %dma_start3A_142] : memref<4096x48x128xf32, #tpu.memory_space<hbm>> -> memref<8x48x128xf32, #tpu.memory_space<hbm>>
    tpu.enqueue_dma source(%dma_start3A_143 : memref<8x48x128xf32, #tpu.memory_space<hbm>>) target(%arg5 : memref<8x48x128xf32, #tpu.memory_space<vmem>>) target_semaphore(%arg9 : memref<!tpu.dma_semaphore, #tpu.memory_space<semaphore_mem>>)
    %dma_wait3A_144 = arith.constant 0 : i32
    %dma_wait3A_145 = arith.constant 0 : i32
    %dma_wait3A_146 = tpu.memref_slice %arg2[%add3A_116, %dma_wait3A_144, %dma_wait3A_145] : memref<4096x48x128xf32, #tpu.memory_space<hbm>> -> memref<8x48x128xf32, #tpu.memory_space<hbm>>
    %dma_wait3A_147 = arith.constant 0 : i32
    %dma_wait3A_148 = arith.constant 0 : i32
    %dma_wait3A_149 = tpu.memref_slice %arg2[%add3A_116, %dma_wait3A_147, %dma_wait3A_148] : memref<4096x48x128xf32, #tpu.memory_space<hbm>> -> memref<8x48x128xf32, #tpu.memory_space<hbm>>
    tpu.wait_dma2 semaphore(%arg8 : memref<!tpu.dma_semaphore, #tpu.memory_space<semaphore_mem>>) src(%dma_wait3A_149 : memref<8x48x128xf32, #tpu.memory_space<hbm>>) dst(%arg4 : memref<8x48x128xf32, #tpu.memory_space<vmem>>)
    %scan3A_150 = arith.constant 0 : i32
    %scan3A_151 = arith.constant 0 : i32
    %scan3A_152 = arith.constant 64 : i32
    %scan3A_153 = arith.addi %scan3A_151, %scan3A_152 : i32
    %scan3A_154 = arith.constant 1 : i32
    %scan3A_155 = scf.for %scan3A_179 = %scan3A_151 to %scan3A_153 step %scan3A_154 iter_args(%scan3A_180 = %scan3A_150) -> (i32)  : i32 {
      %shift_right_arithmetic3A = arith.constant 3 : i32
      %shift_right_arithmetic3A_181 = arith.shrsi %scan3A_179, %shift_right_arithmetic3A : i32
      %and3A = arith.constant 7 : i32
      %and3A_182 = arith.andi %scan3A_179, %and3A : i32
      %get3A = arith.index_cast %shift_right_arithmetic3A_181 : i32 to index
      %get3A_183 = arith.index_cast %and3A_182 : i32 to index
      %get3A_184 = arith.constant 0 : index
      %get3A_185 = tpu.vector_load %arg4[%get3A, %get3A_183, %get3A_184] {strides = array<i32>} : memref<8x48x128xf32, #tpu.memory_space<vmem>>, vector<16xf32>,
      %add3A_186 = arith.constant 0 : i32
      %add3A_187 = arith.addi %add3A_186, %and3A_182 : i32
      %get3A_188 = arith.index_cast %shift_right_arithmetic3A_181 : i32 to index
      %get3A_189 = arith.index_cast %add3A_187 : i32 to index
      %get3A_190 = arith.constant 16 : index
      %get3A_191 = tpu.vector_load %arg4[%get3A_188, %get3A_189, %get3A_190] {strides = array<i32>} : memref<8x48x128xf32, #tpu.memory_space<vmem>>, vector<16xf32>,
      %max3A = arith.maximumf %get3A_185, %get3A_191 : vector<16xf32>
      %add3A_192 = arith.constant 0 : i32
      %add3A_193 = arith.addi %add3A_192, %and3A_182 : i32
      %get3A_194 = arith.index_cast %shift_right_arithmetic3A_181 : i32 to index
      %get3A_195 = arith.index_cast %add3A_193 : i32 to index
      %get3A_196 = arith.constant 32 : index
      %get3A_197 = tpu.vector_load %arg4[%get3A_194, %get3A_195, %get3A_196] {strides = array<i32>} : memref<8x48x128xf32, #tpu.memory_space<vmem>>, vector<16xf32>,
      %max3A_198 = arith.maximumf %max3A, %get3A_197 : vector<16xf32>
      %add3A_199 = arith.constant 0 : i32
      %add3A_200 = arith.addi %add3A_199, %and3A_182 : i32
      %get3A_201 = arith.index_cast %shift_right_arithmetic3A_181 : i32 to index
      %get3A_202 = arith.index_cast %add3A_200 : i32 to index
      %get3A_203 = arith.constant 48 : index
      %get3A_204 = tpu.vector_load %arg4[%get3A_201, %get3A_202, %get3A_203] {strides = array<i32>} : memref<8x48x128xf32, #tpu.memory_space<vmem>>, vector<16xf32>,
      %max3A_205 = arith.maximumf %max3A_198, %get3A_204 : vector<16xf32>
      %add3A_206 = arith.constant 0 : i32
      %add3A_207 = arith.addi %add3A_206, %and3A_182 : i32
      %get3A_208 = arith.index_cast %shift_right_arithmetic3A_181 : i32 to index
      %get3A_209 = arith.index_cast %add3A_207 : i32 to index
      %get3A_210 = arith.constant 64 : index
      %get3A_211 = tpu.vector_load %arg4[%get3A_208, %get3A_209, %get3A_210] {strides = array<i32>} : memref<8x48x128xf32, #tpu.memory_space<vmem>>, vector<16xf32>,
      %max3A_212 = arith.maximumf %max3A_205, %get3A_211 : vector<16xf32>
      %add3A_213 = arith.constant 0 : i32
      %add3A_214 = arith.addi %add3A_213, %and3A_182 : i32
      %get3A_215 = arith.index_cast %shift_right_arithmetic3A_181 : i32 to index
      %get3A_216 = arith.index_cast %add3A_214 : i32 to index
      %get3A_217 = arith.constant 80 : index
      %get3A_218 = tpu.vector_load %arg4[%get3A_215, %get3A_216, %get3A_217] {strides = array<i32>} : memref<8x48x128xf32, #tpu.memory_space<vmem>>, vector<16xf32>,
      %max3A_219 = arith.maximumf %max3A_212, %get3A_218 : vector<16xf32>
      %add3A_220 = arith.constant 0 : i32
      %add3A_221 = arith.addi %add3A_220, %and3A_182 : i32
      %get3A_222 = arith.index_cast %shift_right_arithmetic3A_181 : i32 to index
      %get3A_223 = arith.index_cast %add3A_221 : i32 to index
      %get3A_224 = arith.constant 96 : index
      %get3A_225 = tpu.vector_load %arg4[%get3A_222, %get3A_223, %get3A_224] {strides = array<i32>} : memref<8x48x128xf32, #tpu.memory_space<vmem>>, vector<16xf32>,
      %max3A_226 = arith.maximumf %max3A_219, %get3A_225 : vector<16xf32>
      %add3A_227 = arith.constant 0 : i32
      %add3A_228 = arith.addi %add3A_227, %and3A_182 : i32
      %get3A_229 = arith.index_cast %shift_right_arithmetic3A_181 : i32 to index
      %get3A_230 = arith.index_cast %add3A_228 : i32 to index
      %get3A_231 = arith.constant 112 : index
      %get3A_232 = tpu.vector_load %arg4[%get3A_229, %get3A_230, %get3A_231] {strides = array<i32>} : memref<8x48x128xf32, #tpu.memory_space<vmem>>, vector<16xf32>,
      %max3A_233 = arith.maximumf %max3A_226, %get3A_232 : vector<16xf32>
      %add3A_234 = arith.constant 8 : i32
      %add3A_235 = arith.addi %add3A_234, %and3A_182 : i32
      %get3A_236 = arith.index_cast %shift_right_arithmetic3A_181 : i32 to index
      %get3A_237 = arith.index_cast %add3A_235 : i32 to index
      %get3A_238 = arith.constant 0 : index
      %get3A_239 = tpu.vector_load %arg4[%get3A_236, %get3A_237, %get3A_238] {strides = array<i32>} : memref<8x48x128xf32, #tpu.memory_space<vmem>>, vector<16xf32>,
      %max3A_240 = arith.maximumf %max3A_233, %get3A_239 : vector<16xf32>
      %add3A_241 = arith.constant 8 : i32
      %add3A_242 = arith.addi %add3A_241, %and3A_182 : i32
      %get3A_243 = arith.index_cast %shift_right_arithmetic3A_181 : i32 to index
      %get3A_244 = arith.index_cast %add3A_242 : i32 to index
      %get3A_245 = arith.constant 16 : index
      %get3A_246 = tpu.vector_load %arg4[%get3A_243, %get3A_244, %get3A_245] {strides = array<i32>} : memref<8x48x128xf32, #tpu.memory_space<vmem>>, vector<16xf32>,
      %max3A_247 = arith.maximumf %max3A_240, %get3A_246 : vector<16xf32>
      %add3A_248 = arith.constant 8 : i32
      %add3A_249 = arith.addi %add3A_248, %and3A_182 : i32
      %get3A_250 = arith.index_cast %shift_right_arithmetic3A_181 : i32 to index
      %get3A_251 = arith.index_cast %add3A_249 : i32 to index
      %get3A_252 = arith.constant 32 : index
      %get3A_253 = tpu.vector_load %arg4[%get3A_250, %get3A_251, %get3A_252] {strides = array<i32>} : memref<8x48x128xf32, #tpu.memory_space<vmem>>, vector<16xf32>,
      %max3A_254 = arith.maximumf %max3A_247, %get3A_253 : vector<16xf32>
      %add3A_255 = arith.constant 8 : i32
      %add3A_256 = arith.addi %add3A_255, %and3A_182 : i32
      %get3A_257 = arith.index_cast %shift_right_arithmetic3A_181 : i32 to index
      %get3A_258 = arith.index_cast %add3A_256 : i32 to index
      %get3A_259 = arith.constant 48 : index
      %get3A_260 = tpu.vector_load %arg4[%get3A_257, %get3A_258, %get3A_259] {strides = array<i32>} : memref<8x48x128xf32, #tpu.memory_space<vmem>>, vector<16xf32>,
      %max3A_261 = arith.maximumf %max3A_254, %get3A_260 : vector<16xf32>
      %add3A_262 = arith.constant 8 : i32
      %add3A_263 = arith.addi %add3A_262, %and3A_182 : i32
      %get3A_264 = arith.index_cast %shift_right_arithmetic3A_181 : i32 to index
      %get3A_265 = arith.index_cast %add3A_263 : i32 to index
      %get3A_266 = arith.constant 64 : index
      %get3A_267 = tpu.vector_load %arg4[%get3A_264, %get3A_265, %get3A_266] {strides = array<i32>} : memref<8x48x128xf32, #tpu.memory_space<vmem>>, vector<16xf32>,
      %max3A_268 = arith.maximumf %max3A_261, %get3A_267 : vector<16xf32>
      %add3A_269 = arith.constant 8 : i32
      %add3A_270 = arith.addi %add3A_269, %and3A_182 : i32
      %get3A_271 = arith.index_cast %shift_right_arithmetic3A_181 : i32 to index
      %get3A_272 = arith.index_cast %add3A_270 : i32 to index
      %get3A_273 = arith.constant 80 : index
      %get3A_274 = tpu.vector_load %arg4[%get3A_271, %get3A_272, %get3A_273] {strides = array<i32>} : memref<8x48x128xf32, #tpu.memory_space<vmem>>, vector<16xf32>,
      %max3A_275 = arith.maximumf %max3A_268, %get3A_274 : vector<16xf32>
      %add3A_276 = arith.constant 8 : i32
      %add3A_277 = arith.addi %add3A_276, %and3A_182 : i32
      %get3A_278 = arith.index_cast %shift_right_arithmetic3A_181 : i32 to index
      %get3A_279 = arith.index_cast %add3A_277 : i32 to index
      %get3A_280 = arith.constant 96 : index
      %get3A_281 = tpu.vector_load %arg4[%get3A_278, %get3A_279, %get3A_280] {strides = array<i32>} : memref<8x48x128xf32, #tpu.memory_space<vmem>>, vector<16xf32>,
      %max3A_282 = arith.maximumf %max3A_275, %get3A_281 : vector<16xf32>
      %add3A_283 = arith.constant 8 : i32
      %add3A_284 = arith.addi %add3A_283, %and3A_182 : i32
      %get3A_285 = arith.index_cast %shift_right_arithmetic3A_181 : i32 to index
      %get3A_286 = arith.index_cast %add3A_284 : i32 to index
      %get3A_287 = arith.constant 112 : index
      %get3A_288 = tpu.vector_load %arg4[%get3A_285, %get3A_286, %get3A_287] {strides = array<i32>} : memref<8x48x128xf32, #tpu.memory_space<vmem>>, vector<16xf32>,
      %max3A_289 = arith.maximumf %max3A_282, %get3A_288 : vector<16xf32>
      %add3A_290 = arith.constant 16 : i32
      %add3A_291 = arith.addi %add3A_290, %and3A_182 : i32
      %get3A_292 = arith.index_cast %shift_right_arithmetic3A_181 : i32 to index
      %get3A_293 = arith.index_cast %add3A_291 : i32 to index
      %get3A_294 = arith.constant 0 : index
      %get3A_295 = tpu.vector_load %arg4[%get3A_292, %get3A_293, %get3A_294] {strides = array<i32>} : memref<8x48x128xf32, #tpu.memory_space<vmem>>, vector<16xf32>,
      %max3A_296 = arith.maximumf %max3A_289, %get3A_295 : vector<16xf32>
      %add3A_297 = arith.constant 16 : i32
      %add3A_298 = arith.addi %add3A_297, %and3A_182 : i32
      %get3A_299 = arith.index_cast %shift_right_arithmetic3A_181 : i32 to index
      %get3A_300 = arith.index_cast %add3A_298 : i32 to index
      %get3A_301 = arith.constant 16 : index
      %get3A_302 = tpu.vector_load %arg4[%get3A_299, %get3A_300, %get3A_301] {strides = array<i32>} : memref<8x48x128xf32, #tpu.memory_space<vmem>>, vector<16xf32>,
      %max3A_303 = arith.maximumf %max3A_296, %get3A_302 : vector<16xf32>
      %add3A_304 = arith.constant 16 : i32
      %add3A_305 = arith.addi %add3A_304, %and3A_182 : i32
      %get3A_306 = arith.index_cast %shift_right_arithmetic3A_181 : i32 to index
      %get3A_307 = arith.index_cast %add3A_305 : i32 to index
      %get3A_308 = arith.constant 32 : index
      %get3A_309 = tpu.vector_load %arg4[%get3A_306, %get3A_307, %get3A_308] {strides = array<i32>} : memref<8x48x128xf32, #tpu.memory_space<vmem>>, vector<16xf32>,
      %max3A_310 = arith.maximumf %max3A_303, %get3A_309 : vector<16xf32>
      %add3A_311 = arith.constant 16 : i32
      %add3A_312 = arith.addi %add3A_311, %and3A_182 : i32
      %get3A_313 = arith.index_cast %shift_right_arithmetic3A_181 : i32 to index
      %get3A_314 = arith.index_cast %add3A_312 : i32 to index
      %get3A_315 = arith.constant 48 : index
      %get3A_316 = tpu.vector_load %arg4[%get3A_313, %get3A_314, %get3A_315] {strides = array<i32>} : memref<8x48x128xf32, #tpu.memory_space<vmem>>, vector<16xf32>,
      %max3A_317 = arith.maximumf %max3A_310, %get3A_316 : vector<16xf32>
      %add3A_318 = arith.constant 16 : i32
      %add3A_319 = arith.addi %add3A_318, %and3A_182 : i32
      %get3A_320 = arith.index_cast %shift_right_arithmetic3A_181 : i32 to index
      %get3A_321 = arith.index_cast %add3A_319 : i32 to index
      %get3A_322 = arith.constant 64 : index
      %get3A_323 = tpu.vector_load %arg4[%get3A_320, %get3A_321, %get3A_322] {strides = array<i32>} : memref<8x48x128xf32, #tpu.memory_space<vmem>>, vector<16xf32>,
      %max3A_324 = arith.maximumf %max3A_317, %get3A_323 : vector<16xf32>
      %add3A_325 = arith.constant 16 : i32
      %add3A_326 = arith.addi %add3A_325, %and3A_182 : i32
      %get3A_327 = arith.index_cast %shift_right_arithmetic3A_181 : i32 to index
      %get3A_328 = arith.index_cast %add3A_326 : i32 to index
      %get3A_329 = arith.constant 80 : index
      %get3A_330 = tpu.vector_load %arg4[%get3A_327, %get3A_328, %get3A_329] {strides = array<i32>} : memref<8x48x128xf32, #tpu.memory_space<vmem>>, vector<16xf32>,
      %max3A_331 = arith.maximumf %max3A_324, %get3A_330 : vector<16xf32>
      %add3A_332 = arith.constant 16 : i32
      %add3A_333 = arith.addi %add3A_332, %and3A_182 : i32
      %get3A_334 = arith.index_cast %shift_right_arithmetic3A_181 : i32 to index
      %get3A_335 = arith.index_cast %add3A_333 : i32 to index
      %get3A_336 = arith.constant 96 : index
      %get3A_337 = tpu.vector_load %arg4[%get3A_334, %get3A_335, %get3A_336] {strides = array<i32>} : memref<8x48x128xf32, #tpu.memory_space<vmem>>, vector<16xf32>,
      %max3A_338 = arith.maximumf %max3A_331, %get3A_337 : vector<16xf32>
      %add3A_339 = arith.constant 16 : i32
      %add3A_340 = arith.addi %add3A_339, %and3A_182 : i32
      %get3A_341 = arith.index_cast %shift_right_arithmetic3A_181 : i32 to index
      %get3A_342 = arith.index_cast %add3A_340 : i32 to index
      %get3A_343 = arith.constant 112 : index
      %get3A_344 = tpu.vector_load %arg4[%get3A_341, %get3A_342, %get3A_343] {strides = array<i32>} : memref<8x48x128xf32, #tpu.memory_space<vmem>>, vector<16xf32>,
      %max3A_345 = arith.maximumf %max3A_338, %get3A_344 : vector<16xf32>
      %add3A_346 = arith.constant 24 : i32
      %add3A_347 = arith.addi %add3A_346, %and3A_182 : i32
      %get3A_348 = arith.index_cast %shift_right_arithmetic3A_181 : i32 to index
      %get3A_349 = arith.index_cast %add3A_347 : i32 to index
      %get3A_350 = arith.constant 0 : index
      %get3A_351 = tpu.vector_load %arg4[%get3A_348, %get3A_349, %get3A_350] {strides = array<i32>} : memref<8x48x128xf32, #tpu.memory_space<vmem>>, vector<16xf32>,
      %max3A_352 = arith.maximumf %max3A_345, %get3A_351 : vector<16xf32>
      %add3A_353 = arith.constant 24 : i32
      %add3A_354 = arith.addi %add3A_353, %and3A_182 : i32
      %get3A_355 = arith.index_cast %shift_right_arithmetic3A_181 : i32 to index
      %get3A_356 = arith.index_cast %add3A_354 : i32 to index
      %get3A_357 = arith.constant 16 : index
      %get3A_358 = tpu.vector_load %arg4[%get3A_355, %get3A_356, %get3A_357] {strides = array<i32>} : memref<8x48x128xf32, #tpu.memory_space<vmem>>, vector<16xf32>,
      %max3A_359 = arith.maximumf %max3A_352, %get3A_358 : vector<16xf32>
      %add3A_360 = arith.constant 24 : i32
      %add3A_361 = arith.addi %add3A_360, %and3A_182 : i32
      %get3A_362 = arith.index_cast %shift_right_arithmetic3A_181 : i32 to index
      %get3A_363 = arith.index_cast %add3A_361 : i32 to index
      %get3A_364 = arith.constant 32 : index
      %get3A_365 = tpu.vector_load %arg4[%get3A_362, %get3A_363, %get3A_364] {strides = array<i32>} : memref<8x48x128xf32, #tpu.memory_space<vmem>>, vector<16xf32>,
      %max3A_366 = arith.maximumf %max3A_359, %get3A_365 : vector<16xf32>
      %add3A_367 = arith.constant 24 : i32
      %add3A_368 = arith.addi %add3A_367, %and3A_182 : i32
      %get3A_369 = arith.index_cast %shift_right_arithmetic3A_181 : i32 to index
      %get3A_370 = arith.index_cast %add3A_368 : i32 to index
      %get3A_371 = arith.constant 48 : index
      %get3A_372 = tpu.vector_load %arg4[%get3A_369, %get3A_370, %get3A_371] {strides = array<i32>} : memref<8x48x128xf32, #tpu.memory_space<vmem>>, vector<16xf32>,
      %max3A_373 = arith.maximumf %max3A_366, %get3A_372 : vector<16xf32>
      %add3A_374 = arith.constant 24 : i32
      %add3A_375 = arith.addi %add3A_374, %and3A_182 : i32
      %get3A_376 = arith.index_cast %shift_right_arithmetic3A_181 : i32 to index
      %get3A_377 = arith.index_cast %add3A_375 : i32 to index
      %get3A_378 = arith.constant 64 : index
      %get3A_379 = tpu.vector_load %arg4[%get3A_376, %get3A_377, %get3A_378] {strides = array<i32>} : memref<8x48x128xf32, #tpu.memory_space<vmem>>, vector<16xf32>,
      %max3A_380 = arith.maximumf %max3A_373, %get3A_379 : vector<16xf32>
      %add3A_381 = arith.constant 24 : i32
      %add3A_382 = arith.addi %add3A_381, %and3A_182 : i32
      %get3A_383 = arith.index_cast %shift_right_arithmetic3A_181 : i32 to index
      %get3A_384 = arith.index_cast %add3A_382 : i32 to index
      %get3A_385 = arith.constant 80 : index
      %get3A_386 = tpu.vector_load %arg4[%get3A_383, %get3A_384, %get3A_385] {strides = array<i32>} : memref<8x48x128xf32, #tpu.memory_space<vmem>>, vector<16xf32>,
      %max3A_387 = arith.maximumf %max3A_380, %get3A_386 : vector<16xf32>
      %add3A_388 = arith.constant 24 : i32
      %add3A_389 = arith.addi %add3A_388, %and3A_182 : i32
      %get3A_390 = arith.index_cast %shift_right_arithmetic3A_181 : i32 to index
      %get3A_391 = arith.index_cast %add3A_389 : i32 to index
      %get3A_392 = arith.constant 96 : index
      %get3A_393 = tpu.vector_load %arg4[%get3A_390, %get3A_391, %get3A_392] {strides = array<i32>} : memref<8x48x128xf32, #tpu.memory_space<vmem>>, vector<16xf32>,
      %max3A_394 = arith.maximumf %max3A_387, %get3A_393 : vector<16xf32>
      %add3A_395 = arith.constant 24 : i32
      %add3A_396 = arith.addi %add3A_395, %and3A_182 : i32
      %get3A_397 = arith.index_cast %shift_right_arithmetic3A_181 : i32 to index
      %get3A_398 = arith.index_cast %add3A_396 : i32 to index
      %get3A_399 = arith.constant 112 : index
      %get3A_400 = tpu.vector_load %arg4[%get3A_397, %get3A_398, %get3A_399] {strides = array<i32>} : memref<8x48x128xf32, #tpu.memory_space<vmem>>, vector<16xf32>,
      %max3A_401 = arith.maximumf %max3A_394, %get3A_400 : vector<16xf32>
      %add3A_402 = arith.constant 32 : i32
      %add3A_403 = arith.addi %add3A_402, %and3A_182 : i32
      %get3A_404 = arith.index_cast %shift_right_arithmetic3A_181 : i32 to index
      %get3A_405 = arith.index_cast %add3A_403 : i32 to index
      %get3A_406 = arith.constant 0 : index
      %get3A_407 = tpu.vector_load %arg4[%get3A_404, %get3A_405, %get3A_406] {strides = array<i32>} : memref<8x48x128xf32, #tpu.memory_space<vmem>>, vector<16xf32>,
      %max3A_408 = arith.maximumf %max3A_401, %get3A_407 : vector<16xf32>
      %add3A_409 = arith.constant 32 : i32
      %add3A_410 = arith.addi %add3A_409, %and3A_182 : i32
      %get3A_411 = arith.index_cast %shift_right_arithmetic3A_181 : i32 to index
      %get3A_412 = arith.index_cast %add3A_410 : i32 to index
      %get3A_413 = arith.constant 16 : index
      %get3A_414 = tpu.vector_load %arg4[%get3A_411, %get3A_412, %get3A_413] {strides = array<i32>} : memref<8x48x128xf32, #tpu.memory_space<vmem>>, vector<16xf32>,
      %max3A_415 = arith.maximumf %max3A_408, %get3A_414 : vector<16xf32>
      %add3A_416 = arith.constant 32 : i32
      %add3A_417 = arith.addi %add3A_416, %and3A_182 : i32
      %get3A_418 = arith.index_cast %shift_right_arithmetic3A_181 : i32 to index
      %get3A_419 = arith.index_cast %add3A_417 : i32 to index
      %get3A_420 = arith.constant 32 : index
      %get3A_421 = tpu.vector_load %arg4[%get3A_418, %get3A_419, %get3A_420] {strides = array<i32>} : memref<8x48x128xf32, #tpu.memory_space<vmem>>, vector<16xf32>,
      %max3A_422 = arith.maximumf %max3A_415, %get3A_421 : vector<16xf32>
      %add3A_423 = arith.constant 32 : i32
      %add3A_424 = arith.addi %add3A_423, %and3A_182 : i32
      %get3A_425 = arith.index_cast %shift_right_arithmetic3A_181 : i32 to index
      %get3A_426 = arith.index_cast %add3A_424 : i32 to index
      %get3A_427 = arith.constant 48 : index
      %get3A_428 = tpu.vector_load %arg4[%get3A_425, %get3A_426, %get3A_427] {strides = array<i32>} : memref<8x48x128xf32, #tpu.memory_space<vmem>>, vector<16xf32>,
      %max3A_429 = arith.maximumf %max3A_422, %get3A_428 : vector<16xf32>
      %add3A_430 = arith.constant 32 : i32
      %add3A_431 = arith.addi %add3A_430, %and3A_182 : i32
      %get3A_432 = arith.index_cast %shift_right_arithmetic3A_181 : i32 to index
      %get3A_433 = arith.index_cast %add3A_431 : i32 to index
      %get3A_434 = arith.constant 64 : index
      %get3A_435 = tpu.vector_load %arg4[%get3A_432, %get3A_433, %get3A_434] {strides = array<i32>} : memref<8x48x128xf32, #tpu.memory_space<vmem>>, vector<16xf32>,
      %max3A_436 = arith.maximumf %max3A_429, %get3A_435 : vector<16xf32>
      %add3A_437 = arith.constant 32 : i32
      %add3A_438 = arith.addi %add3A_437, %and3A_182 : i32
      %get3A_439 = arith.index_cast %shift_right_arithmetic3A_181 : i32 to index
      %get3A_440 = arith.index_cast %add3A_438 : i32 to index
      %get3A_441 = arith.constant 80 : index
      %get3A_442 = tpu.vector_load %arg4[%get3A_439, %get3A_440, %get3A_441] {strides = array<i32>} : memref<8x48x128xf32, #tpu.memory_space<vmem>>, vector<16xf32>,
      %max3A_443 = arith.maximumf %max3A_436, %get3A_442 : vector<16xf32>
      %add3A_444 = arith.constant 32 : i32
      %add3A_445 = arith.addi %add3A_444, %and3A_182 : i32
      %get3A_446 = arith.index_cast %shift_right_arithmetic3A_181 : i32 to index
      %get3A_447 = arith.index_cast %add3A_445 : i32 to index
      %get3A_448 = arith.constant 96 : index
      %get3A_449 = tpu.vector_load %arg4[%get3A_446, %get3A_447, %get3A_448] {strides = array<i32>} : memref<8x48x128xf32, #tpu.memory_space<vmem>>, vector<16xf32>,
      %max3A_450 = arith.maximumf %max3A_443, %get3A_449 : vector<16xf32>
      %add3A_451 = arith.constant 32 : i32
      %add3A_452 = arith.addi %add3A_451, %and3A_182 : i32
      %get3A_453 = arith.index_cast %shift_right_arithmetic3A_181 : i32 to index
      %get3A_454 = arith.index_cast %add3A_452 : i32 to index
      %get3A_455 = arith.constant 112 : index
      %get3A_456 = tpu.vector_load %arg4[%get3A_453, %get3A_454, %get3A_455] {strides = array<i32>} : memref<8x48x128xf32, #tpu.memory_space<vmem>>, vector<16xf32>,
      %max3A_457 = arith.maximumf %max3A_450, %get3A_456 : vector<16xf32>
      %add3A_458 = arith.constant 40 : i32
      %add3A_459 = arith.addi %add3A_458, %and3A_182 : i32
      %get3A_460 = arith.index_cast %shift_right_arithmetic3A_181 : i32 to index
      %get3A_461 = arith.index_cast %add3A_459 : i32 to index
      %get3A_462 = arith.constant 0 : index
      %get3A_463 = tpu.vector_load %arg4[%get3A_460, %get3A_461, %get3A_462] {strides = array<i32>} : memref<8x48x128xf32, #tpu.memory_space<vmem>>, vector<16xf32>,
      %max3A_464 = arith.maximumf %max3A_457, %get3A_463 : vector<16xf32>
      %add3A_465 = arith.constant 40 : i32
      %add3A_466 = arith.addi %add3A_465, %and3A_182 : i32
      %get3A_467 = arith.index_cast %shift_right_arithmetic3A_181 : i32 to index
      %get3A_468 = arith.index_cast %add3A_466 : i32 to index
      %get3A_469 = arith.constant 16 : index
      %get3A_470 = tpu.vector_load %arg4[%get3A_467, %get3A_468, %get3A_469] {strides = array<i32>} : memref<8x48x128xf32, #tpu.memory_space<vmem>>, vector<16xf32>,
      %max3A_471 = arith.maximumf %max3A_464, %get3A_470 : vector<16xf32>
      %add3A_472 = arith.constant 40 : i32
      %add3A_473 = arith.addi %add3A_472, %and3A_182 : i32
      %get3A_474 = arith.index_cast %shift_right_arithmetic3A_181 : i32 to index
      %get3A_475 = arith.index_cast %add3A_473 : i32 to index
      %get3A_476 = arith.constant 32 : index
      %get3A_477 = tpu.vector_load %arg4[%get3A_474, %get3A_475, %get3A_476] {strides = array<i32>} : memref<8x48x128xf32, #tpu.memory_space<vmem>>, vector<16xf32>,
      %max3A_478 = arith.maximumf %max3A_471, %get3A_477 : vector<16xf32>
      %add3A_479 = arith.constant 40 : i32
      %add3A_480 = arith.addi %add3A_479, %and3A_182 : i32
      %get3A_481 = arith.index_cast %shift_right_arithmetic3A_181 : i32 to index
      %get3A_482 = arith.index_cast %add3A_480 : i32 to index
      %get3A_483 = arith.constant 48 : index
      %get3A_484 = tpu.vector_load %arg4[%get3A_481, %get3A_482, %get3A_483] {strides = array<i32>} : memref<8x48x128xf32, #tpu.memory_space<vmem>>, vector<16xf32>,
      %max3A_485 = arith.maximumf %max3A_478, %get3A_484 : vector<16xf32>
      %add3A_486 = arith.constant 40 : i32
      %add3A_487 = arith.addi %add3A_486, %and3A_182 : i32
      %get3A_488 = arith.index_cast %shift_right_arithmetic3A_181 : i32 to index
      %get3A_489 = arith.index_cast %add3A_487 : i32 to index
      %get3A_490 = arith.constant 64 : index
      %get3A_491 = tpu.vector_load %arg4[%get3A_488, %get3A_489, %get3A_490] {strides = array<i32>} : memref<8x48x128xf32, #tpu.memory_space<vmem>>, vector<16xf32>,
      %max3A_492 = arith.maximumf %max3A_485, %get3A_491 : vector<16xf32>
      %add3A_493 = arith.constant 40 : i32
      %add3A_494 = arith.addi %add3A_493, %and3A_182 : i32
      %get3A_495 = arith.index_cast %shift_right_arithmetic3A_181 : i32 to index
      %get3A_496 = arith.index_cast %add3A_494 : i32 to index
      %get3A_497 = arith.constant 80 : index
      %get3A_498 = tpu.vector_load %arg4[%get3A_495, %get3A_496, %get3A_497] {strides = array<i32>} : memref<8x48x128xf32, #tpu.memory_space<vmem>>, vector<16xf32>,
      %max3A_499 = arith.maximumf %max3A_492, %get3A_498 : vector<16xf32>
      %add3A_500 = arith.constant 40 : i32
      %add3A_501 = arith.addi %add3A_500, %and3A_182 : i32
      %get3A_502 = arith.index_cast %shift_right_arithmetic3A_181 : i32 to index
      %get3A_503 = arith.index_cast %add3A_501 : i32 to index
      %get3A_504 = arith.constant 96 : index
      %get3A_505 = tpu.vector_load %arg4[%get3A_502, %get3A_503, %get3A_504] {strides = array<i32>} : memref<8x48x128xf32, #tpu.memory_space<vmem>>, vector<16xf32>,
      %max3A_506 = arith.maximumf %max3A_499, %get3A_505 : vector<16xf32>
      %add3A_507 = arith.constant 40 : i32
      %add3A_508 = arith.addi %add3A_507, %and3A_182 : i32
      %get3A_509 = arith.index_cast %shift_right_arithmetic3A_181 : i32 to index
      %get3A_510 = arith.index_cast %add3A_508 : i32 to index
      %get3A_511 = arith.constant 112 : index
      %get3A_512 = tpu.vector_load %arg4[%get3A_509, %get3A_510, %get3A_511] {strides = array<i32>} : memref<8x48x128xf32, #tpu.memory_space<vmem>>, vector<16xf32>,
      %max3A_513 = arith.maximumf %max3A_506, %get3A_512 : vector<16xf32>
      %add3A_514 = arith.constant 384 : i32
      %add3A_515 = arith.addi %add3A_514, %scan3A_179 : i32
      %swap3A = arith.index_cast %add3A_515 : i32 to index
      %swap3A_516 = arith.constant 0 : index
      %swap3A_517 = tpu.vector_load %arg6[%swap3A, %swap3A_516] {strides = array<i32>} : memref<512x17xf32, #tpu.memory_space<vmem>>, vector<16xf32>,
      tpu.vector_store %arg6[%swap3A, %swap3A_516], %max3A_513 {strides = array<i32>} : memref<512x17xf32, #tpu.memory_space<vmem>>, vector<16xf32>,
      %scan3A_518 = arith.constant 0 : i32
      scf.yield %scan3A_518 : i32
    }
    %scan3A_156 = arith.constant 64 : i32
    %dma_wait3A_157 = arith.constant 0 : i32
    %dma_wait3A_158 = arith.constant 0 : i32
    %dma_wait3A_159 = tpu.memref_slice %arg2[%add3A_137, %dma_wait3A_157, %dma_wait3A_158] : memref<4096x48x128xf32, #tpu.memory_space<hbm>> -> memref<8x48x128xf32, #tpu.memory_space<hbm>>
    %dma_wait3A_160 = arith.constant 0 : i32
    %dma_wait3A_161 = arith.constant 0 : i32
    %dma_wait3A_162 = tpu.memref_slice %arg2[%add3A_137, %dma_wait3A_160, %dma_wait3A_161] : memref<4096x48x128xf32, #tpu.memory_space<hbm>> -> memref<8x48x128xf32, #tpu.memory_space<hbm>>
    tpu.wait_dma2 semaphore(%arg9 : memref<!tpu.dma_semaphore, #tpu.memory_space<semaphore_mem>>) src(%dma_wait3A_162 : memref<8x48x128xf32, #tpu.memory_space<hbm>>) dst(%arg5 : memref<8x48x128xf32, #tpu.memory_space<vmem>>)
    %scan3A_163 = arith.constant 0 : i32
    %scan3A_164 = arith.constant 0 : i32
    %scan3A_165 = arith.constant 64 : i32
    %scan3A_166 = arith.addi %scan3A_164, %scan3A_165 : i32
    %scan3A_167 = arith.constant 1 : i32
    %scan3A_168 = scf.for %scan3A_179 = %scan3A_164 to %scan3A_166 step %scan3A_167 iter_args(%scan3A_180 = %scan3A_163) -> (i32)  : i32 {
      %shift_right_arithmetic3A = arith.constant 3 : i32
      %shift_right_arithmetic3A_181 = arith.shrsi %scan3A_179, %shift_right_arithmetic3A : i32
      %and3A = arith.constant 7 : i32
      %and3A_182 = arith.andi %scan3A_179, %and3A : i32
      %get3A = arith.index_cast %shift_right_arithmetic3A_181 : i32 to index
      %get3A_183 = arith.index_cast %and3A_182 : i32 to index
      %get3A_184 = arith.constant 0 : index
      %get3A_185 = tpu.vector_load %arg5[%get3A, %get3A_183, %get3A_184] {strides = array<i32>} : memref<8x48x128xf32, #tpu.memory_space<vmem>>, vector<16xf32>,
      %add3A_186 = arith.constant 0 : i32
      %add3A_187 = arith.addi %add3A_186, %and3A_182 : i32
      %get3A_188 = arith.index_cast %shift_right_arithmetic3A_181 : i32 to index
      %get3A_189 = arith.index_cast %add3A_187 : i32 to index
      %get3A_190 = arith.constant 16 : index
      %get3A_191 = tpu.vector_load %arg5[%get3A_188, %get3A_189, %get3A_190] {strides = array<i32>} : memref<8x48x128xf32, #tpu.memory_space<vmem>>, vector<16xf32>,
      %max3A = arith.maximumf %get3A_185, %get3A_191 : vector<16xf32>
      %add3A_192 = arith.constant 0 : i32
      %add3A_193 = arith.addi %add3A_192, %and3A_182 : i32
      %get3A_194 = arith.index_cast %shift_right_arithmetic3A_181 : i32 to index
      %get3A_195 = arith.index_cast %add3A_193 : i32 to index
      %get3A_196 = arith.constant 32 : index
      %get3A_197 = tpu.vector_load %arg5[%get3A_194, %get3A_195, %get3A_196] {strides = array<i32>} : memref<8x48x128xf32, #tpu.memory_space<vmem>>, vector<16xf32>,
      %max3A_198 = arith.maximumf %max3A, %get3A_197 : vector<16xf32>
      %add3A_199 = arith.constant 0 : i32
      %add3A_200 = arith.addi %add3A_199, %and3A_182 : i32
      %get3A_201 = arith.index_cast %shift_right_arithmetic3A_181 : i32 to index
      %get3A_202 = arith.index_cast %add3A_200 : i32 to index
      %get3A_203 = arith.constant 48 : index
      %get3A_204 = tpu.vector_load %arg5[%get3A_201, %get3A_202, %get3A_203] {strides = array<i32>} : memref<8x48x128xf32, #tpu.memory_space<vmem>>, vector<16xf32>,
      %max3A_205 = arith.maximumf %max3A_198, %get3A_204 : vector<16xf32>
      %add3A_206 = arith.constant 0 : i32
      %add3A_207 = arith.addi %add3A_206, %and3A_182 : i32
      %get3A_208 = arith.index_cast %shift_right_arithmetic3A_181 : i32 to index
      %get3A_209 = arith.index_cast %add3A_207 : i32 to index
      %get3A_210 = arith.constant 64 : index
      %get3A_211 = tpu.vector_load %arg5[%get3A_208, %get3A_209, %get3A_210] {strides = array<i32>} : memref<8x48x128xf32, #tpu.memory_space<vmem>>, vector<16xf32>,
      %max3A_212 = arith.maximumf %max3A_205, %get3A_211 : vector<16xf32>
      %add3A_213 = arith.constant 0 : i32
      %add3A_214 = arith.addi %add3A_213, %and3A_182 : i32
      %get3A_215 = arith.index_cast %shift_right_arithmetic3A_181 : i32 to index
      %get3A_216 = arith.index_cast %add3A_214 : i32 to index
      %get3A_217 = arith.constant 80 : index
      %get3A_218 = tpu.vector_load %arg5[%get3A_215, %get3A_216, %get3A_217] {strides = array<i32>} : memref<8x48x128xf32, #tpu.memory_space<vmem>>, vector<16xf32>,
      %max3A_219 = arith.maximumf %max3A_212, %get3A_218 : vector<16xf32>
      %add3A_220 = arith.constant 0 : i32
      %add3A_221 = arith.addi %add3A_220, %and3A_182 : i32
      %get3A_222 = arith.index_cast %shift_right_arithmetic3A_181 : i32 to index
      %get3A_223 = arith.index_cast %add3A_221 : i32 to index
      %get3A_224 = arith.constant 96 : index
      %get3A_225 = tpu.vector_load %arg5[%get3A_222, %get3A_223, %get3A_224] {strides = array<i32>} : memref<8x48x128xf32, #tpu.memory_space<vmem>>, vector<16xf32>,
      %max3A_226 = arith.maximumf %max3A_219, %get3A_225 : vector<16xf32>
      %add3A_227 = arith.constant 0 : i32
      %add3A_228 = arith.addi %add3A_227, %and3A_182 : i32
      %get3A_229 = arith.index_cast %shift_right_arithmetic3A_181 : i32 to index
      %get3A_230 = arith.index_cast %add3A_228 : i32 to index
      %get3A_231 = arith.constant 112 : index
      %get3A_232 = tpu.vector_load %arg5[%get3A_229, %get3A_230, %get3A_231] {strides = array<i32>} : memref<8x48x128xf32, #tpu.memory_space<vmem>>, vector<16xf32>,
      %max3A_233 = arith.maximumf %max3A_226, %get3A_232 : vector<16xf32>
      %add3A_234 = arith.constant 8 : i32
      %add3A_235 = arith.addi %add3A_234, %and3A_182 : i32
      %get3A_236 = arith.index_cast %shift_right_arithmetic3A_181 : i32 to index
      %get3A_237 = arith.index_cast %add3A_235 : i32 to index
      %get3A_238 = arith.constant 0 : index
      %get3A_239 = tpu.vector_load %arg5[%get3A_236, %get3A_237, %get3A_238] {strides = array<i32>} : memref<8x48x128xf32, #tpu.memory_space<vmem>>, vector<16xf32>,
      %max3A_240 = arith.maximumf %max3A_233, %get3A_239 : vector<16xf32>
      %add3A_241 = arith.constant 8 : i32
      %add3A_242 = arith.addi %add3A_241, %and3A_182 : i32
      %get3A_243 = arith.index_cast %shift_right_arithmetic3A_181 : i32 to index
      %get3A_244 = arith.index_cast %add3A_242 : i32 to index
      %get3A_245 = arith.constant 16 : index
      %get3A_246 = tpu.vector_load %arg5[%get3A_243, %get3A_244, %get3A_245] {strides = array<i32>} : memref<8x48x128xf32, #tpu.memory_space<vmem>>, vector<16xf32>,
      %max3A_247 = arith.maximumf %max3A_240, %get3A_246 : vector<16xf32>
      %add3A_248 = arith.constant 8 : i32
      %add3A_249 = arith.addi %add3A_248, %and3A_182 : i32
      %get3A_250 = arith.index_cast %shift_right_arithmetic3A_181 : i32 to index
      %get3A_251 = arith.index_cast %add3A_249 : i32 to index
      %get3A_252 = arith.constant 32 : index
      %get3A_253 = tpu.vector_load %arg5[%get3A_250, %get3A_251, %get3A_252] {strides = array<i32>} : memref<8x48x128xf32, #tpu.memory_space<vmem>>, vector<16xf32>,
      %max3A_254 = arith.maximumf %max3A_247, %get3A_253 : vector<16xf32>
      %add3A_255 = arith.constant 8 : i32
      %add3A_256 = arith.addi %add3A_255, %and3A_182 : i32
      %get3A_257 = arith.index_cast %shift_right_arithmetic3A_181 : i32 to index
      %get3A_258 = arith.index_cast %add3A_256 : i32 to index
      %get3A_259 = arith.constant 48 : index
      %get3A_260 = tpu.vector_load %arg5[%get3A_257, %get3A_258, %get3A_259] {strides = array<i32>} : memref<8x48x128xf32, #tpu.memory_space<vmem>>, vector<16xf32>,
      %max3A_261 = arith.maximumf %max3A_254, %get3A_260 : vector<16xf32>
      %add3A_262 = arith.constant 8 : i32
      %add3A_263 = arith.addi %add3A_262, %and3A_182 : i32
      %get3A_264 = arith.index_cast %shift_right_arithmetic3A_181 : i32 to index
      %get3A_265 = arith.index_cast %add3A_263 : i32 to index
      %get3A_266 = arith.constant 64 : index
      %get3A_267 = tpu.vector_load %arg5[%get3A_264, %get3A_265, %get3A_266] {strides = array<i32>} : memref<8x48x128xf32, #tpu.memory_space<vmem>>, vector<16xf32>,
      %max3A_268 = arith.maximumf %max3A_261, %get3A_267 : vector<16xf32>
      %add3A_269 = arith.constant 8 : i32
      %add3A_270 = arith.addi %add3A_269, %and3A_182 : i32
      %get3A_271 = arith.index_cast %shift_right_arithmetic3A_181 : i32 to index
      %get3A_272 = arith.index_cast %add3A_270 : i32 to index
      %get3A_273 = arith.constant 80 : index
      %get3A_274 = tpu.vector_load %arg5[%get3A_271, %get3A_272, %get3A_273] {strides = array<i32>} : memref<8x48x128xf32, #tpu.memory_space<vmem>>, vector<16xf32>,
      %max3A_275 = arith.maximumf %max3A_268, %get3A_274 : vector<16xf32>
      %add3A_276 = arith.constant 8 : i32
      %add3A_277 = arith.addi %add3A_276, %and3A_182 : i32
      %get3A_278 = arith.index_cast %shift_right_arithmetic3A_181 : i32 to index
      %get3A_279 = arith.index_cast %add3A_277 : i32 to index
      %get3A_280 = arith.constant 96 : index
      %get3A_281 = tpu.vector_load %arg5[%get3A_278, %get3A_279, %get3A_280] {strides = array<i32>} : memref<8x48x128xf32, #tpu.memory_space<vmem>>, vector<16xf32>,
      %max3A_282 = arith.maximumf %max3A_275, %get3A_281 : vector<16xf32>
      %add3A_283 = arith.constant 8 : i32
      %add3A_284 = arith.addi %add3A_283, %and3A_182 : i32
      %get3A_285 = arith.index_cast %shift_right_arithmetic3A_181 : i32 to index
      %get3A_286 = arith.index_cast %add3A_284 : i32 to index
      %get3A_287 = arith.constant 112 : index
      %get3A_288 = tpu.vector_load %arg5[%get3A_285, %get3A_286, %get3A_287] {strides = array<i32>} : memref<8x48x128xf32, #tpu.memory_space<vmem>>, vector<16xf32>,
      %max3A_289 = arith.maximumf %max3A_282, %get3A_288 : vector<16xf32>
      %add3A_290 = arith.constant 16 : i32
      %add3A_291 = arith.addi %add3A_290, %and3A_182 : i32
      %get3A_292 = arith.index_cast %shift_right_arithmetic3A_181 : i32 to index
      %get3A_293 = arith.index_cast %add3A_291 : i32 to index
      %get3A_294 = arith.constant 0 : index
      %get3A_295 = tpu.vector_load %arg5[%get3A_292, %get3A_293, %get3A_294] {strides = array<i32>} : memref<8x48x128xf32, #tpu.memory_space<vmem>>, vector<16xf32>,
      %max3A_296 = arith.maximumf %max3A_289, %get3A_295 : vector<16xf32>
      %add3A_297 = arith.constant 16 : i32
      %add3A_298 = arith.addi %add3A_297, %and3A_182 : i32
      %get3A_299 = arith.index_cast %shift_right_arithmetic3A_181 : i32 to index
      %get3A_300 = arith.index_cast %add3A_298 : i32 to index
      %get3A_301 = arith.constant 16 : index
      %get3A_302 = tpu.vector_load %arg5[%get3A_299, %get3A_300, %get3A_301] {strides = array<i32>} : memref<8x48x128xf32, #tpu.memory_space<vmem>>, vector<16xf32>,
      %max3A_303 = arith.maximumf %max3A_296, %get3A_302 : vector<16xf32>
      %add3A_304 = arith.constant 16 : i32
      %add3A_305 = arith.addi %add3A_304, %and3A_182 : i32
      %get3A_306 = arith.index_cast %shift_right_arithmetic3A_181 : i32 to index
      %get3A_307 = arith.index_cast %add3A_305 : i32 to index
      %get3A_308 = arith.constant 32 : index
      %get3A_309 = tpu.vector_load %arg5[%get3A_306, %get3A_307, %get3A_308] {strides = array<i32>} : memref<8x48x128xf32, #tpu.memory_space<vmem>>, vector<16xf32>,
      %max3A_310 = arith.maximumf %max3A_303, %get3A_309 : vector<16xf32>
      %add3A_311 = arith.constant 16 : i32
      %add3A_312 = arith.addi %add3A_311, %and3A_182 : i32
      %get3A_313 = arith.index_cast %shift_right_arithmetic3A_181 : i32 to index
      %get3A_314 = arith.index_cast %add3A_312 : i32 to index
      %get3A_315 = arith.constant 48 : index
      %get3A_316 = tpu.vector_load %arg5[%get3A_313, %get3A_314, %get3A_315] {strides = array<i32>} : memref<8x48x128xf32, #tpu.memory_space<vmem>>, vector<16xf32>,
      %max3A_317 = arith.maximumf %max3A_310, %get3A_316 : vector<16xf32>
      %add3A_318 = arith.constant 16 : i32
      %add3A_319 = arith.addi %add3A_318, %and3A_182 : i32
      %get3A_320 = arith.index_cast %shift_right_arithmetic3A_181 : i32 to index
      %get3A_321 = arith.index_cast %add3A_319 : i32 to index
      %get3A_322 = arith.constant 64 : index
      %get3A_323 = tpu.vector_load %arg5[%get3A_320, %get3A_321, %get3A_322] {strides = array<i32>} : memref<8x48x128xf32, #tpu.memory_space<vmem>>, vector<16xf32>,
      %max3A_324 = arith.maximumf %max3A_317, %get3A_323 : vector<16xf32>
      %add3A_325 = arith.constant 16 : i32
      %add3A_326 = arith.addi %add3A_325, %and3A_182 : i32
      %get3A_327 = arith.index_cast %shift_right_arithmetic3A_181 : i32 to index
      %get3A_328 = arith.index_cast %add3A_326 : i32 to index
      %get3A_329 = arith.constant 80 : index
      %get3A_330 = tpu.vector_load %arg5[%get3A_327, %get3A_328, %get3A_329] {strides = array<i32>} : memref<8x48x128xf32, #tpu.memory_space<vmem>>, vector<16xf32>,
      %max3A_331 = arith.maximumf %max3A_324, %get3A_330 : vector<16xf32>
      %add3A_332 = arith.constant 16 : i32
      %add3A_333 = arith.addi %add3A_332, %and3A_182 : i32
      %get3A_334 = arith.index_cast %shift_right_arithmetic3A_181 : i32 to index
      %get3A_335 = arith.index_cast %add3A_333 : i32 to index
      %get3A_336 = arith.constant 96 : index
      %get3A_337 = tpu.vector_load %arg5[%get3A_334, %get3A_335, %get3A_336] {strides = array<i32>} : memref<8x48x128xf32, #tpu.memory_space<vmem>>, vector<16xf32>,
      %max3A_338 = arith.maximumf %max3A_331, %get3A_337 : vector<16xf32>
      %add3A_339 = arith.constant 16 : i32
      %add3A_340 = arith.addi %add3A_339, %and3A_182 : i32
      %get3A_341 = arith.index_cast %shift_right_arithmetic3A_181 : i32 to index
      %get3A_342 = arith.index_cast %add3A_340 : i32 to index
      %get3A_343 = arith.constant 112 : index
      %get3A_344 = tpu.vector_load %arg5[%get3A_341, %get3A_342, %get3A_343] {strides = array<i32>} : memref<8x48x128xf32, #tpu.memory_space<vmem>>, vector<16xf32>,
      %max3A_345 = arith.maximumf %max3A_338, %get3A_344 : vector<16xf32>
      %add3A_346 = arith.constant 24 : i32
      %add3A_347 = arith.addi %add3A_346, %and3A_182 : i32
      %get3A_348 = arith.index_cast %shift_right_arithmetic3A_181 : i32 to index
      %get3A_349 = arith.index_cast %add3A_347 : i32 to index
      %get3A_350 = arith.constant 0 : index
      %get3A_351 = tpu.vector_load %arg5[%get3A_348, %get3A_349, %get3A_350] {strides = array<i32>} : memref<8x48x128xf32, #tpu.memory_space<vmem>>, vector<16xf32>,
      %max3A_352 = arith.maximumf %max3A_345, %get3A_351 : vector<16xf32>
      %add3A_353 = arith.constant 24 : i32
      %add3A_354 = arith.addi %add3A_353, %and3A_182 : i32
      %get3A_355 = arith.index_cast %shift_right_arithmetic3A_181 : i32 to index
      %get3A_356 = arith.index_cast %add3A_354 : i32 to index
      %get3A_357 = arith.constant 16 : index
      %get3A_358 = tpu.vector_load %arg5[%get3A_355, %get3A_356, %get3A_357] {strides = array<i32>} : memref<8x48x128xf32, #tpu.memory_space<vmem>>, vector<16xf32>,
      %max3A_359 = arith.maximumf %max3A_352, %get3A_358 : vector<16xf32>
      %add3A_360 = arith.constant 24 : i32
      %add3A_361 = arith.addi %add3A_360, %and3A_182 : i32
      %get3A_362 = arith.index_cast %shift_right_arithmetic3A_181 : i32 to index
      %get3A_363 = arith.index_cast %add3A_361 : i32 to index
      %get3A_364 = arith.constant 32 : index
      %get3A_365 = tpu.vector_load %arg5[%get3A_362, %get3A_363, %get3A_364] {strides = array<i32>} : memref<8x48x128xf32, #tpu.memory_space<vmem>>, vector<16xf32>,
      %max3A_366 = arith.maximumf %max3A_359, %get3A_365 : vector<16xf32>
      %add3A_367 = arith.constant 24 : i32
      %add3A_368 = arith.addi %add3A_367, %and3A_182 : i32
      %get3A_369 = arith.index_cast %shift_right_arithmetic3A_181 : i32 to index
      %get3A_370 = arith.index_cast %add3A_368 : i32 to index
      %get3A_371 = arith.constant 48 : index
      %get3A_372 = tpu.vector_load %arg5[%get3A_369, %get3A_370, %get3A_371] {strides = array<i32>} : memref<8x48x128xf32, #tpu.memory_space<vmem>>, vector<16xf32>,
      %max3A_373 = arith.maximumf %max3A_366, %get3A_372 : vector<16xf32>
      %add3A_374 = arith.constant 24 : i32
      %add3A_375 = arith.addi %add3A_374, %and3A_182 : i32
      %get3A_376 = arith.index_cast %shift_right_arithmetic3A_181 : i32 to index
      %get3A_377 = arith.index_cast %add3A_375 : i32 to index
      %get3A_378 = arith.constant 64 : index
      %get3A_379 = tpu.vector_load %arg5[%get3A_376, %get3A_377, %get3A_378] {strides = array<i32>} : memref<8x48x128xf32, #tpu.memory_space<vmem>>, vector<16xf32>,
      %max3A_380 = arith.maximumf %max3A_373, %get3A_379 : vector<16xf32>
      %add3A_381 = arith.constant 24 : i32
      %add3A_382 = arith.addi %add3A_381, %and3A_182 : i32
      %get3A_383 = arith.index_cast %shift_right_arithmetic3A_181 : i32 to index
      %get3A_384 = arith.index_cast %add3A_382 : i32 to index
      %get3A_385 = arith.constant 80 : index
      %get3A_386 = tpu.vector_load %arg5[%get3A_383, %get3A_384, %get3A_385] {strides = array<i32>} : memref<8x48x128xf32, #tpu.memory_space<vmem>>, vector<16xf32>,
      %max3A_387 = arith.maximumf %max3A_380, %get3A_386 : vector<16xf32>
      %add3A_388 = arith.constant 24 : i32
      %add3A_389 = arith.addi %add3A_388, %and3A_182 : i32
      %get3A_390 = arith.index_cast %shift_right_arithmetic3A_181 : i32 to index
      %get3A_391 = arith.index_cast %add3A_389 : i32 to index
      %get3A_392 = arith.constant 96 : index
      %get3A_393 = tpu.vector_load %arg5[%get3A_390, %get3A_391, %get3A_392] {strides = array<i32>} : memref<8x48x128xf32, #tpu.memory_space<vmem>>, vector<16xf32>,
      %max3A_394 = arith.maximumf %max3A_387, %get3A_393 : vector<16xf32>
      %add3A_395 = arith.constant 24 : i32
      %add3A_396 = arith.addi %add3A_395, %and3A_182 : i32
      %get3A_397 = arith.index_cast %shift_right_arithmetic3A_181 : i32 to index
      %get3A_398 = arith.index_cast %add3A_396 : i32 to index
      %get3A_399 = arith.constant 112 : index
      %get3A_400 = tpu.vector_load %arg5[%get3A_397, %get3A_398, %get3A_399] {strides = array<i32>} : memref<8x48x128xf32, #tpu.memory_space<vmem>>, vector<16xf32>,
      %max3A_401 = arith.maximumf %max3A_394, %get3A_400 : vector<16xf32>
      %add3A_402 = arith.constant 32 : i32
      %add3A_403 = arith.addi %add3A_402, %and3A_182 : i32
      %get3A_404 = arith.index_cast %shift_right_arithmetic3A_181 : i32 to index
      %get3A_405 = arith.index_cast %add3A_403 : i32 to index
      %get3A_406 = arith.constant 0 : index
      %get3A_407 = tpu.vector_load %arg5[%get3A_404, %get3A_405, %get3A_406] {strides = array<i32>} : memref<8x48x128xf32, #tpu.memory_space<vmem>>, vector<16xf32>,
      %max3A_408 = arith.maximumf %max3A_401, %get3A_407 : vector<16xf32>
      %add3A_409 = arith.constant 32 : i32
      %add3A_410 = arith.addi %add3A_409, %and3A_182 : i32
      %get3A_411 = arith.index_cast %shift_right_arithmetic3A_181 : i32 to index
      %get3A_412 = arith.index_cast %add3A_410 : i32 to index
      %get3A_413 = arith.constant 16 : index
      %get3A_414 = tpu.vector_load %arg5[%get3A_411, %get3A_412, %get3A_413] {strides = array<i32>} : memref<8x48x128xf32, #tpu.memory_space<vmem>>, vector<16xf32>,
      %max3A_415 = arith.maximumf %max3A_408, %get3A_414 : vector<16xf32>
      %add3A_416 = arith.constant 32 : i32
      %add3A_417 = arith.addi %add3A_416, %and3A_182 : i32
      %get3A_418 = arith.index_cast %shift_right_arithmetic3A_181 : i32 to index
      %get3A_419 = arith.index_cast %add3A_417 : i32 to index
      %get3A_420 = arith.constant 32 : index
      %get3A_421 = tpu.vector_load %arg5[%get3A_418, %get3A_419, %get3A_420] {strides = array<i32>} : memref<8x48x128xf32, #tpu.memory_space<vmem>>, vector<16xf32>,
      %max3A_422 = arith.maximumf %max3A_415, %get3A_421 : vector<16xf32>
      %add3A_423 = arith.constant 32 : i32
      %add3A_424 = arith.addi %add3A_423, %and3A_182 : i32
      %get3A_425 = arith.index_cast %shift_right_arithmetic3A_181 : i32 to index
      %get3A_426 = arith.index_cast %add3A_424 : i32 to index
      %get3A_427 = arith.constant 48 : index
      %get3A_428 = tpu.vector_load %arg5[%get3A_425, %get3A_426, %get3A_427] {strides = array<i32>} : memref<8x48x128xf32, #tpu.memory_space<vmem>>, vector<16xf32>,
      %max3A_429 = arith.maximumf %max3A_422, %get3A_428 : vector<16xf32>
      %add3A_430 = arith.constant 32 : i32
      %add3A_431 = arith.addi %add3A_430, %and3A_182 : i32
      %get3A_432 = arith.index_cast %shift_right_arithmetic3A_181 : i32 to index
      %get3A_433 = arith.index_cast %add3A_431 : i32 to index
      %get3A_434 = arith.constant 64 : index
      %get3A_435 = tpu.vector_load %arg5[%get3A_432, %get3A_433, %get3A_434] {strides = array<i32>} : memref<8x48x128xf32, #tpu.memory_space<vmem>>, vector<16xf32>,
      %max3A_436 = arith.maximumf %max3A_429, %get3A_435 : vector<16xf32>
      %add3A_437 = arith.constant 32 : i32
      %add3A_438 = arith.addi %add3A_437, %and3A_182 : i32
      %get3A_439 = arith.index_cast %shift_right_arithmetic3A_181 : i32 to index
      %get3A_440 = arith.index_cast %add3A_438 : i32 to index
      %get3A_441 = arith.constant 80 : index
      %get3A_442 = tpu.vector_load %arg5[%get3A_439, %get3A_440, %get3A_441] {strides = array<i32>} : memref<8x48x128xf32, #tpu.memory_space<vmem>>, vector<16xf32>,
      %max3A_443 = arith.maximumf %max3A_436, %get3A_442 : vector<16xf32>
      %add3A_444 = arith.constant 32 : i32
      %add3A_445 = arith.addi %add3A_444, %and3A_182 : i32
      %get3A_446 = arith.index_cast %shift_right_arithmetic3A_181 : i32 to index
      %get3A_447 = arith.index_cast %add3A_445 : i32 to index
      %get3A_448 = arith.constant 96 : index
      %get3A_449 = tpu.vector_load %arg5[%get3A_446, %get3A_447, %get3A_448] {strides = array<i32>} : memref<8x48x128xf32, #tpu.memory_space<vmem>>, vector<16xf32>,
      %max3A_450 = arith.maximumf %max3A_443, %get3A_449 : vector<16xf32>
      %add3A_451 = arith.constant 32 : i32
      %add3A_452 = arith.addi %add3A_451, %and3A_182 : i32
      %get3A_453 = arith.index_cast %shift_right_arithmetic3A_181 : i32 to index
      %get3A_454 = arith.index_cast %add3A_452 : i32 to index
      %get3A_455 = arith.constant 112 : index
      %get3A_456 = tpu.vector_load %arg5[%get3A_453, %get3A_454, %get3A_455] {strides = array<i32>} : memref<8x48x128xf32, #tpu.memory_space<vmem>>, vector<16xf32>,
      %max3A_457 = arith.maximumf %max3A_450, %get3A_456 : vector<16xf32>
      %add3A_458 = arith.constant 40 : i32
      %add3A_459 = arith.addi %add3A_458, %and3A_182 : i32
      %get3A_460 = arith.index_cast %shift_right_arithmetic3A_181 : i32 to index
      %get3A_461 = arith.index_cast %add3A_459 : i32 to index
      %get3A_462 = arith.constant 0 : index
      %get3A_463 = tpu.vector_load %arg5[%get3A_460, %get3A_461, %get3A_462] {strides = array<i32>} : memref<8x48x128xf32, #tpu.memory_space<vmem>>, vector<16xf32>,
      %max3A_464 = arith.maximumf %max3A_457, %get3A_463 : vector<16xf32>
      %add3A_465 = arith.constant 40 : i32
      %add3A_466 = arith.addi %add3A_465, %and3A_182 : i32
      %get3A_467 = arith.index_cast %shift_right_arithmetic3A_181 : i32 to index
      %get3A_468 = arith.index_cast %add3A_466 : i32 to index
      %get3A_469 = arith.constant 16 : index
      %get3A_470 = tpu.vector_load %arg5[%get3A_467, %get3A_468, %get3A_469] {strides = array<i32>} : memref<8x48x128xf32, #tpu.memory_space<vmem>>, vector<16xf32>,
      %max3A_471 = arith.maximumf %max3A_464, %get3A_470 : vector<16xf32>
      %add3A_472 = arith.constant 40 : i32
      %add3A_473 = arith.addi %add3A_472, %and3A_182 : i32
      %get3A_474 = arith.index_cast %shift_right_arithmetic3A_181 : i32 to index
      %get3A_475 = arith.index_cast %add3A_473 : i32 to index
      %get3A_476 = arith.constant 32 : index
      %get3A_477 = tpu.vector_load %arg5[%get3A_474, %get3A_475, %get3A_476] {strides = array<i32>} : memref<8x48x128xf32, #tpu.memory_space<vmem>>, vector<16xf32>,
      %max3A_478 = arith.maximumf %max3A_471, %get3A_477 : vector<16xf32>
      %add3A_479 = arith.constant 40 : i32
      %add3A_480 = arith.addi %add3A_479, %and3A_182 : i32
      %get3A_481 = arith.index_cast %shift_right_arithmetic3A_181 : i32 to index
      %get3A_482 = arith.index_cast %add3A_480 : i32 to index
      %get3A_483 = arith.constant 48 : index
      %get3A_484 = tpu.vector_load %arg5[%get3A_481, %get3A_482, %get3A_483] {strides = array<i32>} : memref<8x48x128xf32, #tpu.memory_space<vmem>>, vector<16xf32>,
      %max3A_485 = arith.maximumf %max3A_478, %get3A_484 : vector<16xf32>
      %add3A_486 = arith.constant 40 : i32
      %add3A_487 = arith.addi %add3A_486, %and3A_182 : i32
      %get3A_488 = arith.index_cast %shift_right_arithmetic3A_181 : i32 to index
      %get3A_489 = arith.index_cast %add3A_487 : i32 to index
      %get3A_490 = arith.constant 64 : index
      %get3A_491 = tpu.vector_load %arg5[%get3A_488, %get3A_489, %get3A_490] {strides = array<i32>} : memref<8x48x128xf32, #tpu.memory_space<vmem>>, vector<16xf32>,
      %max3A_492 = arith.maximumf %max3A_485, %get3A_491 : vector<16xf32>
      %add3A_493 = arith.constant 40 : i32
      %add3A_494 = arith.addi %add3A_493, %and3A_182 : i32
      %get3A_495 = arith.index_cast %shift_right_arithmetic3A_181 : i32 to index
      %get3A_496 = arith.index_cast %add3A_494 : i32 to index
      %get3A_497 = arith.constant 80 : index
      %get3A_498 = tpu.vector_load %arg5[%get3A_495, %get3A_496, %get3A_497] {strides = array<i32>} : memref<8x48x128xf32, #tpu.memory_space<vmem>>, vector<16xf32>,
      %max3A_499 = arith.maximumf %max3A_492, %get3A_498 : vector<16xf32>
      %add3A_500 = arith.constant 40 : i32
      %add3A_501 = arith.addi %add3A_500, %and3A_182 : i32
      %get3A_502 = arith.index_cast %shift_right_arithmetic3A_181 : i32 to index
      %get3A_503 = arith.index_cast %add3A_501 : i32 to index
      %get3A_504 = arith.constant 96 : index
      %get3A_505 = tpu.vector_load %arg5[%get3A_502, %get3A_503, %get3A_504] {strides = array<i32>} : memref<8x48x128xf32, #tpu.memory_space<vmem>>, vector<16xf32>,
      %max3A_506 = arith.maximumf %max3A_499, %get3A_505 : vector<16xf32>
      %add3A_507 = arith.constant 40 : i32
      %add3A_508 = arith.addi %add3A_507, %and3A_182 : i32
      %get3A_509 = arith.index_cast %shift_right_arithmetic3A_181 : i32 to index
      %get3A_510 = arith.index_cast %add3A_508 : i32 to index
      %get3A_511 = arith.constant 112 : index
      %get3A_512 = tpu.vector_load %arg5[%get3A_509, %get3A_510, %get3A_511] {strides = array<i32>} : memref<8x48x128xf32, #tpu.memory_space<vmem>>, vector<16xf32>,
      %max3A_513 = arith.maximumf %max3A_506, %get3A_512 : vector<16xf32>
      %add3A_514 = arith.constant 448 : i32
      %add3A_515 = arith.addi %add3A_514, %scan3A_179 : i32
      %swap3A = arith.index_cast %add3A_515 : i32 to index
      %swap3A_516 = arith.constant 0 : index
      %swap3A_517 = tpu.vector_load %arg6[%swap3A, %swap3A_516] {strides = array<i32>} : memref<512x17xf32, #tpu.memory_space<vmem>>, vector<16xf32>,
      tpu.vector_store %arg6[%swap3A, %swap3A_516], %max3A_513 {strides = array<i32>} : memref<512x17xf32, #tpu.memory_space<vmem>>, vector<16xf32>,
      %scan3A_518 = arith.constant 0 : i32
      scf.yield %scan3A_518 : i32
    }
    %scan3A_169 = arith.constant 64 : i32
    %scan3A_170 = arith.constant 0 : i32
    %scan3A_171 = arith.constant 0 : i32
    %scan3A_172 = arith.constant 32 : i32
    %scan3A_173 = arith.addi %scan3A_171, %scan3A_172 : i32
    %scan3A_174 = arith.constant 4 : i32
    %scan3A_175 = scf.for %scan3A_179 = %scan3A_171 to %scan3A_173 step %scan3A_174 iter_args(%scan3A_180 = %scan3A_170) -> (i32)  : i32 {
      %mul3A_181 = arith.constant 16 : i32
      %mul3A_182 = arith.muli %scan3A_179, %mul3A_181 : i32
      %broadcast_in_dim3A = vector.broadcast %mul3A_182 : i32 to vector<16xi32>
      %add3A_183 = arith.addi %broadcast_in_dim3A, %iota3A : vector<16xi32>
      %broadcast_in_dim3A_184 = arith.constant 0 : i32
      %broadcast_in_dim3A_185 = vector.broadcast %broadcast_in_dim3A_184 : i32 to vector<16xi32>
      %gather3A = tpu.vector_load_idx %arg6[%add3A_183, %broadcast_in_dim3A_185] : memref<512x17xf32, #tpu.memory_space<vmem>>[vector<16xi32>, vector<16xi32>], vector<16xf32>,
      %broadcast_in_dim3A_186 = arith.constant 4 : i32
      %broadcast_in_dim3A_187 = vector.broadcast %broadcast_in_dim3A_186 : i32 to vector<16xi32>
      %gather3A_188 = tpu.vector_load_idx %arg6[%add3A_183, %broadcast_in_dim3A_187] : memref<512x17xf32, #tpu.memory_space<vmem>>[vector<16xi32>, vector<16xi32>], vector<16xf32>,
      %max3A = arith.maximumf %gather3A, %gather3A_188 : vector<16xf32>
      %broadcast_in_dim3A_189 = arith.constant 8 : i32
      %broadcast_in_dim3A_190 = vector.broadcast %broadcast_in_dim3A_189 : i32 to vector<16xi32>
      %gather3A_191 = tpu.vector_load_idx %arg6[%add3A_183, %broadcast_in_dim3A_190] : memref<512x17xf32, #tpu.memory_space<vmem>>[vector<16xi32>, vector<16xi32>], vector<16xf32>,
      %broadcast_in_dim3A_192 = arith.constant 12 : i32
      %broadcast_in_dim3A_193 = vector.broadcast %broadcast_in_dim3A_192 : i32 to vector<16xi32>
      %gather3A_194 = tpu.vector_load_idx %arg6[%add3A_183, %broadcast_in_dim3A_193] : memref<512x17xf32, #tpu.memory_space<vmem>>[vector<16xi32>, vector<16xi32>], vector<16xf32>,
      %max3A_195 = arith.maximumf %gather3A_191, %gather3A_194 : vector<16xf32>
      %max3A_196 = arith.maximumf %max3A, %max3A_195 : vector<16xf32>
      %mul3A_197 = arith.constant 16 : i32
      %mul3A_198 = arith.muli %scan3A_179, %mul3A_197 : i32
      %swap3A = arith.index_cast %mul3A_198 : i32 to index
      %swap3A_199 = tpu.vector_load %arg7[%swap3A] {strides = array<i32>} : memref<512xf32, #tpu.memory_space<vmem>>, vector<16xf32>,
      tpu.vector_store %arg7[%swap3A], %max3A_196 {strides = array<i32>} : memref<512xf32, #tpu.memory_space<vmem>>, vector<16xf32>,
      %scan3A_200 = arith.constant 0 : i32
      %scan3A_201 = arith.constant 1 : i32
      %scan3A_202 = arith.addi %scan3A_179, %scan3A_201 : i32
      %mul3A_203 = arith.constant 16 : i32
      %mul3A_204 = arith.muli %scan3A_202, %mul3A_203 : i32
      %broadcast_in_dim3A_205 = vector.broadcast %mul3A_204 : i32 to vector<16xi32>
      %add3A_206 = arith.addi %broadcast_in_dim3A_205, %iota3A : vector<16xi32>
      %broadcast_in_dim3A_207 = arith.constant 0 : i32
      %broadcast_in_dim3A_208 = vector.broadcast %broadcast_in_dim3A_207 : i32 to vector<16xi32>
      %gather3A_209 = tpu.vector_load_idx %arg6[%add3A_206, %broadcast_in_dim3A_208] : memref<512x17xf32, #tpu.memory_space<vmem>>[vector<16xi32>, vector<16xi32>], vector<16xf32>,
      %broadcast_in_dim3A_210 = arith.constant 4 : i32
      %broadcast_in_dim3A_211 = vector.broadcast %broadcast_in_dim3A_210 : i32 to vector<16xi32>
      %gather3A_212 = tpu.vector_load_idx %arg6[%add3A_206, %broadcast_in_dim3A_211] : memref<512x17xf32, #tpu.memory_space<vmem>>[vector<16xi32>, vector<16xi32>], vector<16xf32>,
      %max3A_213 = arith.maximumf %gather3A_209, %gather3A_212 : vector<16xf32>
      %broadcast_in_dim3A_214 = arith.constant 8 : i32
      %broadcast_in_dim3A_215 = vector.broadcast %broadcast_in_dim3A_214 : i32 to vector<16xi32>
      %gather3A_216 = tpu.vector_load_idx %arg6[%add3A_206, %broadcast_in_dim3A_215] : memref<512x17xf32, #tpu.memory_space<vmem>>[vector<16xi32>, vector<16xi32>], vector<16xf32>,
      %broadcast_in_dim3A_217 = arith.constant 12 : i32
      %broadcast_in_dim3A_218 = vector.broadcast %broadcast_in_dim3A_217 : i32 to vector<16xi32>
      %gather3A_219 = tpu.vector_load_idx %arg6[%add3A_206, %broadcast_in_dim3A_218] : memref<512x17xf32, #tpu.memory_space<vmem>>[vector<16xi32>, vector<16xi32>], vector<16xf32>,
      %max3A_220 = arith.maximumf %gather3A_216, %gather3A_219 : vector<16xf32>
      %max3A_221 = arith.maximumf %max3A_213, %max3A_220 : vector<16xf32>
      %mul3A_222 = arith.constant 16 : i32
      %mul3A_223 = arith.muli %scan3A_202, %mul3A_222 : i32
      %swap3A_224 = arith.index_cast %mul3A_223 : i32 to index
      %swap3A_225 = tpu.vector_load %arg7[%swap3A_224] {strides = array<i32>} : memref<512xf32, #tpu.memory_space<vmem>>, vector<16xf32>,
      tpu.vector_store %arg7[%swap3A_224], %max3A_221 {strides = array<i32>} : memref<512xf32, #tpu.memory_space<vmem>>, vector<16xf32>,
      %scan3A_226 = arith.constant 0 : i32
      %scan3A_227 = arith.constant 2 : i32
      %scan3A_228 = arith.addi %scan3A_179, %scan3A_227 : i32
      %mul3A_229 = arith.constant 16 : i32
      %mul3A_230 = arith.muli %scan3A_228, %mul3A_229 : i32
      %broadcast_in_dim3A_231 = vector.broadcast %mul3A_230 : i32 to vector<16xi32>
      %add3A_232 = arith.addi %broadcast_in_dim3A_231, %iota3A : vector<16xi32>
      %broadcast_in_dim3A_233 = arith.constant 0 : i32
      %broadcast_in_dim3A_234 = vector.broadcast %broadcast_in_dim3A_233 : i32 to vector<16xi32>
      %gather3A_235 = tpu.vector_load_idx %arg6[%add3A_232, %broadcast_in_dim3A_234] : memref<512x17xf32, #tpu.memory_space<vmem>>[vector<16xi32>, vector<16xi32>], vector<16xf32>,
      %broadcast_in_dim3A_236 = arith.constant 4 : i32
      %broadcast_in_dim3A_237 = vector.broadcast %broadcast_in_dim3A_236 : i32 to vector<16xi32>
      %gather3A_238 = tpu.vector_load_idx %arg6[%add3A_232, %broadcast_in_dim3A_237] : memref<512x17xf32, #tpu.memory_space<vmem>>[vector<16xi32>, vector<16xi32>], vector<16xf32>,
      %max3A_239 = arith.maximumf %gather3A_235, %gather3A_238 : vector<16xf32>
      %broadcast_in_dim3A_240 = arith.constant 8 : i32
      %broadcast_in_dim3A_241 = vector.broadcast %broadcast_in_dim3A_240 : i32 to vector<16xi32>
      %gather3A_242 = tpu.vector_load_idx %arg6[%add3A_232, %broadcast_in_dim3A_241] : memref<512x17xf32, #tpu.memory_space<vmem>>[vector<16xi32>, vector<16xi32>], vector<16xf32>,
      %broadcast_in_dim3A_243 = arith.constant 12 : i32
      %broadcast_in_dim3A_244 = vector.broadcast %broadcast_in_dim3A_243 : i32 to vector<16xi32>
      %gather3A_245 = tpu.vector_load_idx %arg6[%add3A_232, %broadcast_in_dim3A_244] : memref<512x17xf32, #tpu.memory_space<vmem>>[vector<16xi32>, vector<16xi32>], vector<16xf32>,
      %max3A_246 = arith.maximumf %gather3A_242, %gather3A_245 : vector<16xf32>
      %max3A_247 = arith.maximumf %max3A_239, %max3A_246 : vector<16xf32>
      %mul3A_248 = arith.constant 16 : i32
      %mul3A_249 = arith.muli %scan3A_228, %mul3A_248 : i32
      %swap3A_250 = arith.index_cast %mul3A_249 : i32 to index
      %swap3A_251 = tpu.vector_load %arg7[%swap3A_250] {strides = array<i32>} : memref<512xf32, #tpu.memory_space<vmem>>, vector<16xf32>,
      tpu.vector_store %arg7[%swap3A_250], %max3A_247 {strides = array<i32>} : memref<512xf32, #tpu.memory_space<vmem>>, vector<16xf32>,
      %scan3A_252 = arith.constant 0 : i32
      %scan3A_253 = arith.constant 3 : i32
      %scan3A_254 = arith.addi %scan3A_179, %scan3A_253 : i32
      %mul3A_255 = arith.constant 16 : i32
      %mul3A_256 = arith.muli %scan3A_254, %mul3A_255 : i32
      %broadcast_in_dim3A_257 = vector.broadcast %mul3A_256 : i32 to vector<16xi32>
      %add3A_258 = arith.addi %broadcast_in_dim3A_257, %iota3A : vector<16xi32>
      %broadcast_in_dim3A_259 = arith.constant 0 : i32
      %broadcast_in_dim3A_260 = vector.broadcast %broadcast_in_dim3A_259 : i32 to vector<16xi32>
      %gather3A_261 = tpu.vector_load_idx %arg6[%add3A_258, %broadcast_in_dim3A_260] : memref<512x17xf32, #tpu.memory_space<vmem>>[vector<16xi32>, vector<16xi32>], vector<16xf32>,
      %broadcast_in_dim3A_262 = arith.constant 4 : i32
      %broadcast_in_dim3A_263 = vector.broadcast %broadcast_in_dim3A_262 : i32 to vector<16xi32>
      %gather3A_264 = tpu.vector_load_idx %arg6[%add3A_258, %broadcast_in_dim3A_263] : memref<512x17xf32, #tpu.memory_space<vmem>>[vector<16xi32>, vector<16xi32>], vector<16xf32>,
      %max3A_265 = arith.maximumf %gather3A_261, %gather3A_264 : vector<16xf32>
      %broadcast_in_dim3A_266 = arith.constant 8 : i32
      %broadcast_in_dim3A_267 = vector.broadcast %broadcast_in_dim3A_266 : i32 to vector<16xi32>
      %gather3A_268 = tpu.vector_load_idx %arg6[%add3A_258, %broadcast_in_dim3A_267] : memref<512x17xf32, #tpu.memory_space<vmem>>[vector<16xi32>, vector<16xi32>], vector<16xf32>,
      %broadcast_in_dim3A_269 = arith.constant 12 : i32
      %broadcast_in_dim3A_270 = vector.broadcast %broadcast_in_dim3A_269 : i32 to vector<16xi32>
      %gather3A_271 = tpu.vector_load_idx %arg6[%add3A_258, %broadcast_in_dim3A_270] : memref<512x17xf32, #tpu.memory_space<vmem>>[vector<16xi32>, vector<16xi32>], vector<16xf32>,
      %max3A_272 = arith.maximumf %gather3A_268, %gather3A_271 : vector<16xf32>
      %max3A_273 = arith.maximumf %max3A_265, %max3A_272 : vector<16xf32>
      %mul3A_274 = arith.constant 16 : i32
      %mul3A_275 = arith.muli %scan3A_254, %mul3A_274 : i32
      %swap3A_276 = arith.index_cast %mul3A_275 : i32 to index
      %swap3A_277 = tpu.vector_load %arg7[%swap3A_276] {strides = array<i32>} : memref<512xf32, #tpu.memory_space<vmem>>, vector<16xf32>,
      tpu.vector_store %arg7[%swap3A_276], %max3A_273 {strides = array<i32>} : memref<512xf32, #tpu.memory_space<vmem>>, vector<16xf32>,
      %scan3A_278 = arith.constant 0 : i32
      scf.yield %scan3A_278 : i32
    }
    %scan3A_176 = arith.constant 32 : i32
    %mul3A_177 = arith.constant 512 : i32
    %mul3A_178 = arith.muli %add3A, %mul3A_177 : i32
    "tpu.region"() ({
      %run_scoped3A = tpu.sem_alloc : memref<!tpu.dma_semaphore, #tpu.memory_space<semaphore_mem>>
      %dma_start3A_179 = tpu.memref_slice %arg3[%mul3A_178] : memref<16384xf32, #tpu.memory_space<hbm>> -> memref<512xf32, #tpu.memory_space<hbm>>
      %dma_start3A_180 = tpu.memref_slice %arg3[%mul3A_178] : memref<16384xf32, #tpu.memory_space<hbm>> -> memref<512xf32, #tpu.memory_space<hbm>>
      tpu.enqueue_dma source(%arg7 : memref<512xf32, #tpu.memory_space<vmem>>) target(%dma_start3A_180 : memref<512xf32, #tpu.memory_space<hbm>>) target_semaphore(%run_scoped3A : memref<!tpu.dma_semaphore, #tpu.memory_space<semaphore_mem>>)
      %dma_wait3A_181 = tpu.memref_slice %arg3[%mul3A_178] : memref<16384xf32, #tpu.memory_space<hbm>> -> memref<512xf32, #tpu.memory_space<hbm>>
      %dma_wait3A_182 = tpu.memref_slice %arg3[%mul3A_178] : memref<16384xf32, #tpu.memory_space<hbm>> -> memref<512xf32, #tpu.memory_space<hbm>>
      tpu.wait_dma2 semaphore(%run_scoped3A : memref<!tpu.dma_semaphore, #tpu.memory_space<semaphore_mem>>) src(%arg7 : memref<512xf32, #tpu.memory_space<vmem>>) dst(%dma_wait3A_182 : memref<512xf32, #tpu.memory_space<hbm>>)
      tpu.yield
    }) : () -> ()
    return
  }
}

module attributes {stable_mosaic.version = 14 : i64} {
  func.func @_tc_body(%arg0: i32, %arg1: i32, %arg2: memref<1x8x32x768xf32, #tpu.memory_space<vmem>>, %arg3: memref<1x8x32xf32, #tpu.memory_space<vmem>>) attributes {dimension_semantics = [#tpu.dimension_semantics<arbitrary>, #tpu.dimension_semantics<arbitrary>], iteration_bounds = array<i64: 16, 4>, scalar_prefetch = 0 : i64, scratch_operands = 0 : i64, tpu.core_type = #tpu.core_type<tc>, window_params = [{transform_indices = @transform_0, window_bounds = array<i64: 1, 8, 32, 768>}, {transform_indices = @transform_1, window_bounds = array<i64: 1, 8, 32>}]} {
    %get3A = arith.constant 0 : index
    %get3A_0 = arith.constant 0 : index
    %get3A_1 = arith.constant 0 : index
    %get3A_2 = arith.constant 0 : index
    %get3A_3 = vector.load %arg2[%get3A, %get3A_0, %get3A_1, %get3A_2] : memref<1x8x32x768xf32, #tpu.memory_space<vmem>>, vector<1x8x32x768xf32>
    %get3A_4 = vector.shape_cast %get3A_3 : vector<1x8x32x768xf32> to vector<8x32x768xf32>
    %iota3A = tpu.iota {dimensions = array<i32: 2>} : vector<8x32x768xi32>
    %jit3A = arith.constant 4 : i32
    %eq3A = arith.constant 0 : i32
    %eq3A_5 = arith.cmpi eq, %jit3A, %eq3A : i32
    %jit3A_6 = arith.constant 1 : i32
    %select_n3A = arith.select %eq3A_5, %jit3A_6, %jit3A : i32
    %rem3A = vector.broadcast %select_n3A : i32 to vector<8x32x768xi32>
    %rem3A_7 = arith.remsi %iota3A, %rem3A : vector<8x32x768xi32>
    %ne3A = arith.constant 0 : i32
    %ne3A_8 = vector.broadcast %ne3A : i32 to vector<8x32x768xi32>
    %ne3A_9 = arith.cmpi ne, %rem3A_7, %ne3A_8 : vector<8x32x768xi32>
    %lt3A = arith.constant 0 : i32
    %lt3A_10 = vector.broadcast %lt3A : i32 to vector<8x32x768xi32>
    %lt3A_11 = arith.cmpi slt, %rem3A_7, %lt3A_10 : vector<8x32x768xi32>
    %lt3A_12 = arith.constant 0 : i32
    %lt3A_13 = arith.cmpi slt, %select_n3A, %lt3A_12 : i32
    %ne3A_14 = vector.broadcast %lt3A_13 : i1 to vector<8x32x768xi1>
    %ne3A_15 = vector.broadcast %ne3A_14 : vector<8x32x768xi1> to vector<8x32x768xi1>
    %ne3A_16 = arith.xori %lt3A_11, %ne3A_15 : vector<8x32x768xi1>
    %and3A = arith.andi %ne3A_16, %ne3A_9 : vector<8x32x768xi1>
    %add3A = vector.broadcast %select_n3A : i32 to vector<8x32x768xi32>
    %add3A_17 = arith.addi %rem3A_7, %add3A : vector<8x32x768xi32>
    %select_n3A_18 = arith.select %and3A, %add3A_17, %rem3A_7 : vector<8x32x768xi1>, vector<8x32x768xi32>
    %eq3A_19 = arith.constant 0 : i32
    %eq3A_20 = vector.broadcast %eq3A_19 : i32 to vector<8x32x768xi32>
    %eq3A_21 = arith.cmpi eq, %select_n3A_18, %eq3A_20 : vector<8x32x768xi32>
    %jit3A_22 = arith.constant 0xFF800000 : f32
    %broadcast_in_dim3A = vector.broadcast %jit3A_22 : f32 to vector<8x32x768xf32>
    %select_n3A_23 = arith.select %eq3A_21, %get3A_4, %broadcast_in_dim3A : vector<8x32x768xi1>, vector<8x32x768xf32>
    %reduce_max3A = arith.constant dense<0xFF800000> : vector<8x32xf32>
    %reduce_max3A_24 = vector.multi_reduction <maximumf>, %select_n3A_23, %reduce_max3A [2] : vector<8x32x768xf32> to vector<8x32xf32>
    %swap3A = arith.constant 0 : index
    %swap3A_25 = arith.constant 0 : index
    %swap3A_26 = arith.constant 0 : index
    %swap3A_27 = vector.load %arg3[%swap3A, %swap3A_25, %swap3A_26] : memref<1x8x32xf32, #tpu.memory_space<vmem>>, vector<1x8x32xf32>
    %swap3A_28 = vector.shape_cast %swap3A_27 : vector<1x8x32xf32> to vector<8x32xf32>
    %swap3A_29 = vector.shape_cast %reduce_max3A_24 : vector<8x32xf32> to vector<1x8x32xf32>
    tpu.vector_store %arg3[%swap3A, %swap3A_25, %swap3A_26], %swap3A_29 {strides = array<i32>} : memref<1x8x32xf32, #tpu.memory_space<vmem>>, vector<1x8x32xf32>,
    return
  }
  func.func @transform_0(%arg0: i32, %arg1: i32) -> (i32, i32, i32, i32) {
    %c0_i32 = arith.constant 0 : i32
    %c0_i32_0 = arith.constant 0 : i32
    %c0_i32_1 = arith.constant 0 : i32
    return %arg0, %arg1, %c0_i32, %c0_i32_0 : i32, i32, i32, i32
  }
  func.func @transform_1(%arg0: i32, %arg1: i32) -> (i32, i32, i32) {
    %c0_i32 = arith.constant 0 : i32
    %c0_i32_0 = arith.constant 0 : i32
    return %arg0, %arg1, %c0_i32 : i32, i32, i32
  }
}

</mosaic_0001>

<sc_bundles>
// kernel: kernel.4.cloned.1.call-start
scs
__scs_entry_jumppad:
0x0: {  	(pc) =	sbr.rel $0x88, $3  }
0x1: {  	(tag) =	ssettag $0x0;
	lr =	simm.s32 $0x1  }
0x2: {  	[smem:$0x3FA0] =	sst lr;
	_ =	strace $0xD0000000  }
0x3: {  	_ = 	snop  }
0x4: {  	_ = 	snop  }
0x5: {  	_ = 	snop  }
0x6: {  	_ = 	snop  }
0x7: {  	_ = 	snop  }
__scs_overlays_trampoline_lowered:
0x8: {  	[smem:$0x3FAF] =	sst s0  }
0x9: {  	[smem:$0x3FB0] =	sst s1  }
0xa: {  	[smem:$0x3FB1] =	sst s2  }
0xb: {  	[smem:$0x3FB2] =	sst s3  }
0xc: {  	[smem:$0x3FB3] =	sst s4  }
0xd: {  	[smem:$0x3FB4] =	sst s5  }
0xe: {  	[smem:$0x3FB5] =	sst s6  }
0xf: {  	[smem:$0x3FB6] =	sst s7  }
0x10: {  	[smem:$0x3FB7] =	sst s8  }
0x11: {  	[smem:$0x3FB8] =	sst s9;
	s0 =	simm.s32 @!p0 $0x0  }
0x12: {  	s1 =	sld [smem:$0x3F9E];
	s0 =	simm.s32 @p0 $0x1  }
0x13: {  	[smem:$0x3FB9] =	sst s0;
	s0 =	simm.s32 @!p1 $0x0  }
0x14: {  	s2 =	sld [smem:$0x3F9D];
	s0 =	simm.s32 @p1 $0x1  }
0x15: {  	[smem:$0x3FBA] =	sst s0;
	s0 =	simm.s32 @!p2 $0x0  }
0x16: {  	s3 =	sld [smem:$0x3FDB];
	s0 =	simm.s32 @p2 $0x1  }
0x17: {  	s4 =	simm.s32 $0x1BF5;
	[smem:$0x3FBC] =	sst s0  }
0x18: {  	s0 =	sld [smem:$0x3F9F];
	_ =	swait.ge [sflag:s4], $0x0  }
0x19: {  	s7 =	sld [smem:$0x3FA0]  }
0x1a: {  	s8 =	sadd.s32 $0xFFFFE003, lr  }
0x1b: {  	s9 =	sadd.s32 $0xFFFFFEF7, lr;
	s5 =	simm.s32 $0xFFFFFFFF;
	p2 =	slt.u32 s8, $0xFFFFF086  }
0x1c: {  	p1 =	slt.u32 s9, $0xF7A;
	s5 =	simm.s32 @!p2 $0x0  }
0x1d: {  	s5 =	simm.s32 @p1 $0x1;
	p0 =	seq.s32 s7, s2  }
0x1e: {  	s7 =	smul.u32 @!p0 $0xF7A, s2;
	p2 =	seq.s32 @!p0 s5, $0x0  }
0x1f: {  	s9 =	smul.u32 $0xF7A, s1;
	s8 =	simm.s32 @!p0 $0x1BF5;
	p2 =	por !p2, p0  }
0x20: {  	[sflag:s8] =	ssyncset.s32 @!p0 $0xFFFFF086;
	s6 =	sadd.s32 @!p0 s3, s7;
	s7 =	simm.s32 @!p0 $0x108  }
0x21: {  	s3 =	sadd.s32 s3, s9;
	s6 =	sadd.s32 @!p0 $0x88, s6;
	s7 =	simm.s32 @p2 $0x1082  }
0x22: {  	[simem:s7], [sflag:s8] =	dma.local @!p0 [hbm:s6], $0xF7A  }
0x23: {  	s9 =	sor.u32 $0xD0000000, s2;
	s6 =	simm.s32 $0x108;
	_ =	swait.ge @!p0 [sflag:s8], $0x0  }
0x24: {  	s3 =	sadd.s32 $0x88, s3;
	s6 =	simm.s32 @!p1 $0x1082;
	[sflag:s4] =	ssyncset.s32 $0xFFFFF086  }
0x25: {  	[simem:s6], [sflag:s4] =	dma.local [hbm:s3], $0xF7A  }
0x26: {  	[smem:$0x3FA0] =	sst s1;
	(tag) =	ssettag s2;
	_ =	strace s9  }
0x27: {  	s1 =	sld [smem:$0x3FB0]  }
0x28: {  	s2 =	sld [smem:$0x3FB1]  }
0x29: {  	s4 =	sld [smem:$0x3FB3]  }
0x2a: {  	p0 =	seq.s32 s5, $0x0;
	s5 =	sld [smem:$0x3FB4]  }
0x2b: {  	s6 =	sld [smem:$0x3FB5]  }
0x2c: {  	s7 =	sld [smem:$0x3FB6]  }
0x2d: {  	s3 =	simm.s32 $0x108;
	s8 =	sld [smem:$0x3FB7]  }
0x2e: {  	s3 =	simm.s32 @!p0 $0x1082;
	s9 =	sld [smem:$0x3FB8]  }
0x2f: {  	lr =	sadd.s32 s0, s3;
	s0 =	sld [smem:$0x3FAF]  }
0x30: {  	s3 =	sld [smem:$0x3FB2]  }
0x31: {  	[smem:$0x3FBB] =	sst s10  }
0x32: {  	s10 =	sld [smem:$0x3FB9];
	_ =	sdelay $0x3  }
0x33: {  	p0 =	seq.s32 s10, $0x1;
	s10 =	sld [smem:$0x3FBB];
	_ =	sdelay $0x3  }
0x34: {  	[smem:$0x3FBB] =	sst s10  }
0x35: {  	s10 =	sld [smem:$0x3FBA];
	_ =	sdelay $0x3  }
0x36: {  	p1 =	seq.s32 s10, $0x1;
	s10 =	sld [smem:$0x3FBB];
	_ =	sdelay $0x3  }
0x37: {  	[smem:$0x3FBB] =	sst s10  }
0x38: {  	s10 =	sld [smem:$0x3FBC]  }
0x39: {  	_ = 	snop;
	(pc) =	sbr.ind lr, $3  }
0x3a: {  	_ = 	snop  }
0x3b: {  	_ = 	snop  }
0x3c: {  	p2 =	seq.s32 s10, $0x1;
	s10 =	sld [smem:$0x3FBB]  }
0x3d: {  	_ =	shalt  }
0x3e: {  	_ =	shalt  }
0x3f: {  	_ =	shalt  }
0x40: {  	_ =	shalt  }
0x41: {  	_ =	shalt  }
0x42: {  	_ =	shalt  }
0x43: {  	_ =	shalt  }
0x44: {  	_ =	shalt  }
0x45: {  	_ =	shalt  }
0x46: {  	_ =	shalt  }
0x47: {  	_ =	shalt  }
0x48: {  	_ =	shalt  }
0x49: {  	_ =	shalt  }
0x4a: {  	_ =	shalt  }
0x4b: {  	_ =	shalt  }
0x4c: {  	_ =	shalt  }
0x4d: {  	_ =	shalt  }
0x4e: {  	_ =	shalt  }
0x4f: {  	_ =	shalt  }
0x50: {  	_ =	shalt  }
0x51: {  	_ =	shalt  }
0x52: {  	_ =	shalt  }
0x53: {  	_ =	shalt  }
0x54: {  	_ =	shalt  }
0x55: {  	_ =	shalt  }
0x56: {  	_ =	shalt  }
0x57: {  	_ =	shalt  }
0x58: {  	_ =	shalt  }
0x59: {  	_ =	shalt  }
0x5a: {  	_ =	shalt  }
0x5b: {  	_ =	shalt  }
0x5c: {  	_ =	shalt  }
0x5d: {  	_ =	shalt  }
0x5e: {  	_ =	shalt  }
0x5f: {  	_ =	shalt  }
0x60: {  	_ =	shalt  }
0x61: {  	_ =	shalt  }
0x62: {  	_ =	shalt  }
0x63: {  	_ =	shalt  }
0x64: {  	_ =	shalt  }
0x65: {  	_ =	shalt  }
0x66: {  	_ =	shalt  }
0x67: {  	_ =	shalt  }
0x68: {  	_ =	shalt  }
0x69: {  	_ =	shalt  }
0x6a: {  	_ =	shalt  }
0x6b: {  	_ =	shalt  }
0x6c: {  	_ =	shalt  }
0x6d: {  	_ =	shalt  }
0x6e: {  	_ =	shalt  }
0x6f: {  	_ =	shalt  }
0x70: {  	_ =	shalt  }
0x71: {  	_ =	shalt  }
0x72: {  	_ =	shalt  }
0x73: {  	_ =	shalt  }
0x74: {  	_ =	shalt  }
0x75: {  	_ =	shalt  }
0x76: {  	_ =	shalt  }
0x77: {  	_ =	shalt  }
0x78: {  	_ =	shalt  }
0x79: {  	_ =	shalt  }
0x7a: {  	_ =	shalt  }
0x7b: {  	_ =	shalt  }
0x7c: {  	_ =	shalt  }
0x7d: {  	_ =	shalt  }
0x7e: {  	_ =	shalt  }
0x7f: {  	_ =	shalt  }
0x80: {  	_ =	shalt  }
0x81: {  	_ =	shalt  }
0x82: {  	_ =	shalt  }
0x83: {  	_ =	shalt  }
0x84: {  	_ =	shalt  }
0x85: {  	_ =	shalt  }
0x86: {  	_ =	shalt  }
0x87: {  	_ =	shalt  }
.Lfunc_end0:
.L_simem_size_0:
called_computation_lowered:
.L_overlay_start_0:
0x88: {  	s2 =	sld [smem:$0x3FD9]  }
0x89: {  	s3 =	sld [smem:$0x3FFE];
	_ =	sdelay $0x1  }
0x8a: {  	s1 =	srdreg.scid  }
0x8b: {  	s0 =	sand.u32 $0x1, s1  }
0x8c: {  	s18 =	sshll.u32 s0, $0xA;
	s2 =	sadd.s32 s3, s2  }
0x8d: {  	s2 =	sadd.s32 s2, s18  }
0x8e: {  	[smem:$0x3FC7] =	sst s2  }
0x8f: {  	_ = 	snop  }
0x90: {  	s2 =	sld [smem:$0x3FC9]  }
0x91: {  	s19 =	sld [smem:$0x3FD0];
	(tm) =	ssettm $0x1  }
0x92: {  	s4 =	sld [smem:$0x3FFB];
	_ =	sdelay $0x3  }
0x93: {  	_ =	strace s4  }
0x94: {  	s4 =	sld [smem:$0x3FFC];
	_ =	sdelay $0x3  }
0x95: {  	_ =	strace s4  }
0x96: {  	s4 =	sld [smem:$0x3FFD];
	_ =	sdelay $0x3  }
0x97: {  	_ =	strace s4  }
0x98: {  	_ =	strace $0x8FFFFFFF  }
0x99: {  	s20 =	sld [smem:$0x3FDB];
	_ =	sdelay $0x1  }
0x9a: {  	s5 =	simm.s32 $_scs_section_size  }
0x9b: {  	s6 =	simm.s32 $_size__tile_overlayer_lowered;
	s7 =	simm.s32 $_tile_overlayer_lowered  }
0x9c: {  	s23 =	simm.s32 $0x1BFF;
	s22 =	sshll.u32 s7, $0x1;
	s4 =	sadd.s32 s5, s20  }
0x9d: {  	s8 =	simm.s32 $0x0;
	s21 =	sshll.u32 s6, $0x1;
	s6 =	sadd.s32 s22, s4  }
0x9e: {  	[timem:s8], [sflag:s23] =	dma.local [hbm:s6], s21  }
0x9f: {  	_ =	swait.ge [sflag:s23], s21  }
0xa0: {  	s5 =	ssub.s32 $0x0, s21;
	[sflag:s23] =	ssyncset.done $0x0  }
0xa1: {  	[sflag:s23] =	ssyncadd.s32 s5;
	_ =	sdelay $0x1  }
0xa2: {  	s24 =	simm.s32 $0x1B8B  }
0xa3: {  	_ =	swait.ge [sflag:s24], $0x1  }
0xa4: {  	[sflag:s24] =	ssyncset.done $0x0  }
0xa5: {  	s25 =	simm.s32 $0x1B8E;
	[sflag:s24] =	ssyncadd.s32 $0xFFFFFFFF  }
0xa6: {  	s26 =	simm.s32 $execute0_lowered;
	[smem:$0x3FD2] =	sst s25  }
0xa7: {  	s5 =	sshll.u32 s26, $0x1;
	_ =	strace $0x80000046;
	[dreg:$0x1] =	wrdreg $0xFFFFFFFF  }
0xa8: {  	s28 =	simm.s32 $_size_execute0_lowered;
	s4 =	sadd.s32 s4, s5;
	[dreg:$0x0] =	wrdreg $0x0  }
0xa9: {  	s5 =	sshll.u32 s28, $0x1;
	[dreg:$0x2] =	wrdreg s4  }
0xaa: {  	[dreg:$0x3] =	wrdreg s5  }
0xab: {  	[dreg:$0x4] =	wrdreg $0xC0  }
0xac: {  	_ =	task [dreg:s8], $0x5FFFF  }
0xad: {  	[dreg:$0x1] =	wrdreg $0xFFFFFFFF  }
0xae: {  	[dreg:$0x0] =	wrdreg $0x60  }
0xaf: {  	[dreg:$0x2] =	wrdreg s2  }
0xb0: {  	[dreg:$0x3] =	wrdreg s19  }
0xb1: {  	[dreg:$0x4] =	wrdreg $0x9  }
0xb2: {  	_ =	task.clear_ibuf [dreg:s8], $0x5FFFF;
	_ =	strace $0x90000046  }
0xb3: {  	s29 =	simm.s32 $0x9;
	_ =	strace $0x80000048  }
0xb4: {  	_ =	swait.ge [sflag:s29], $0x1  }
0xb5: {  	[sflag:s29] =	ssyncadd.s32 $0xFFFFFFFF  }
0xb6: {  	_ =	strace $0x90000048  }
0xb7: {  	_ =	sfence  }
0xb8: {  	s30 =	sld [smem:$0x0];
	_ =	sdelay $0x2  }
0xb9: {  	s31 =	sshll.u32 s1, $0xD;
	s1 =	sshrl.u32 s1, $0x2  }
0xba: {  	s3 =	sand.u32 $0x4000, s31;
	s1 =	sadd.s32 s1, s30  }
0xbb: {  	s0 =	sor.u32 s3, s0;
	s1 =	sshll.u32 s1, $0x11  }
0xbc: {  	s0 =	sor.u32 s1, s0  }
0xbd: {  	s0 =	sadd.s32 $0x8F2B, s0  }
0xbe: {  	[sflag:s0] =	ssyncadd.remote.s32 $0x1  }
0xbf: {  	_ =	sfence.sel $0xFFFF  }
0xc0: {  	[dreg:$0x0] =	wrdreg $0xFFFFFFFF;
	(pc) =	sbr.abs _section_cstart, $3  }
0xc1: {  	[dreg:$0x1] =	wrdreg $0xFFFFFFFF  }
0xc2: {  	_ =	task.clear_ibuf [dreg:s8], $0x2FFFF;
	_ =	strace $0x9FFFFFFF  }
0xc3: {  	(tm) =	ssettm $0x7FFFFFFF  }
tec
execute0_lowered:
.L_overlay_start_1:
0x0: {  	(tag) =	ssettag $0x1  }
0x1: {  	s1 =	srdreg.scid;
	s4 =	rddreg [dreg:$0x0]  }
0x2: {  	s0 =	stileid.u32;
	s12 =	rddreg [dreg:$0x1];
	s2 =	simm.s32 $0x0  }
0x3: {  	s14 =	simm.s32 $0x1;
	s15 =	simm.s32 $0x2;
	s16 =	simm.s32 $0x18000  }
0x4: {  	s17 =	simm.s32 $0x1B000;
	s3 =	sand.u32 $0x1, s1;
	s30 =	sshll.u32 s0, $0x1  }
0x5: {  	s18 =	simm.s32 $0x3;
	s1 =	rddreg [dreg:$0x2];
	s11 =	sor.u32 s3, s30  }
0x6: {  	[smem:$0x7FF] =	sst s2;
	s6 =	ssub.s32 $0x2, s3;
	s5 =	smul.u32 $0x60000, s11  }
0x7: {  	_ =	strace $0x80000047;
	s31 =	sshrl.u32 s6, $0x1;
	s11 =	sshll.u32 s11, $0x6  }
0x8: {  	s13 =	ssub.s32 s6, s31;
	s11 =	sadd.s32 s12, s11;
	s5 =	sshrl.u32 s5, $0x3  }
0x9: {  	v0 =	vlaneseq.u32;
	s12 =	smax.u32 s13, $0x1;
	s13 =	simm.s32 $0xC000;
	s10 =	sadd.s32 s4, s5  }
0xa: {  	s19 =	simm.s32 $0x0;
	v0 =	vmul.u32 $0x18, v0;
	s4 =	sadd.s32 $0x181800, s10;
	s5 =	sadd.s32 $0x184800, s10  }
0xb: {  	s3 =	sadd.s32 $0x180000, s10;
	s6 =	sadd.s32 $0x183000, s10;
	s8 =	sadd.s32 $0x187800, s10  }
0xc: {  	v1 =	vor.u32 $0x4, v0;
	v2 =	vadd.s32 $0x8, v0;
	v3 =	vadd.s32 $0xC, v0;
	s7 =	sadd.s32 $0x186000, s10;
	s9 =	sadd.s32 $0x189000, s10;
	s10 =	sadd.s32 $0x18A800, s10  }
.LBB2_1:
0xd: {  	[tilespmem:s2], [sflag:$0x1] =	stream.linear.gather [hbm4b:s3+s2], $0xC000, $0x38;
	[tilespmem:$0x1B200] =	vst v63  }
0xe: {  	s20 =	simm.s32 $0x0  }
0xf: {  	s20 =	smul.u32 $0x6000, s20  }
0x10: {  	[tilespmem:s13], [sflag:$0x2] =	stream.linear.gather [hbm4b:s4+s2], $0xC000, $0x38;
	[tilespmem:$0x1B200] =	vst v63  }
0x11: {  	_ =	swait.ge [sflag:s14], $0xC000  }
0x12: {  	s21 =	sand.u32 $0x380, s2;
	s20 =	sshra.s32 s20, $0x2;
	[sflag:s14] =	ssyncset.done $0x0  }
0x13: {  	s20 =	sor.u32 s21, s20;
	[sflag:s14] =	ssyncadd.s32 $0xFFFF4000  }
0x14: {  	v4 =	vld [tilespmem:s20+$0x10]  }
0x15: {  	v5 =	vld [tilespmem:s20+$0x0]  }
0x16: {  	v6 =	vld [tilespmem:s20+$0x20]  }
0x17: {  	v7 =	vld [tilespmem:s20+$0x30]  }
0x18: {  	v8 =	vld [tilespmem:s20+$0x40]  }
0x19: {  	v9 =	vld [tilespmem:s20+$0x50]  }
0x1a: {  	v4 =	vmax.f32 v5, v4;
	v5 =	vld [tilespmem:s20+$0x60]  }
0x1b: {  	v4 =	vmax.f32 v4, v6;
	v6 =	vld [tilespmem:s20+$0x70]  }
0x1c: {  	v4 =	vmax.f32 v4, v7;
	v7 =	vld [tilespmem:s20+$0x400]  }
0x1d: {  	v4 =	vmax.f32 v4, v8;
	v8 =	vld [tilespmem:s20+$0x410]  }
0x1e: {  	v47 =	vld [tilespmem:s20+$0x420];
	v4 =	vmax.f32 v4, v9  }
0x1f: {  	v4 =	vmax.f32 v4, v5;
	v5 =	vld [tilespmem:s20+$0x430]  }
0x20: {  	v4 =	vmax.f32 v4, v6;
	v6 =	vld [tilespmem:s20+$0x440]  }
0x21: {  	v4 =	vmax.f32 v4, v7;
	v7 =	vld [tilespmem:s20+$0x450]  }
0x22: {  	v4 =	vmax.f32 v4, v8;
	v8 =	vld [tilespmem:s20+$0x460]  }
0x23: {  	v48 =	vld [tilespmem:s20+$0x470];
	v4 =	vmax.f32 v4, v47  }
0x24: {  	v4 =	vmax.f32 v4, v5;
	v5 =	vld [tilespmem:s20+$0x800]  }
0x25: {  	v4 =	vmax.f32 v4, v6;
	v6 =	vld [tilespmem:s20+$0x810]  }
0x26: {  	v4 =	vmax.f32 v4, v7;
	v7 =	vld [tilespmem:s20+$0x820]  }
0x27: {  	v4 =	vmax.f32 v4, v8;
	v8 =	vld [tilespmem:s20+$0x830]  }
0x28: {  	v49 =	vld [tilespmem:s20+$0x840];
	v4 =	vmax.f32 v4, v48  }
0x29: {  	v4 =	vmax.f32 v4, v5;
	v5 =	vld [tilespmem:s20+$0x850]  }
0x2a: {  	v4 =	vmax.f32 v4, v6;
	v6 =	vld [tilespmem:s20+$0x860]  }
0x2b: {  	v4 =	vmax.f32 v4, v7;
	v7 =	vld [tilespmem:s20+$0x870]  }
0x2c: {  	v4 =	vmax.f32 v4, v8;
	v8 =	vld [tilespmem:s20+$0xC00]  }
0x2d: {  	v50 =	vld [tilespmem:s20+$0xC10];
	v4 =	vmax.f32 v4, v49  }
0x2e: {  	v4 =	vmax.f32 v4, v5;
	v5 =	vld [tilespmem:s20+$0xC20]  }
0x2f: {  	v4 =	vmax.f32 v4, v6;
	v6 =	vld [tilespmem:s20+$0xC30]  }
0x30: {  	v4 =	vmax.f32 v4, v7;
	v7 =	vld [tilespmem:s20+$0xC40]  }
0x31: {  	v4 =	vmax.f32 v4, v8;
	v8 =	vld [tilespmem:s20+$0xC50]  }
0x32: {  	v51 =	vld [tilespmem:s20+$0xC60];
	v4 =	vmax.f32 v4, v50  }
0x33: {  	v4 =	vmax.f32 v4, v5;
	v5 =	vld [tilespmem:s20+$0xC70]  }
0x34: {  	v4 =	vmax.f32 v4, v6;
	v6 =	vld [tilespmem:s20+$0x1000]  }
0x35: {  	v4 =	vmax.f32 v4, v7;
	v7 =	vld [tilespmem:s20+$0x1010]  }
0x36: {  	v4 =	vmax.f32 v4, v8;
	v8 =	vld [tilespmem:s20+$0x1020]  }
0x37: {  	v52 =	vld [tilespmem:s20+$0x1030];
	v4 =	vmax.f32 v4, v51  }
0x38: {  	v4 =	vmax.f32 v4, v5;
	v5 =	vld [tilespmem:s20+$0x1040]  }
0x39: {  	v4 =	vmax.f32 v4, v6;
	v6 =	vld [tilespmem:s20+$0x1050]  }
0x3a: {  	v4 =	vmax.f32 v4, v7;
	v7 =	vld [tilespmem:s20+$0x1060]  }
0x3b: {  	v4 =	vmax.f32 v4, v8;
	v8 =	vld [tilespmem:s20+$0x1070]  }
0x3c: {  	v53 =	vld [tilespmem:s20+$0x1400];
	v4 =	vmax.f32 v4, v52  }
0x3d: {  	v4 =	vmax.f32 v4, v5;
	v5 =	vld [tilespmem:s20+$0x1410]  }
0x3e: {  	v4 =	vmax.f32 v4, v6;
	v6 =	vld [tilespmem:s20+$0x1420]  }
0x3f: {  	v4 =	vmax.f32 v4, v7;
	v7 =	vld [tilespmem:s20+$0x1430]  }
0x40: {  	v4 =	vmax.f32 v4, v8;
	v8 =	vld [tilespmem:s20+$0x1440]  }
0x41: {  	v54 =	vld [tilespmem:s20+$0x1450];
	v4 =	vmax.f32 v4, v53  }
0x42: {  	v4 =	vmax.f32 v4, v5;
	v5 =	vld [tilespmem:s20+$0x1460]  }
0x43: {  	v4 =	vmax.f32 v4, v6;
	v6 =	vld [tilespmem:s20+$0x1470]  }
0x44: {  	v4 =	vmax.f32 v4, v7  }
0x45: {  	s29 =	simm.s32 $0x0;
	v4 =	vmax.f32 v4, v8  }
0x46: {  	s30 =	smul.u32 $0x6000, s29;
	v4 =	vmax.f32 v4, v54  }
0x47: {  	s20 =	simm.s32 $0x80;
	v4 =	vmax.f32 v4, v5  }
0x48: {  	s21 =	sshra.s32 s30, $0x2;
	s22 =	sand.u32 $0x380, s20;
	v4 =	vmax.f32 v4, v6  }
0x49: {  	s21 =	sor.u32 s22, s21;
	[tilespmem:s16+$0x0] =	vst v4  }
0x4a: {  	v4 =	vld [tilespmem:s21+$0x10]  }
0x4b: {  	v5 =	vld [tilespmem:s21+$0x0]  }
0x4c: {  	v6 =	vld [tilespmem:s21+$0x20]  }
0x4d: {  	v7 =	vld [tilespmem:s21+$0x30]  }
0x4e: {  	v8 =	vld [tilespmem:s21+$0x40]  }
0x4f: {  	v55 =	vld [tilespmem:s21+$0x50]  }
0x50: {  	v4 =	vmax.f32 v5, v4;
	v5 =	vld [tilespmem:s21+$0x60]  }
0x51: {  	v4 =	vmax.f32 v4, v6;
	v6 =	vld [tilespmem:s21+$0x70]  }
0x52: {  	v4 =	vmax.f32 v4, v7;
	v7 =	vld [tilespmem:s21+$0x400]  }
0x53: {  	v4 =	vmax.f32 v4, v8;
	v8 =	vld [tilespmem:s21+$0x410]  }
0x54: {  	v56 =	vld [tilespmem:s21+$0x420];
	v4 =	vmax.f32 v4, v55  }
0x55: {  	v4 =	vmax.f32 v4, v5;
	v5 =	vld [tilespmem:s21+$0x430]  }
0x56: {  	v4 =	vmax.f32 v4, v6;
	v6 =	vld [tilespmem:s21+$0x440]  }
0x57: {  	v4 =	vmax.f32 v4, v7;
	v7 =	vld [tilespmem:s21+$0x450]  }
0x58: {  	v4 =	vmax.f32 v4, v8;
	v8 =	vld [tilespmem:s21+$0x460]  }
0x59: {  	v57 =	vld [tilespmem:s21+$0x470];
	v4 =	vmax.f32 v4, v56  }
0x5a: {  	v4 =	vmax.f32 v4, v5;
	v5 =	vld [tilespmem:s21+$0x800]  }
0x5b: {  	v4 =	vmax.f32 v4, v6;
	v6 =	vld [tilespmem:s21+$0x810]  }
0x5c: {  	v4 =	vmax.f32 v4, v7;
	v7 =	vld [tilespmem:s21+$0x820]  }
0x5d: {  	v4 =	vmax.f32 v4, v8;
	v8 =	vld [tilespmem:s21+$0x830]  }
0x5e: {  	v58 =	vld [tilespmem:s21+$0x840];
	v4 =	vmax.f32 v4, v57  }
0x5f: {  	v4 =	vmax.f32 v4, v5;
	v5 =	vld [tilespmem:s21+$0x850]  }
0x60: {  	v4 =	vmax.f32 v4, v6;
	v6 =	vld [tilespmem:s21+$0x860]  }
0x61: {  	v4 =	vmax.f32 v4, v7;
	v7 =	vld [tilespmem:s21+$0x870]  }
0x62: {  	v4 =	vmax.f32 v4, v8;
	v8 =	vld [tilespmem:s21+$0xC00]  }
0x63: {  	v59 =	vld [tilespmem:s21+$0xC10];
	v4 =	vmax.f32 v4, v58  }
0x64: {  	v4 =	vmax.f32 v4, v5;
	v5 =	vld [tilespmem:s21+$0xC20]  }
0x65: {  	v4 =	vmax.f32 v4, v6;
	v6 =	vld [tilespmem:s21+$0xC30]  }
0x66: {  	v4 =	vmax.f32 v4, v7;
	v7 =	vld [tilespmem:s21+$0xC40]  }
0x67: {  	v4 =	vmax.f32 v4, v8;
	v8 =	vld [tilespmem:s21+$0xC50]  }
0x68: {  	v60 =	vld [tilespmem:s21+$0xC60];
	v4 =	vmax.f32 v4, v59  }
0x69: {  	v4 =	vmax.f32 v4, v5;
	v5 =	vld [tilespmem:s21+$0xC70]  }
0x6a: {  	v4 =	vmax.f32 v4, v6;
	v6 =	vld [tilespmem:s21+$0x1000]  }
0x6b: {  	v4 =	vmax.f32 v4, v7;
	v7 =	vld [tilespmem:s21+$0x1010]  }
0x6c: {  	v4 =	vmax.f32 v4, v8;
	v8 =	vld [tilespmem:s21+$0x1020]  }
0x6d: {  	v61 =	vld [tilespmem:s21+$0x1030];
	v4 =	vmax.f32 v4, v60  }
0x6e: {  	v4 =	vmax.f32 v4, v5;
	v5 =	vld [tilespmem:s21+$0x1040]  }
0x6f: {  	v4 =	vmax.f32 v4, v6;
	v6 =	vld [tilespmem:s21+$0x1050]  }
0x70: {  	v4 =	vmax.f32 v4, v7;
	v7 =	vld [tilespmem:s21+$0x1060]  }
0x71: {  	v4 =	vmax.f32 v4, v8;
	v8 =	vld [tilespmem:s21+$0x1070]  }
0x72: {  	v62 =	vld [tilespmem:s21+$0x1400];
	v4 =	vmax.f32 v4, v61  }
0x73: {  	v4 =	vmax.f32 v4, v5;
	v5 =	vld [tilespmem:s21+$0x1410]  }
0x74: {  	v4 =	vmax.f32 v4, v6;
	v6 =	vld [tilespmem:s21+$0x1420]  }
0x75: {  	v4 =	vmax.f32 v4, v7;
	v7 =	vld [tilespmem:s21+$0x1430]  }
0x76: {  	v4 =	vmax.f32 v4, v8;
	v8 =	vld [tilespmem:s21+$0x1440]  }
0x77: {  	v4 =	vmax.f32 v4, v62  }
0x78: {  	v4 =	vmax.f32 v4, v5  }
0x79: {  	v63 =	vld [tilespmem:s21+$0x1450];
	v4 =	vmax.f32 v4, v6  }
0x7a: {  	v5 =	vld [tilespmem:s21+$0x1460];
	v4 =	vmax.f32 v4, v7  }
0x7b: {  	v6 =	vmax.f32 v4, v8;
	v4 =	vld [tilespmem:s21+$0x1470];
	_ =	sdelay $0x1  }
0x7c: {  	s31 =	simm.s32 $0x0  }
0x7d: {  	s23 =	smul.u32 $0x6000, s31;
	s22 =	simm.s32 $0x3;
	s21 =	simm.s32 $0x18000;
	v6 =	vmax.f32 v6, v63  }
.LBB2_2:
0x7e: {  	p0 =	sne.s32 s22, $0x3F;
	v5 =	vmax.f32 v6, v5;
	s20 =	sadd.s32 $0x80, s20  }
0x7f: {  	s21 =	sadd.s32 $0x18, s21;
	s24 =	sand.u32 $0x380, s20;
	s23 =	sshra.s32 s23, $0x2;
	v4 =	vmax.f32 v5, v4  }
0x80: {  	s23 =	sor.u32 s24, s23;
	[tilespmem:s21+$0x0] =	vst v4  }
0x81: {  	v4 =	vld [tilespmem:s23+$0x10]  }
0x82: {  	v5 =	vld [tilespmem:s23+$0x0]  }
0x83: {  	v6 =	vld [tilespmem:s23+$0x20]  }
0x84: {  	v7 =	vld [tilespmem:s23+$0x30]  }
0x85: {  	v8 =	vld [tilespmem:s23+$0x40]  }
0x86: {  	v9 =	vld [tilespmem:s23+$0x50]  }
0x87: {  	v4 =	vmax.f32 v5, v4;
	v5 =	vld [tilespmem:s23+$0x60]  }
0x88: {  	v4 =	vmax.f32 v4, v6;
	v6 =	vld [tilespmem:s23+$0x70]  }
0x89: {  	v4 =	vmax.f32 v4, v7;
	v7 =	vld [tilespmem:s23+$0x400]  }
0x8a: {  	v4 =	vmax.f32 v4, v8;
	v8 =	vld [tilespmem:s23+$0x410]  }
0x8b: {  	v4 =	vmax.f32 v4, v9;
	v9 =	vld [tilespmem:s23+$0x420]  }
0x8c: {  	v4 =	vmax.f32 v4, v5;
	v5 =	vld [tilespmem:s23+$0x430]  }
0x8d: {  	v4 =	vmax.f32 v4, v6;
	v6 =	vld [tilespmem:s23+$0x440]  }
0x8e: {  	v4 =	vmax.f32 v4, v7;
	v7 =	vld [tilespmem:s23+$0x450]  }
0x8f: {  	v4 =	vmax.f32 v4, v8;
	v8 =	vld [tilespmem:s23+$0x460]  }
0x90: {  	v4 =	vmax.f32 v4, v9;
	v9 =	vld [tilespmem:s23+$0x470]  }
0x91: {  	v4 =	vmax.f32 v4, v5;
	v5 =	vld [tilespmem:s23+$0x800]  }
0x92: {  	v4 =	vmax.f32 v4, v6;
	v6 =	vld [tilespmem:s23+$0x810]  }
0x93: {  	v4 =	vmax.f32 v4, v7;
	v7 =	vld [tilespmem:s23+$0x820]  }
0x94: {  	v4 =	vmax.f32 v4, v8;
	v8 =	vld [tilespmem:s23+$0x830]  }
0x95: {  	v4 =	vmax.f32 v4, v9;
	v9 =	vld [tilespmem:s23+$0x840]  }
0x96: {  	v4 =	vmax.f32 v4, v5;
	v5 =	vld [tilespmem:s23+$0x850]  }
0x97: {  	v4 =	vmax.f32 v4, v6;
	v6 =	vld [tilespmem:s23+$0x860]  }
0x98: {  	v4 =	vmax.f32 v4, v7;
	v7 =	vld [tilespmem:s23+$0x870]  }
0x99: {  	v4 =	vmax.f32 v4, v8;
	v8 =	vld [tilespmem:s23+$0xC00]  }
0x9a: {  	v4 =	vmax.f32 v4, v9;
	v9 =	vld [tilespmem:s23+$0xC10]  }
0x9b: {  	v4 =	vmax.f32 v4, v5;
	v5 =	vld [tilespmem:s23+$0xC20]  }
0x9c: {  	v4 =	vmax.f32 v4, v6;
	v6 =	vld [tilespmem:s23+$0xC30]  }
0x9d: {  	v4 =	vmax.f32 v4, v7;
	v7 =	vld [tilespmem:s23+$0xC40]  }
0x9e: {  	v4 =	vmax.f32 v4, v8;
	v8 =	vld [tilespmem:s23+$0xC50]  }
0x9f: {  	v4 =	vmax.f32 v4, v9;
	v9 =	vld [tilespmem:s23+$0xC60]  }
0xa0: {  	v4 =	vmax.f32 v4, v5;
	v5 =	vld [tilespmem:s23+$0xC70]  }
0xa1: {  	v4 =	vmax.f32 v4, v6;
	v6 =	vld [tilespmem:s23+$0x1000]  }
0xa2: {  	v4 =	vmax.f32 v4, v7;
	v7 =	vld [tilespmem:s23+$0x1010]  }
0xa3: {  	v4 =	vmax.f32 v4, v8;
	v8 =	vld [tilespmem:s23+$0x1020]  }
0xa4: {  	v4 =	vmax.f32 v4, v9;
	v9 =	vld [tilespmem:s23+$0x1030]  }
0xa5: {  	v4 =	vmax.f32 v4, v5;
	v5 =	vld [tilespmem:s23+$0x1040]  }
0xa6: {  	v4 =	vmax.f32 v4, v6;
	v6 =	vld [tilespmem:s23+$0x1050]  }
0xa7: {  	v4 =	vmax.f32 v4, v7;
	v7 =	vld [tilespmem:s23+$0x1060]  }
0xa8: {  	v4 =	vmax.f32 v4, v8;
	v8 =	vld [tilespmem:s23+$0x1070]  }
0xa9: {  	v4 =	vmax.f32 v4, v9;
	v9 =	vld [tilespmem:s23+$0x1400]  }
0xaa: {  	v4 =	vmax.f32 v4, v5;
	v5 =	vld [tilespmem:s23+$0x1410]  }
0xab: {  	v4 =	vmax.f32 v4, v6;
	v6 =	vld [tilespmem:s23+$0x1420]  }
0xac: {  	v4 =	vmax.f32 v4, v7;
	v7 =	vld [tilespmem:s23+$0x1430]  }
0xad: {  	v4 =	vmax.f32 v4, v8;
	v8 =	vld [tilespmem:s23+$0x1440]  }
0xae: {  	v4 =	vmax.f32 v4, v9;
	v9 =	vld [tilespmem:s23+$0x1450]  }
.Ltmp0:
0xaf: {  	v4 =	vmax.f32 v4, v5;
	v5 =	vld [tilespmem:s23+$0x1460];
	(pc) =	sbr.rel @p0 .LBB2_2-.Ltmp0, $4  }
0xb0: {  	v6 =	vmax.f32 v4, v6;
	v4 =	vld [tilespmem:s23+$0x1470]  }
0xb1: {  	v6 =	vmax.f32 v6, v7  }
0xb2: {  	s23 =	sshrl.u32 s22, $0x3;
	v6 =	vmax.f32 v6, v8  }
0xb3: {  	s22 =	sadd.s32 $0x1, s22;
	s23 =	smul.u32 $0x6000, s23;
	v6 =	vmax.f32 v6, v9  }
0xb4: {  	v5 =	vmax.f32 v6, v5;
	s20 =	sadd.s32 $0x80, s20  }
0xb5: {  	s31 =	sadd.s32 $0x18, s21;
	s22 =	sand.u32 $0x380, s20;
	s23 =	sshra.s32 s23, $0x2;
	v4 =	vmax.f32 v5, v4  }
0xb6: {  	s24 =	sor.u32 s22, s23;
	[tilespmem:s31+$0x0] =	vst v4  }
0xb7: {  	v4 =	vld [tilespmem:s24+$0x10]  }
0xb8: {  	v5 =	vld [tilespmem:s24+$0x0]  }
0xb9: {  	v6 =	vld [tilespmem:s24+$0x20]  }
0xba: {  	v7 =	vld [tilespmem:s24+$0x30]  }
0xbb: {  	v8 =	vld [tilespmem:s24+$0x40]  }
0xbc: {  	v9 =	vld [tilespmem:s24+$0x50]  }
0xbd: {  	v4 =	vmax.f32 v5, v4;
	v5 =	vld [tilespmem:s24+$0x60]  }
0xbe: {  	v4 =	vmax.f32 v4, v6;
	v6 =	vld [tilespmem:s24+$0x70]  }
0xbf: {  	v4 =	vmax.f32 v4, v7;
	v7 =	vld [tilespmem:s24+$0x400]  }
0xc0: {  	v4 =	vmax.f32 v4, v8;
	v8 =	vld [tilespmem:s24+$0x410]  }
0xc1: {  	v38 =	vld [tilespmem:s24+$0x420];
	v4 =	vmax.f32 v4, v9  }
0xc2: {  	v4 =	vmax.f32 v4, v5;
	v5 =	vld [tilespmem:s24+$0x430]  }
0xc3: {  	v4 =	vmax.f32 v4, v6;
	v6 =	vld [tilespmem:s24+$0x440]  }
0xc4: {  	v4 =	vmax.f32 v4, v7;
	v7 =	vld [tilespmem:s24+$0x450]  }
0xc5: {  	v4 =	vmax.f32 v4, v8;
	v8 =	vld [tilespmem:s24+$0x460]  }
0xc6: {  	v39 =	vld [tilespmem:s24+$0x470];
	v4 =	vmax.f32 v4, v38  }
0xc7: {  	v4 =	vmax.f32 v4, v5;
	v5 =	vld [tilespmem:s24+$0x800]  }
0xc8: {  	v4 =	vmax.f32 v4, v6;
	v6 =	vld [tilespmem:s24+$0x810]  }
0xc9: {  	v4 =	vmax.f32 v4, v7;
	v7 =	vld [tilespmem:s24+$0x820]  }
0xca: {  	v4 =	vmax.f32 v4, v8;
	v8 =	vld [tilespmem:s24+$0x830]  }
0xcb: {  	v40 =	vld [tilespmem:s24+$0x840];
	v4 =	vmax.f32 v4, v39  }
0xcc: {  	v4 =	vmax.f32 v4, v5;
	v5 =	vld [tilespmem:s24+$0x850]  }
0xcd: {  	v4 =	vmax.f32 v4, v6;
	v6 =	vld [tilespmem:s24+$0x860]  }
0xce: {  	v4 =	vmax.f32 v4, v7;
	v7 =	vld [tilespmem:s24+$0x870]  }
0xcf: {  	v4 =	vmax.f32 v4, v8;
	v8 =	vld [tilespmem:s24+$0xC00]  }
0xd0: {  	v41 =	vld [tilespmem:s24+$0xC10];
	v4 =	vmax.f32 v4, v40  }
0xd1: {  	v4 =	vmax.f32 v4, v5;
	v5 =	vld [tilespmem:s24+$0xC20]  }
0xd2: {  	v4 =	vmax.f32 v4, v6;
	v6 =	vld [tilespmem:s24+$0xC30]  }
0xd3: {  	v4 =	vmax.f32 v4, v7;
	v7 =	vld [tilespmem:s24+$0xC40]  }
0xd4: {  	v4 =	vmax.f32 v4, v8;
	v8 =	vld [tilespmem:s24+$0xC50]  }
0xd5: {  	v42 =	vld [tilespmem:s24+$0xC60];
	v4 =	vmax.f32 v4, v41  }
0xd6: {  	v4 =	vmax.f32 v4, v5;
	v5 =	vld [tilespmem:s24+$0xC70]  }
0xd7: {  	v4 =	vmax.f32 v4, v6;
	v6 =	vld [tilespmem:s24+$0x1000]  }
0xd8: {  	v4 =	vmax.f32 v4, v7;
	v7 =	vld [tilespmem:s24+$0x1010]  }
0xd9: {  	v4 =	vmax.f32 v4, v8;
	v8 =	vld [tilespmem:s24+$0x1020]  }
0xda: {  	v43 =	vld [tilespmem:s24+$0x1030];
	v4 =	vmax.f32 v4, v42  }
0xdb: {  	v4 =	vmax.f32 v4, v5;
	v5 =	vld [tilespmem:s24+$0x1040]  }
0xdc: {  	v4 =	vmax.f32 v4, v6;
	v6 =	vld [tilespmem:s24+$0x1050]  }
0xdd: {  	v4 =	vmax.f32 v4, v7;
	v7 =	vld [tilespmem:s24+$0x1060]  }
0xde: {  	v4 =	vmax.f32 v4, v8;
	v8 =	vld [tilespmem:s24+$0x1070]  }
0xdf: {  	v44 =	vld [tilespmem:s24+$0x1400];
	v4 =	vmax.f32 v4, v43  }
0xe0: {  	v4 =	vmax.f32 v4, v5;
	v5 =	vld [tilespmem:s24+$0x1410]  }
0xe1: {  	v4 =	vmax.f32 v4, v6;
	v6 =	vld [tilespmem:s24+$0x1420]  }
0xe2: {  	v4 =	vmax.f32 v4, v7;
	v7 =	vld [tilespmem:s24+$0x1430]  }
0xe3: {  	v4 =	vmax.f32 v4, v8;
	v8 =	vld [tilespmem:s24+$0x1440]  }
0xe4: {  	v45 =	vld [tilespmem:s24+$0x1450];
	v4 =	vmax.f32 v4, v44  }
0xe5: {  	v4 =	vmax.f32 v4, v5;
	v5 =	vld [tilespmem:s24+$0x1460]  }
0xe6: {  	v4 =	vmax.f32 v4, v6;
	v6 =	vld [tilespmem:s24+$0x1470]  }
0xe7: {  	v4 =	vmax.f32 v4, v7  }
0xe8: {  	v4 =	vmax.f32 v4, v8  }
0xe9: {  	v4 =	vmax.f32 v4, v45  }
0xea: {  	v4 =	vmax.f32 v4, v5  }
0xeb: {  	s26 =	simm.s32 $0x0;
	s20 =	sadd.s32 $0x18, s31;
	v4 =	vmax.f32 v4, v6  }
0xec: {  	s25 =	simm.s32 $0x0;
	s21 =	smul.u32 $0x6000, s26;
	[tilespmem:s20+$0x0] =	vst v4  }
0xed: {  	[tilespmem:s25], [sflag:$0x1] =	stream.linear.gather [hbm4b:s6+s25], $0xC000, $0x38;
	[tilespmem:$0x1B200] =	vst v63  }
0xee: {  	_ =	swait.ge [sflag:s15], $0xC000  }
0xef: {  	s21 =	sshra.s32 s21, $0x2;
	s20 =	sand.u32 $0x380, s25;
	[sflag:s15] =	ssyncset.done $0x0  }
0xf0: {  	s20 =	sor.u32 s20, s21;
	[sflag:s15] =	ssyncadd.s32 $0xFFFF4000  }
0xf1: {  	v4 =	vld [tilespmem:s20+$0xC010]  }
0xf2: {  	v5 =	vld [tilespmem:s20+$0xC000]  }
0xf3: {  	v6 =	vld [tilespmem:s20+$0xC020]  }
0xf4: {  	v7 =	vld [tilespmem:s20+$0xC030]  }
0xf5: {  	v8 =	vld [tilespmem:s20+$0xC040]  }
0xf6: {  	v46 =	vld [tilespmem:s20+$0xC050]  }
0xf7: {  	v4 =	vmax.f32 v5, v4;
	v5 =	vld [tilespmem:s20+$0xC060]  }
0xf8: {  	v4 =	vmax.f32 v4, v6;
	v6 =	vld [tilespmem:s20+$0xC070]  }
0xf9: {  	v4 =	vmax.f32 v4, v7;
	v7 =	vld [tilespmem:s20+$0xC400]  }
0xfa: {  	v4 =	vmax.f32 v4, v8;
	v8 =	vld [tilespmem:s20+$0xC410]  }
0xfb: {  	v47 =	vld [tilespmem:s20+$0xC420];
	v4 =	vmax.f32 v4, v46  }
0xfc: {  	v4 =	vmax.f32 v4, v5;
	v5 =	vld [tilespmem:s20+$0xC430]  }
0xfd: {  	v4 =	vmax.f32 v4, v6;
	v6 =	vld [tilespmem:s20+$0xC440]  }
0xfe: {  	v4 =	vmax.f32 v4, v7;
	v7 =	vld [tilespmem:s20+$0xC450]  }
0xff: {  	v4 =	vmax.f32 v4, v8;
	v8 =	vld [tilespmem:s20+$0xC460]  }
0x100: {  	v48 =	vld [tilespmem:s20+$0xC470];
	v4 =	vmax.f32 v4, v47  }
0x101: {  	v4 =	vmax.f32 v4, v5;
	v5 =	vld [tilespmem:s20+$0xC800]  }
0x102: {  	v4 =	vmax.f32 v4, v6;
	v6 =	vld [tilespmem:s20+$0xC810]  }
0x103: {  	v4 =	vmax.f32 v4, v7;
	v7 =	vld [tilespmem:s20+$0xC820]  }
0x104: {  	v4 =	vmax.f32 v4, v8;
	v8 =	vld [tilespmem:s20+$0xC830]  }
0x105: {  	v49 =	vld [tilespmem:s20+$0xC840];
	v4 =	vmax.f32 v4, v48  }
0x106: {  	v4 =	vmax.f32 v4, v5;
	v5 =	vld [tilespmem:s20+$0xC850]  }
0x107: {  	v4 =	vmax.f32 v4, v6;
	v6 =	vld [tilespmem:s20+$0xC860]  }
0x108: {  	v4 =	vmax.f32 v4, v7;
	v7 =	vld [tilespmem:s20+$0xC870]  }
0x109: {  	v4 =	vmax.f32 v4, v8;
	v8 =	vld [tilespmem:s20+$0xCC00]  }
0x10a: {  	v50 =	vld [tilespmem:s20+$0xCC10];
	v4 =	vmax.f32 v4, v49  }
0x10b: {  	v4 =	vmax.f32 v4, v5;
	v5 =	vld [tilespmem:s20+$0xCC20]  }
0x10c: {  	v4 =	vmax.f32 v4, v6;
	v6 =	vld [tilespmem:s20+$0xCC30]  }
0x10d: {  	v4 =	vmax.f32 v4, v7;
	v7 =	vld [tilespmem:s20+$0xCC40]  }
0x10e: {  	v4 =	vmax.f32 v4, v8;
	v8 =	vld [tilespmem:s20+$0xCC50]  }
0x10f: {  	v51 =	vld [tilespmem:s20+$0xCC60];
	v4 =	vmax.f32 v4, v50  }
0x110: {  	v4 =	vmax.f32 v4, v5;
	v5 =	vld [tilespmem:s20+$0xCC70]  }
0x111: {  	v4 =	vmax.f32 v4, v6;
	v6 =	vld [tilespmem:s20+$0xD000]  }
0x112: {  	v4 =	vmax.f32 v4, v7;
	v7 =	vld [tilespmem:s20+$0xD010]  }
0x113: {  	v4 =	vmax.f32 v4, v8;
	v8 =	vld [tilespmem:s20+$0xD020]  }
0x114: {  	v52 =	vld [tilespmem:s20+$0xD030];
	v4 =	vmax.f32 v4, v51  }
0x115: {  	v4 =	vmax.f32 v4, v5;
	v5 =	vld [tilespmem:s20+$0xD040]  }
0x116: {  	v4 =	vmax.f32 v4, v6;
	v6 =	vld [tilespmem:s20+$0xD050]  }
0x117: {  	v4 =	vmax.f32 v4, v7;
	v7 =	vld [tilespmem:s20+$0xD060]  }
0x118: {  	v4 =	vmax.f32 v4, v8;
	v8 =	vld [tilespmem:s20+$0xD070]  }
0x119: {  	v53 =	vld [tilespmem:s20+$0xD400];
	v4 =	vmax.f32 v4, v52  }
0x11a: {  	v4 =	vmax.f32 v4, v5;
	v5 =	vld [tilespmem:s20+$0xD410]  }
0x11b: {  	v4 =	vmax.f32 v4, v6;
	v6 =	vld [tilespmem:s20+$0xD420]  }
0x11c: {  	v4 =	vmax.f32 v4, v7;
	v7 =	vld [tilespmem:s20+$0xD430]  }
0x11d: {  	v4 =	vmax.f32 v4, v8;
	v8 =	vld [tilespmem:s20+$0xD440]  }
0x11e: {  	v54 =	vld [tilespmem:s20+$0xD450];
	v4 =	vmax.f32 v4, v53  }
0x11f: {  	v4 =	vmax.f32 v4, v5;
	v5 =	vld [tilespmem:s20+$0xD460]  }
0x120: {  	v4 =	vmax.f32 v4, v6;
	v6 =	vld [tilespmem:s20+$0xD470]  }
0x121: {  	v4 =	vmax.f32 v4, v7  }
0x122: {  	s28 =	simm.s32 $0x0;
	v4 =	vmax.f32 v4, v8  }
0x123: {  	s29 =	smul.u32 $0x6000, s28;
	v4 =	vmax.f32 v4, v54  }
0x124: {  	s21 =	simm.s32 $0x80;
	v4 =	vmax.f32 v4, v5  }
0x125: {  	s22 =	sshra.s32 s29, $0x2;
	s30 =	sand.u32 $0x380, s21;
	s20 =	simm.s32 $0x18600;
	v4 =	vmax.f32 v4, v6  }
0x126: {  	s22 =	sor.u32 s30, s22;
	[tilespmem:s20+$0x0] =	vst v4  }
0x127: {  	v4 =	vld [tilespmem:s22+$0xC010]  }
0x128: {  	v5 =	vld [tilespmem:s22+$0xC000]  }
0x129: {  	v6 =	vld [tilespmem:s22+$0xC020]  }
0x12a: {  	v7 =	vld [tilespmem:s22+$0xC030]  }
0x12b: {  	v8 =	vld [tilespmem:s22+$0xC040]  }
0x12c: {  	v55 =	vld [tilespmem:s22+$0xC050]  }
0x12d: {  	v4 =	vmax.f32 v5, v4;
	v5 =	vld [tilespmem:s22+$0xC060]  }
0x12e: {  	v4 =	vmax.f32 v4, v6;
	v6 =	vld [tilespmem:s22+$0xC070]  }
0x12f: {  	v4 =	vmax.f32 v4, v7;
	v7 =	vld [tilespmem:s22+$0xC400]  }
0x130: {  	v4 =	vmax.f32 v4, v8;
	v8 =	vld [tilespmem:s22+$0xC410]  }
0x131: {  	v56 =	vld [tilespmem:s22+$0xC420];
	v4 =	vmax.f32 v4, v55  }
0x132: {  	v4 =	vmax.f32 v4, v5;
	v5 =	vld [tilespmem:s22+$0xC430]  }
0x133: {  	v4 =	vmax.f32 v4, v6;
	v6 =	vld [tilespmem:s22+$0xC440]  }
0x134: {  	v4 =	vmax.f32 v4, v7;
	v7 =	vld [tilespmem:s22+$0xC450]  }
0x135: {  	v4 =	vmax.f32 v4, v8;
	v8 =	vld [tilespmem:s22+$0xC460]  }
0x136: {  	v57 =	vld [tilespmem:s22+$0xC470];
	v4 =	vmax.f32 v4, v56  }
0x137: {  	v4 =	vmax.f32 v4, v5;
	v5 =	vld [tilespmem:s22+$0xC800]  }
0x138: {  	v4 =	vmax.f32 v4, v6;
	v6 =	vld [tilespmem:s22+$0xC810]  }
0x139: {  	v4 =	vmax.f32 v4, v7;
	v7 =	vld [tilespmem:s22+$0xC820]  }
0x13a: {  	v4 =	vmax.f32 v4, v8;
	v8 =	vld [tilespmem:s22+$0xC830]  }
0x13b: {  	v58 =	vld [tilespmem:s22+$0xC840];
	v4 =	vmax.f32 v4, v57  }
0x13c: {  	v4 =	vmax.f32 v4, v5;
	v5 =	vld [tilespmem:s22+$0xC850]  }
0x13d: {  	v4 =	vmax.f32 v4, v6;
	v6 =	vld [tilespmem:s22+$0xC860]  }
0x13e: {  	v4 =	vmax.f32 v4, v7;
	v7 =	vld [tilespmem:s22+$0xC870]  }
0x13f: {  	v4 =	vmax.f32 v4, v8;
	v8 =	vld [tilespmem:s22+$0xCC00]  }
0x140: {  	v59 =	vld [tilespmem:s22+$0xCC10];
	v4 =	vmax.f32 v4, v58  }
0x141: {  	v4 =	vmax.f32 v4, v5;
	v5 =	vld [tilespmem:s22+$0xCC20]  }
0x142: {  	v4 =	vmax.f32 v4, v6;
	v6 =	vld [tilespmem:s22+$0xCC30]  }
0x143: {  	v4 =	vmax.f32 v4, v7;
	v7 =	vld [tilespmem:s22+$0xCC40]  }
0x144: {  	v4 =	vmax.f32 v4, v8;
	v8 =	vld [tilespmem:s22+$0xCC50]  }
0x145: {  	v60 =	vld [tilespmem:s22+$0xCC60];
	v4 =	vmax.f32 v4, v59  }
0x146: {  	v4 =	vmax.f32 v4, v5;
	v5 =	vld [tilespmem:s22+$0xCC70]  }
0x147: {  	v4 =	vmax.f32 v4, v6;
	v6 =	vld [tilespmem:s22+$0xD000]  }
0x148: {  	v4 =	vmax.f32 v4, v7;
	v7 =	vld [tilespmem:s22+$0xD010]  }
0x149: {  	v4 =	vmax.f32 v4, v8;
	v8 =	vld [tilespmem:s22+$0xD020]  }
0x14a: {  	v61 =	vld [tilespmem:s22+$0xD030];
	v4 =	vmax.f32 v4, v60  }
0x14b: {  	v4 =	vmax.f32 v4, v5;
	v5 =	vld [tilespmem:s22+$0xD040]  }
0x14c: {  	v4 =	vmax.f32 v4, v6;
	v6 =	vld [tilespmem:s22+$0xD050]  }
0x14d: {  	v4 =	vmax.f32 v4, v7;
	v7 =	vld [tilespmem:s22+$0xD060]  }
0x14e: {  	v4 =	vmax.f32 v4, v8;
	v8 =	vld [tilespmem:s22+$0xD070]  }
0x14f: {  	v62 =	vld [tilespmem:s22+$0xD400];
	v4 =	vmax.f32 v4, v61  }
0x150: {  	v4 =	vmax.f32 v4, v5;
	v5 =	vld [tilespmem:s22+$0xD410]  }
0x151: {  	v4 =	vmax.f32 v4, v6;
	v6 =	vld [tilespmem:s22+$0xD420]  }
0x152: {  	v4 =	vmax.f32 v4, v7;
	v7 =	vld [tilespmem:s22+$0xD430]  }
0x153: {  	v4 =	vmax.f32 v4, v8;
	v8 =	vld [tilespmem:s22+$0xD440]  }
0x154: {  	v4 =	vmax.f32 v4, v62  }
0x155: {  	v4 =	vmax.f32 v4, v5  }
0x156: {  	v63 =	vld [tilespmem:s22+$0xD450];
	v4 =	vmax.f32 v4, v6  }
0x157: {  	v5 =	vld [tilespmem:s22+$0xD460];
	v4 =	vmax.f32 v4, v7  }
0x158: {  	v6 =	vmax.f32 v4, v8;
	v4 =	vld [tilespmem:s22+$0xD470];
	_ =	sdelay $0x1  }
0x159: {  	s31 =	simm.s32 $0x0  }
0x15a: {  	s23 =	smul.u32 $0x6000, s31;
	s22 =	simm.s32 $0x3;
	v6 =	vmax.f32 v6, v63  }
.LBB2_4:
0x15b: {  	p0 =	sne.s32 s22, $0x3F;
	v5 =	vmax.f32 v6, v5;
	s21 =	sadd.s32 $0x80, s21  }
0x15c: {  	s20 =	sadd.s32 $0x18, s20;
	s24 =	sand.u32 $0x380, s21;
	s23 =	sshra.s32 s23, $0x2;
	v4 =	vmax.f32 v5, v4  }
0x15d: {  	s23 =	sor.u32 s24, s23;
	[tilespmem:s20+$0x0] =	vst v4  }
0x15e: {  	v4 =	vld [tilespmem:s23+$0xC010]  }
0x15f: {  	v5 =	vld [tilespmem:s23+$0xC000]  }
0x160: {  	v6 =	vld [tilespmem:s23+$0xC020]  }
0x161: {  	v7 =	vld [tilespmem:s23+$0xC030]  }
0x162: {  	v8 =	vld [tilespmem:s23+$0xC040]  }
0x163: {  	v9 =	vld [tilespmem:s23+$0xC050]  }
0x164: {  	v4 =	vmax.f32 v5, v4;
	v5 =	vld [tilespmem:s23+$0xC060]  }
0x165: {  	v4 =	vmax.f32 v4, v6;
	v6 =	vld [tilespmem:s23+$0xC070]  }
0x166: {  	v4 =	vmax.f32 v4, v7;
	v7 =	vld [tilespmem:s23+$0xC400]  }
0x167: {  	v4 =	vmax.f32 v4, v8;
	v8 =	vld [tilespmem:s23+$0xC410]  }
0x168: {  	v4 =	vmax.f32 v4, v9;
	v9 =	vld [tilespmem:s23+$0xC420]  }
0x169: {  	v4 =	vmax.f32 v4, v5;
	v5 =	vld [tilespmem:s23+$0xC430]  }
0x16a: {  	v4 =	vmax.f32 v4, v6;
	v6 =	vld [tilespmem:s23+$0xC440]  }
0x16b: {  	v4 =	vmax.f32 v4, v7;
	v7 =	vld [tilespmem:s23+$0xC450]  }
0x16c: {  	v4 =	vmax.f32 v4, v8;
	v8 =	vld [tilespmem:s23+$0xC460]  }
0x16d: {  	v4 =	vmax.f32 v4, v9;
	v9 =	vld [tilespmem:s23+$0xC470]  }
0x16e: {  	v4 =	vmax.f32 v4, v5;
	v5 =	vld [tilespmem:s23+$0xC800]  }
0x16f: {  	v4 =	vmax.f32 v4, v6;
	v6 =	vld [tilespmem:s23+$0xC810]  }
0x170: {  	v4 =	vmax.f32 v4, v7;
	v7 =	vld [tilespmem:s23+$0xC820]  }
0x171: {  	v4 =	vmax.f32 v4, v8;
	v8 =	vld [tilespmem:s23+$0xC830]  }
0x172: {  	v4 =	vmax.f32 v4, v9;
	v9 =	vld [tilespmem:s23+$0xC840]  }
0x173: {  	v4 =	vmax.f32 v4, v5;
	v5 =	vld [tilespmem:s23+$0xC850]  }
0x174: {  	v4 =	vmax.f32 v4, v6;
	v6 =	vld [tilespmem:s23+$0xC860]  }
0x175: {  	v4 =	vmax.f32 v4, v7;
	v7 =	vld [tilespmem:s23+$0xC870]  }
0x176: {  	v4 =	vmax.f32 v4, v8;
	v8 =	vld [tilespmem:s23+$0xCC00]  }
0x177: {  	v4 =	vmax.f32 v4, v9;
	v9 =	vld [tilespmem:s23+$0xCC10]  }
0x178: {  	v4 =	vmax.f32 v4, v5;
	v5 =	vld [tilespmem:s23+$0xCC20]  }
0x179: {  	v4 =	vmax.f32 v4, v6;
	v6 =	vld [tilespmem:s23+$0xCC30]  }
0x17a: {  	v4 =	vmax.f32 v4, v7;
	v7 =	vld [tilespmem:s23+$0xCC40]  }
0x17b: {  	v4 =	vmax.f32 v4, v8;
	v8 =	vld [tilespmem:s23+$0xCC50]  }
0x17c: {  	v4 =	vmax.f32 v4, v9;
	v9 =	vld [tilespmem:s23+$0xCC60]  }
0x17d: {  	v4 =	vmax.f32 v4, v5;
	v5 =	vld [tilespmem:s23+$0xCC70]  }
0x17e: {  	v4 =	vmax.f32 v4, v6;
	v6 =	vld [tilespmem:s23+$0xD000]  }
0x17f: {  	v4 =	vmax.f32 v4, v7;
	v7 =	vld [tilespmem:s23+$0xD010]  }
0x180: {  	v4 =	vmax.f32 v4, v8;
	v8 =	vld [tilespmem:s23+$0xD020]  }
0x181: {  	v4 =	vmax.f32 v4, v9;
	v9 =	vld [tilespmem:s23+$0xD030]  }
0x182: {  	v4 =	vmax.f32 v4, v5;
	v5 =	vld [tilespmem:s23+$0xD040]  }
0x183: {  	v4 =	vmax.f32 v4, v6;
	v6 =	vld [tilespmem:s23+$0xD050]  }
0x184: {  	v4 =	vmax.f32 v4, v7;
	v7 =	vld [tilespmem:s23+$0xD060]  }
0x185: {  	v4 =	vmax.f32 v4, v8;
	v8 =	vld [tilespmem:s23+$0xD070]  }
0x186: {  	v4 =	vmax.f32 v4, v9;
	v9 =	vld [tilespmem:s23+$0xD400]  }
0x187: {  	v4 =	vmax.f32 v4, v5;
	v5 =	vld [tilespmem:s23+$0xD410]  }
0x188: {  	v4 =	vmax.f32 v4, v6;
	v6 =	vld [tilespmem:s23+$0xD420]  }
0x189: {  	v4 =	vmax.f32 v4, v7;
	v7 =	vld [tilespmem:s23+$0xD430]  }
0x18a: {  	v4 =	vmax.f32 v4, v8;
	v8 =	vld [tilespmem:s23+$0xD440]  }
0x18b: {  	v4 =	vmax.f32 v4, v9;
	v9 =	vld [tilespmem:s23+$0xD450]  }
.Ltmp1:
0x18c: {  	v4 =	vmax.f32 v4, v5;
	v5 =	vld [tilespmem:s23+$0xD460];
	(pc) =	sbr.rel @p0 .LBB2_4-.Ltmp1, $4  }
0x18d: {  	v6 =	vmax.f32 v4, v6;
	v4 =	vld [tilespmem:s23+$0xD470]  }
0x18e: {  	v6 =	vmax.f32 v6, v7  }
0x18f: {  	s23 =	sshrl.u32 s22, $0x3;
	v6 =	vmax.f32 v6, v8  }
0x190: {  	s22 =	sadd.s32 $0x1, s22;
	s23 =	smul.u32 $0x6000, s23;
	v6 =	vmax.f32 v6, v9  }
0x191: {  	v5 =	vmax.f32 v6, v5;
	s21 =	sadd.s32 $0x80, s21  }
0x192: {  	s20 =	sadd.s32 $0x18, s20;
	s21 =	sand.u32 $0x380, s21;
	s22 =	sshra.s32 s23, $0x2;
	v4 =	vmax.f32 v5, v4  }
0x193: {  	s21 =	sor.u32 s21, s22;
	[tilespmem:s20+$0x0] =	vst v4  }
0x194: {  	v4 =	vld [tilespmem:s21+$0xC010]  }
0x195: {  	v5 =	vld [tilespmem:s21+$0xC000]  }
0x196: {  	v6 =	vld [tilespmem:s21+$0xC020]  }
0x197: {  	v7 =	vld [tilespmem:s21+$0xC030]  }
0x198: {  	v8 =	vld [tilespmem:s21+$0xC040]  }
0x199: {  	v9 =	vld [tilespmem:s21+$0xC050]  }
0x19a: {  	v4 =	vmax.f32 v5, v4;
	v5 =	vld [tilespmem:s21+$0xC060]  }
0x19b: {  	v4 =	vmax.f32 v4, v6;
	v6 =	vld [tilespmem:s21+$0xC070]  }
0x19c: {  	v4 =	vmax.f32 v4, v7;
	v7 =	vld [tilespmem:s21+$0xC400]  }
0x19d: {  	v4 =	vmax.f32 v4, v8;
	v8 =	vld [tilespmem:s21+$0xC410]  }
0x19e: {  	v38 =	vld [tilespmem:s21+$0xC420];
	v4 =	vmax.f32 v4, v9  }
0x19f: {  	v4 =	vmax.f32 v4, v5;
	v5 =	vld [tilespmem:s21+$0xC430]  }
0x1a0: {  	v4 =	vmax.f32 v4, v6;
	v6 =	vld [tilespmem:s21+$0xC440]  }
0x1a1: {  	v4 =	vmax.f32 v4, v7;
	v7 =	vld [tilespmem:s21+$0xC450]  }
0x1a2: {  	v4 =	vmax.f32 v4, v8;
	v8 =	vld [tilespmem:s21+$0xC460]  }
0x1a3: {  	v39 =	vld [tilespmem:s21+$0xC470];
	v4 =	vmax.f32 v4, v38  }
0x1a4: {  	v4 =	vmax.f32 v4, v5;
	v5 =	vld [tilespmem:s21+$0xC800]  }
0x1a5: {  	v4 =	vmax.f32 v4, v6;
	v6 =	vld [tilespmem:s21+$0xC810]  }
0x1a6: {  	v4 =	vmax.f32 v4, v7;
	v7 =	vld [tilespmem:s21+$0xC820]  }
0x1a7: {  	v4 =	vmax.f32 v4, v8;
	v8 =	vld [tilespmem:s21+$0xC830]  }
0x1a8: {  	v40 =	vld [tilespmem:s21+$0xC840];
	v4 =	vmax.f32 v4, v39  }
0x1a9: {  	v4 =	vmax.f32 v4, v5;
	v5 =	vld [tilespmem:s21+$0xC850]  }
0x1aa: {  	v4 =	vmax.f32 v4, v6;
	v6 =	vld [tilespmem:s21+$0xC860]  }
0x1ab: {  	v4 =	vmax.f32 v4, v7;
	v7 =	vld [tilespmem:s21+$0xC870]  }
0x1ac: {  	v4 =	vmax.f32 v4, v8;
	v8 =	vld [tilespmem:s21+$0xCC00]  }
0x1ad: {  	v41 =	vld [tilespmem:s21+$0xCC10];
	v4 =	vmax.f32 v4, v40  }
0x1ae: {  	v4 =	vmax.f32 v4, v5;
	v5 =	vld [tilespmem:s21+$0xCC20]  }
0x1af: {  	v4 =	vmax.f32 v4, v6;
	v6 =	vld [tilespmem:s21+$0xCC30]  }
0x1b0: {  	v4 =	vmax.f32 v4, v7;
	v7 =	vld [tilespmem:s21+$0xCC40]  }
0x1b1: {  	v4 =	vmax.f32 v4, v8;
	v8 =	vld [tilespmem:s21+$0xCC50]  }
0x1b2: {  	v42 =	vld [tilespmem:s21+$0xCC60];
	v4 =	vmax.f32 v4, v41  }
0x1b3: {  	v4 =	vmax.f32 v4, v5;
	v5 =	vld [tilespmem:s21+$0xCC70]  }
0x1b4: {  	v4 =	vmax.f32 v4, v6;
	v6 =	vld [tilespmem:s21+$0xD000]  }
0x1b5: {  	v4 =	vmax.f32 v4, v7;
	v7 =	vld [tilespmem:s21+$0xD010]  }
0x1b6: {  	v4 =	vmax.f32 v4, v8;
	v8 =	vld [tilespmem:s21+$0xD020]  }
0x1b7: {  	v43 =	vld [tilespmem:s21+$0xD030];
	v4 =	vmax.f32 v4, v42  }
0x1b8: {  	v4 =	vmax.f32 v4, v5;
	v5 =	vld [tilespmem:s21+$0xD040]  }
0x1b9: {  	v4 =	vmax.f32 v4, v6;
	v6 =	vld [tilespmem:s21+$0xD050]  }
0x1ba: {  	v4 =	vmax.f32 v4, v7;
	v7 =	vld [tilespmem:s21+$0xD060]  }
0x1bb: {  	v4 =	vmax.f32 v4, v8;
	v8 =	vld [tilespmem:s21+$0xD070]  }
0x1bc: {  	v44 =	vld [tilespmem:s21+$0xD400];
	v4 =	vmax.f32 v4, v43  }
0x1bd: {  	v4 =	vmax.f32 v4, v5;
	v5 =	vld [tilespmem:s21+$0xD410]  }
0x1be: {  	v4 =	vmax.f32 v4, v6;
	v6 =	vld [tilespmem:s21+$0xD420]  }
0x1bf: {  	v4 =	vmax.f32 v4, v7;
	v7 =	vld [tilespmem:s21+$0xD430]  }
0x1c0: {  	v4 =	vmax.f32 v4, v8;
	v8 =	vld [tilespmem:s21+$0xD440]  }
0x1c1: {  	v45 =	vld [tilespmem:s21+$0xD450];
	v4 =	vmax.f32 v4, v44  }
0x1c2: {  	v4 =	vmax.f32 v4, v5;
	v5 =	vld [tilespmem:s21+$0xD460]  }
0x1c3: {  	v4 =	vmax.f32 v4, v6;
	v6 =	vld [tilespmem:s21+$0xD470]  }
0x1c4: {  	v4 =	vmax.f32 v4, v7  }
0x1c5: {  	v4 =	vmax.f32 v4, v8  }
0x1c6: {  	v4 =	vmax.f32 v4, v45  }
0x1c7: {  	v4 =	vmax.f32 v4, v5  }
0x1c8: {  	s26 =	simm.s32 $0x0;
	s20 =	sadd.s32 $0x18, s20;
	v4 =	vmax.f32 v4, v6  }
0x1c9: {  	s25 =	simm.s32 $0x0;
	s21 =	smul.u32 $0x6000, s26;
	[tilespmem:s20+$0x0] =	vst v4  }
0x1ca: {  	[tilespmem:s13], [sflag:$0x2] =	stream.linear.gather [hbm4b:s5+s25], $0xC000, $0x38;
	[tilespmem:$0x1B200] =	vst v63  }
0x1cb: {  	_ =	swait.ge [sflag:s14], $0xC000  }
0x1cc: {  	s21 =	sshra.s32 s21, $0x2;
	s20 =	sand.u32 $0x380, s25;
	[sflag:s14] =	ssyncset.done $0x0  }
0x1cd: {  	s20 =	sor.u32 s20, s21;
	[sflag:s14] =	ssyncadd.s32 $0xFFFF4000  }
0x1ce: {  	v4 =	vld [tilespmem:s20+$0x10]  }
0x1cf: {  	v5 =	vld [tilespmem:s20+$0x0]  }
0x1d0: {  	v6 =	vld [tilespmem:s20+$0x20]  }
0x1d1: {  	v7 =	vld [tilespmem:s20+$0x30]  }
0x1d2: {  	v8 =	vld [tilespmem:s20+$0x40]  }
0x1d3: {  	v46 =	vld [tilespmem:s20+$0x50]  }
0x1d4: {  	v4 =	vmax.f32 v5, v4;
	v5 =	vld [tilespmem:s20+$0x60]  }
0x1d5: {  	v4 =	vmax.f32 v4, v6;
	v6 =	vld [tilespmem:s20+$0x70]  }
0x1d6: {  	v4 =	vmax.f32 v4, v7;
	v7 =	vld [tilespmem:s20+$0x400]  }
0x1d7: {  	v4 =	vmax.f32 v4, v8;
	v8 =	vld [tilespmem:s20+$0x410]  }
0x1d8: {  	v47 =	vld [tilespmem:s20+$0x420];
	v4 =	vmax.f32 v4, v46  }
0x1d9: {  	v4 =	vmax.f32 v4, v5;
	v5 =	vld [tilespmem:s20+$0x430]  }
0x1da: {  	v4 =	vmax.f32 v4, v6;
	v6 =	vld [tilespmem:s20+$0x440]  }
0x1db: {  	v4 =	vmax.f32 v4, v7;
	v7 =	vld [tilespmem:s20+$0x450]  }
0x1dc: {  	v4 =	vmax.f32 v4, v8;
	v8 =	vld [tilespmem:s20+$0x460]  }
0x1dd: {  	v48 =	vld [tilespmem:s20+$0x470];
	v4 =	vmax.f32 v4, v47  }
0x1de: {  	v4 =	vmax.f32 v4, v5;
	v5 =	vld [tilespmem:s20+$0x800]  }
0x1df: {  	v4 =	vmax.f32 v4, v6;
	v6 =	vld [tilespmem:s20+$0x810]  }
0x1e0: {  	v4 =	vmax.f32 v4, v7;
	v7 =	vld [tilespmem:s20+$0x820]  }
0x1e1: {  	v4 =	vmax.f32 v4, v8;
	v8 =	vld [tilespmem:s20+$0x830]  }
0x1e2: {  	v49 =	vld [tilespmem:s20+$0x840];
	v4 =	vmax.f32 v4, v48  }
0x1e3: {  	v4 =	vmax.f32 v4, v5;
	v5 =	vld [tilespmem:s20+$0x850]  }
0x1e4: {  	v4 =	vmax.f32 v4, v6;
	v6 =	vld [tilespmem:s20+$0x860]  }
0x1e5: {  	v4 =	vmax.f32 v4, v7;
	v7 =	vld [tilespmem:s20+$0x870]  }
0x1e6: {  	v4 =	vmax.f32 v4, v8;
	v8 =	vld [tilespmem:s20+$0xC00]  }
0x1e7: {  	v50 =	vld [tilespmem:s20+$0xC10];
	v4 =	vmax.f32 v4, v49  }
0x1e8: {  	v4 =	vmax.f32 v4, v5;
	v5 =	vld [tilespmem:s20+$0xC20]  }
0x1e9: {  	v4 =	vmax.f32 v4, v6;
	v6 =	vld [tilespmem:s20+$0xC30]  }
0x1ea: {  	v4 =	vmax.f32 v4, v7;
	v7 =	vld [tilespmem:s20+$0xC40]  }
0x1eb: {  	v4 =	vmax.f32 v4, v8;
	v8 =	vld [tilespmem:s20+$0xC50]  }
0x1ec: {  	v51 =	vld [tilespmem:s20+$0xC60];
	v4 =	vmax.f32 v4, v50  }
0x1ed: {  	v4 =	vmax.f32 v4, v5;
	v5 =	vld [tilespmem:s20+$0xC70]  }
0x1ee: {  	v4 =	vmax.f32 v4, v6;
	v6 =	vld [tilespmem:s20+$0x1000]  }
0x1ef: {  	v4 =	vmax.f32 v4, v7;
	v7 =	vld [tilespmem:s20+$0x1010]  }
0x1f0: {  	v4 =	vmax.f32 v4, v8;
	v8 =	vld [tilespmem:s20+$0x1020]  }
0x1f1: {  	v52 =	vld [tilespmem:s20+$0x1030];
	v4 =	vmax.f32 v4, v51  }
0x1f2: {  	v4 =	vmax.f32 v4, v5;
	v5 =	vld [tilespmem:s20+$0x1040]  }
0x1f3: {  	v4 =	vmax.f32 v4, v6;
	v6 =	vld [tilespmem:s20+$0x1050]  }
0x1f4: {  	v4 =	vmax.f32 v4, v7;
	v7 =	vld [tilespmem:s20+$0x1060]  }
0x1f5: {  	v4 =	vmax.f32 v4, v8;
	v8 =	vld [tilespmem:s20+$0x1070]  }
0x1f6: {  	v53 =	vld [tilespmem:s20+$0x1400];
	v4 =	vmax.f32 v4, v52  }
0x1f7: {  	v4 =	vmax.f32 v4, v5;
	v5 =	vld [tilespmem:s20+$0x1410]  }
0x1f8: {  	v4 =	vmax.f32 v4, v6;
	v6 =	vld [tilespmem:s20+$0x1420]  }
0x1f9: {  	v4 =	vmax.f32 v4, v7;
	v7 =	vld [tilespmem:s20+$0x1430]  }
0x1fa: {  	v4 =	vmax.f32 v4, v8;
	v8 =	vld [tilespmem:s20+$0x1440]  }
0x1fb: {  	v54 =	vld [tilespmem:s20+$0x1450];
	v4 =	vmax.f32 v4, v53  }
0x1fc: {  	v4 =	vmax.f32 v4, v5;
	v5 =	vld [tilespmem:s20+$0x1460]  }
0x1fd: {  	v4 =	vmax.f32 v4, v6;
	v6 =	vld [tilespmem:s20+$0x1470]  }
0x1fe: {  	v4 =	vmax.f32 v4, v7  }
0x1ff: {  	s28 =	simm.s32 $0x0;
	v4 =	vmax.f32 v4, v8  }
0x200: {  	s29 =	smul.u32 $0x6000, s28;
	v4 =	vmax.f32 v4, v54  }
0x201: {  	s21 =	simm.s32 $0x80;
	v4 =	vmax.f32 v4, v5  }
0x202: {  	s22 =	sshra.s32 s29, $0x2;
	s30 =	sand.u32 $0x380, s21;
	s20 =	simm.s32 $0x18C00;
	v4 =	vmax.f32 v4, v6  }
0x203: {  	s22 =	sor.u32 s30, s22;
	[tilespmem:s20+$0x0] =	vst v4  }
0x204: {  	v4 =	vld [tilespmem:s22+$0x10]  }
0x205: {  	v5 =	vld [tilespmem:s22+$0x0]  }
0x206: {  	v6 =	vld [tilespmem:s22+$0x20]  }
0x207: {  	v7 =	vld [tilespmem:s22+$0x30]  }
0x208: {  	v8 =	vld [tilespmem:s22+$0x40]  }
0x209: {  	v55 =	vld [tilespmem:s22+$0x50]  }
0x20a: {  	v4 =	vmax.f32 v5, v4;
	v5 =	vld [tilespmem:s22+$0x60]  }
0x20b: {  	v4 =	vmax.f32 v4, v6;
	v6 =	vld [tilespmem:s22+$0x70]  }
0x20c: {  	v4 =	vmax.f32 v4, v7;
	v7 =	vld [tilespmem:s22+$0x400]  }
0x20d: {  	v4 =	vmax.f32 v4, v8;
	v8 =	vld [tilespmem:s22+$0x410]  }
0x20e: {  	v56 =	vld [tilespmem:s22+$0x420];
	v4 =	vmax.f32 v4, v55  }
0x20f: {  	v4 =	vmax.f32 v4, v5;
	v5 =	vld [tilespmem:s22+$0x430]  }
0x210: {  	v4 =	vmax.f32 v4, v6;
	v6 =	vld [tilespmem:s22+$0x440]  }
0x211: {  	v4 =	vmax.f32 v4, v7;
	v7 =	vld [tilespmem:s22+$0x450]  }
0x212: {  	v4 =	vmax.f32 v4, v8;
	v8 =	vld [tilespmem:s22+$0x460]  }
0x213: {  	v57 =	vld [tilespmem:s22+$0x470];
	v4 =	vmax.f32 v4, v56  }
0x214: {  	v4 =	vmax.f32 v4, v5;
	v5 =	vld [tilespmem:s22+$0x800]  }
0x215: {  	v4 =	vmax.f32 v4, v6;
	v6 =	vld [tilespmem:s22+$0x810]  }
0x216: {  	v4 =	vmax.f32 v4, v7;
	v7 =	vld [tilespmem:s22+$0x820]  }
0x217: {  	v4 =	vmax.f32 v4, v8;
	v8 =	vld [tilespmem:s22+$0x830]  }
0x218: {  	v58 =	vld [tilespmem:s22+$0x840];
	v4 =	vmax.f32 v4, v57  }
0x219: {  	v4 =	vmax.f32 v4, v5;
	v5 =	vld [tilespmem:s22+$0x850]  }
0x21a: {  	v4 =	vmax.f32 v4, v6;
	v6 =	vld [tilespmem:s22+$0x860]  }
0x21b: {  	v4 =	vmax.f32 v4, v7;
	v7 =	vld [tilespmem:s22+$0x870]  }
0x21c: {  	v4 =	vmax.f32 v4, v8;
	v8 =	vld [tilespmem:s22+$0xC00]  }
0x21d: {  	v59 =	vld [tilespmem:s22+$0xC10];
	v4 =	vmax.f32 v4, v58  }
0x21e: {  	v4 =	vmax.f32 v4, v5;
	v5 =	vld [tilespmem:s22+$0xC20]  }
0x21f: {  	v4 =	vmax.f32 v4, v6;
	v6 =	vld [tilespmem:s22+$0xC30]  }
0x220: {  	v4 =	vmax.f32 v4, v7;
	v7 =	vld [tilespmem:s22+$0xC40]  }
0x221: {  	v4 =	vmax.f32 v4, v8;
	v8 =	vld [tilespmem:s22+$0xC50]  }
0x222: {  	v60 =	vld [tilespmem:s22+$0xC60];
	v4 =	vmax.f32 v4, v59  }
0x223: {  	v4 =	vmax.f32 v4, v5;
	v5 =	vld [tilespmem:s22+$0xC70]  }
0x224: {  	v4 =	vmax.f32 v4, v6;
	v6 =	vld [tilespmem:s22+$0x1000]  }
0x225: {  	v4 =	vmax.f32 v4, v7;
	v7 =	vld [tilespmem:s22+$0x1010]  }
0x226: {  	v4 =	vmax.f32 v4, v8;
	v8 =	vld [tilespmem:s22+$0x1020]  }
0x227: {  	v61 =	vld [tilespmem:s22+$0x1030];
	v4 =	vmax.f32 v4, v60  }
0x228: {  	v4 =	vmax.f32 v4, v5;
	v5 =	vld [tilespmem:s22+$0x1040]  }
0x229: {  	v4 =	vmax.f32 v4, v6;
	v6 =	vld [tilespmem:s22+$0x1050]  }
0x22a: {  	v4 =	vmax.f32 v4, v7;
	v7 =	vld [tilespmem:s22+$0x1060]  }
0x22b: {  	v4 =	vmax.f32 v4, v8;
	v8 =	vld [tilespmem:s22+$0x1070]  }
0x22c: {  	v62 =	vld [tilespmem:s22+$0x1400];
	v4 =	vmax.f32 v4, v61  }
0x22d: {  	v4 =	vmax.f32 v4, v5;
	v5 =	vld [tilespmem:s22+$0x1410]  }
0x22e: {  	v4 =	vmax.f32 v4, v6;
	v6 =	vld [tilespmem:s22+$0x1420]  }
0x22f: {  	v4 =	vmax.f32 v4, v7;
	v7 =	vld [tilespmem:s22+$0x1430]  }
0x230: {  	v4 =	vmax.f32 v4, v8;
	v8 =	vld [tilespmem:s22+$0x1440]  }
0x231: {  	v4 =	vmax.f32 v4, v62  }
0x232: {  	v4 =	vmax.f32 v4, v5  }
0x233: {  	v63 =	vld [tilespmem:s22+$0x1450];
	v4 =	vmax.f32 v4, v6  }
0x234: {  	v5 =	vld [tilespmem:s22+$0x1460];
	v4 =	vmax.f32 v4, v7  }
0x235: {  	v6 =	vmax.f32 v4, v8;
	v4 =	vld [tilespmem:s22+$0x1470];
	_ =	sdelay $0x1  }
0x236: {  	s31 =	simm.s32 $0x0  }
0x237: {  	s23 =	smul.u32 $0x6000, s31;
	s22 =	simm.s32 $0x3;
	v6 =	vmax.f32 v6, v63  }
.LBB2_6:
0x238: {  	p0 =	sne.s32 s22, $0x3F;
	v5 =	vmax.f32 v6, v5;
	s21 =	sadd.s32 $0x80, s21  }
0x239: {  	s20 =	sadd.s32 $0x18, s20;
	s24 =	sand.u32 $0x380, s21;
	s23 =	sshra.s32 s23, $0x2;
	v4 =	vmax.f32 v5, v4  }
0x23a: {  	s23 =	sor.u32 s24, s23;
	[tilespmem:s20+$0x0] =	vst v4  }
0x23b: {  	v4 =	vld [tilespmem:s23+$0x10]  }
0x23c: {  	v5 =	vld [tilespmem:s23+$0x0]  }
0x23d: {  	v6 =	vld [tilespmem:s23+$0x20]  }
0x23e: {  	v7 =	vld [tilespmem:s23+$0x30]  }
0x23f: {  	v8 =	vld [tilespmem:s23+$0x40]  }
0x240: {  	v9 =	vld [tilespmem:s23+$0x50]  }
0x241: {  	v4 =	vmax.f32 v5, v4;
	v5 =	vld [tilespmem:s23+$0x60]  }
0x242: {  	v4 =	vmax.f32 v4, v6;
	v6 =	vld [tilespmem:s23+$0x70]  }
0x243: {  	v4 =	vmax.f32 v4, v7;
	v7 =	vld [tilespmem:s23+$0x400]  }
0x244: {  	v4 =	vmax.f32 v4, v8;
	v8 =	vld [tilespmem:s23+$0x410]  }
0x245: {  	v4 =	vmax.f32 v4, v9;
	v9 =	vld [tilespmem:s23+$0x420]  }
0x246: {  	v4 =	vmax.f32 v4, v5;
	v5 =	vld [tilespmem:s23+$0x430]  }
0x247: {  	v4 =	vmax.f32 v4, v6;
	v6 =	vld [tilespmem:s23+$0x440]  }
0x248: {  	v4 =	vmax.f32 v4, v7;
	v7 =	vld [tilespmem:s23+$0x450]  }
0x249: {  	v4 =	vmax.f32 v4, v8;
	v8 =	vld [tilespmem:s23+$0x460]  }
0x24a: {  	v4 =	vmax.f32 v4, v9;
	v9 =	vld [tilespmem:s23+$0x470]  }
0x24b: {  	v4 =	vmax.f32 v4, v5;
	v5 =	vld [tilespmem:s23+$0x800]  }
0x24c: {  	v4 =	vmax.f32 v4, v6;
	v6 =	vld [tilespmem:s23+$0x810]  }
0x24d: {  	v4 =	vmax.f32 v4, v7;
	v7 =	vld [tilespmem:s23+$0x820]  }
0x24e: {  	v4 =	vmax.f32 v4, v8;
	v8 =	vld [tilespmem:s23+$0x830]  }
0x24f: {  	v4 =	vmax.f32 v4, v9;
	v9 =	vld [tilespmem:s23+$0x840]  }
0x250: {  	v4 =	vmax.f32 v4, v5;
	v5 =	vld [tilespmem:s23+$0x850]  }
0x251: {  	v4 =	vmax.f32 v4, v6;
	v6 =	vld [tilespmem:s23+$0x860]  }
0x252: {  	v4 =	vmax.f32 v4, v7;
	v7 =	vld [tilespmem:s23+$0x870]  }
0x253: {  	v4 =	vmax.f32 v4, v8;
	v8 =	vld [tilespmem:s23+$0xC00]  }
0x254: {  	v4 =	vmax.f32 v4, v9;
	v9 =	vld [tilespmem:s23+$0xC10]  }
0x255: {  	v4 =	vmax.f32 v4, v5;
	v5 =	vld [tilespmem:s23+$0xC20]  }
0x256: {  	v4 =	vmax.f32 v4, v6;
	v6 =	vld [tilespmem:s23+$0xC30]  }
0x257: {  	v4 =	vmax.f32 v4, v7;
	v7 =	vld [tilespmem:s23+$0xC40]  }
0x258: {  	v4 =	vmax.f32 v4, v8;
	v8 =	vld [tilespmem:s23+$0xC50]  }
0x259: {  	v4 =	vmax.f32 v4, v9;
	v9 =	vld [tilespmem:s23+$0xC60]  }
0x25a: {  	v4 =	vmax.f32 v4, v5;
	v5 =	vld [tilespmem:s23+$0xC70]  }
0x25b: {  	v4 =	vmax.f32 v4, v6;
	v6 =	vld [tilespmem:s23+$0x1000]  }
0x25c: {  	v4 =	vmax.f32 v4, v7;
	v7 =	vld [tilespmem:s23+$0x1010]  }
0x25d: {  	v4 =	vmax.f32 v4, v8;
	v8 =	vld [tilespmem:s23+$0x1020]  }
0x25e: {  	v4 =	vmax.f32 v4, v9;
	v9 =	vld [tilespmem:s23+$0x1030]  }
0x25f: {  	v4 =	vmax.f32 v4, v5;
	v5 =	vld [tilespmem:s23+$0x1040]  }
0x260: {  	v4 =	vmax.f32 v4, v6;
	v6 =	vld [tilespmem:s23+$0x1050]  }
0x261: {  	v4 =	vmax.f32 v4, v7;
	v7 =	vld [tilespmem:s23+$0x1060]  }
0x262: {  	v4 =	vmax.f32 v4, v8;
	v8 =	vld [tilespmem:s23+$0x1070]  }
0x263: {  	v4 =	vmax.f32 v4, v9;
	v9 =	vld [tilespmem:s23+$0x1400]  }
0x264: {  	v4 =	vmax.f32 v4, v5;
	v5 =	vld [tilespmem:s23+$0x1410]  }
0x265: {  	v4 =	vmax.f32 v4, v6;
	v6 =	vld [tilespmem:s23+$0x1420]  }
0x266: {  	v4 =	vmax.f32 v4, v7;
	v7 =	vld [tilespmem:s23+$0x1430]  }
0x267: {  	v4 =	vmax.f32 v4, v8;
	v8 =	vld [tilespmem:s23+$0x1440]  }
0x268: {  	v4 =	vmax.f32 v4, v9;
	v9 =	vld [tilespmem:s23+$0x1450]  }
.Ltmp2:
0x269: {  	v4 =	vmax.f32 v4, v5;
	v5 =	vld [tilespmem:s23+$0x1460];
	(pc) =	sbr.rel @p0 .LBB2_6-.Ltmp2, $4  }
0x26a: {  	v6 =	vmax.f32 v4, v6;
	v4 =	vld [tilespmem:s23+$0x1470]  }
0x26b: {  	v6 =	vmax.f32 v6, v7  }
0x26c: {  	s23 =	sshrl.u32 s22, $0x3;
	v6 =	vmax.f32 v6, v8  }
0x26d: {  	s22 =	sadd.s32 $0x1, s22;
	s23 =	smul.u32 $0x6000, s23;
	v6 =	vmax.f32 v6, v9  }
0x26e: {  	v5 =	vmax.f32 v6, v5;
	s21 =	sadd.s32 $0x80, s21  }
0x26f: {  	s20 =	sadd.s32 $0x18, s20;
	s21 =	sand.u32 $0x380, s21;
	s22 =	sshra.s32 s23, $0x2;
	v4 =	vmax.f32 v5, v4  }
0x270: {  	s21 =	sor.u32 s21, s22;
	[tilespmem:s20+$0x0] =	vst v4  }
0x271: {  	v4 =	vld [tilespmem:s21+$0x10]  }
0x272: {  	v5 =	vld [tilespmem:s21+$0x0]  }
0x273: {  	v6 =	vld [tilespmem:s21+$0x20]  }
0x274: {  	v7 =	vld [tilespmem:s21+$0x30]  }
0x275: {  	v8 =	vld [tilespmem:s21+$0x40]  }
0x276: {  	v9 =	vld [tilespmem:s21+$0x50]  }
0x277: {  	v4 =	vmax.f32 v5, v4;
	v5 =	vld [tilespmem:s21+$0x60]  }
0x278: {  	v4 =	vmax.f32 v4, v6;
	v6 =	vld [tilespmem:s21+$0x70]  }
0x279: {  	v4 =	vmax.f32 v4, v7;
	v7 =	vld [tilespmem:s21+$0x400]  }
0x27a: {  	v4 =	vmax.f32 v4, v8;
	v8 =	vld [tilespmem:s21+$0x410]  }
0x27b: {  	v38 =	vld [tilespmem:s21+$0x420];
	v4 =	vmax.f32 v4, v9  }
0x27c: {  	v4 =	vmax.f32 v4, v5;
	v5 =	vld [tilespmem:s21+$0x430]  }
0x27d: {  	v4 =	vmax.f32 v4, v6;
	v6 =	vld [tilespmem:s21+$0x440]  }
0x27e: {  	v4 =	vmax.f32 v4, v7;
	v7 =	vld [tilespmem:s21+$0x450]  }
0x27f: {  	v4 =	vmax.f32 v4, v8;
	v8 =	vld [tilespmem:s21+$0x460]  }
0x280: {  	v39 =	vld [tilespmem:s21+$0x470];
	v4 =	vmax.f32 v4, v38  }
0x281: {  	v4 =	vmax.f32 v4, v5;
	v5 =	vld [tilespmem:s21+$0x800]  }
0x282: {  	v4 =	vmax.f32 v4, v6;
	v6 =	vld [tilespmem:s21+$0x810]  }
0x283: {  	v4 =	vmax.f32 v4, v7;
	v7 =	vld [tilespmem:s21+$0x820]  }
0x284: {  	v4 =	vmax.f32 v4, v8;
	v8 =	vld [tilespmem:s21+$0x830]  }
0x285: {  	v40 =	vld [tilespmem:s21+$0x840];
	v4 =	vmax.f32 v4, v39  }
0x286: {  	v4 =	vmax.f32 v4, v5;
	v5 =	vld [tilespmem:s21+$0x850]  }
0x287: {  	v4 =	vmax.f32 v4, v6;
	v6 =	vld [tilespmem:s21+$0x860]  }
0x288: {  	v4 =	vmax.f32 v4, v7;
	v7 =	vld [tilespmem:s21+$0x870]  }
0x289: {  	v4 =	vmax.f32 v4, v8;
	v8 =	vld [tilespmem:s21+$0xC00]  }
0x28a: {  	v41 =	vld [tilespmem:s21+$0xC10];
	v4 =	vmax.f32 v4, v40  }
0x28b: {  	v4 =	vmax.f32 v4, v5;
	v5 =	vld [tilespmem:s21+$0xC20]  }
0x28c: {  	v4 =	vmax.f32 v4, v6;
	v6 =	vld [tilespmem:s21+$0xC30]  }
0x28d: {  	v4 =	vmax.f32 v4, v7;
	v7 =	vld [tilespmem:s21+$0xC40]  }
0x28e: {  	v4 =	vmax.f32 v4, v8;
	v8 =	vld [tilespmem:s21+$0xC50]  }
0x28f: {  	v42 =	vld [tilespmem:s21+$0xC60];
	v4 =	vmax.f32 v4, v41  }
0x290: {  	v4 =	vmax.f32 v4, v5;
	v5 =	vld [tilespmem:s21+$0xC70]  }
0x291: {  	v4 =	vmax.f32 v4, v6;
	v6 =	vld [tilespmem:s21+$0x1000]  }
0x292: {  	v4 =	vmax.f32 v4, v7;
	v7 =	vld [tilespmem:s21+$0x1010]  }
0x293: {  	v4 =	vmax.f32 v4, v8;
	v8 =	vld [tilespmem:s21+$0x1020]  }
0x294: {  	v43 =	vld [tilespmem:s21+$0x1030];
	v4 =	vmax.f32 v4, v42  }
0x295: {  	v4 =	vmax.f32 v4, v5;
	v5 =	vld [tilespmem:s21+$0x1040]  }
0x296: {  	v4 =	vmax.f32 v4, v6;
	v6 =	vld [tilespmem:s21+$0x1050]  }
0x297: {  	v4 =	vmax.f32 v4, v7;
	v7 =	vld [tilespmem:s21+$0x1060]  }
0x298: {  	v4 =	vmax.f32 v4, v8;
	v8 =	vld [tilespmem:s21+$0x1070]  }
0x299: {  	v44 =	vld [tilespmem:s21+$0x1400];
	v4 =	vmax.f32 v4, v43  }
0x29a: {  	v4 =	vmax.f32 v4, v5;
	v5 =	vld [tilespmem:s21+$0x1410]  }
0x29b: {  	v4 =	vmax.f32 v4, v6;
	v6 =	vld [tilespmem:s21+$0x1420]  }
0x29c: {  	v4 =	vmax.f32 v4, v7;
	v7 =	vld [tilespmem:s21+$0x1430]  }
0x29d: {  	v4 =	vmax.f32 v4, v8;
	v8 =	vld [tilespmem:s21+$0x1440]  }
0x29e: {  	v45 =	vld [tilespmem:s21+$0x1450];
	v4 =	vmax.f32 v4, v44  }
0x29f: {  	v4 =	vmax.f32 v4, v5;
	v5 =	vld [tilespmem:s21+$0x1460]  }
0x2a0: {  	v4 =	vmax.f32 v4, v6;
	v6 =	vld [tilespmem:s21+$0x1470]  }
0x2a1: {  	v4 =	vmax.f32 v4, v7  }
0x2a2: {  	v4 =	vmax.f32 v4, v8  }
0x2a3: {  	v4 =	vmax.f32 v4, v45  }
0x2a4: {  	v4 =	vmax.f32 v4, v5  }
0x2a5: {  	s26 =	simm.s32 $0x0;
	s20 =	sadd.s32 $0x18, s20;
	v4 =	vmax.f32 v4, v6  }
0x2a6: {  	s25 =	simm.s32 $0x0;
	s21 =	smul.u32 $0x6000, s26;
	[tilespmem:s20+$0x0] =	vst v4  }
0x2a7: {  	[tilespmem:s25], [sflag:$0x1] =	stream.linear.gather [hbm4b:s7+s25], $0xC000, $0x38;
	[tilespmem:$0x1B200] =	vst v63  }
0x2a8: {  	_ =	swait.ge [sflag:s15], $0xC000  }
0x2a9: {  	s21 =	sshra.s32 s21, $0x2;
	s20 =	sand.u32 $0x380, s25;
	[sflag:s15] =	ssyncset.done $0x0  }
0x2aa: {  	s20 =	sor.u32 s20, s21;
	[sflag:s15] =	ssyncadd.s32 $0xFFFF4000  }
0x2ab: {  	v4 =	vld [tilespmem:s20+$0xC010]  }
0x2ac: {  	v5 =	vld [tilespmem:s20+$0xC000]  }
0x2ad: {  	v6 =	vld [tilespmem:s20+$0xC020]  }
0x2ae: {  	v7 =	vld [tilespmem:s20+$0xC030]  }
0x2af: {  	v8 =	vld [tilespmem:s20+$0xC040]  }
0x2b0: {  	v46 =	vld [tilespmem:s20+$0xC050]  }
0x2b1: {  	v4 =	vmax.f32 v5, v4;
	v5 =	vld [tilespmem:s20+$0xC060]  }
0x2b2: {  	v4 =	vmax.f32 v4, v6;
	v6 =	vld [tilespmem:s20+$0xC070]  }
0x2b3: {  	v4 =	vmax.f32 v4, v7;
	v7 =	vld [tilespmem:s20+$0xC400]  }
0x2b4: {  	v4 =	vmax.f32 v4, v8;
	v8 =	vld [tilespmem:s20+$0xC410]  }
0x2b5: {  	v47 =	vld [tilespmem:s20+$0xC420];
	v4 =	vmax.f32 v4, v46  }
0x2b6: {  	v4 =	vmax.f32 v4, v5;
	v5 =	vld [tilespmem:s20+$0xC430]  }
0x2b7: {  	v4 =	vmax.f32 v4, v6;
	v6 =	vld [tilespmem:s20+$0xC440]  }
0x2b8: {  	v4 =	vmax.f32 v4, v7;
	v7 =	vld [tilespmem:s20+$0xC450]  }
0x2b9: {  	v4 =	vmax.f32 v4, v8;
	v8 =	vld [tilespmem:s20+$0xC460]  }
0x2ba: {  	v48 =	vld [tilespmem:s20+$0xC470];
	v4 =	vmax.f32 v4, v47  }
0x2bb: {  	v4 =	vmax.f32 v4, v5;
	v5 =	vld [tilespmem:s20+$0xC800]  }
0x2bc: {  	v4 =	vmax.f32 v4, v6;
	v6 =	vld [tilespmem:s20+$0xC810]  }
0x2bd: {  	v4 =	vmax.f32 v4, v7;
	v7 =	vld [tilespmem:s20+$0xC820]  }
0x2be: {  	v4 =	vmax.f32 v4, v8;
	v8 =	vld [tilespmem:s20+$0xC830]  }
0x2bf: {  	v49 =	vld [tilespmem:s20+$0xC840];
	v4 =	vmax.f32 v4, v48  }
0x2c0: {  	v4 =	vmax.f32 v4, v5;
	v5 =	vld [tilespmem:s20+$0xC850]  }
0x2c1: {  	v4 =	vmax.f32 v4, v6;
	v6 =	vld [tilespmem:s20+$0xC860]  }
0x2c2: {  	v4 =	vmax.f32 v4, v7;
	v7 =	vld [tilespmem:s20+$0xC870]  }
0x2c3: {  	v4 =	vmax.f32 v4, v8;
	v8 =	vld [tilespmem:s20+$0xCC00]  }
0x2c4: {  	v50 =	vld [tilespmem:s20+$0xCC10];
	v4 =	vmax.f32 v4, v49  }
0x2c5: {  	v4 =	vmax.f32 v4, v5;
	v5 =	vld [tilespmem:s20+$0xCC20]  }
0x2c6: {  	v4 =	vmax.f32 v4, v6;
	v6 =	vld [tilespmem:s20+$0xCC30]  }
0x2c7: {  	v4 =	vmax.f32 v4, v7;
	v7 =	vld [tilespmem:s20+$0xCC40]  }
0x2c8: {  	v4 =	vmax.f32 v4, v8;
	v8 =	vld [tilespmem:s20+$0xCC50]  }
0x2c9: {  	v51 =	vld [tilespmem:s20+$0xCC60];
	v4 =	vmax.f32 v4, v50  }
0x2ca: {  	v4 =	vmax.f32 v4, v5;
	v5 =	vld [tilespmem:s20+$0xCC70]  }
0x2cb: {  	v4 =	vmax.f32 v4, v6;
	v6 =	vld [tilespmem:s20+$0xD000]  }
0x2cc: {  	v4 =	vmax.f32 v4, v7;
	v7 =	vld [tilespmem:s20+$0xD010]  }
0x2cd: {  	v4 =	vmax.f32 v4, v8;
	v8 =	vld [tilespmem:s20+$0xD020]  }
0x2ce: {  	v52 =	vld [tilespmem:s20+$0xD030];
	v4 =	vmax.f32 v4, v51  }
0x2cf: {  	v4 =	vmax.f32 v4, v5;
	v5 =	vld [tilespmem:s20+$0xD040]  }
0x2d0: {  	v4 =	vmax.f32 v4, v6;
	v6 =	vld [tilespmem:s20+$0xD050]  }
0x2d1: {  	v4 =	vmax.f32 v4, v7;
	v7 =	vld [tilespmem:s20+$0xD060]  }
0x2d2: {  	v4 =	vmax.f32 v4, v8;
	v8 =	vld [tilespmem:s20+$0xD070]  }
0x2d3: {  	v53 =	vld [tilespmem:s20+$0xD400];
	v4 =	vmax.f32 v4, v52  }
0x2d4: {  	v4 =	vmax.f32 v4, v5;
	v5 =	vld [tilespmem:s20+$0xD410]  }
0x2d5: {  	v4 =	vmax.f32 v4, v6;
	v6 =	vld [tilespmem:s20+$0xD420]  }
0x2d6: {  	v4 =	vmax.f32 v4, v7;
	v7 =	vld [tilespmem:s20+$0xD430]  }
0x2d7: {  	v4 =	vmax.f32 v4, v8;
	v8 =	vld [tilespmem:s20+$0xD440]  }
0x2d8: {  	v54 =	vld [tilespmem:s20+$0xD450];
	v4 =	vmax.f32 v4, v53  }
0x2d9: {  	v4 =	vmax.f32 v4, v5;
	v5 =	vld [tilespmem:s20+$0xD460]  }
0x2da: {  	v4 =	vmax.f32 v4, v6;
	v6 =	vld [tilespmem:s20+$0xD470]  }
0x2db: {  	v4 =	vmax.f32 v4, v7  }
0x2dc: {  	s28 =	simm.s32 $0x0;
	v4 =	vmax.f32 v4, v8  }
0x2dd: {  	s29 =	smul.u32 $0x6000, s28;
	v4 =	vmax.f32 v4, v54  }
0x2de: {  	s21 =	simm.s32 $0x80;
	v4 =	vmax.f32 v4, v5  }
0x2df: {  	s22 =	sshra.s32 s29, $0x2;
	s30 =	sand.u32 $0x380, s21;
	s20 =	simm.s32 $0x19200;
	v4 =	vmax.f32 v4, v6  }
0x2e0: {  	s22 =	sor.u32 s30, s22;
	[tilespmem:s20+$0x0] =	vst v4  }
0x2e1: {  	v4 =	vld [tilespmem:s22+$0xC010]  }
0x2e2: {  	v5 =	vld [tilespmem:s22+$0xC000]  }
0x2e3: {  	v6 =	vld [tilespmem:s22+$0xC020]  }
0x2e4: {  	v7 =	vld [tilespmem:s22+$0xC030]  }
0x2e5: {  	v8 =	vld [tilespmem:s22+$0xC040]  }
0x2e6: {  	v55 =	vld [tilespmem:s22+$0xC050]  }
0x2e7: {  	v4 =	vmax.f32 v5, v4;
	v5 =	vld [tilespmem:s22+$0xC060]  }
0x2e8: {  	v4 =	vmax.f32 v4, v6;
	v6 =	vld [tilespmem:s22+$0xC070]  }
0x2e9: {  	v4 =	vmax.f32 v4, v7;
	v7 =	vld [tilespmem:s22+$0xC400]  }
0x2ea: {  	v4 =	vmax.f32 v4, v8;
	v8 =	vld [tilespmem:s22+$0xC410]  }
0x2eb: {  	v56 =	vld [tilespmem:s22+$0xC420];
	v4 =	vmax.f32 v4, v55  }
0x2ec: {  	v4 =	vmax.f32 v4, v5;
	v5 =	vld [tilespmem:s22+$0xC430]  }
0x2ed: {  	v4 =	vmax.f32 v4, v6;
	v6 =	vld [tilespmem:s22+$0xC440]  }
0x2ee: {  	v4 =	vmax.f32 v4, v7;
	v7 =	vld [tilespmem:s22+$0xC450]  }
0x2ef: {  	v4 =	vmax.f32 v4, v8;
	v8 =	vld [tilespmem:s22+$0xC460]  }
0x2f0: {  	v57 =	vld [tilespmem:s22+$0xC470];
	v4 =	vmax.f32 v4, v56  }
0x2f1: {  	v4 =	vmax.f32 v4, v5;
	v5 =	vld [tilespmem:s22+$0xC800]  }
0x2f2: {  	v4 =	vmax.f32 v4, v6;
	v6 =	vld [tilespmem:s22+$0xC810]  }
0x2f3: {  	v4 =	vmax.f32 v4, v7;
	v7 =	vld [tilespmem:s22+$0xC820]  }
0x2f4: {  	v4 =	vmax.f32 v4, v8;
	v8 =	vld [tilespmem:s22+$0xC830]  }
0x2f5: {  	v58 =	vld [tilespmem:s22+$0xC840];
	v4 =	vmax.f32 v4, v57  }
0x2f6: {  	v4 =	vmax.f32 v4, v5;
	v5 =	vld [tilespmem:s22+$0xC850]  }
0x2f7: {  	v4 =	vmax.f32 v4, v6;
	v6 =	vld [tilespmem:s22+$0xC860]  }
0x2f8: {  	v4 =	vmax.f32 v4, v7;
	v7 =	vld [tilespmem:s22+$0xC870]  }
0x2f9: {  	v4 =	vmax.f32 v4, v8;
	v8 =	vld [tilespmem:s22+$0xCC00]  }
0x2fa: {  	v59 =	vld [tilespmem:s22+$0xCC10];
	v4 =	vmax.f32 v4, v58  }
0x2fb: {  	v4 =	vmax.f32 v4, v5;
	v5 =	vld [tilespmem:s22+$0xCC20]  }
0x2fc: {  	v4 =	vmax.f32 v4, v6;
	v6 =	vld [tilespmem:s22+$0xCC30]  }
0x2fd: {  	v4 =	vmax.f32 v4, v7;
	v7 =	vld [tilespmem:s22+$0xCC40]  }
0x2fe: {  	v4 =	vmax.f32 v4, v8;
	v8 =	vld [tilespmem:s22+$0xCC50]  }
0x2ff: {  	v60 =	vld [tilespmem:s22+$0xCC60];
	v4 =	vmax.f32 v4, v59  }
0x300: {  	v4 =	vmax.f32 v4, v5;
	v5 =	vld [tilespmem:s22+$0xCC70]  }
0x301: {  	v4 =	vmax.f32 v4, v6;
	v6 =	vld [tilespmem:s22+$0xD000]  }
0x302: {  	v4 =	vmax.f32 v4, v7;
	v7 =	vld [tilespmem:s22+$0xD010]  }
0x303: {  	v4 =	vmax.f32 v4, v8;
	v8 =	vld [tilespmem:s22+$0xD020]  }
0x304: {  	v61 =	vld [tilespmem:s22+$0xD030];
	v4 =	vmax.f32 v4, v60  }
0x305: {  	v4 =	vmax.f32 v4, v5;
	v5 =	vld [tilespmem:s22+$0xD040]  }
0x306: {  	v4 =	vmax.f32 v4, v6;
	v6 =	vld [tilespmem:s22+$0xD050]  }
0x307: {  	v4 =	vmax.f32 v4, v7;
	v7 =	vld [tilespmem:s22+$0xD060]  }
0x308: {  	v4 =	vmax.f32 v4, v8;
	v8 =	vld [tilespmem:s22+$0xD070]  }
0x309: {  	v62 =	vld [tilespmem:s22+$0xD400];
	v4 =	vmax.f32 v4, v61  }
0x30a: {  	v4 =	vmax.f32 v4, v5;
	v5 =	vld [tilespmem:s22+$0xD410]  }
0x30b: {  	v4 =	vmax.f32 v4, v6;
	v6 =	vld [tilespmem:s22+$0xD420]  }
0x30c: {  	v4 =	vmax.f32 v4, v7;
	v7 =	vld [tilespmem:s22+$0xD430]  }
0x30d: {  	v4 =	vmax.f32 v4, v8;
	v8 =	vld [tilespmem:s22+$0xD440]  }
0x30e: {  	v4 =	vmax.f32 v4, v62  }
0x30f: {  	v4 =	vmax.f32 v4, v5  }
0x310: {  	v63 =	vld [tilespmem:s22+$0xD450];
	v4 =	vmax.f32 v4, v6  }
0x311: {  	v5 =	vld [tilespmem:s22+$0xD460];
	v4 =	vmax.f32 v4, v7  }
0x312: {  	v6 =	vmax.f32 v4, v8;
	v4 =	vld [tilespmem:s22+$0xD470];
	_ =	sdelay $0x1  }
0x313: {  	s31 =	simm.s32 $0x0  }
0x314: {  	s23 =	smul.u32 $0x6000, s31;
	s22 =	simm.s32 $0x3;
	v6 =	vmax.f32 v6, v63  }
.LBB2_8:
0x315: {  	p0 =	sne.s32 s22, $0x3F;
	v5 =	vmax.f32 v6, v5;
	s21 =	sadd.s32 $0x80, s21  }
0x316: {  	s20 =	sadd.s32 $0x18, s20;
	s24 =	sand.u32 $0x380, s21;
	s23 =	sshra.s32 s23, $0x2;
	v4 =	vmax.f32 v5, v4  }
0x317: {  	s23 =	sor.u32 s24, s23;
	[tilespmem:s20+$0x0] =	vst v4  }
0x318: {  	v4 =	vld [tilespmem:s23+$0xC010]  }
0x319: {  	v5 =	vld [tilespmem:s23+$0xC000]  }
0x31a: {  	v6 =	vld [tilespmem:s23+$0xC020]  }
0x31b: {  	v7 =	vld [tilespmem:s23+$0xC030]  }
0x31c: {  	v8 =	vld [tilespmem:s23+$0xC040]  }
0x31d: {  	v9 =	vld [tilespmem:s23+$0xC050]  }
0x31e: {  	v4 =	vmax.f32 v5, v4;
	v5 =	vld [tilespmem:s23+$0xC060]  }
0x31f: {  	v4 =	vmax.f32 v4, v6;
	v6 =	vld [tilespmem:s23+$0xC070]  }
0x320: {  	v4 =	vmax.f32 v4, v7;
	v7 =	vld [tilespmem:s23+$0xC400]  }
0x321: {  	v4 =	vmax.f32 v4, v8;
	v8 =	vld [tilespmem:s23+$0xC410]  }
0x322: {  	v4 =	vmax.f32 v4, v9;
	v9 =	vld [tilespmem:s23+$0xC420]  }
0x323: {  	v4 =	vmax.f32 v4, v5;
	v5 =	vld [tilespmem:s23+$0xC430]  }
0x324: {  	v4 =	vmax.f32 v4, v6;
	v6 =	vld [tilespmem:s23+$0xC440]  }
0x325: {  	v4 =	vmax.f32 v4, v7;
	v7 =	vld [tilespmem:s23+$0xC450]  }
0x326: {  	v4 =	vmax.f32 v4, v8;
	v8 =	vld [tilespmem:s23+$0xC460]  }
0x327: {  	v4 =	vmax.f32 v4, v9;
	v9 =	vld [tilespmem:s23+$0xC470]  }
0x328: {  	v4 =	vmax.f32 v4, v5;
	v5 =	vld [tilespmem:s23+$0xC800]  }
0x329: {  	v4 =	vmax.f32 v4, v6;
	v6 =	vld [tilespmem:s23+$0xC810]  }
0x32a: {  	v4 =	vmax.f32 v4, v7;
	v7 =	vld [tilespmem:s23+$0xC820]  }
0x32b: {  	v4 =	vmax.f32 v4, v8;
	v8 =	vld [tilespmem:s23+$0xC830]  }
0x32c: {  	v4 =	vmax.f32 v4, v9;
	v9 =	vld [tilespmem:s23+$0xC840]  }
0x32d: {  	v4 =	vmax.f32 v4, v5;
	v5 =	vld [tilespmem:s23+$0xC850]  }
0x32e: {  	v4 =	vmax.f32 v4, v6;
	v6 =	vld [tilespmem:s23+$0xC860]  }
0x32f: {  	v4 =	vmax.f32 v4, v7;
	v7 =	vld [tilespmem:s23+$0xC870]  }
0x330: {  	v4 =	vmax.f32 v4, v8;
	v8 =	vld [tilespmem:s23+$0xCC00]  }
0x331: {  	v4 =	vmax.f32 v4, v9;
	v9 =	vld [tilespmem:s23+$0xCC10]  }
0x332: {  	v4 =	vmax.f32 v4, v5;
	v5 =	vld [tilespmem:s23+$0xCC20]  }
0x333: {  	v4 =	vmax.f32 v4, v6;
	v6 =	vld [tilespmem:s23+$0xCC30]  }
0x334: {  	v4 =	vmax.f32 v4, v7;
	v7 =	vld [tilespmem:s23+$0xCC40]  }
0x335: {  	v4 =	vmax.f32 v4, v8;
	v8 =	vld [tilespmem:s23+$0xCC50]  }
0x336: {  	v4 =	vmax.f32 v4, v9;
	v9 =	vld [tilespmem:s23+$0xCC60]  }
0x337: {  	v4 =	vmax.f32 v4, v5;
	v5 =	vld [tilespmem:s23+$0xCC70]  }
0x338: {  	v4 =	vmax.f32 v4, v6;
	v6 =	vld [tilespmem:s23+$0xD000]  }
0x339: {  	v4 =	vmax.f32 v4, v7;
	v7 =	vld [tilespmem:s23+$0xD010]  }
0x33a: {  	v4 =	vmax.f32 v4, v8;
	v8 =	vld [tilespmem:s23+$0xD020]  }
0x33b: {  	v4 =	vmax.f32 v4, v9;
	v9 =	vld [tilespmem:s23+$0xD030]  }
0x33c: {  	v4 =	vmax.f32 v4, v5;
	v5 =	vld [tilespmem:s23+$0xD040]  }
0x33d: {  	v4 =	vmax.f32 v4, v6;
	v6 =	vld [tilespmem:s23+$0xD050]  }
0x33e: {  	v4 =	vmax.f32 v4, v7;
	v7 =	vld [tilespmem:s23+$0xD060]  }
0x33f: {  	v4 =	vmax.f32 v4, v8;
	v8 =	vld [tilespmem:s23+$0xD070]  }
0x340: {  	v4 =	vmax.f32 v4, v9;
	v9 =	vld [tilespmem:s23+$0xD400]  }
0x341: {  	v4 =	vmax.f32 v4, v5;
	v5 =	vld [tilespmem:s23+$0xD410]  }
0x342: {  	v4 =	vmax.f32 v4, v6;
	v6 =	vld [tilespmem:s23+$0xD420]  }
0x343: {  	v4 =	vmax.f32 v4, v7;
	v7 =	vld [tilespmem:s23+$0xD430]  }
0x344: {  	v4 =	vmax.f32 v4, v8;
	v8 =	vld [tilespmem:s23+$0xD440]  }
0x345: {  	v4 =	vmax.f32 v4, v9;
	v9 =	vld [tilespmem:s23+$0xD450]  }
.Ltmp3:
0x346: {  	v4 =	vmax.f32 v4, v5;
	v5 =	vld [tilespmem:s23+$0xD460];
	(pc) =	sbr.rel @p0 .LBB2_8-.Ltmp3, $4  }
0x347: {  	v6 =	vmax.f32 v4, v6;
	v4 =	vld [tilespmem:s23+$0xD470]  }
0x348: {  	v6 =	vmax.f32 v6, v7  }
0x349: {  	s23 =	sshrl.u32 s22, $0x3;
	v6 =	vmax.f32 v6, v8  }
0x34a: {  	s22 =	sadd.s32 $0x1, s22;
	s23 =	smul.u32 $0x6000, s23;
	v6 =	vmax.f32 v6, v9  }
0x34b: {  	v5 =	vmax.f32 v6, v5;
	s21 =	sadd.s32 $0x80, s21  }
0x34c: {  	s20 =	sadd.s32 $0x18, s20;
	s21 =	sand.u32 $0x380, s21;
	s22 =	sshra.s32 s23, $0x2;
	v4 =	vmax.f32 v5, v4  }
0x34d: {  	s21 =	sor.u32 s21, s22;
	[tilespmem:s20+$0x0] =	vst v4  }
0x34e: {  	v4 =	vld [tilespmem:s21+$0xC010]  }
0x34f: {  	v5 =	vld [tilespmem:s21+$0xC000]  }
0x350: {  	v6 =	vld [tilespmem:s21+$0xC020]  }
0x351: {  	v7 =	vld [tilespmem:s21+$0xC030]  }
0x352: {  	v8 =	vld [tilespmem:s21+$0xC040]  }
0x353: {  	v9 =	vld [tilespmem:s21+$0xC050]  }
0x354: {  	v4 =	vmax.f32 v5, v4;
	v5 =	vld [tilespmem:s21+$0xC060]  }
0x355: {  	v4 =	vmax.f32 v4, v6;
	v6 =	vld [tilespmem:s21+$0xC070]  }
0x356: {  	v4 =	vmax.f32 v4, v7;
	v7 =	vld [tilespmem:s21+$0xC400]  }
0x357: {  	v4 =	vmax.f32 v4, v8;
	v8 =	vld [tilespmem:s21+$0xC410]  }
0x358: {  	v38 =	vld [tilespmem:s21+$0xC420];
	v4 =	vmax.f32 v4, v9  }
0x359: {  	v4 =	vmax.f32 v4, v5;
	v5 =	vld [tilespmem:s21+$0xC430]  }
0x35a: {  	v4 =	vmax.f32 v4, v6;
	v6 =	vld [tilespmem:s21+$0xC440]  }
0x35b: {  	v4 =	vmax.f32 v4, v7;
	v7 =	vld [tilespmem:s21+$0xC450]  }
0x35c: {  	v4 =	vmax.f32 v4, v8;
	v8 =	vld [tilespmem:s21+$0xC460]  }
0x35d: {  	v39 =	vld [tilespmem:s21+$0xC470];
	v4 =	vmax.f32 v4, v38  }
0x35e: {  	v4 =	vmax.f32 v4, v5;
	v5 =	vld [tilespmem:s21+$0xC800]  }
0x35f: {  	v4 =	vmax.f32 v4, v6;
	v6 =	vld [tilespmem:s21+$0xC810]  }
0x360: {  	v4 =	vmax.f32 v4, v7;
	v7 =	vld [tilespmem:s21+$0xC820]  }
0x361: {  	v4 =	vmax.f32 v4, v8;
	v8 =	vld [tilespmem:s21+$0xC830]  }
0x362: {  	v40 =	vld [tilespmem:s21+$0xC840];
	v4 =	vmax.f32 v4, v39  }
0x363: {  	v4 =	vmax.f32 v4, v5;
	v5 =	vld [tilespmem:s21+$0xC850]  }
0x364: {  	v4 =	vmax.f32 v4, v6;
	v6 =	vld [tilespmem:s21+$0xC860]  }
0x365: {  	v4 =	vmax.f32 v4, v7;
	v7 =	vld [tilespmem:s21+$0xC870]  }
0x366: {  	v4 =	vmax.f32 v4, v8;
	v8 =	vld [tilespmem:s21+$0xCC00]  }
0x367: {  	v41 =	vld [tilespmem:s21+$0xCC10];
	v4 =	vmax.f32 v4, v40  }
0x368: {  	v4 =	vmax.f32 v4, v5;
	v5 =	vld [tilespmem:s21+$0xCC20]  }
0x369: {  	v4 =	vmax.f32 v4, v6;
	v6 =	vld [tilespmem:s21+$0xCC30]  }
0x36a: {  	v4 =	vmax.f32 v4, v7;
	v7 =	vld [tilespmem:s21+$0xCC40]  }
0x36b: {  	v4 =	vmax.f32 v4, v8;
	v8 =	vld [tilespmem:s21+$0xCC50]  }
0x36c: {  	v42 =	vld [tilespmem:s21+$0xCC60];
	v4 =	vmax.f32 v4, v41  }
0x36d: {  	v4 =	vmax.f32 v4, v5;
	v5 =	vld [tilespmem:s21+$0xCC70]  }
0x36e: {  	v4 =	vmax.f32 v4, v6;
	v6 =	vld [tilespmem:s21+$0xD000]  }
0x36f: {  	v4 =	vmax.f32 v4, v7;
	v7 =	vld [tilespmem:s21+$0xD010]  }
0x370: {  	v4 =	vmax.f32 v4, v8;
	v8 =	vld [tilespmem:s21+$0xD020]  }
0x371: {  	v43 =	vld [tilespmem:s21+$0xD030];
	v4 =	vmax.f32 v4, v42  }
0x372: {  	v4 =	vmax.f32 v4, v5;
	v5 =	vld [tilespmem:s21+$0xD040]  }
0x373: {  	v4 =	vmax.f32 v4, v6;
	v6 =	vld [tilespmem:s21+$0xD050]  }
0x374: {  	v4 =	vmax.f32 v4, v7;
	v7 =	vld [tilespmem:s21+$0xD060]  }
0x375: {  	v4 =	vmax.f32 v4, v8;
	v8 =	vld [tilespmem:s21+$0xD070]  }
0x376: {  	v44 =	vld [tilespmem:s21+$0xD400];
	v4 =	vmax.f32 v4, v43  }
0x377: {  	v4 =	vmax.f32 v4, v5;
	v5 =	vld [tilespmem:s21+$0xD410]  }
0x378: {  	v4 =	vmax.f32 v4, v6;
	v6 =	vld [tilespmem:s21+$0xD420]  }
0x379: {  	v4 =	vmax.f32 v4, v7;
	v7 =	vld [tilespmem:s21+$0xD430]  }
0x37a: {  	v4 =	vmax.f32 v4, v8;
	v8 =	vld [tilespmem:s21+$0xD440]  }
0x37b: {  	v45 =	vld [tilespmem:s21+$0xD450];
	v4 =	vmax.f32 v4, v44  }
0x37c: {  	v4 =	vmax.f32 v4, v5;
	v5 =	vld [tilespmem:s21+$0xD460]  }
0x37d: {  	v4 =	vmax.f32 v4, v6;
	v6 =	vld [tilespmem:s21+$0xD470]  }
0x37e: {  	v4 =	vmax.f32 v4, v7  }
0x37f: {  	v4 =	vmax.f32 v4, v8  }
0x380: {  	v4 =	vmax.f32 v4, v45  }
0x381: {  	v4 =	vmax.f32 v4, v5  }
0x382: {  	s26 =	simm.s32 $0x0;
	s20 =	sadd.s32 $0x18, s20;
	v4 =	vmax.f32 v4, v6  }
0x383: {  	s25 =	simm.s32 $0x0;
	s21 =	smul.u32 $0x6000, s26;
	[tilespmem:s20+$0x0] =	vst v4  }
0x384: {  	[tilespmem:s13], [sflag:$0x2] =	stream.linear.gather [hbm4b:s8+s25], $0xC000, $0x38;
	[tilespmem:$0x1B200] =	vst v63  }
0x385: {  	_ =	swait.ge [sflag:s14], $0xC000  }
0x386: {  	s21 =	sshra.s32 s21, $0x2;
	s20 =	sand.u32 $0x380, s25;
	[sflag:s14] =	ssyncset.done $0x0  }
0x387: {  	s20 =	sor.u32 s20, s21;
	[sflag:s14] =	ssyncadd.s32 $0xFFFF4000  }
0x388: {  	v4 =	vld [tilespmem:s20+$0x10]  }
0x389: {  	v5 =	vld [tilespmem:s20+$0x0]  }
0x38a: {  	v6 =	vld [tilespmem:s20+$0x20]  }
0x38b: {  	v7 =	vld [tilespmem:s20+$0x30]  }
0x38c: {  	v8 =	vld [tilespmem:s20+$0x40]  }
0x38d: {  	v46 =	vld [tilespmem:s20+$0x50]  }
0x38e: {  	v4 =	vmax.f32 v5, v4;
	v5 =	vld [tilespmem:s20+$0x60]  }
0x38f: {  	v4 =	vmax.f32 v4, v6;
	v6 =	vld [tilespmem:s20+$0x70]  }
0x390: {  	v4 =	vmax.f32 v4, v7;
	v7 =	vld [tilespmem:s20+$0x400]  }
0x391: {  	v4 =	vmax.f32 v4, v8;
	v8 =	vld [tilespmem:s20+$0x410]  }
0x392: {  	v47 =	vld [tilespmem:s20+$0x420];
	v4 =	vmax.f32 v4, v46  }
0x393: {  	v4 =	vmax.f32 v4, v5;
	v5 =	vld [tilespmem:s20+$0x430]  }
0x394: {  	v4 =	vmax.f32 v4, v6;
	v6 =	vld [tilespmem:s20+$0x440]  }
0x395: {  	v4 =	vmax.f32 v4, v7;
	v7 =	vld [tilespmem:s20+$0x450]  }
0x396: {  	v4 =	vmax.f32 v4, v8;
	v8 =	vld [tilespmem:s20+$0x460]  }
0x397: {  	v48 =	vld [tilespmem:s20+$0x470];
	v4 =	vmax.f32 v4, v47  }
0x398: {  	v4 =	vmax.f32 v4, v5;
	v5 =	vld [tilespmem:s20+$0x800]  }
0x399: {  	v4 =	vmax.f32 v4, v6;
	v6 =	vld [tilespmem:s20+$0x810]  }
0x39a: {  	v4 =	vmax.f32 v4, v7;
	v7 =	vld [tilespmem:s20+$0x820]  }
0x39b: {  	v4 =	vmax.f32 v4, v8;
	v8 =	vld [tilespmem:s20+$0x830]  }
0x39c: {  	v49 =	vld [tilespmem:s20+$0x840];
	v4 =	vmax.f32 v4, v48  }
0x39d: {  	v4 =	vmax.f32 v4, v5;
	v5 =	vld [tilespmem:s20+$0x850]  }
0x39e: {  	v4 =	vmax.f32 v4, v6;
	v6 =	vld [tilespmem:s20+$0x860]  }
0x39f: {  	v4 =	vmax.f32 v4, v7;
	v7 =	vld [tilespmem:s20+$0x870]  }
0x3a0: {  	v4 =	vmax.f32 v4, v8;
	v8 =	vld [tilespmem:s20+$0xC00]  }
0x3a1: {  	v50 =	vld [tilespmem:s20+$0xC10];
	v4 =	vmax.f32 v4, v49  }
0x3a2: {  	v4 =	vmax.f32 v4, v5;
	v5 =	vld [tilespmem:s20+$0xC20]  }
0x3a3: {  	v4 =	vmax.f32 v4, v6;
	v6 =	vld [tilespmem:s20+$0xC30]  }
0x3a4: {  	v4 =	vmax.f32 v4, v7;
	v7 =	vld [tilespmem:s20+$0xC40]  }
0x3a5: {  	v4 =	vmax.f32 v4, v8;
	v8 =	vld [tilespmem:s20+$0xC50]  }
0x3a6: {  	v51 =	vld [tilespmem:s20+$0xC60];
	v4 =	vmax.f32 v4, v50  }
0x3a7: {  	v4 =	vmax.f32 v4, v5;
	v5 =	vld [tilespmem:s20+$0xC70]  }
0x3a8: {  	v4 =	vmax.f32 v4, v6;
	v6 =	vld [tilespmem:s20+$0x1000]  }
0x3a9: {  	v4 =	vmax.f32 v4, v7;
	v7 =	vld [tilespmem:s20+$0x1010]  }
0x3aa: {  	v4 =	vmax.f32 v4, v8;
	v8 =	vld [tilespmem:s20+$0x1020]  }
0x3ab: {  	v52 =	vld [tilespmem:s20+$0x1030];
	v4 =	vmax.f32 v4, v51  }
0x3ac: {  	v4 =	vmax.f32 v4, v5;
	v5 =	vld [tilespmem:s20+$0x1040]  }
0x3ad: {  	v4 =	vmax.f32 v4, v6;
	v6 =	vld [tilespmem:s20+$0x1050]  }
0x3ae: {  	v4 =	vmax.f32 v4, v7;
	v7 =	vld [tilespmem:s20+$0x1060]  }
0x3af: {  	v4 =	vmax.f32 v4, v8;
	v8 =	vld [tilespmem:s20+$0x1070]  }
0x3b0: {  	v53 =	vld [tilespmem:s20+$0x1400];
	v4 =	vmax.f32 v4, v52  }
0x3b1: {  	v4 =	vmax.f32 v4, v5;
	v5 =	vld [tilespmem:s20+$0x1410]  }
0x3b2: {  	v4 =	vmax.f32 v4, v6;
	v6 =	vld [tilespmem:s20+$0x1420]  }
0x3b3: {  	v4 =	vmax.f32 v4, v7;
	v7 =	vld [tilespmem:s20+$0x1430]  }
0x3b4: {  	v4 =	vmax.f32 v4, v8;
	v8 =	vld [tilespmem:s20+$0x1440]  }
0x3b5: {  	v54 =	vld [tilespmem:s20+$0x1450];
	v4 =	vmax.f32 v4, v53  }
0x3b6: {  	v4 =	vmax.f32 v4, v5;
	v5 =	vld [tilespmem:s20+$0x1460]  }
0x3b7: {  	v4 =	vmax.f32 v4, v6;
	v6 =	vld [tilespmem:s20+$0x1470]  }
0x3b8: {  	v4 =	vmax.f32 v4, v7  }
0x3b9: {  	s28 =	simm.s32 $0x0;
	v4 =	vmax.f32 v4, v8  }
0x3ba: {  	s29 =	smul.u32 $0x6000, s28;
	v4 =	vmax.f32 v4, v54  }
0x3bb: {  	s21 =	simm.s32 $0x80;
	v4 =	vmax.f32 v4, v5  }
0x3bc: {  	s22 =	sshra.s32 s29, $0x2;
	s30 =	sand.u32 $0x380, s21;
	s20 =	simm.s32 $0x19800;
	v4 =	vmax.f32 v4, v6  }
0x3bd: {  	s22 =	sor.u32 s30, s22;
	[tilespmem:s20+$0x0] =	vst v4  }
0x3be: {  	v4 =	vld [tilespmem:s22+$0x10]  }
0x3bf: {  	v5 =	vld [tilespmem:s22+$0x0]  }
0x3c0: {  	v6 =	vld [tilespmem:s22+$0x20]  }
0x3c1: {  	v7 =	vld [tilespmem:s22+$0x30]  }
0x3c2: {  	v8 =	vld [tilespmem:s22+$0x40]  }
0x3c3: {  	v55 =	vld [tilespmem:s22+$0x50]  }
0x3c4: {  	v4 =	vmax.f32 v5, v4;
	v5 =	vld [tilespmem:s22+$0x60]  }
0x3c5: {  	v4 =	vmax.f32 v4, v6;
	v6 =	vld [tilespmem:s22+$0x70]  }
0x3c6: {  	v4 =	vmax.f32 v4, v7;
	v7 =	vld [tilespmem:s22+$0x400]  }
0x3c7: {  	v4 =	vmax.f32 v4, v8;
	v8 =	vld [tilespmem:s22+$0x410]  }
0x3c8: {  	v56 =	vld [tilespmem:s22+$0x420];
	v4 =	vmax.f32 v4, v55  }
0x3c9: {  	v4 =	vmax.f32 v4, v5;
	v5 =	vld [tilespmem:s22+$0x430]  }
0x3ca: {  	v4 =	vmax.f32 v4, v6;
	v6 =	vld [tilespmem:s22+$0x440]  }
0x3cb: {  	v4 =	vmax.f32 v4, v7;
	v7 =	vld [tilespmem:s22+$0x450]  }
0x3cc: {  	v4 =	vmax.f32 v4, v8;
	v8 =	vld [tilespmem:s22+$0x460]  }
0x3cd: {  	v57 =	vld [tilespmem:s22+$0x470];
	v4 =	vmax.f32 v4, v56  }
0x3ce: {  	v4 =	vmax.f32 v4, v5;
	v5 =	vld [tilespmem:s22+$0x800]  }
0x3cf: {  	v4 =	vmax.f32 v4, v6;
	v6 =	vld [tilespmem:s22+$0x810]  }
0x3d0: {  	v4 =	vmax.f32 v4, v7;
	v7 =	vld [tilespmem:s22+$0x820]  }
0x3d1: {  	v4 =	vmax.f32 v4, v8;
	v8 =	vld [tilespmem:s22+$0x830]  }
0x3d2: {  	v58 =	vld [tilespmem:s22+$0x840];
	v4 =	vmax.f32 v4, v57  }
0x3d3: {  	v4 =	vmax.f32 v4, v5;
	v5 =	vld [tilespmem:s22+$0x850]  }
0x3d4: {  	v4 =	vmax.f32 v4, v6;
	v6 =	vld [tilespmem:s22+$0x860]  }
0x3d5: {  	v4 =	vmax.f32 v4, v7;
	v7 =	vld [tilespmem:s22+$0x870]  }
0x3d6: {  	v4 =	vmax.f32 v4, v8;
	v8 =	vld [tilespmem:s22+$0xC00]  }
0x3d7: {  	v59 =	vld [tilespmem:s22+$0xC10];
	v4 =	vmax.f32 v4, v58  }
0x3d8: {  	v4 =	vmax.f32 v4, v5;
	v5 =	vld [tilespmem:s22+$0xC20]  }
0x3d9: {  	v4 =	vmax.f32 v4, v6;
	v6 =	vld [tilespmem:s22+$0xC30]  }
0x3da: {  	v4 =	vmax.f32 v4, v7;
	v7 =	vld [tilespmem:s22+$0xC40]  }
0x3db: {  	v4 =	vmax.f32 v4, v8;
	v8 =	vld [tilespmem:s22+$0xC50]  }
0x3dc: {  	v60 =	vld [tilespmem:s22+$0xC60];
	v4 =	vmax.f32 v4, v59  }
0x3dd: {  	v4 =	vmax.f32 v4, v5;
	v5 =	vld [tilespmem:s22+$0xC70]  }
0x3de: {  	v4 =	vmax.f32 v4, v6;
	v6 =	vld [tilespmem:s22+$0x1000]  }
0x3df: {  	v4 =	vmax.f32 v4, v7;
	v7 =	vld [tilespmem:s22+$0x1010]  }
0x3e0: {  	v4 =	vmax.f32 v4, v8;
	v8 =	vld [tilespmem:s22+$0x1020]  }
0x3e1: {  	v61 =	vld [tilespmem:s22+$0x1030];
	v4 =	vmax.f32 v4, v60  }
0x3e2: {  	v4 =	vmax.f32 v4, v5;
	v5 =	vld [tilespmem:s22+$0x1040]  }
0x3e3: {  	v4 =	vmax.f32 v4, v6;
	v6 =	vld [tilespmem:s22+$0x1050]  }
0x3e4: {  	v4 =	vmax.f32 v4, v7;
	v7 =	vld [tilespmem:s22+$0x1060]  }
0x3e5: {  	v4 =	vmax.f32 v4, v8;
	v8 =	vld [tilespmem:s22+$0x1070]  }
0x3e6: {  	v62 =	vld [tilespmem:s22+$0x1400];
	v4 =	vmax.f32 v4, v61  }
0x3e7: {  	v4 =	vmax.f32 v4, v5;
	v5 =	vld [tilespmem:s22+$0x1410]  }
0x3e8: {  	v4 =	vmax.f32 v4, v6;
	v6 =	vld [tilespmem:s22+$0x1420]  }
0x3e9: {  	v4 =	vmax.f32 v4, v7;
	v7 =	vld [tilespmem:s22+$0x1430]  }
0x3ea: {  	v4 =	vmax.f32 v4, v8;
	v8 =	vld [tilespmem:s22+$0x1440]  }
0x3eb: {  	v4 =	vmax.f32 v4, v62  }
0x3ec: {  	v4 =	vmax.f32 v4, v5  }
0x3ed: {  	v63 =	vld [tilespmem:s22+$0x1450];
	v4 =	vmax.f32 v4, v6  }
0x3ee: {  	v5 =	vld [tilespmem:s22+$0x1460];
	v4 =	vmax.f32 v4, v7  }
0x3ef: {  	v6 =	vmax.f32 v4, v8;
	v4 =	vld [tilespmem:s22+$0x1470];
	_ =	sdelay $0x1  }
0x3f0: {  	s31 =	simm.s32 $0x0  }
0x3f1: {  	s23 =	smul.u32 $0x6000, s31;
	s22 =	simm.s32 $0x3;
	v6 =	vmax.f32 v6, v63  }
.LBB2_10:
0x3f2: {  	p0 =	sne.s32 s22, $0x3F;
	v5 =	vmax.f32 v6, v5;
	s21 =	sadd.s32 $0x80, s21  }
0x3f3: {  	s20 =	sadd.s32 $0x18, s20;
	s24 =	sand.u32 $0x380, s21;
	s23 =	sshra.s32 s23, $0x2;
	v4 =	vmax.f32 v5, v4  }
0x3f4: {  	s23 =	sor.u32 s24, s23;
	[tilespmem:s20+$0x0] =	vst v4  }
0x3f5: {  	v4 =	vld [tilespmem:s23+$0x10]  }
0x3f6: {  	v5 =	vld [tilespmem:s23+$0x0]  }
0x3f7: {  	v6 =	vld [tilespmem:s23+$0x20]  }
0x3f8: {  	v7 =	vld [tilespmem:s23+$0x30]  }
0x3f9: {  	v8 =	vld [tilespmem:s23+$0x40]  }
0x3fa: {  	v9 =	vld [tilespmem:s23+$0x50]  }
0x3fb: {  	v4 =	vmax.f32 v5, v4;
	v5 =	vld [tilespmem:s23+$0x60]  }
0x3fc: {  	v4 =	vmax.f32 v4, v6;
	v6 =	vld [tilespmem:s23+$0x70]  }
0x3fd: {  	v4 =	vmax.f32 v4, v7;
	v7 =	vld [tilespmem:s23+$0x400]  }
0x3fe: {  	v4 =	vmax.f32 v4, v8;
	v8 =	vld [tilespmem:s23+$0x410]  }
0x3ff: {  	v4 =	vmax.f32 v4, v9;
	v9 =	vld [tilespmem:s23+$0x420]  }
0x400: {  	v4 =	vmax.f32 v4, v5;
	v5 =	vld [tilespmem:s23+$0x430]  }
0x401: {  	v4 =	vmax.f32 v4, v6;
	v6 =	vld [tilespmem:s23+$0x440]  }
0x402: {  	v4 =	vmax.f32 v4, v7;
	v7 =	vld [tilespmem:s23+$0x450]  }
0x403: {  	v4 =	vmax.f32 v4, v8;
	v8 =	vld [tilespmem:s23+$0x460]  }
0x404: {  	v4 =	vmax.f32 v4, v9;
	v9 =	vld [tilespmem:s23+$0x470]  }
0x405: {  	v4 =	vmax.f32 v4, v5;
	v5 =	vld [tilespmem:s23+$0x800]  }
0x406: {  	v4 =	vmax.f32 v4, v6;
	v6 =	vld [tilespmem:s23+$0x810]  }
0x407: {  	v4 =	vmax.f32 v4, v7;
	v7 =	vld [tilespmem:s23+$0x820]  }
0x408: {  	v4 =	vmax.f32 v4, v8;
	v8 =	vld [tilespmem:s23+$0x830]  }
0x409: {  	v4 =	vmax.f32 v4, v9;
	v9 =	vld [tilespmem:s23+$0x840]  }
0x40a: {  	v4 =	vmax.f32 v4, v5;
	v5 =	vld [tilespmem:s23+$0x850]  }
0x40b: {  	v4 =	vmax.f32 v4, v6;
	v6 =	vld [tilespmem:s23+$0x860]  }
0x40c: {  	v4 =	vmax.f32 v4, v7;
	v7 =	vld [tilespmem:s23+$0x870]  }
0x40d: {  	v4 =	vmax.f32 v4, v8;
	v8 =	vld [tilespmem:s23+$0xC00]  }
0x40e: {  	v4 =	vmax.f32 v4, v9;
	v9 =	vld [tilespmem:s23+$0xC10]  }
0x40f: {  	v4 =	vmax.f32 v4, v5;
	v5 =	vld [tilespmem:s23+$0xC20]  }
0x410: {  	v4 =	vmax.f32 v4, v6;
	v6 =	vld [tilespmem:s23+$0xC30]  }
0x411: {  	v4 =	vmax.f32 v4, v7;
	v7 =	vld [tilespmem:s23+$0xC40]  }
0x412: {  	v4 =	vmax.f32 v4, v8;
	v8 =	vld [tilespmem:s23+$0xC50]  }
0x413: {  	v4 =	vmax.f32 v4, v9;
	v9 =	vld [tilespmem:s23+$0xC60]  }
0x414: {  	v4 =	vmax.f32 v4, v5;
	v5 =	vld [tilespmem:s23+$0xC70]  }
0x415: {  	v4 =	vmax.f32 v4, v6;
	v6 =	vld [tilespmem:s23+$0x1000]  }
0x416: {  	v4 =	vmax.f32 v4, v7;
	v7 =	vld [tilespmem:s23+$0x1010]  }
0x417: {  	v4 =	vmax.f32 v4, v8;
	v8 =	vld [tilespmem:s23+$0x1020]  }
0x418: {  	v4 =	vmax.f32 v4, v9;
	v9 =	vld [tilespmem:s23+$0x1030]  }
0x419: {  	v4 =	vmax.f32 v4, v5;
	v5 =	vld [tilespmem:s23+$0x1040]  }
0x41a: {  	v4 =	vmax.f32 v4, v6;
	v6 =	vld [tilespmem:s23+$0x1050]  }
0x41b: {  	v4 =	vmax.f32 v4, v7;
	v7 =	vld [tilespmem:s23+$0x1060]  }
0x41c: {  	v4 =	vmax.f32 v4, v8;
	v8 =	vld [tilespmem:s23+$0x1070]  }
0x41d: {  	v4 =	vmax.f32 v4, v9;
	v9 =	vld [tilespmem:s23+$0x1400]  }
0x41e: {  	v4 =	vmax.f32 v4, v5;
	v5 =	vld [tilespmem:s23+$0x1410]  }
0x41f: {  	v4 =	vmax.f32 v4, v6;
	v6 =	vld [tilespmem:s23+$0x1420]  }
0x420: {  	v4 =	vmax.f32 v4, v7;
	v7 =	vld [tilespmem:s23+$0x1430]  }
0x421: {  	v4 =	vmax.f32 v4, v8;
	v8 =	vld [tilespmem:s23+$0x1440]  }
0x422: {  	v4 =	vmax.f32 v4, v9;
	v9 =	vld [tilespmem:s23+$0x1450]  }
.Ltmp4:
0x423: {  	v4 =	vmax.f32 v4, v5;
	v5 =	vld [tilespmem:s23+$0x1460];
	(pc) =	sbr.rel @p0 .LBB2_10-.Ltmp4, $4  }
0x424: {  	v6 =	vmax.f32 v4, v6;
	v4 =	vld [tilespmem:s23+$0x1470]  }
0x425: {  	v6 =	vmax.f32 v6, v7  }
0x426: {  	s23 =	sshrl.u32 s22, $0x3;
	v6 =	vmax.f32 v6, v8  }
0x427: {  	s22 =	sadd.s32 $0x1, s22;
	s23 =	smul.u32 $0x6000, s23;
	v6 =	vmax.f32 v6, v9  }
0x428: {  	v5 =	vmax.f32 v6, v5;
	s21 =	sadd.s32 $0x80, s21  }
0x429: {  	s20 =	sadd.s32 $0x18, s20;
	s21 =	sand.u32 $0x380, s21;
	s22 =	sshra.s32 s23, $0x2;
	v4 =	vmax.f32 v5, v4  }
0x42a: {  	s21 =	sor.u32 s21, s22;
	[tilespmem:s20+$0x0] =	vst v4  }
0x42b: {  	v4 =	vld [tilespmem:s21+$0x10]  }
0x42c: {  	v5 =	vld [tilespmem:s21+$0x0]  }
0x42d: {  	v6 =	vld [tilespmem:s21+$0x20]  }
0x42e: {  	v7 =	vld [tilespmem:s21+$0x30]  }
0x42f: {  	v8 =	vld [tilespmem:s21+$0x40]  }
0x430: {  	v9 =	vld [tilespmem:s21+$0x50]  }
0x431: {  	v4 =	vmax.f32 v5, v4;
	v5 =	vld [tilespmem:s21+$0x60]  }
0x432: {  	v4 =	vmax.f32 v4, v6;
	v6 =	vld [tilespmem:s21+$0x70]  }
0x433: {  	v4 =	vmax.f32 v4, v7;
	v7 =	vld [tilespmem:s21+$0x400]  }
0x434: {  	v4 =	vmax.f32 v4, v8;
	v8 =	vld [tilespmem:s21+$0x410]  }
0x435: {  	v38 =	vld [tilespmem:s21+$0x420];
	v4 =	vmax.f32 v4, v9  }
0x436: {  	v4 =	vmax.f32 v4, v5;
	v5 =	vld [tilespmem:s21+$0x430]  }
0x437: {  	v4 =	vmax.f32 v4, v6;
	v6 =	vld [tilespmem:s21+$0x440]  }
0x438: {  	v4 =	vmax.f32 v4, v7;
	v7 =	vld [tilespmem:s21+$0x450]  }
0x439: {  	v4 =	vmax.f32 v4, v8;
	v8 =	vld [tilespmem:s21+$0x460]  }
0x43a: {  	v39 =	vld [tilespmem:s21+$0x470];
	v4 =	vmax.f32 v4, v38  }
0x43b: {  	v4 =	vmax.f32 v4, v5;
	v5 =	vld [tilespmem:s21+$0x800]  }
0x43c: {  	v4 =	vmax.f32 v4, v6;
	v6 =	vld [tilespmem:s21+$0x810]  }
0x43d: {  	v4 =	vmax.f32 v4, v7;
	v7 =	vld [tilespmem:s21+$0x820]  }
0x43e: {  	v4 =	vmax.f32 v4, v8;
	v8 =	vld [tilespmem:s21+$0x830]  }
0x43f: {  	v40 =	vld [tilespmem:s21+$0x840];
	v4 =	vmax.f32 v4, v39  }
0x440: {  	v4 =	vmax.f32 v4, v5;
	v5 =	vld [tilespmem:s21+$0x850]  }
0x441: {  	v4 =	vmax.f32 v4, v6;
	v6 =	vld [tilespmem:s21+$0x860]  }
0x442: {  	v4 =	vmax.f32 v4, v7;
	v7 =	vld [tilespmem:s21+$0x870]  }
0x443: {  	v4 =	vmax.f32 v4, v8;
	v8 =	vld [tilespmem:s21+$0xC00]  }
0x444: {  	v41 =	vld [tilespmem:s21+$0xC10];
	v4 =	vmax.f32 v4, v40  }
0x445: {  	v4 =	vmax.f32 v4, v5;
	v5 =	vld [tilespmem:s21+$0xC20]  }
0x446: {  	v4 =	vmax.f32 v4, v6;
	v6 =	vld [tilespmem:s21+$0xC30]  }
0x447: {  	v4 =	vmax.f32 v4, v7;
	v7 =	vld [tilespmem:s21+$0xC40]  }
0x448: {  	v4 =	vmax.f32 v4, v8;
	v8 =	vld [tilespmem:s21+$0xC50]  }
0x449: {  	v42 =	vld [tilespmem:s21+$0xC60];
	v4 =	vmax.f32 v4, v41  }
0x44a: {  	v4 =	vmax.f32 v4, v5;
	v5 =	vld [tilespmem:s21+$0xC70]  }
0x44b: {  	v4 =	vmax.f32 v4, v6;
	v6 =	vld [tilespmem:s21+$0x1000]  }
0x44c: {  	v4 =	vmax.f32 v4, v7;
	v7 =	vld [tilespmem:s21+$0x1010]  }
0x44d: {  	v4 =	vmax.f32 v4, v8;
	v8 =	vld [tilespmem:s21+$0x1020]  }
0x44e: {  	v43 =	vld [tilespmem:s21+$0x1030];
	v4 =	vmax.f32 v4, v42  }
0x44f: {  	v4 =	vmax.f32 v4, v5;
	v5 =	vld [tilespmem:s21+$0x1040]  }
0x450: {  	v4 =	vmax.f32 v4, v6;
	v6 =	vld [tilespmem:s21+$0x1050]  }
0x451: {  	v4 =	vmax.f32 v4, v7;
	v7 =	vld [tilespmem:s21+$0x1060]  }
0x452: {  	v4 =	vmax.f32 v4, v8;
	v8 =	vld [tilespmem:s21+$0x1070]  }
0x453: {  	v44 =	vld [tilespmem:s21+$0x1400];
	v4 =	vmax.f32 v4, v43  }
0x454: {  	v4 =	vmax.f32 v4, v5;
	v5 =	vld [tilespmem:s21+$0x1410]  }
0x455: {  	v4 =	vmax.f32 v4, v6;
	v6 =	vld [tilespmem:s21+$0x1420]  }
0x456: {  	v4 =	vmax.f32 v4, v7;
	v7 =	vld [tilespmem:s21+$0x1430]  }
0x457: {  	v4 =	vmax.f32 v4, v8;
	v8 =	vld [tilespmem:s21+$0x1440]  }
0x458: {  	v45 =	vld [tilespmem:s21+$0x1450];
	v4 =	vmax.f32 v4, v44  }
0x459: {  	v4 =	vmax.f32 v4, v5;
	v5 =	vld [tilespmem:s21+$0x1460]  }
0x45a: {  	v4 =	vmax.f32 v4, v6;
	v6 =	vld [tilespmem:s21+$0x1470]  }
0x45b: {  	v4 =	vmax.f32 v4, v7  }
0x45c: {  	v4 =	vmax.f32 v4, v8  }
0x45d: {  	v4 =	vmax.f32 v4, v45  }
0x45e: {  	v4 =	vmax.f32 v4, v5  }
0x45f: {  	s26 =	simm.s32 $0x0;
	s20 =	sadd.s32 $0x18, s20;
	v4 =	vmax.f32 v4, v6  }
0x460: {  	s25 =	simm.s32 $0x0;
	s21 =	smul.u32 $0x6000, s26;
	[tilespmem:s20+$0x0] =	vst v4  }
0x461: {  	[tilespmem:s25], [sflag:$0x1] =	stream.linear.gather [hbm4b:s9+s25], $0xC000, $0x38;
	[tilespmem:$0x1B200] =	vst v63  }
0x462: {  	_ =	swait.ge [sflag:s15], $0xC000  }
0x463: {  	s21 =	sshra.s32 s21, $0x2;
	s20 =	sand.u32 $0x380, s25;
	[sflag:s15] =	ssyncset.done $0x0  }
0x464: {  	s20 =	sor.u32 s20, s21;
	[sflag:s15] =	ssyncadd.s32 $0xFFFF4000  }
0x465: {  	v4 =	vld [tilespmem:s20+$0xC010]  }
0x466: {  	v5 =	vld [tilespmem:s20+$0xC000]  }
0x467: {  	v6 =	vld [tilespmem:s20+$0xC020]  }
0x468: {  	v7 =	vld [tilespmem:s20+$0xC030]  }
0x469: {  	v8 =	vld [tilespmem:s20+$0xC040]  }
0x46a: {  	v46 =	vld [tilespmem:s20+$0xC050]  }
0x46b: {  	v4 =	vmax.f32 v5, v4;
	v5 =	vld [tilespmem:s20+$0xC060]  }
0x46c: {  	v4 =	vmax.f32 v4, v6;
	v6 =	vld [tilespmem:s20+$0xC070]  }
0x46d: {  	v4 =	vmax.f32 v4, v7;
	v7 =	vld [tilespmem:s20+$0xC400]  }
0x46e: {  	v4 =	vmax.f32 v4, v8;
	v8 =	vld [tilespmem:s20+$0xC410]  }
0x46f: {  	v47 =	vld [tilespmem:s20+$0xC420];
	v4 =	vmax.f32 v4, v46  }
0x470: {  	v4 =	vmax.f32 v4, v5;
	v5 =	vld [tilespmem:s20+$0xC430]  }
0x471: {  	v4 =	vmax.f32 v4, v6;
	v6 =	vld [tilespmem:s20+$0xC440]  }
0x472: {  	v4 =	vmax.f32 v4, v7;
	v7 =	vld [tilespmem:s20+$0xC450]  }
0x473: {  	v4 =	vmax.f32 v4, v8;
	v8 =	vld [tilespmem:s20+$0xC460]  }
0x474: {  	v48 =	vld [tilespmem:s20+$0xC470];
	v4 =	vmax.f32 v4, v47  }
0x475: {  	v4 =	vmax.f32 v4, v5;
	v5 =	vld [tilespmem:s20+$0xC800]  }
0x476: {  	v4 =	vmax.f32 v4, v6;
	v6 =	vld [tilespmem:s20+$0xC810]  }
0x477: {  	v4 =	vmax.f32 v4, v7;
	v7 =	vld [tilespmem:s20+$0xC820]  }
0x478: {  	v4 =	vmax.f32 v4, v8;
	v8 =	vld [tilespmem:s20+$0xC830]  }
0x479: {  	v49 =	vld [tilespmem:s20+$0xC840];
	v4 =	vmax.f32 v4, v48  }
0x47a: {  	v4 =	vmax.f32 v4, v5;
	v5 =	vld [tilespmem:s20+$0xC850]  }
0x47b: {  	v4 =	vmax.f32 v4, v6;
	v6 =	vld [tilespmem:s20+$0xC860]  }
0x47c: {  	v4 =	vmax.f32 v4, v7;
	v7 =	vld [tilespmem:s20+$0xC870]  }
0x47d: {  	v4 =	vmax.f32 v4, v8;
	v8 =	vld [tilespmem:s20+$0xCC00]  }
0x47e: {  	v50 =	vld [tilespmem:s20+$0xCC10];
	v4 =	vmax.f32 v4, v49  }
0x47f: {  	v4 =	vmax.f32 v4, v5;
	v5 =	vld [tilespmem:s20+$0xCC20]  }
0x480: {  	v4 =	vmax.f32 v4, v6;
	v6 =	vld [tilespmem:s20+$0xCC30]  }
0x481: {  	v4 =	vmax.f32 v4, v7;
	v7 =	vld [tilespmem:s20+$0xCC40]  }
0x482: {  	v4 =	vmax.f32 v4, v8;
	v8 =	vld [tilespmem:s20+$0xCC50]  }
0x483: {  	v51 =	vld [tilespmem:s20+$0xCC60];
	v4 =	vmax.f32 v4, v50  }
0x484: {  	v4 =	vmax.f32 v4, v5;
	v5 =	vld [tilespmem:s20+$0xCC70]  }
0x485: {  	v4 =	vmax.f32 v4, v6;
	v6 =	vld [tilespmem:s20+$0xD000]  }
0x486: {  	v4 =	vmax.f32 v4, v7;
	v7 =	vld [tilespmem:s20+$0xD010]  }
0x487: {  	v4 =	vmax.f32 v4, v8;
	v8 =	vld [tilespmem:s20+$0xD020]  }
0x488: {  	v52 =	vld [tilespmem:s20+$0xD030];
	v4 =	vmax.f32 v4, v51  }
0x489: {  	v4 =	vmax.f32 v4, v5;
	v5 =	vld [tilespmem:s20+$0xD040]  }
0x48a: {  	v4 =	vmax.f32 v4, v6;
	v6 =	vld [tilespmem:s20+$0xD050]  }
0x48b: {  	v4 =	vmax.f32 v4, v7;
	v7 =	vld [tilespmem:s20+$0xD060]  }
0x48c: {  	v4 =	vmax.f32 v4, v8;
	v8 =	vld [tilespmem:s20+$0xD070]  }
0x48d: {  	v53 =	vld [tilespmem:s20+$0xD400];
	v4 =	vmax.f32 v4, v52  }
0x48e: {  	v4 =	vmax.f32 v4, v5;
	v5 =	vld [tilespmem:s20+$0xD410]  }
0x48f: {  	v4 =	vmax.f32 v4, v6;
	v6 =	vld [tilespmem:s20+$0xD420]  }
0x490: {  	v4 =	vmax.f32 v4, v7;
	v7 =	vld [tilespmem:s20+$0xD430]  }
0x491: {  	v4 =	vmax.f32 v4, v8;
	v8 =	vld [tilespmem:s20+$0xD440]  }
0x492: {  	v54 =	vld [tilespmem:s20+$0xD450];
	v4 =	vmax.f32 v4, v53  }
0x493: {  	v4 =	vmax.f32 v4, v5;
	v5 =	vld [tilespmem:s20+$0xD460]  }
0x494: {  	v4 =	vmax.f32 v4, v6;
	v6 =	vld [tilespmem:s20+$0xD470]  }
0x495: {  	v4 =	vmax.f32 v4, v7  }
0x496: {  	s28 =	simm.s32 $0x0;
	v4 =	vmax.f32 v4, v8  }
0x497: {  	s29 =	smul.u32 $0x6000, s28;
	v4 =	vmax.f32 v4, v54  }
0x498: {  	s21 =	simm.s32 $0x80;
	v4 =	vmax.f32 v4, v5  }
0x499: {  	s22 =	sshra.s32 s29, $0x2;
	s30 =	sand.u32 $0x380, s21;
	s20 =	simm.s32 $0x19E00;
	v4 =	vmax.f32 v4, v6  }
0x49a: {  	s22 =	sor.u32 s30, s22;
	[tilespmem:s20+$0x0] =	vst v4  }
0x49b: {  	v4 =	vld [tilespmem:s22+$0xC010]  }
0x49c: {  	v5 =	vld [tilespmem:s22+$0xC000]  }
0x49d: {  	v6 =	vld [tilespmem:s22+$0xC020]  }
0x49e: {  	v7 =	vld [tilespmem:s22+$0xC030]  }
0x49f: {  	v8 =	vld [tilespmem:s22+$0xC040]  }
0x4a0: {  	v55 =	vld [tilespmem:s22+$0xC050]  }
0x4a1: {  	v4 =	vmax.f32 v5, v4;
	v5 =	vld [tilespmem:s22+$0xC060]  }
0x4a2: {  	v4 =	vmax.f32 v4, v6;
	v6 =	vld [tilespmem:s22+$0xC070]  }
0x4a3: {  	v4 =	vmax.f32 v4, v7;
	v7 =	vld [tilespmem:s22+$0xC400]  }
0x4a4: {  	v4 =	vmax.f32 v4, v8;
	v8 =	vld [tilespmem:s22+$0xC410]  }
0x4a5: {  	v56 =	vld [tilespmem:s22+$0xC420];
	v4 =	vmax.f32 v4, v55  }
0x4a6: {  	v4 =	vmax.f32 v4, v5;
	v5 =	vld [tilespmem:s22+$0xC430]  }
0x4a7: {  	v4 =	vmax.f32 v4, v6;
	v6 =	vld [tilespmem:s22+$0xC440]  }
0x4a8: {  	v4 =	vmax.f32 v4, v7;
	v7 =	vld [tilespmem:s22+$0xC450]  }
0x4a9: {  	v4 =	vmax.f32 v4, v8;
	v8 =	vld [tilespmem:s22+$0xC460]  }
0x4aa: {  	v57 =	vld [tilespmem:s22+$0xC470];
	v4 =	vmax.f32 v4, v56  }
0x4ab: {  	v4 =	vmax.f32 v4, v5;
	v5 =	vld [tilespmem:s22+$0xC800]  }
0x4ac: {  	v4 =	vmax.f32 v4, v6;
	v6 =	vld [tilespmem:s22+$0xC810]  }
0x4ad: {  	v4 =	vmax.f32 v4, v7;
	v7 =	vld [tilespmem:s22+$0xC820]  }
0x4ae: {  	v4 =	vmax.f32 v4, v8;
	v8 =	vld [tilespmem:s22+$0xC830]  }
0x4af: {  	v58 =	vld [tilespmem:s22+$0xC840];
	v4 =	vmax.f32 v4, v57  }
0x4b0: {  	v4 =	vmax.f32 v4, v5;
	v5 =	vld [tilespmem:s22+$0xC850]  }
0x4b1: {  	v4 =	vmax.f32 v4, v6;
	v6 =	vld [tilespmem:s22+$0xC860]  }
0x4b2: {  	v4 =	vmax.f32 v4, v7;
	v7 =	vld [tilespmem:s22+$0xC870]  }
0x4b3: {  	v4 =	vmax.f32 v4, v8;
	v8 =	vld [tilespmem:s22+$0xCC00]  }
0x4b4: {  	v59 =	vld [tilespmem:s22+$0xCC10];
	v4 =	vmax.f32 v4, v58  }
0x4b5: {  	v4 =	vmax.f32 v4, v5;
	v5 =	vld [tilespmem:s22+$0xCC20]  }
0x4b6: {  	v4 =	vmax.f32 v4, v6;
	v6 =	vld [tilespmem:s22+$0xCC30]  }
0x4b7: {  	v4 =	vmax.f32 v4, v7;
	v7 =	vld [tilespmem:s22+$0xCC40]  }
0x4b8: {  	v4 =	vmax.f32 v4, v8;
	v8 =	vld [tilespmem:s22+$0xCC50]  }
0x4b9: {  	v60 =	vld [tilespmem:s22+$0xCC60];
	v4 =	vmax.f32 v4, v59  }
0x4ba: {  	v4 =	vmax.f32 v4, v5;
	v5 =	vld [tilespmem:s22+$0xCC70]  }
0x4bb: {  	v4 =	vmax.f32 v4, v6;
	v6 =	vld [tilespmem:s22+$0xD000]  }
0x4bc: {  	v4 =	vmax.f32 v4, v7;
	v7 =	vld [tilespmem:s22+$0xD010]  }
0x4bd: {  	v4 =	vmax.f32 v4, v8;
	v8 =	vld [tilespmem:s22+$0xD020]  }
0x4be: {  	v61 =	vld [tilespmem:s22+$0xD030];
	v4 =	vmax.f32 v4, v60  }
0x4bf: {  	v4 =	vmax.f32 v4, v5;
	v5 =	vld [tilespmem:s22+$0xD040]  }
0x4c0: {  	v4 =	vmax.f32 v4, v6;
	v6 =	vld [tilespmem:s22+$0xD050]  }
0x4c1: {  	v4 =	vmax.f32 v4, v7;
	v7 =	vld [tilespmem:s22+$0xD060]  }
0x4c2: {  	v4 =	vmax.f32 v4, v8;
	v8 =	vld [tilespmem:s22+$0xD070]  }
0x4c3: {  	v62 =	vld [tilespmem:s22+$0xD400];
	v4 =	vmax.f32 v4, v61  }
0x4c4: {  	v4 =	vmax.f32 v4, v5;
	v5 =	vld [tilespmem:s22+$0xD410]  }
0x4c5: {  	v4 =	vmax.f32 v4, v6;
	v6 =	vld [tilespmem:s22+$0xD420]  }
0x4c6: {  	v4 =	vmax.f32 v4, v7;
	v7 =	vld [tilespmem:s22+$0xD430]  }
0x4c7: {  	v4 =	vmax.f32 v4, v8;
	v8 =	vld [tilespmem:s22+$0xD440]  }
0x4c8: {  	v4 =	vmax.f32 v4, v62  }
0x4c9: {  	v4 =	vmax.f32 v4, v5  }
0x4ca: {  	v63 =	vld [tilespmem:s22+$0xD450];
	v4 =	vmax.f32 v4, v6  }
0x4cb: {  	v5 =	vld [tilespmem:s22+$0xD460];
	v4 =	vmax.f32 v4, v7  }
0x4cc: {  	v6 =	vmax.f32 v4, v8;
	v4 =	vld [tilespmem:s22+$0xD470];
	_ =	sdelay $0x1  }
0x4cd: {  	s31 =	simm.s32 $0x0  }
0x4ce: {  	s23 =	smul.u32 $0x6000, s31;
	s22 =	simm.s32 $0x3;
	v6 =	vmax.f32 v6, v63  }
.LBB2_12:
0x4cf: {  	p0 =	sne.s32 s22, $0x3F;
	v5 =	vmax.f32 v6, v5;
	s21 =	sadd.s32 $0x80, s21  }
0x4d0: {  	s20 =	sadd.s32 $0x18, s20;
	s24 =	sand.u32 $0x380, s21;
	s23 =	sshra.s32 s23, $0x2;
	v4 =	vmax.f32 v5, v4  }
0x4d1: {  	s23 =	sor.u32 s24, s23;
	[tilespmem:s20+$0x0] =	vst v4  }
0x4d2: {  	v4 =	vld [tilespmem:s23+$0xC010]  }
0x4d3: {  	v5 =	vld [tilespmem:s23+$0xC000]  }
0x4d4: {  	v6 =	vld [tilespmem:s23+$0xC020]  }
0x4d5: {  	v7 =	vld [tilespmem:s23+$0xC030]  }
0x4d6: {  	v8 =	vld [tilespmem:s23+$0xC040]  }
0x4d7: {  	v9 =	vld [tilespmem:s23+$0xC050]  }
0x4d8: {  	v4 =	vmax.f32 v5, v4;
	v5 =	vld [tilespmem:s23+$0xC060]  }
0x4d9: {  	v4 =	vmax.f32 v4, v6;
	v6 =	vld [tilespmem:s23+$0xC070]  }
0x4da: {  	v4 =	vmax.f32 v4, v7;
	v7 =	vld [tilespmem:s23+$0xC400]  }
0x4db: {  	v4 =	vmax.f32 v4, v8;
	v8 =	vld [tilespmem:s23+$0xC410]  }
0x4dc: {  	v4 =	vmax.f32 v4, v9;
	v9 =	vld [tilespmem:s23+$0xC420]  }
0x4dd: {  	v4 =	vmax.f32 v4, v5;
	v5 =	vld [tilespmem:s23+$0xC430]  }
0x4de: {  	v4 =	vmax.f32 v4, v6;
	v6 =	vld [tilespmem:s23+$0xC440]  }
0x4df: {  	v4 =	vmax.f32 v4, v7;
	v7 =	vld [tilespmem:s23+$0xC450]  }
0x4e0: {  	v4 =	vmax.f32 v4, v8;
	v8 =	vld [tilespmem:s23+$0xC460]  }
0x4e1: {  	v4 =	vmax.f32 v4, v9;
	v9 =	vld [tilespmem:s23+$0xC470]  }
0x4e2: {  	v4 =	vmax.f32 v4, v5;
	v5 =	vld [tilespmem:s23+$0xC800]  }
0x4e3: {  	v4 =	vmax.f32 v4, v6;
	v6 =	vld [tilespmem:s23+$0xC810]  }
0x4e4: {  	v4 =	vmax.f32 v4, v7;
	v7 =	vld [tilespmem:s23+$0xC820]  }
0x4e5: {  	v4 =	vmax.f32 v4, v8;
	v8 =	vld [tilespmem:s23+$0xC830]  }
0x4e6: {  	v4 =	vmax.f32 v4, v9;
	v9 =	vld [tilespmem:s23+$0xC840]  }
0x4e7: {  	v4 =	vmax.f32 v4, v5;
	v5 =	vld [tilespmem:s23+$0xC850]  }
0x4e8: {  	v4 =	vmax.f32 v4, v6;
	v6 =	vld [tilespmem:s23+$0xC860]  }
0x4e9: {  	v4 =	vmax.f32 v4, v7;
	v7 =	vld [tilespmem:s23+$0xC870]  }
0x4ea: {  	v4 =	vmax.f32 v4, v8;
	v8 =	vld [tilespmem:s23+$0xCC00]  }
0x4eb: {  	v4 =	vmax.f32 v4, v9;
	v9 =	vld [tilespmem:s23+$0xCC10]  }
0x4ec: {  	v4 =	vmax.f32 v4, v5;
	v5 =	vld [tilespmem:s23+$0xCC20]  }
0x4ed: {  	v4 =	vmax.f32 v4, v6;
	v6 =	vld [tilespmem:s23+$0xCC30]  }
0x4ee: {  	v4 =	vmax.f32 v4, v7;
	v7 =	vld [tilespmem:s23+$0xCC40]  }
0x4ef: {  	v4 =	vmax.f32 v4, v8;
	v8 =	vld [tilespmem:s23+$0xCC50]  }
0x4f0: {  	v4 =	vmax.f32 v4, v9;
	v9 =	vld [tilespmem:s23+$0xCC60]  }
0x4f1: {  	v4 =	vmax.f32 v4, v5;
	v5 =	vld [tilespmem:s23+$0xCC70]  }
0x4f2: {  	v4 =	vmax.f32 v4, v6;
	v6 =	vld [tilespmem:s23+$0xD000]  }
0x4f3: {  	v4 =	vmax.f32 v4, v7;
	v7 =	vld [tilespmem:s23+$0xD010]  }
0x4f4: {  	v4 =	vmax.f32 v4, v8;
	v8 =	vld [tilespmem:s23+$0xD020]  }
0x4f5: {  	v4 =	vmax.f32 v4, v9;
	v9 =	vld [tilespmem:s23+$0xD030]  }
0x4f6: {  	v4 =	vmax.f32 v4, v5;
	v5 =	vld [tilespmem:s23+$0xD040]  }
0x4f7: {  	v4 =	vmax.f32 v4, v6;
	v6 =	vld [tilespmem:s23+$0xD050]  }
0x4f8: {  	v4 =	vmax.f32 v4, v7;
	v7 =	vld [tilespmem:s23+$0xD060]  }
0x4f9: {  	v4 =	vmax.f32 v4, v8;
	v8 =	vld [tilespmem:s23+$0xD070]  }
0x4fa: {  	v4 =	vmax.f32 v4, v9;
	v9 =	vld [tilespmem:s23+$0xD400]  }
0x4fb: {  	v4 =	vmax.f32 v4, v5;
	v5 =	vld [tilespmem:s23+$0xD410]  }
0x4fc: {  	v4 =	vmax.f32 v4, v6;
	v6 =	vld [tilespmem:s23+$0xD420]  }
0x4fd: {  	v4 =	vmax.f32 v4, v7;
	v7 =	vld [tilespmem:s23+$0xD430]  }
0x4fe: {  	v4 =	vmax.f32 v4, v8;
	v8 =	vld [tilespmem:s23+$0xD440]  }
0x4ff: {  	v4 =	vmax.f32 v4, v9;
	v9 =	vld [tilespmem:s23+$0xD450]  }
.Ltmp5:
0x500: {  	v4 =	vmax.f32 v4, v5;
	v5 =	vld [tilespmem:s23+$0xD460];
	(pc) =	sbr.rel @p0 .LBB2_12-.Ltmp5, $4  }
0x501: {  	v6 =	vmax.f32 v4, v6;
	v4 =	vld [tilespmem:s23+$0xD470]  }
0x502: {  	v6 =	vmax.f32 v6, v7  }
0x503: {  	s23 =	sshrl.u32 s22, $0x3;
	v6 =	vmax.f32 v6, v8  }
0x504: {  	s22 =	sadd.s32 $0x1, s22;
	s23 =	smul.u32 $0x6000, s23;
	v6 =	vmax.f32 v6, v9  }
0x505: {  	v5 =	vmax.f32 v6, v5;
	s21 =	sadd.s32 $0x80, s21  }
0x506: {  	s20 =	sadd.s32 $0x18, s20;
	s21 =	sand.u32 $0x380, s21;
	s22 =	sshra.s32 s23, $0x2;
	v4 =	vmax.f32 v5, v4  }
0x507: {  	s21 =	sor.u32 s21, s22;
	[tilespmem:s20+$0x0] =	vst v4  }
0x508: {  	v4 =	vld [tilespmem:s21+$0xC010]  }
0x509: {  	v5 =	vld [tilespmem:s21+$0xC000]  }
0x50a: {  	v6 =	vld [tilespmem:s21+$0xC020]  }
0x50b: {  	v7 =	vld [tilespmem:s21+$0xC030]  }
0x50c: {  	v8 =	vld [tilespmem:s21+$0xC040]  }
0x50d: {  	v9 =	vld [tilespmem:s21+$0xC050]  }
0x50e: {  	v4 =	vmax.f32 v5, v4;
	v5 =	vld [tilespmem:s21+$0xC060]  }
0x50f: {  	v4 =	vmax.f32 v4, v6;
	v6 =	vld [tilespmem:s21+$0xC070]  }
0x510: {  	v4 =	vmax.f32 v4, v7;
	v7 =	vld [tilespmem:s21+$0xC400]  }
0x511: {  	v4 =	vmax.f32 v4, v8;
	v8 =	vld [tilespmem:s21+$0xC410]  }
0x512: {  	v38 =	vld [tilespmem:s21+$0xC420];
	v4 =	vmax.f32 v4, v9  }
0x513: {  	v4 =	vmax.f32 v4, v5;
	v5 =	vld [tilespmem:s21+$0xC430]  }
0x514: {  	v4 =	vmax.f32 v4, v6;
	v6 =	vld [tilespmem:s21+$0xC440]  }
0x515: {  	v4 =	vmax.f32 v4, v7;
	v7 =	vld [tilespmem:s21+$0xC450]  }
0x516: {  	v4 =	vmax.f32 v4, v8;
	v8 =	vld [tilespmem:s21+$0xC460]  }
0x517: {  	v39 =	vld [tilespmem:s21+$0xC470];
	v4 =	vmax.f32 v4, v38  }
0x518: {  	v4 =	vmax.f32 v4, v5;
	v5 =	vld [tilespmem:s21+$0xC800]  }
0x519: {  	v4 =	vmax.f32 v4, v6;
	v6 =	vld [tilespmem:s21+$0xC810]  }
0x51a: {  	v4 =	vmax.f32 v4, v7;
	v7 =	vld [tilespmem:s21+$0xC820]  }
0x51b: {  	v4 =	vmax.f32 v4, v8;
	v8 =	vld [tilespmem:s21+$0xC830]  }
0x51c: {  	v40 =	vld [tilespmem:s21+$0xC840];
	v4 =	vmax.f32 v4, v39  }
0x51d: {  	v4 =	vmax.f32 v4, v5;
	v5 =	vld [tilespmem:s21+$0xC850]  }
0x51e: {  	v4 =	vmax.f32 v4, v6;
	v6 =	vld [tilespmem:s21+$0xC860]  }
0x51f: {  	v4 =	vmax.f32 v4, v7;
	v7 =	vld [tilespmem:s21+$0xC870]  }
0x520: {  	v4 =	vmax.f32 v4, v8;
	v8 =	vld [tilespmem:s21+$0xCC00]  }
0x521: {  	v41 =	vld [tilespmem:s21+$0xCC10];
	v4 =	vmax.f32 v4, v40  }
0x522: {  	v4 =	vmax.f32 v4, v5;
	v5 =	vld [tilespmem:s21+$0xCC20]  }
0x523: {  	v4 =	vmax.f32 v4, v6;
	v6 =	vld [tilespmem:s21+$0xCC30]  }
0x524: {  	v4 =	vmax.f32 v4, v7;
	v7 =	vld [tilespmem:s21+$0xCC40]  }
0x525: {  	v4 =	vmax.f32 v4, v8;
	v8 =	vld [tilespmem:s21+$0xCC50]  }
0x526: {  	v42 =	vld [tilespmem:s21+$0xCC60];
	v4 =	vmax.f32 v4, v41  }
0x527: {  	v4 =	vmax.f32 v4, v5;
	v5 =	vld [tilespmem:s21+$0xCC70]  }
0x528: {  	v4 =	vmax.f32 v4, v6;
	v6 =	vld [tilespmem:s21+$0xD000]  }
0x529: {  	v4 =	vmax.f32 v4, v7;
	v7 =	vld [tilespmem:s21+$0xD010]  }
0x52a: {  	v4 =	vmax.f32 v4, v8;
	v8 =	vld [tilespmem:s21+$0xD020]  }
0x52b: {  	v43 =	vld [tilespmem:s21+$0xD030];
	v4 =	vmax.f32 v4, v42  }
0x52c: {  	v4 =	vmax.f32 v4, v5;
	v5 =	vld [tilespmem:s21+$0xD040]  }
0x52d: {  	v4 =	vmax.f32 v4, v6;
	v6 =	vld [tilespmem:s21+$0xD050]  }
0x52e: {  	v4 =	vmax.f32 v4, v7;
	v7 =	vld [tilespmem:s21+$0xD060]  }
0x52f: {  	v4 =	vmax.f32 v4, v8;
	v8 =	vld [tilespmem:s21+$0xD070]  }
0x530: {  	v44 =	vld [tilespmem:s21+$0xD400];
	v4 =	vmax.f32 v4, v43  }
0x531: {  	v4 =	vmax.f32 v4, v5;
	v5 =	vld [tilespmem:s21+$0xD410]  }
0x532: {  	v4 =	vmax.f32 v4, v6;
	v6 =	vld [tilespmem:s21+$0xD420]  }
0x533: {  	v4 =	vmax.f32 v4, v7;
	v7 =	vld [tilespmem:s21+$0xD430]  }
0x534: {  	v4 =	vmax.f32 v4, v8;
	v8 =	vld [tilespmem:s21+$0xD440]  }
0x535: {  	v45 =	vld [tilespmem:s21+$0xD450];
	v4 =	vmax.f32 v4, v44  }
0x536: {  	v4 =	vmax.f32 v4, v5;
	v5 =	vld [tilespmem:s21+$0xD460]  }
0x537: {  	v4 =	vmax.f32 v4, v6;
	v6 =	vld [tilespmem:s21+$0xD470]  }
0x538: {  	v4 =	vmax.f32 v4, v7  }
0x539: {  	v4 =	vmax.f32 v4, v8  }
0x53a: {  	v4 =	vmax.f32 v4, v45  }
0x53b: {  	v4 =	vmax.f32 v4, v5  }
0x53c: {  	s26 =	simm.s32 $0x0;
	s20 =	sadd.s32 $0x18, s20;
	v4 =	vmax.f32 v4, v6  }
0x53d: {  	s25 =	simm.s32 $0x0;
	s21 =	smul.u32 $0x6000, s26;
	[tilespmem:s20+$0x0] =	vst v4  }
0x53e: {  	[tilespmem:s13], [sflag:$0x2] =	stream.linear.gather [hbm4b:s10+s25], $0xC000, $0x38;
	[tilespmem:$0x1B200] =	vst v63  }
0x53f: {  	_ =	swait.ge [sflag:s14], $0xC000  }
0x540: {  	s21 =	sshra.s32 s21, $0x2;
	s20 =	sand.u32 $0x380, s25;
	[sflag:s14] =	ssyncset.done $0x0  }
0x541: {  	s20 =	sor.u32 s20, s21;
	[sflag:s14] =	ssyncadd.s32 $0xFFFF4000  }
0x542: {  	v4 =	vld [tilespmem:s20+$0x10]  }
0x543: {  	v5 =	vld [tilespmem:s20+$0x0]  }
0x544: {  	v6 =	vld [tilespmem:s20+$0x20]  }
0x545: {  	v7 =	vld [tilespmem:s20+$0x30]  }
0x546: {  	v8 =	vld [tilespmem:s20+$0x40]  }
0x547: {  	v46 =	vld [tilespmem:s20+$0x50]  }
0x548: {  	v4 =	vmax.f32 v5, v4;
	v5 =	vld [tilespmem:s20+$0x60]  }
0x549: {  	v4 =	vmax.f32 v4, v6;
	v6 =	vld [tilespmem:s20+$0x70]  }
0x54a: {  	v4 =	vmax.f32 v4, v7;
	v7 =	vld [tilespmem:s20+$0x400]  }
0x54b: {  	v4 =	vmax.f32 v4, v8;
	v8 =	vld [tilespmem:s20+$0x410]  }
0x54c: {  	v47 =	vld [tilespmem:s20+$0x420];
	v4 =	vmax.f32 v4, v46  }
0x54d: {  	v4 =	vmax.f32 v4, v5;
	v5 =	vld [tilespmem:s20+$0x430]  }
0x54e: {  	v4 =	vmax.f32 v4, v6;
	v6 =	vld [tilespmem:s20+$0x440]  }
0x54f: {  	v4 =	vmax.f32 v4, v7;
	v7 =	vld [tilespmem:s20+$0x450]  }
0x550: {  	v4 =	vmax.f32 v4, v8;
	v8 =	vld [tilespmem:s20+$0x460]  }
0x551: {  	v48 =	vld [tilespmem:s20+$0x470];
	v4 =	vmax.f32 v4, v47  }
0x552: {  	v4 =	vmax.f32 v4, v5;
	v5 =	vld [tilespmem:s20+$0x800]  }
0x553: {  	v4 =	vmax.f32 v4, v6;
	v6 =	vld [tilespmem:s20+$0x810]  }
0x554: {  	v4 =	vmax.f32 v4, v7;
	v7 =	vld [tilespmem:s20+$0x820]  }
0x555: {  	v4 =	vmax.f32 v4, v8;
	v8 =	vld [tilespmem:s20+$0x830]  }
0x556: {  	v49 =	vld [tilespmem:s20+$0x840];
	v4 =	vmax.f32 v4, v48  }
0x557: {  	v4 =	vmax.f32 v4, v5;
	v5 =	vld [tilespmem:s20+$0x850]  }
0x558: {  	v4 =	vmax.f32 v4, v6;
	v6 =	vld [tilespmem:s20+$0x860]  }
0x559: {  	v4 =	vmax.f32 v4, v7;
	v7 =	vld [tilespmem:s20+$0x870]  }
0x55a: {  	v4 =	vmax.f32 v4, v8;
	v8 =	vld [tilespmem:s20+$0xC00]  }
0x55b: {  	v50 =	vld [tilespmem:s20+$0xC10];
	v4 =	vmax.f32 v4, v49  }
0x55c: {  	v4 =	vmax.f32 v4, v5;
	v5 =	vld [tilespmem:s20+$0xC20]  }
0x55d: {  	v4 =	vmax.f32 v4, v6;
	v6 =	vld [tilespmem:s20+$0xC30]  }
0x55e: {  	v4 =	vmax.f32 v4, v7;
	v7 =	vld [tilespmem:s20+$0xC40]  }
0x55f: {  	v4 =	vmax.f32 v4, v8;
	v8 =	vld [tilespmem:s20+$0xC50]  }
0x560: {  	v51 =	vld [tilespmem:s20+$0xC60];
	v4 =	vmax.f32 v4, v50  }
0x561: {  	v4 =	vmax.f32 v4, v5;
	v5 =	vld [tilespmem:s20+$0xC70]  }
0x562: {  	v4 =	vmax.f32 v4, v6;
	v6 =	vld [tilespmem:s20+$0x1000]  }
0x563: {  	v4 =	vmax.f32 v4, v7;
	v7 =	vld [tilespmem:s20+$0x1010]  }
0x564: {  	v4 =	vmax.f32 v4, v8;
	v8 =	vld [tilespmem:s20+$0x1020]  }
0x565: {  	v52 =	vld [tilespmem:s20+$0x1030];
	v4 =	vmax.f32 v4, v51  }
0x566: {  	v4 =	vmax.f32 v4, v5;
	v5 =	vld [tilespmem:s20+$0x1040]  }
0x567: {  	v4 =	vmax.f32 v4, v6;
	v6 =	vld [tilespmem:s20+$0x1050]  }
0x568: {  	v4 =	vmax.f32 v4, v7;
	v7 =	vld [tilespmem:s20+$0x1060]  }
0x569: {  	v4 =	vmax.f32 v4, v8;
	v8 =	vld [tilespmem:s20+$0x1070]  }
0x56a: {  	v53 =	vld [tilespmem:s20+$0x1400];
	v4 =	vmax.f32 v4, v52  }
0x56b: {  	v4 =	vmax.f32 v4, v5;
	v5 =	vld [tilespmem:s20+$0x1410]  }
0x56c: {  	v4 =	vmax.f32 v4, v6;
	v6 =	vld [tilespmem:s20+$0x1420]  }
0x56d: {  	v4 =	vmax.f32 v4, v7;
	v7 =	vld [tilespmem:s20+$0x1430]  }
0x56e: {  	v4 =	vmax.f32 v4, v8;
	v8 =	vld [tilespmem:s20+$0x1440]  }
0x56f: {  	v54 =	vld [tilespmem:s20+$0x1450];
	v4 =	vmax.f32 v4, v53  }
0x570: {  	v4 =	vmax.f32 v4, v5;
	v5 =	vld [tilespmem:s20+$0x1460]  }
0x571: {  	v4 =	vmax.f32 v4, v6;
	v6 =	vld [tilespmem:s20+$0x1470]  }
0x572: {  	v4 =	vmax.f32 v4, v7  }
0x573: {  	s28 =	simm.s32 $0x0;
	v4 =	vmax.f32 v4, v8  }
0x574: {  	s29 =	smul.u32 $0x6000, s28;
	v4 =	vmax.f32 v4, v54  }
0x575: {  	s21 =	simm.s32 $0x80;
	v4 =	vmax.f32 v4, v5  }
0x576: {  	s22 =	sshra.s32 s29, $0x2;
	s30 =	sand.u32 $0x380, s21;
	s20 =	simm.s32 $0x1A400;
	v4 =	vmax.f32 v4, v6  }
0x577: {  	s22 =	sor.u32 s30, s22;
	[tilespmem:s20+$0x0] =	vst v4  }
0x578: {  	v4 =	vld [tilespmem:s22+$0x10]  }
0x579: {  	v5 =	vld [tilespmem:s22+$0x0]  }
0x57a: {  	v6 =	vld [tilespmem:s22+$0x20]  }
0x57b: {  	v7 =	vld [tilespmem:s22+$0x30]  }
0x57c: {  	v8 =	vld [tilespmem:s22+$0x40]  }
0x57d: {  	v55 =	vld [tilespmem:s22+$0x50]  }
0x57e: {  	v4 =	vmax.f32 v5, v4;
	v5 =	vld [tilespmem:s22+$0x60]  }
0x57f: {  	v4 =	vmax.f32 v4, v6;
	v6 =	vld [tilespmem:s22+$0x70]  }
0x580: {  	v4 =	vmax.f32 v4, v7;
	v7 =	vld [tilespmem:s22+$0x400]  }
0x581: {  	v4 =	vmax.f32 v4, v8;
	v8 =	vld [tilespmem:s22+$0x410]  }
0x582: {  	v56 =	vld [tilespmem:s22+$0x420];
	v4 =	vmax.f32 v4, v55  }
0x583: {  	v4 =	vmax.f32 v4, v5;
	v5 =	vld [tilespmem:s22+$0x430]  }
0x584: {  	v4 =	vmax.f32 v4, v6;
	v6 =	vld [tilespmem:s22+$0x440]  }
0x585: {  	v4 =	vmax.f32 v4, v7;
	v7 =	vld [tilespmem:s22+$0x450]  }
0x586: {  	v4 =	vmax.f32 v4, v8;
	v8 =	vld [tilespmem:s22+$0x460]  }
0x587: {  	v57 =	vld [tilespmem:s22+$0x470];
	v4 =	vmax.f32 v4, v56  }
0x588: {  	v4 =	vmax.f32 v4, v5;
	v5 =	vld [tilespmem:s22+$0x800]  }
0x589: {  	v4 =	vmax.f32 v4, v6;
	v6 =	vld [tilespmem:s22+$0x810]  }
0x58a: {  	v4 =	vmax.f32 v4, v7;
	v7 =	vld [tilespmem:s22+$0x820]  }
0x58b: {  	v4 =	vmax.f32 v4, v8;
	v8 =	vld [tilespmem:s22+$0x830]  }
0x58c: {  	v58 =	vld [tilespmem:s22+$0x840];
	v4 =	vmax.f32 v4, v57  }
0x58d: {  	v4 =	vmax.f32 v4, v5;
	v5 =	vld [tilespmem:s22+$0x850]  }
0x58e: {  	v4 =	vmax.f32 v4, v6;
	v6 =	vld [tilespmem:s22+$0x860]  }
0x58f: {  	v4 =	vmax.f32 v4, v7;
	v7 =	vld [tilespmem:s22+$0x870]  }
0x590: {  	v4 =	vmax.f32 v4, v8;
	v8 =	vld [tilespmem:s22+$0xC00]  }
0x591: {  	v59 =	vld [tilespmem:s22+$0xC10];
	v4 =	vmax.f32 v4, v58  }
0x592: {  	v4 =	vmax.f32 v4, v5;
	v5 =	vld [tilespmem:s22+$0xC20]  }
0x593: {  	v4 =	vmax.f32 v4, v6;
	v6 =	vld [tilespmem:s22+$0xC30]  }
0x594: {  	v4 =	vmax.f32 v4, v7;
	v7 =	vld [tilespmem:s22+$0xC40]  }
0x595: {  	v4 =	vmax.f32 v4, v8;
	v8 =	vld [tilespmem:s22+$0xC50]  }
0x596: {  	v60 =	vld [tilespmem:s22+$0xC60];
	v4 =	vmax.f32 v4, v59  }
0x597: {  	v4 =	vmax.f32 v4, v5;
	v5 =	vld [tilespmem:s22+$0xC70]  }
0x598: {  	v4 =	vmax.f32 v4, v6;
	v6 =	vld [tilespmem:s22+$0x1000]  }
0x599: {  	v4 =	vmax.f32 v4, v7;
	v7 =	vld [tilespmem:s22+$0x1010]  }
0x59a: {  	v4 =	vmax.f32 v4, v8;
	v8 =	vld [tilespmem:s22+$0x1020]  }
0x59b: {  	v61 =	vld [tilespmem:s22+$0x1030];
	v4 =	vmax.f32 v4, v60  }
0x59c: {  	v4 =	vmax.f32 v4, v5;
	v5 =	vld [tilespmem:s22+$0x1040]  }
0x59d: {  	v4 =	vmax.f32 v4, v6;
	v6 =	vld [tilespmem:s22+$0x1050]  }
0x59e: {  	v4 =	vmax.f32 v4, v7;
	v7 =	vld [tilespmem:s22+$0x1060]  }
0x59f: {  	v4 =	vmax.f32 v4, v8;
	v8 =	vld [tilespmem:s22+$0x1070]  }
0x5a0: {  	v62 =	vld [tilespmem:s22+$0x1400];
	v4 =	vmax.f32 v4, v61  }
0x5a1: {  	v4 =	vmax.f32 v4, v5;
	v5 =	vld [tilespmem:s22+$0x1410]  }
0x5a2: {  	v4 =	vmax.f32 v4, v6;
	v6 =	vld [tilespmem:s22+$0x1420]  }
0x5a3: {  	v4 =	vmax.f32 v4, v7;
	v7 =	vld [tilespmem:s22+$0x1430]  }
0x5a4: {  	v4 =	vmax.f32 v4, v8;
	v8 =	vld [tilespmem:s22+$0x1440]  }
0x5a5: {  	v4 =	vmax.f32 v4, v62  }
0x5a6: {  	v4 =	vmax.f32 v4, v5  }
0x5a7: {  	v63 =	vld [tilespmem:s22+$0x1450];
	v4 =	vmax.f32 v4, v6  }
0x5a8: {  	v5 =	vld [tilespmem:s22+$0x1460];
	v4 =	vmax.f32 v4, v7  }
0x5a9: {  	v6 =	vmax.f32 v4, v8;
	v4 =	vld [tilespmem:s22+$0x1470];
	_ =	sdelay $0x1  }
0x5aa: {  	s31 =	simm.s32 $0x0  }
0x5ab: {  	s23 =	smul.u32 $0x6000, s31;
	s22 =	simm.s32 $0x3;
	v6 =	vmax.f32 v6, v63  }
.LBB2_14:
0x5ac: {  	p0 =	sne.s32 s22, $0x3F;
	v5 =	vmax.f32 v6, v5;
	s21 =	sadd.s32 $0x80, s21  }
0x5ad: {  	s20 =	sadd.s32 $0x18, s20;
	s24 =	sand.u32 $0x380, s21;
	s23 =	sshra.s32 s23, $0x2;
	v4 =	vmax.f32 v5, v4  }
0x5ae: {  	s23 =	sor.u32 s24, s23;
	[tilespmem:s20+$0x0] =	vst v4  }
0x5af: {  	v4 =	vld [tilespmem:s23+$0x10]  }
0x5b0: {  	v5 =	vld [tilespmem:s23+$0x0]  }
0x5b1: {  	v6 =	vld [tilespmem:s23+$0x20]  }
0x5b2: {  	v7 =	vld [tilespmem:s23+$0x30]  }
0x5b3: {  	v8 =	vld [tilespmem:s23+$0x40]  }
0x5b4: {  	v9 =	vld [tilespmem:s23+$0x50]  }
0x5b5: {  	v4 =	vmax.f32 v5, v4;
	v5 =	vld [tilespmem:s23+$0x60]  }
0x5b6: {  	v4 =	vmax.f32 v4, v6;
	v6 =	vld [tilespmem:s23+$0x70]  }
0x5b7: {  	v4 =	vmax.f32 v4, v7;
	v7 =	vld [tilespmem:s23+$0x400]  }
0x5b8: {  	v4 =	vmax.f32 v4, v8;
	v8 =	vld [tilespmem:s23+$0x410]  }
0x5b9: {  	v4 =	vmax.f32 v4, v9;
	v9 =	vld [tilespmem:s23+$0x420]  }
0x5ba: {  	v4 =	vmax.f32 v4, v5;
	v5 =	vld [tilespmem:s23+$0x430]  }
0x5bb: {  	v4 =	vmax.f32 v4, v6;
	v6 =	vld [tilespmem:s23+$0x440]  }
0x5bc: {  	v4 =	vmax.f32 v4, v7;
	v7 =	vld [tilespmem:s23+$0x450]  }
0x5bd: {  	v4 =	vmax.f32 v4, v8;
	v8 =	vld [tilespmem:s23+$0x460]  }
0x5be: {  	v4 =	vmax.f32 v4, v9;
	v9 =	vld [tilespmem:s23+$0x470]  }
0x5bf: {  	v4 =	vmax.f32 v4, v5;
	v5 =	vld [tilespmem:s23+$0x800]  }
0x5c0: {  	v4 =	vmax.f32 v4, v6;
	v6 =	vld [tilespmem:s23+$0x810]  }
0x5c1: {  	v4 =	vmax.f32 v4, v7;
	v7 =	vld [tilespmem:s23+$0x820]  }
0x5c2: {  	v4 =	vmax.f32 v4, v8;
	v8 =	vld [tilespmem:s23+$0x830]  }
0x5c3: {  	v4 =	vmax.f32 v4, v9;
	v9 =	vld [tilespmem:s23+$0x840]  }
0x5c4: {  	v4 =	vmax.f32 v4, v5;
	v5 =	vld [tilespmem:s23+$0x850]  }
0x5c5: {  	v4 =	vmax.f32 v4, v6;
	v6 =	vld [tilespmem:s23+$0x860]  }
0x5c6: {  	v4 =	vmax.f32 v4, v7;
	v7 =	vld [tilespmem:s23+$0x870]  }
0x5c7: {  	v4 =	vmax.f32 v4, v8;
	v8 =	vld [tilespmem:s23+$0xC00]  }
0x5c8: {  	v4 =	vmax.f32 v4, v9;
	v9 =	vld [tilespmem:s23+$0xC10]  }
0x5c9: {  	v4 =	vmax.f32 v4, v5;
	v5 =	vld [tilespmem:s23+$0xC20]  }
0x5ca: {  	v4 =	vmax.f32 v4, v6;
	v6 =	vld [tilespmem:s23+$0xC30]  }
0x5cb: {  	v4 =	vmax.f32 v4, v7;
	v7 =	vld [tilespmem:s23+$0xC40]  }
0x5cc: {  	v4 =	vmax.f32 v4, v8;
	v8 =	vld [tilespmem:s23+$0xC50]  }
0x5cd: {  	v4 =	vmax.f32 v4, v9;
	v9 =	vld [tilespmem:s23+$0xC60]  }
0x5ce: {  	v4 =	vmax.f32 v4, v5;
	v5 =	vld [tilespmem:s23+$0xC70]  }
0x5cf: {  	v4 =	vmax.f32 v4, v6;
	v6 =	vld [tilespmem:s23+$0x1000]  }
0x5d0: {  	v4 =	vmax.f32 v4, v7;
	v7 =	vld [tilespmem:s23+$0x1010]  }
0x5d1: {  	v4 =	vmax.f32 v4, v8;
	v8 =	vld [tilespmem:s23+$0x1020]  }
0x5d2: {  	v4 =	vmax.f32 v4, v9;
	v9 =	vld [tilespmem:s23+$0x1030]  }
0x5d3: {  	v4 =	vmax.f32 v4, v5;
	v5 =	vld [tilespmem:s23+$0x1040]  }
0x5d4: {  	v4 =	vmax.f32 v4, v6;
	v6 =	vld [tilespmem:s23+$0x1050]  }
0x5d5: {  	v4 =	vmax.f32 v4, v7;
	v7 =	vld [tilespmem:s23+$0x1060]  }
0x5d6: {  	v4 =	vmax.f32 v4, v8;
	v8 =	vld [tilespmem:s23+$0x1070]  }
0x5d7: {  	v4 =	vmax.f32 v4, v9;
	v9 =	vld [tilespmem:s23+$0x1400]  }
0x5d8: {  	v4 =	vmax.f32 v4, v5;
	v5 =	vld [tilespmem:s23+$0x1410]  }
0x5d9: {  	v4 =	vmax.f32 v4, v6;
	v6 =	vld [tilespmem:s23+$0x1420]  }
0x5da: {  	v4 =	vmax.f32 v4, v7;
	v7 =	vld [tilespmem:s23+$0x1430]  }
0x5db: {  	v4 =	vmax.f32 v4, v8;
	v8 =	vld [tilespmem:s23+$0x1440]  }
0x5dc: {  	v4 =	vmax.f32 v4, v9;
	v9 =	vld [tilespmem:s23+$0x1450]  }
.Ltmp6:
0x5dd: {  	v4 =	vmax.f32 v4, v5;
	v5 =	vld [tilespmem:s23+$0x1460];
	(pc) =	sbr.rel @p0 .LBB2_14-.Ltmp6, $4  }
0x5de: {  	v6 =	vmax.f32 v4, v6;
	v4 =	vld [tilespmem:s23+$0x1470]  }
0x5df: {  	v6 =	vmax.f32 v6, v7  }
0x5e0: {  	s23 =	sshrl.u32 s22, $0x3;
	v6 =	vmax.f32 v6, v8  }
0x5e1: {  	s22 =	sadd.s32 $0x1, s22;
	s23 =	smul.u32 $0x6000, s23;
	v6 =	vmax.f32 v6, v9  }
0x5e2: {  	v5 =	vmax.f32 v6, v5;
	s21 =	sadd.s32 $0x80, s21  }
0x5e3: {  	s20 =	sadd.s32 $0x18, s20;
	s21 =	sand.u32 $0x380, s21;
	s22 =	sshra.s32 s23, $0x2;
	v4 =	vmax.f32 v5, v4  }
0x5e4: {  	s21 =	sor.u32 s21, s22;
	[tilespmem:s20+$0x0] =	vst v4  }
0x5e5: {  	v4 =	vld [tilespmem:s21+$0x10]  }
0x5e6: {  	v5 =	vld [tilespmem:s21+$0x0]  }
0x5e7: {  	v6 =	vld [tilespmem:s21+$0x20]  }
0x5e8: {  	v7 =	vld [tilespmem:s21+$0x30]  }
0x5e9: {  	v8 =	vld [tilespmem:s21+$0x40]  }
0x5ea: {  	v9 =	vld [tilespmem:s21+$0x50]  }
0x5eb: {  	v4 =	vmax.f32 v5, v4;
	v5 =	vld [tilespmem:s21+$0x60]  }
0x5ec: {  	v4 =	vmax.f32 v4, v6;
	v6 =	vld [tilespmem:s21+$0x70]  }
0x5ed: {  	v4 =	vmax.f32 v4, v7;
	v7 =	vld [tilespmem:s21+$0x400]  }
0x5ee: {  	v4 =	vmax.f32 v4, v8;
	v8 =	vld [tilespmem:s21+$0x410]  }
0x5ef: {  	v38 =	vld [tilespmem:s21+$0x420];
	v4 =	vmax.f32 v4, v9  }
0x5f0: {  	v4 =	vmax.f32 v4, v5;
	v5 =	vld [tilespmem:s21+$0x430]  }
0x5f1: {  	v4 =	vmax.f32 v4, v6;
	v6 =	vld [tilespmem:s21+$0x440]  }
0x5f2: {  	v4 =	vmax.f32 v4, v7;
	v7 =	vld [tilespmem:s21+$0x450]  }
0x5f3: {  	v4 =	vmax.f32 v4, v8;
	v8 =	vld [tilespmem:s21+$0x460]  }
0x5f4: {  	v39 =	vld [tilespmem:s21+$0x470];
	v4 =	vmax.f32 v4, v38  }
0x5f5: {  	v4 =	vmax.f32 v4, v5;
	v5 =	vld [tilespmem:s21+$0x800]  }
0x5f6: {  	v4 =	vmax.f32 v4, v6;
	v6 =	vld [tilespmem:s21+$0x810]  }
0x5f7: {  	v4 =	vmax.f32 v4, v7;
	v7 =	vld [tilespmem:s21+$0x820]  }
0x5f8: {  	v4 =	vmax.f32 v4, v8;
	v8 =	vld [tilespmem:s21+$0x830]  }
0x5f9: {  	v40 =	vld [tilespmem:s21+$0x840];
	v4 =	vmax.f32 v4, v39  }
0x5fa: {  	v4 =	vmax.f32 v4, v5;
	v5 =	vld [tilespmem:s21+$0x850]  }
0x5fb: {  	v4 =	vmax.f32 v4, v6;
	v6 =	vld [tilespmem:s21+$0x860]  }
0x5fc: {  	v4 =	vmax.f32 v4, v7;
	v7 =	vld [tilespmem:s21+$0x870]  }
0x5fd: {  	v4 =	vmax.f32 v4, v8;
	v8 =	vld [tilespmem:s21+$0xC00]  }
0x5fe: {  	v41 =	vld [tilespmem:s21+$0xC10];
	v4 =	vmax.f32 v4, v40  }
0x5ff: {  	v4 =	vmax.f32 v4, v5;
	v5 =	vld [tilespmem:s21+$0xC20]  }
0x600: {  	v4 =	vmax.f32 v4, v6;
	v6 =	vld [tilespmem:s21+$0xC30]  }
0x601: {  	v4 =	vmax.f32 v4, v7;
	v7 =	vld [tilespmem:s21+$0xC40]  }
0x602: {  	v4 =	vmax.f32 v4, v8;
	v8 =	vld [tilespmem:s21+$0xC50]  }
0x603: {  	v42 =	vld [tilespmem:s21+$0xC60];
	v4 =	vmax.f32 v4, v41  }
0x604: {  	v4 =	vmax.f32 v4, v5;
	v5 =	vld [tilespmem:s21+$0xC70]  }
0x605: {  	v4 =	vmax.f32 v4, v6;
	v6 =	vld [tilespmem:s21+$0x1000]  }
0x606: {  	v4 =	vmax.f32 v4, v7;
	v7 =	vld [tilespmem:s21+$0x1010]  }
0x607: {  	v4 =	vmax.f32 v4, v8;
	v8 =	vld [tilespmem:s21+$0x1020]  }
0x608: {  	v43 =	vld [tilespmem:s21+$0x1030];
	v4 =	vmax.f32 v4, v42  }
0x609: {  	v4 =	vmax.f32 v4, v5;
	v5 =	vld [tilespmem:s21+$0x1040]  }
0x60a: {  	v4 =	vmax.f32 v4, v6;
	v6 =	vld [tilespmem:s21+$0x1050]  }
0x60b: {  	v4 =	vmax.f32 v4, v7;
	v7 =	vld [tilespmem:s21+$0x1060]  }
0x60c: {  	v4 =	vmax.f32 v4, v8;
	v8 =	vld [tilespmem:s21+$0x1070]  }
0x60d: {  	v44 =	vld [tilespmem:s21+$0x1400];
	v4 =	vmax.f32 v4, v43  }
0x60e: {  	v4 =	vmax.f32 v4, v5;
	v5 =	vld [tilespmem:s21+$0x1410]  }
0x60f: {  	v4 =	vmax.f32 v4, v6;
	v6 =	vld [tilespmem:s21+$0x1420]  }
0x610: {  	v4 =	vmax.f32 v4, v7;
	v7 =	vld [tilespmem:s21+$0x1430]  }
0x611: {  	v4 =	vmax.f32 v4, v8;
	v8 =	vld [tilespmem:s21+$0x1440]  }
0x612: {  	v45 =	vld [tilespmem:s21+$0x1450];
	v4 =	vmax.f32 v4, v44  }
0x613: {  	v4 =	vmax.f32 v4, v5;
	v5 =	vld [tilespmem:s21+$0x1460]  }
0x614: {  	v4 =	vmax.f32 v4, v6;
	v6 =	vld [tilespmem:s21+$0x1470]  }
0x615: {  	v4 =	vmax.f32 v4, v7  }
0x616: {  	v4 =	vmax.f32 v4, v8  }
0x617: {  	v4 =	vmax.f32 v4, v45  }
0x618: {  	v4 =	vmax.f32 v4, v5  }
0x619: {  	s26 =	simm.s32 $0x0;
	s20 =	sadd.s32 $0x18, s20;
	v4 =	vmax.f32 v4, v6  }
0x61a: {  	s21 =	smul.u32 $0x6000, s26;
	[tilespmem:s20+$0x0] =	vst v4  }
0x61b: {  	s20 =	simm.s32 $0x0;
	_ =	swait.ge [sflag:s15], $0xC000  }
0x61c: {  	s21 =	sshra.s32 s21, $0x2;
	s28 =	sand.u32 $0x380, s20;
	[sflag:s15] =	ssyncset.done $0x0  }
0x61d: {  	s21 =	sor.u32 s28, s21;
	[sflag:s15] =	ssyncadd.s32 $0xFFFF4000  }
0x61e: {  	v4 =	vld [tilespmem:s21+$0xC010]  }
0x61f: {  	v5 =	vld [tilespmem:s21+$0xC000]  }
0x620: {  	v6 =	vld [tilespmem:s21+$0xC020]  }
0x621: {  	v7 =	vld [tilespmem:s21+$0xC030]  }
0x622: {  	v8 =	vld [tilespmem:s21+$0xC040]  }
0x623: {  	v46 =	vld [tilespmem:s21+$0xC050]  }
0x624: {  	v4 =	vmax.f32 v5, v4;
	v5 =	vld [tilespmem:s21+$0xC060]  }
0x625: {  	v4 =	vmax.f32 v4, v6;
	v6 =	vld [tilespmem:s21+$0xC070]  }
0x626: {  	v4 =	vmax.f32 v4, v7;
	v7 =	vld [tilespmem:s21+$0xC400]  }
0x627: {  	v4 =	vmax.f32 v4, v8;
	v8 =	vld [tilespmem:s21+$0xC410]  }
0x628: {  	v47 =	vld [tilespmem:s21+$0xC420];
	v4 =	vmax.f32 v4, v46  }
0x629: {  	v4 =	vmax.f32 v4, v5;
	v5 =	vld [tilespmem:s21+$0xC430]  }
0x62a: {  	v4 =	vmax.f32 v4, v6;
	v6 =	vld [tilespmem:s21+$0xC440]  }
0x62b: {  	v4 =	vmax.f32 v4, v7;
	v7 =	vld [tilespmem:s21+$0xC450]  }
0x62c: {  	v4 =	vmax.f32 v4, v8;
	v8 =	vld [tilespmem:s21+$0xC460]  }
0x62d: {  	v48 =	vld [tilespmem:s21+$0xC470];
	v4 =	vmax.f32 v4, v47  }
0x62e: {  	v4 =	vmax.f32 v4, v5;
	v5 =	vld [tilespmem:s21+$0xC800]  }
0x62f: {  	v4 =	vmax.f32 v4, v6;
	v6 =	vld [tilespmem:s21+$0xC810]  }
0x630: {  	v4 =	vmax.f32 v4, v7;
	v7 =	vld [tilespmem:s21+$0xC820]  }
0x631: {  	v4 =	vmax.f32 v4, v8;
	v8 =	vld [tilespmem:s21+$0xC830]  }
0x632: {  	v49 =	vld [tilespmem:s21+$0xC840];
	v4 =	vmax.f32 v4, v48  }
0x633: {  	v4 =	vmax.f32 v4, v5;
	v5 =	vld [tilespmem:s21+$0xC850]  }
0x634: {  	v4 =	vmax.f32 v4, v6;
	v6 =	vld [tilespmem:s21+$0xC860]  }
0x635: {  	v4 =	vmax.f32 v4, v7;
	v7 =	vld [tilespmem:s21+$0xC870]  }
0x636: {  	v4 =	vmax.f32 v4, v8;
	v8 =	vld [tilespmem:s21+$0xCC00]  }
0x637: {  	v50 =	vld [tilespmem:s21+$0xCC10];
	v4 =	vmax.f32 v4, v49  }
0x638: {  	v4 =	vmax.f32 v4, v5;
	v5 =	vld [tilespmem:s21+$0xCC20]  }
0x639: {  	v4 =	vmax.f32 v4, v6;
	v6 =	vld [tilespmem:s21+$0xCC30]  }
0x63a: {  	v4 =	vmax.f32 v4, v7;
	v7 =	vld [tilespmem:s21+$0xCC40]  }
0x63b: {  	v4 =	vmax.f32 v4, v8;
	v8 =	vld [tilespmem:s21+$0xCC50]  }
0x63c: {  	v51 =	vld [tilespmem:s21+$0xCC60];
	v4 =	vmax.f32 v4, v50  }
0x63d: {  	v4 =	vmax.f32 v4, v5;
	v5 =	vld [tilespmem:s21+$0xCC70]  }
0x63e: {  	v4 =	vmax.f32 v4, v6;
	v6 =	vld [tilespmem:s21+$0xD000]  }
0x63f: {  	v4 =	vmax.f32 v4, v7;
	v7 =	vld [tilespmem:s21+$0xD010]  }
0x640: {  	v4 =	vmax.f32 v4, v8;
	v8 =	vld [tilespmem:s21+$0xD020]  }
0x641: {  	v52 =	vld [tilespmem:s21+$0xD030];
	v4 =	vmax.f32 v4, v51  }
0x642: {  	v4 =	vmax.f32 v4, v5;
	v5 =	vld [tilespmem:s21+$0xD040]  }
0x643: {  	v4 =	vmax.f32 v4, v6;
	v6 =	vld [tilespmem:s21+$0xD050]  }
0x644: {  	v4 =	vmax.f32 v4, v7;
	v7 =	vld [tilespmem:s21+$0xD060]  }
0x645: {  	v4 =	vmax.f32 v4, v8;
	v8 =	vld [tilespmem:s21+$0xD070]  }
0x646: {  	v53 =	vld [tilespmem:s21+$0xD400];
	v4 =	vmax.f32 v4, v52  }
0x647: {  	v4 =	vmax.f32 v4, v5;
	v5 =	vld [tilespmem:s21+$0xD410]  }
0x648: {  	v4 =	vmax.f32 v4, v6;
	v6 =	vld [tilespmem:s21+$0xD420]  }
0x649: {  	v4 =	vmax.f32 v4, v7;
	v7 =	vld [tilespmem:s21+$0xD430]  }
0x64a: {  	v4 =	vmax.f32 v4, v8;
	v8 =	vld [tilespmem:s21+$0xD440]  }
0x64b: {  	v54 =	vld [tilespmem:s21+$0xD450];
	v4 =	vmax.f32 v4, v53  }
0x64c: {  	v4 =	vmax.f32 v4, v5;
	v5 =	vld [tilespmem:s21+$0xD460]  }
0x64d: {  	v4 =	vmax.f32 v4, v6;
	v6 =	vld [tilespmem:s21+$0xD470]  }
0x64e: {  	v4 =	vmax.f32 v4, v7  }
0x64f: {  	s29 =	simm.s32 $0x0;
	v4 =	vmax.f32 v4, v8  }
0x650: {  	s30 =	smul.u32 $0x6000, s29;
	v4 =	vmax.f32 v4, v54  }
0x651: {  	s22 =	simm.s32 $0x80;
	v4 =	vmax.f32 v4, v5  }
0x652: {  	s24 =	sand.u32 $0x380, s22;
	s23 =	sshra.s32 s30, $0x2;
	s21 =	simm.s32 $0x1AA00;
	v4 =	vmax.f32 v4, v6  }
0x653: {  	s23 =	sor.u32 s24, s23;
	[tilespmem:s21+$0x0] =	vst v4  }
0x654: {  	v4 =	vld [tilespmem:s23+$0xC010]  }
0x655: {  	v5 =	vld [tilespmem:s23+$0xC000]  }
0x656: {  	v6 =	vld [tilespmem:s23+$0xC020]  }
0x657: {  	v7 =	vld [tilespmem:s23+$0xC030]  }
0x658: {  	v8 =	vld [tilespmem:s23+$0xC040]  }
0x659: {  	v55 =	vld [tilespmem:s23+$0xC050]  }
0x65a: {  	v4 =	vmax.f32 v5, v4;
	v5 =	vld [tilespmem:s23+$0xC060]  }
0x65b: {  	v4 =	vmax.f32 v4, v6;
	v6 =	vld [tilespmem:s23+$0xC070]  }
0x65c: {  	v4 =	vmax.f32 v4, v7;
	v7 =	vld [tilespmem:s23+$0xC400]  }
0x65d: {  	v4 =	vmax.f32 v4, v8;
	v8 =	vld [tilespmem:s23+$0xC410]  }
0x65e: {  	v56 =	vld [tilespmem:s23+$0xC420];
	v4 =	vmax.f32 v4, v55  }
0x65f: {  	v4 =	vmax.f32 v4, v5;
	v5 =	vld [tilespmem:s23+$0xC430]  }
0x660: {  	v4 =	vmax.f32 v4, v6;
	v6 =	vld [tilespmem:s23+$0xC440]  }
0x661: {  	v4 =	vmax.f32 v4, v7;
	v7 =	vld [tilespmem:s23+$0xC450]  }
0x662: {  	v4 =	vmax.f32 v4, v8;
	v8 =	vld [tilespmem:s23+$0xC460]  }
0x663: {  	v57 =	vld [tilespmem:s23+$0xC470];
	v4 =	vmax.f32 v4, v56  }
0x664: {  	v4 =	vmax.f32 v4, v5;
	v5 =	vld [tilespmem:s23+$0xC800]  }
0x665: {  	v4 =	vmax.f32 v4, v6;
	v6 =	vld [tilespmem:s23+$0xC810]  }
0x666: {  	v4 =	vmax.f32 v4, v7;
	v7 =	vld [tilespmem:s23+$0xC820]  }
0x667: {  	v4 =	vmax.f32 v4, v8;
	v8 =	vld [tilespmem:s23+$0xC830]  }
0x668: {  	v58 =	vld [tilespmem:s23+$0xC840];
	v4 =	vmax.f32 v4, v57  }
0x669: {  	v4 =	vmax.f32 v4, v5;
	v5 =	vld [tilespmem:s23+$0xC850]  }
0x66a: {  	v4 =	vmax.f32 v4, v6;
	v6 =	vld [tilespmem:s23+$0xC860]  }
0x66b: {  	v4 =	vmax.f32 v4, v7;
	v7 =	vld [tilespmem:s23+$0xC870]  }
0x66c: {  	v4 =	vmax.f32 v4, v8;
	v8 =	vld [tilespmem:s23+$0xCC00]  }
0x66d: {  	v59 =	vld [tilespmem:s23+$0xCC10];
	v4 =	vmax.f32 v4, v58  }
0x66e: {  	v4 =	vmax.f32 v4, v5;
	v5 =	vld [tilespmem:s23+$0xCC20]  }
0x66f: {  	v4 =	vmax.f32 v4, v6;
	v6 =	vld [tilespmem:s23+$0xCC30]  }
0x670: {  	v4 =	vmax.f32 v4, v7;
	v7 =	vld [tilespmem:s23+$0xCC40]  }
0x671: {  	v4 =	vmax.f32 v4, v8;
	v8 =	vld [tilespmem:s23+$0xCC50]  }
0x672: {  	v60 =	vld [tilespmem:s23+$0xCC60];
	v4 =	vmax.f32 v4, v59  }
0x673: {  	v4 =	vmax.f32 v4, v5;
	v5 =	vld [tilespmem:s23+$0xCC70]  }
0x674: {  	v4 =	vmax.f32 v4, v6;
	v6 =	vld [tilespmem:s23+$0xD000]  }
0x675: {  	v4 =	vmax.f32 v4, v7;
	v7 =	vld [tilespmem:s23+$0xD010]  }
0x676: {  	v4 =	vmax.f32 v4, v8;
	v8 =	vld [tilespmem:s23+$0xD020]  }
0x677: {  	v61 =	vld [tilespmem:s23+$0xD030];
	v4 =	vmax.f32 v4, v60  }
0x678: {  	v4 =	vmax.f32 v4, v5;
	v5 =	vld [tilespmem:s23+$0xD040]  }
0x679: {  	v4 =	vmax.f32 v4, v6;
	v6 =	vld [tilespmem:s23+$0xD050]  }
0x67a: {  	v4 =	vmax.f32 v4, v7;
	v7 =	vld [tilespmem:s23+$0xD060]  }
0x67b: {  	v4 =	vmax.f32 v4, v8;
	v8 =	vld [tilespmem:s23+$0xD070]  }
0x67c: {  	v62 =	vld [tilespmem:s23+$0xD400];
	v4 =	vmax.f32 v4, v61  }
0x67d: {  	v4 =	vmax.f32 v4, v5;
	v5 =	vld [tilespmem:s23+$0xD410]  }
0x67e: {  	v4 =	vmax.f32 v4, v6;
	v6 =	vld [tilespmem:s23+$0xD420]  }
0x67f: {  	v4 =	vmax.f32 v4, v7;
	v7 =	vld [tilespmem:s23+$0xD430]  }
0x680: {  	v4 =	vmax.f32 v4, v8;
	v8 =	vld [tilespmem:s23+$0xD440]  }
0x681: {  	v4 =	vmax.f32 v4, v62  }
0x682: {  	v4 =	vmax.f32 v4, v5  }
0x683: {  	v63 =	vld [tilespmem:s23+$0xD450];
	v4 =	vmax.f32 v4, v6  }
0x684: {  	v5 =	vld [tilespmem:s23+$0xD460];
	v4 =	vmax.f32 v4, v7  }
0x685: {  	v6 =	vmax.f32 v4, v8;
	v4 =	vld [tilespmem:s23+$0xD470];
	_ =	sdelay $0x1  }
0x686: {  	s31 =	simm.s32 $0x0  }
0x687: {  	s24 =	smul.u32 $0x6000, s31;
	s23 =	simm.s32 $0x3;
	v6 =	vmax.f32 v6, v63  }
.LBB2_16:
0x688: {  	p0 =	sne.s32 s23, $0x3F;
	v5 =	vmax.f32 v6, v5;
	s22 =	sadd.s32 $0x80, s22  }
0x689: {  	s21 =	sadd.s32 $0x18, s21;
	s25 =	sand.u32 $0x380, s22;
	s24 =	sshra.s32 s24, $0x2;
	v4 =	vmax.f32 v5, v4  }
0x68a: {  	s24 =	sor.u32 s25, s24;
	[tilespmem:s21+$0x0] =	vst v4  }
0x68b: {  	v4 =	vld [tilespmem:s24+$0xC010]  }
0x68c: {  	v5 =	vld [tilespmem:s24+$0xC000]  }
0x68d: {  	v6 =	vld [tilespmem:s24+$0xC020]  }
0x68e: {  	v7 =	vld [tilespmem:s24+$0xC030]  }
0x68f: {  	v8 =	vld [tilespmem:s24+$0xC040]  }
0x690: {  	v9 =	vld [tilespmem:s24+$0xC050]  }
0x691: {  	v4 =	vmax.f32 v5, v4;
	v5 =	vld [tilespmem:s24+$0xC060]  }
0x692: {  	v4 =	vmax.f32 v4, v6;
	v6 =	vld [tilespmem:s24+$0xC070]  }
0x693: {  	v4 =	vmax.f32 v4, v7;
	v7 =	vld [tilespmem:s24+$0xC400]  }
0x694: {  	v4 =	vmax.f32 v4, v8;
	v8 =	vld [tilespmem:s24+$0xC410]  }
0x695: {  	v4 =	vmax.f32 v4, v9;
	v9 =	vld [tilespmem:s24+$0xC420]  }
0x696: {  	v4 =	vmax.f32 v4, v5;
	v5 =	vld [tilespmem:s24+$0xC430]  }
0x697: {  	v4 =	vmax.f32 v4, v6;
	v6 =	vld [tilespmem:s24+$0xC440]  }
0x698: {  	v4 =	vmax.f32 v4, v7;
	v7 =	vld [tilespmem:s24+$0xC450]  }
0x699: {  	v4 =	vmax.f32 v4, v8;
	v8 =	vld [tilespmem:s24+$0xC460]  }
0x69a: {  	v4 =	vmax.f32 v4, v9;
	v9 =	vld [tilespmem:s24+$0xC470]  }
0x69b: {  	v4 =	vmax.f32 v4, v5;
	v5 =	vld [tilespmem:s24+$0xC800]  }
0x69c: {  	v4 =	vmax.f32 v4, v6;
	v6 =	vld [tilespmem:s24+$0xC810]  }
0x69d: {  	v4 =	vmax.f32 v4, v7;
	v7 =	vld [tilespmem:s24+$0xC820]  }
0x69e: {  	v4 =	vmax.f32 v4, v8;
	v8 =	vld [tilespmem:s24+$0xC830]  }
0x69f: {  	v4 =	vmax.f32 v4, v9;
	v9 =	vld [tilespmem:s24+$0xC840]  }
0x6a0: {  	v4 =	vmax.f32 v4, v5;
	v5 =	vld [tilespmem:s24+$0xC850]  }
0x6a1: {  	v4 =	vmax.f32 v4, v6;
	v6 =	vld [tilespmem:s24+$0xC860]  }
0x6a2: {  	v4 =	vmax.f32 v4, v7;
	v7 =	vld [tilespmem:s24+$0xC870]  }
0x6a3: {  	v4 =	vmax.f32 v4, v8;
	v8 =	vld [tilespmem:s24+$0xCC00]  }
0x6a4: {  	v4 =	vmax.f32 v4, v9;
	v9 =	vld [tilespmem:s24+$0xCC10]  }
0x6a5: {  	v4 =	vmax.f32 v4, v5;
	v5 =	vld [tilespmem:s24+$0xCC20]  }
0x6a6: {  	v4 =	vmax.f32 v4, v6;
	v6 =	vld [tilespmem:s24+$0xCC30]  }
0x6a7: {  	v4 =	vmax.f32 v4, v7;
	v7 =	vld [tilespmem:s24+$0xCC40]  }
0x6a8: {  	v4 =	vmax.f32 v4, v8;
	v8 =	vld [tilespmem:s24+$0xCC50]  }
0x6a9: {  	v4 =	vmax.f32 v4, v9;
	v9 =	vld [tilespmem:s24+$0xCC60]  }
0x6aa: {  	v4 =	vmax.f32 v4, v5;
	v5 =	vld [tilespmem:s24+$0xCC70]  }
0x6ab: {  	v4 =	vmax.f32 v4, v6;
	v6 =	vld [tilespmem:s24+$0xD000]  }
0x6ac: {  	v4 =	vmax.f32 v4, v7;
	v7 =	vld [tilespmem:s24+$0xD010]  }
0x6ad: {  	v4 =	vmax.f32 v4, v8;
	v8 =	vld [tilespmem:s24+$0xD020]  }
0x6ae: {  	v4 =	vmax.f32 v4, v9;
	v9 =	vld [tilespmem:s24+$0xD030]  }
0x6af: {  	v4 =	vmax.f32 v4, v5;
	v5 =	vld [tilespmem:s24+$0xD040]  }
0x6b0: {  	v4 =	vmax.f32 v4, v6;
	v6 =	vld [tilespmem:s24+$0xD050]  }
0x6b1: {  	v4 =	vmax.f32 v4, v7;
	v7 =	vld [tilespmem:s24+$0xD060]  }
0x6b2: {  	v4 =	vmax.f32 v4, v8;
	v8 =	vld [tilespmem:s24+$0xD070]  }
0x6b3: {  	v4 =	vmax.f32 v4, v9;
	v9 =	vld [tilespmem:s24+$0xD400]  }
0x6b4: {  	v4 =	vmax.f32 v4, v5;
	v5 =	vld [tilespmem:s24+$0xD410]  }
0x6b5: {  	v4 =	vmax.f32 v4, v6;
	v6 =	vld [tilespmem:s24+$0xD420]  }
0x6b6: {  	v4 =	vmax.f32 v4, v7;
	v7 =	vld [tilespmem:s24+$0xD430]  }
0x6b7: {  	v4 =	vmax.f32 v4, v8;
	v8 =	vld [tilespmem:s24+$0xD440]  }
0x6b8: {  	v4 =	vmax.f32 v4, v9;
	v9 =	vld [tilespmem:s24+$0xD450]  }
.Ltmp7:
0x6b9: {  	v4 =	vmax.f32 v4, v5;
	v5 =	vld [tilespmem:s24+$0xD460];
	(pc) =	sbr.rel @p0 .LBB2_16-.Ltmp7, $4  }
0x6ba: {  	v6 =	vmax.f32 v4, v6;
	v4 =	vld [tilespmem:s24+$0xD470]  }
0x6bb: {  	v6 =	vmax.f32 v6, v7  }
0x6bc: {  	s24 =	sshrl.u32 s23, $0x3;
	v6 =	vmax.f32 v6, v8  }
0x6bd: {  	s23 =	sadd.s32 $0x1, s23;
	s24 =	smul.u32 $0x6000, s24;
	v6 =	vmax.f32 v6, v9  }
0x6be: {  	v5 =	vmax.f32 v6, v5;
	s22 =	sadd.s32 $0x80, s22  }
0x6bf: {  	s21 =	sadd.s32 $0x18, s21;
	s22 =	sand.u32 $0x380, s22;
	s23 =	sshra.s32 s24, $0x2;
	v4 =	vmax.f32 v5, v4  }
0x6c0: {  	s22 =	sor.u32 s22, s23;
	[tilespmem:s21+$0x0] =	vst v4  }
0x6c1: {  	v4 =	vld [tilespmem:s22+$0xC010]  }
0x6c2: {  	v5 =	vld [tilespmem:s22+$0xC000]  }
0x6c3: {  	v6 =	vld [tilespmem:s22+$0xC020]  }
0x6c4: {  	v7 =	vld [tilespmem:s22+$0xC030]  }
0x6c5: {  	v8 =	vld [tilespmem:s22+$0xC040]  }
0x6c6: {  	v9 =	vld [tilespmem:s22+$0xC050]  }
0x6c7: {  	v4 =	vmax.f32 v5, v4;
	v5 =	vld [tilespmem:s22+$0xC060]  }
0x6c8: {  	v4 =	vmax.f32 v4, v6;
	v6 =	vld [tilespmem:s22+$0xC070]  }
0x6c9: {  	v4 =	vmax.f32 v4, v7;
	v7 =	vld [tilespmem:s22+$0xC400]  }
0x6ca: {  	v4 =	vmax.f32 v4, v8;
	v8 =	vld [tilespmem:s22+$0xC410]  }
0x6cb: {  	v4 =	vmax.f32 v4, v9;
	v9 =	vld [tilespmem:s22+$0xC420]  }
0x6cc: {  	v4 =	vmax.f32 v4, v5;
	v5 =	vld [tilespmem:s22+$0xC430]  }
0x6cd: {  	v4 =	vmax.f32 v4, v6;
	v6 =	vld [tilespmem:s22+$0xC440]  }
0x6ce: {  	v4 =	vmax.f32 v4, v7;
	v7 =	vld [tilespmem:s22+$0xC450]  }
0x6cf: {  	v4 =	vmax.f32 v4, v8;
	v8 =	vld [tilespmem:s22+$0xC460]  }
0x6d0: {  	v4 =	vmax.f32 v4, v9;
	v9 =	vld [tilespmem:s22+$0xC470]  }
0x6d1: {  	v4 =	vmax.f32 v4, v5;
	v5 =	vld [tilespmem:s22+$0xC800]  }
0x6d2: {  	v4 =	vmax.f32 v4, v6;
	v6 =	vld [tilespmem:s22+$0xC810]  }
0x6d3: {  	v4 =	vmax.f32 v4, v7;
	v7 =	vld [tilespmem:s22+$0xC820]  }
0x6d4: {  	v4 =	vmax.f32 v4, v8;
	v8 =	vld [tilespmem:s22+$0xC830]  }
0x6d5: {  	v4 =	vmax.f32 v4, v9;
	v9 =	vld [tilespmem:s22+$0xC840]  }
0x6d6: {  	v4 =	vmax.f32 v4, v5;
	v5 =	vld [tilespmem:s22+$0xC850]  }
0x6d7: {  	v4 =	vmax.f32 v4, v6;
	v6 =	vld [tilespmem:s22+$0xC860]  }
0x6d8: {  	v4 =	vmax.f32 v4, v7;
	v7 =	vld [tilespmem:s22+$0xC870]  }
0x6d9: {  	v4 =	vmax.f32 v4, v8;
	v8 =	vld [tilespmem:s22+$0xCC00]  }
0x6da: {  	v4 =	vmax.f32 v4, v9;
	v9 =	vld [tilespmem:s22+$0xCC10]  }
0x6db: {  	v4 =	vmax.f32 v4, v5;
	v5 =	vld [tilespmem:s22+$0xCC20]  }
0x6dc: {  	v4 =	vmax.f32 v4, v6;
	v6 =	vld [tilespmem:s22+$0xCC30]  }
0x6dd: {  	v4 =	vmax.f32 v4, v7;
	v7 =	vld [tilespmem:s22+$0xCC40]  }
0x6de: {  	v4 =	vmax.f32 v4, v8;
	v8 =	vld [tilespmem:s22+$0xCC50]  }
0x6df: {  	v4 =	vmax.f32 v4, v9;
	v9 =	vld [tilespmem:s22+$0xCC60]  }
0x6e0: {  	v4 =	vmax.f32 v4, v5;
	v5 =	vld [tilespmem:s22+$0xCC70]  }
0x6e1: {  	v4 =	vmax.f32 v4, v6;
	v6 =	vld [tilespmem:s22+$0xD000]  }
0x6e2: {  	v4 =	vmax.f32 v4, v7;
	v7 =	vld [tilespmem:s22+$0xD010]  }
0x6e3: {  	v4 =	vmax.f32 v4, v8;
	v8 =	vld [tilespmem:s22+$0xD020]  }
0x6e4: {  	v4 =	vmax.f32 v4, v9;
	v9 =	vld [tilespmem:s22+$0xD030]  }
0x6e5: {  	v4 =	vmax.f32 v4, v5;
	v5 =	vld [tilespmem:s22+$0xD040]  }
0x6e6: {  	v4 =	vmax.f32 v4, v6;
	v6 =	vld [tilespmem:s22+$0xD050]  }
0x6e7: {  	v4 =	vmax.f32 v4, v7;
	v7 =	vld [tilespmem:s22+$0xD060]  }
0x6e8: {  	v4 =	vmax.f32 v4, v8;
	v8 =	vld [tilespmem:s22+$0xD070]  }
0x6e9: {  	v4 =	vmax.f32 v4, v9;
	v9 =	vld [tilespmem:s22+$0xD400]  }
0x6ea: {  	v4 =	vmax.f32 v4, v5;
	v5 =	vld [tilespmem:s22+$0xD410]  }
0x6eb: {  	v4 =	vmax.f32 v4, v6;
	v6 =	vld [tilespmem:s22+$0xD420]  }
0x6ec: {  	v4 =	vmax.f32 v4, v7;
	v7 =	vld [tilespmem:s22+$0xD430]  }
0x6ed: {  	v10 =	vmov s20;
	v4 =	vmax.f32 v4, v8;
	v8 =	vld [tilespmem:s22+$0xD440]  }
0x6ee: {  	v10 =	vmul.u32 $0x18, v10;
	v4 =	vmax.f32 v4, v9;
	v9 =	vld [tilespmem:s22+$0xD450]  }
0x6ef: {  	v4 =	vmax.f32 v4, v5;
	v5 =	vld [tilespmem:s22+$0xD460]  }
0x6f0: {  	v10 =	vbroadcast v10, $0x0;
	v4 =	vmax.f32 v4, v6;
	v6 =	vld [tilespmem:s22+$0xD470]  }
0x6f1: {  	v4 =	vmax.f32 v4, v7  }
0x6f2: {  	v7 =	vor.u32 v0, v10;
	v4 =	vmax.f32 v4, v8  }
0x6f3: {  	v8 =	vor.u32 v2, v10;
	v4 =	vmax.f32 v4, v9  }
0x6f4: {  	v4 =	vmax.f32 v4, v5;
	v5 =	vor.u32 v3, v10  }
0x6f5: {  	s21 =	sadd.s32 $0x18, s21;
	v4 =	vmax.f32 v4, v6;
	v6 =	vor.u32 v1, v10  }
0x6f6: {  	[tilespmem:s21+$0x0] =	vst v4  }
0x6f7: {  	s29 =	simm.s32 $0x10;
	v4 =	vld.idx.msk [tilespmem:v7+s16+$0x0], $0xffff  }
0x6f8: {  	v7 =	vld.idx.msk [tilespmem:v8+s16+$0x0], $0xffff;
	v8 =	vmov s29  }
0x6f9: {  	v8 =	vmul.u32 $0x18, v8;
	v5 =	vld.idx.msk [tilespmem:v5+s16+$0x0], $0xffff  }
0x6fa: {  	v6 =	vld.idx.msk [tilespmem:v6+s16+$0x0], $0xffff  }
0x6fb: {  	v8 =	vbroadcast v8, $0x0;
	_ =	sdelay $0x1  }
0x6fc: {  	v9 =	vadd.s32 v0, v8  }
0x6fd: {  	v10 =	vadd.s32 v1, v8  }
0x6fe: {  	v5 =	vmax.f32 v7, v5;
	v4 =	vmax.f32 v4, v6;
	v6 =	vadd.s32 v2, v8  }
0x6ff: {  	s21 =	simm.s32 $0x1B020;
	v4 =	vmax.f32 v4, v5;
	v5 =	vadd.s32 v3, v8  }
0x700: {  	[tilespmem:s21+$0xFFFFFFE0] =	vst v4  }
0x701: {  	s30 =	simm.s32 $0x20;
	v4 =	vld.idx.msk [tilespmem:v9+s16+$0x0], $0xffff  }
0x702: {  	v8 =	vmov s30;
	v7 =	vld.idx.msk [tilespmem:v10+s16+$0x0], $0xffff  }
0x703: {  	v8 =	vmul.u32 $0x18, v8;
	v6 =	vld.idx.msk [tilespmem:v6+s16+$0x0], $0xffff  }
0x704: {  	v5 =	vld.idx.msk [tilespmem:v5+s16+$0x0], $0xffff  }
0x705: {  	v8 =	vbroadcast v8, $0x0;
	_ =	sdelay $0x1  }
0x706: {  	v9 =	vadd.s32 v0, v8  }
0x707: {  	v10 =	vadd.s32 v2, v8  }
0x708: {  	v4 =	vmax.f32 v4, v7;
	v5 =	vmax.f32 v6, v5;
	v6 =	vadd.s32 v1, v8  }
0x709: {  	v4 =	vmax.f32 v4, v5;
	v5 =	vadd.s32 v3, v8  }
0x70a: {  	[tilespmem:s21+$0xFFFFFFF0] =	vst v4  }
0x70b: {  	v4 =	vld.idx.msk [tilespmem:v9+s16+$0x0], $0xffff  }
0x70c: {  	s31 =	simm.s32 $0x30;
	v7 =	vld.idx.msk [tilespmem:v10+s16+$0x0], $0xffff  }
0x70d: {  	v8 =	vmov s31;
	v6 =	vld.idx.msk [tilespmem:v6+s16+$0x0], $0xffff  }
0x70e: {  	v8 =	vmul.u32 $0x18, v8;
	v5 =	vld.idx.msk [tilespmem:v5+s16+$0x0], $0xffff;
	_ =	sdelay $0x1  }
0x70f: {  	v9 =	vbroadcast v8, $0x0;
	_ =	sdelay $0x1  }
0x710: {  	v8 =	vmax.f32 v4, v6;
	v4 =	vadd.s32 v0, v9  }
0x711: {  	v6 =	vadd.s32 v3, v9;
	v5 =	vmax.f32 v7, v5  }
0x712: {  	s23 =	simm.s32 $0x0;
	s22 =	simm.s32 $0x1B020;
	v7 =	vadd.s32 v2, v9;
	v8 =	vmax.f32 v8, v5;
	v5 =	vadd.s32 v1, v9  }
.LBB2_18:
0x713: {  	s23 =	sadd.s32 $0x4, s23;
	s20 =	sadd.s32 $0x40, s20;
	s21 =	sadd.s32 $0x40, s21  }
0x714: {  	p0 =	slt.u32 s23, $0x1C;
	[tilespmem:s22+$0x0] =	vst v8  }
0x715: {  	v4 =	vld.idx.msk [tilespmem:v4+s16+$0x0], $0xffff  }
0x716: {  	v6 =	vld.idx.msk [tilespmem:v6+s16+$0x0], $0xffff  }
0x717: {  	v8 =	vmov s20;
	v7 =	vld.idx.msk [tilespmem:v7+s16+$0x0], $0xffff  }
0x718: {  	v8 =	vmul.u32 $0x18, v8;
	v5 =	vld.idx.msk [tilespmem:v5+s16+$0x0], $0xffff;
	_ =	sdelay $0x1  }
0x719: {  	v8 =	vbroadcast v8, $0x0;
	_ =	sdelay $0x1  }
0x71a: {  	v9 =	vor.u32 v0, v8;
	v10 =	vor.u32 v1, v8  }
0x71b: {  	v11 =	vor.u32 v2, v8;
	v8 =	vor.u32 v3, v8;
	v6 =	vmax.f32 v7, v6  }
0x71c: {  	v4 =	vmax.f32 v4, v5  }
0x71d: {  	v4 =	vmax.f32 v4, v6  }
0x71e: {  	[tilespmem:s22+$0x10] =	vst v4;
	s22 =	smov.u32 s21  }
0x71f: {  	v4 =	vld.idx.msk [tilespmem:v9+s16+$0x0], $0xffff  }
0x720: {  	s24 =	sadd.s32 $0x10, s20;
	v5 =	vld.idx.msk [tilespmem:v11+s16+$0x0], $0xffff  }
0x721: {  	v7 =	vmov s24;
	v6 =	vld.idx.msk [tilespmem:v8+s16+$0x0], $0xffff  }
0x722: {  	v7 =	vmul.u32 $0x18, v7;
	v8 =	vld.idx.msk [tilespmem:v10+s16+$0x0], $0xffff;
	_ =	sdelay $0x1  }
0x723: {  	v7 =	vbroadcast v7, $0x0;
	_ =	sdelay $0x1  }
0x724: {  	v9 =	vadd.s32 v0, v7  }
0x725: {  	v5 =	vmax.f32 v5, v6;
	v6 =	vadd.s32 v1, v7  }
0x726: {  	v4 =	vmax.f32 v4, v8;
	v8 =	vadd.s32 v2, v7  }
0x727: {  	v4 =	vmax.f32 v4, v5;
	v5 =	vadd.s32 v3, v7  }
0x728: {  	[tilespmem:s21+$0xFFFFFFE0] =	vst v4  }
0x729: {  	v4 =	vld.idx.msk [tilespmem:v9+s16+$0x0], $0xffff  }
0x72a: {  	s24 =	sadd.s32 $0x20, s20;
	v6 =	vld.idx.msk [tilespmem:v6+s16+$0x0], $0xffff  }
0x72b: {  	v7 =	vld.idx.msk [tilespmem:v8+s16+$0x0], $0xffff;
	v8 =	vmov s24  }
0x72c: {  	v5 =	vld.idx.msk [tilespmem:v5+s16+$0x0], $0xffff;
	v8 =	vmul.u32 $0x18, v8;
	_ =	sdelay $0x1  }
0x72d: {  	v8 =	vbroadcast v8, $0x0;
	_ =	sdelay $0x1  }
0x72e: {  	v4 =	vmax.f32 v4, v6;
	v6 =	vadd.s32 v0, v8  }
0x72f: {  	v9 =	vadd.s32 v2, v8  }
0x730: {  	v5 =	vmax.f32 v7, v5;
	v7 =	vadd.s32 v1, v8  }
0x731: {  	v4 =	vmax.f32 v4, v5;
	v5 =	vadd.s32 v3, v8  }
0x732: {  	[tilespmem:s21+$0xFFFFFFF0] =	vst v4  }
0x733: {  	v4 =	vld.idx.msk [tilespmem:v6+s16+$0x0], $0xffff  }
0x734: {  	v6 =	vld.idx.msk [tilespmem:v9+s16+$0x0], $0xffff  }
0x735: {  	s24 =	sadd.s32 $0x30, s20;
	v7 =	vld.idx.msk [tilespmem:v7+s16+$0x0], $0xffff  }
0x736: {  	v8 =	vmov s24;
	v5 =	vld.idx.msk [tilespmem:v5+s16+$0x0], $0xffff  }
0x737: {  	v8 =	vmul.u32 $0x18, v8;
	_ =	sdelay $0x1  }
.Ltmp8:
0x738: {  	v9 =	vbroadcast v8, $0x0;
	(pc) =	sbr.rel @p0 .LBB2_18-.Ltmp8, $4  }
0x739: {  	_ = 	snop  }
0x73a: {  	v7 =	vmax.f32 v4, v7;
	v4 =	vadd.s32 v0, v9  }
0x73b: {  	v5 =	vmax.f32 v6, v5;
	v6 =	vadd.s32 v3, v9  }
0x73c: {  	v8 =	vmax.f32 v7, v5;
	v5 =	vadd.s32 v1, v9;
	v7 =	vadd.s32 v2, v9  }
0x73d: {  	_ =	sdelay $0x2  }
0x73e: {  	[tilespmem:s22+$0x0] =	vst v8  }
0x73f: {  	v4 =	vld.idx.msk [tilespmem:v4+s16+$0x0], $0xffff  }
0x740: {  	v6 =	vld.idx.msk [tilespmem:v6+s16+$0x0], $0xffff  }
0x741: {  	v7 =	vld.idx.msk [tilespmem:v7+s16+$0x0], $0xffff  }
0x742: {  	v5 =	vld.idx.msk [tilespmem:v5+s16+$0x0], $0xffff;
	_ =	sdelay $0x4  }
0x743: {  	s19 =	sadd.s32 $0x1, s19;
	v6 =	vmax.f32 v7, v6;
	v4 =	vmax.f32 v4, v5  }
0x744: {  	p0 =	sne.s32 s19, s12;
	v4 =	vmax.f32 v4, v6  }
.Ltmp9:
0x745: {  	[tilespmem:s22+$0x10] =	vst v4;
	(pc) =	sbr.rel @p0 .LBB2_1-.Ltmp9, $4  }
0x746: {  	[hbm4b:s11+s2] =	stream.linear.scatter [tilespmem:s17], [sflag:$0x3], $0x200, $0x38;
	[tilespmem:$0x1B200] =	vst v63  }
0x747: {  	_ =	swait.ge [sflag:s18], $0x200  }
0x748: {  	[sflag:s18] =	ssyncset.done $0x0  }
0x749: {  	[sflag:s18] =	ssyncadd.s32 $0xFFFFFE00  }
0x74a: {  	_ =	sfence.sel $0x180000  }
0x74b: {  	[bflag:$0x0] =	sbarrier.arrive $0xFFFF  }
0x74c: {  	p0 =	sne.s32 s0, $0x0;
	_ =	strace $0x90000047  }
0x74d: {  	s0 =	sadd.s32 @!p0 $0x100000, s1;
	[bflag:$0x2] =	sbarrier.arrive $0xFFFF  }
0x74e: {  	[sflag:s0] =	ssyncadd.tile.s32 @!p0 $0x1;
	_ =	shalt  }
.Lfunc_end2:
_tile_overlayer_lowered:
.L_overlay_start_2:
0x74f: {  	(tag) =	ssettag $0x2  }
0x750: {  	s0 =	rddreg [dreg:$0x0];
	s2 =	stileid.u32  }
0x751: {  	s1 =	rddreg [dreg:$0x1];
	p0 =	sne.s32 s2, $0x0  }
0x752: {  	s3 =	rddreg [dreg:$0x2];
	[bflag:$0x3] =	sbarrier.arrive $0xFFFF;
	s2 =	simm.s32 @!p0 $0x1C03  }
0x753: {  	[timem:s3], [sflag:s2] =	dma.local @!p0 [hbm:s0], s1  }
0x754: {  	s0 =	simm.s32 @!p0 $0x3  }
0x755: {  	_ =	swait.ge @!p0 [sflag:s0], s1  }
0x756: {  	s1 =	ssub.s32 @!p0 $0x0, s1;
	[sflag:s0] =	ssyncset.done @!p0 $0x0  }
0x757: {  	[sflag:s0] =	ssyncadd.s32 @!p0 s1  }
0x758: {  	[bflag:$0x3] =	sbarrier.arrive $0xFFFF  }
0x759: {  	_ =	shalt  }

</sc_bundles>
